<compile_context>
chip_gen: v7x
topology: tpu7x:2x2x1
jax: 0.10.2.dev20260603
libtpu: 0.0.44.dev20260713+nightly
codegen_flags: <defaults>
</compile_context>

<pallas_src>
import functools

import jax
import jax.numpy as jnp
from jax import lax
from jax.experimental import pallas as pl
from jax.experimental.pallas import tpu as pltpu
from jax.experimental.pallas import tpu_sc as plsc

N = 10000
E = 320000
D = 128

NC = 2
NS = 16
NT = NC * NS
BLK = 128
NBUF = 4
NB = 80
CAP = NT * NB * BLK
NROWS = CAP // BLK
EPT = NB * BLK
EPT2 = E // NT
NBC = NB + 1
CAPT = NBC * BLK
ACC_ROWS = 10240
NQ = 4
QROWS = ACC_ROWS // NQ
NPH = NQ // NC
ROWS_PER_TILE = QROWS // NS
ZROWS = 32
IGN = -1

ROW_BLK = 2048
PREP_GRID = 8
PREP_COLS = CAP // PREP_GRID

_mesh = plsc.VectorSubcoreMesh(
    core_axis_name="c", subcore_axis_name="s", num_cores=NC, num_subcores=NS)


_COMPACT_KW = dict(
    out_type=[
        jax.ShapeDtypeStruct((NT, ACC_ROWS), jnp.float32),
        jax.ShapeDtypeStruct((NT, NQ, CAPT), jnp.int32),
        jax.ShapeDtypeStruct((NT, NQ, CAPT), jnp.int32),
        jax.ShapeDtypeStruct((NT, 16), jnp.float32),
    ],
    mesh=_mesh,
    scratch_types=[
        pltpu.VMEM((EPT2,), jnp.int32),
        pltpu.VMEM((EPT2,), jnp.int32),
        pltpu.VMEM((NQ * CAPT,), jnp.int32),
        pltpu.VMEM((NQ * CAPT,), jnp.int32),
        pltpu.VMEM((ACC_ROWS,), jnp.float32),
        pltpu.VMEM((16,), jnp.float32),
    ],
    compiler_params=pltpu.CompilerParams(needs_layout_passes=False),
)


def _compact_body(ei_hbm, deg_hbm, csrc_hbm, cdst_hbm, cnt_hbm,
                  src_raw, dst_raw, csrc, cdst, deg, cnt_v):
    c = lax.axis_index("c")
    s = lax.axis_index("s")
    wid = c * NS + s
    pltpu.sync_copy(ei_hbm.at[pl.ds(wid * EPT2, EPT2)], src_raw)
    pltpu.sync_copy(ei_hbm.at[pl.ds(E + wid * EPT2, EPT2)], dst_raw)

    def zero_body(i, carry):
        deg[pl.ds(i * 16, 16)] = jnp.zeros((16,), jnp.float32)
        return carry

    lax.fori_loop(0, ACC_ROWS // 16, zero_body, 0)

    ones = jnp.ones((16,), jnp.float32)
    lane = lax.iota(jnp.int32, 16)

    def scan_body(i, offs):
        sv = src_raw[pl.ds(i * 16, 16)]
        dv = dst_raw[pl.ds(i * 16, 16)]
        plsc.addupdate_scatter(deg, [dv], ones)
        new_offs = []
        for q in range(NQ):
            m = (dv >= q * QROWS) & (dv < (q + 1) * QROWS)
            pos = q * CAPT + offs[q] + plsc.cumsum(m.astype(jnp.int32)) - 1
            plsc.store_scatter(csrc, [pos], sv, mask=m)
            plsc.store_scatter(cdst, [pos], dv - q * QROWS, mask=m)
            new_offs.append(offs[q] + plsc.all_reduce_population_count(m))
        return tuple(new_offs)

    zero_v = jnp.zeros((16,), jnp.int32)
    offs = lax.fori_loop(0, EPT2 // 16, scan_body,
                         (zero_v, zero_v, zero_v, zero_v))

    ign_v = jnp.full((16,), IGN, jnp.int32)
    for q in range(NQ):
        for k in range(BLK // 16):
            pos = q * CAPT + offs[q] + lane + k * 16
            plsc.store_scatter(csrc, [pos], ign_v)
            plsc.store_scatter(cdst, [pos], ign_v)

    cv = jnp.zeros((16,), jnp.float32)
    for q in range(NQ):
        cv = jnp.where(lane == q, offs[q].astype(jnp.float32), cv)
    cnt_v[...] = cv

    pltpu.sync_copy(deg, deg_hbm.at[wid])
    for q in range(NQ):
        pltpu.sync_copy(csrc.at[pl.ds(q * CAPT, CAPT)], csrc_hbm.at[wid, q])
        pltpu.sync_copy(cdst.at[pl.ds(q * CAPT, CAPT)], cdst_hbm.at[wid, q])
    pltpu.sync_copy(cnt_v, cnt_hbm.at[wid])


_compact_kernel = pl.kernel(_compact_body, **_COMPACT_KW)


def _mm_body(h_ref, w_ref, degp_ref, out_ref):
    hw = jnp.dot(h_ref[...], w_ref[...], preferred_element_type=jnp.float32)
    deg = jnp.sum(degp_ref[...], axis=0)
    norm = lax.rsqrt(jnp.maximum(deg, 1.0))
    out_ref[...] = hw * norm[:, None]


def _mm_call(h, W, degp):
    return pl.pallas_call(
        _mm_body,
        grid=(ACC_ROWS // ROW_BLK,),
        in_specs=[
            pl.BlockSpec((ROW_BLK, D), lambda i: (i, 0)),
            pl.BlockSpec((D, D), lambda i: (0, 0)),
            pl.BlockSpec((NT, ROW_BLK), lambda i: (0, i)),
        ],
        out_specs=pl.BlockSpec((ROW_BLK, D), lambda i: (i, 0)),
        out_shape=jax.ShapeDtypeStruct((N, D), jnp.float32),
    )(h, W, degp)


_SCATTER_KW = dict(
    out_type=jax.ShapeDtypeStruct((NQ, QROWS, D), jnp.float32),
    mesh=_mesh,
    scratch_types=[
        pltpu.VMEM((NBC, BLK), jnp.int32),
        pltpu.VMEM((NBC, BLK), jnp.int32),
        [pltpu.VMEM((BLK, D), jnp.float32) for _ in range(NBUF)],
        pltpu.VMEM((ZROWS, D), jnp.float32),
        pltpu.VMEM((16,), jnp.float32),
        pltpu.VMEM_SHARED((QROWS, D), jnp.float32),
        [pltpu.SemaphoreType.DMA for _ in range(NBUF)],
    ],
    compiler_params=pltpu.CompilerParams(needs_layout_passes=False),
)


def _scatter_body(csrc_hbm, cdst_hbm, cnt_hbm, hwn_hbm, out_hbm,
                  src_idx, dst_idx, bufs, zbuf, cnt_v, acc, sems):
    c = lax.axis_index("c")
    s = lax.axis_index("s")
    base = s * ROWS_PER_TILE

    def zb(i, carry):
        zbuf[i // (D // 16), pl.ds((i % (D // 16)) * 16, 16)] = (
            jnp.zeros((16,), jnp.float32))
        return carry

    lax.fori_loop(0, ZROWS * (D // 16), zb, 0)

    def _gather(j, b):
        return pltpu.make_async_copy(
            hwn_hbm.at[plsc.Indices(src_idx.at[j], ignored_value=IGN)],
            bufs[b], sems[b])

    def _scatter_add(j, b):
        pltpu.sync_copy(
            bufs[b],
            acc.at[plsc.Indices(dst_idx.at[j], ignored_value=IGN)],
            add=True)

    for p in range(NPH):
        q = c * NPH + p
        if p > 0:
            plsc.subcore_barrier()
        for m in range(ROWS_PER_TILE // ZROWS):
            pltpu.sync_copy(zbuf, acc.at[pl.ds(base + m * ZROWS, ZROWS)])
        plsc.subcore_barrier()

        for sub in range(NT // NS):
            prod = s * (NT // NS) + sub
            pltpu.sync_copy(csrc_hbm.at[prod, q], src_idx)
            pltpu.sync_copy(cdst_hbm.at[prod, q], dst_idx)
            pltpu.sync_copy(cnt_hbm.at[prod], cnt_v)
            lane = lax.iota(jnp.int32, 16)
            cnt = jnp.sum(
                jnp.where(lane == q, cnt_v[...], 0.0)).astype(jnp.int32)
            nblk = jnp.clip((cnt + BLK - 1) // BLK, 0, NBC)

            for b in range(NBUF):
                @pl.when(b < nblk)
                def _():
                    _gather(b, b).start()

            def loop_body(g, carry):
                for b in range(NBUF):
                    j = g * NBUF + b

                    @pl.when(j < nblk)
                    def _():
                        _gather(j, b).wait()
                        _scatter_add(j, b)

                        @pl.when(j + NBUF < nblk)
                        def _():
                            _gather(j + NBUF, b).start()
                return carry

            lax.fori_loop(0, (nblk + NBUF - 1) // NBUF, loop_body, 0)

        plsc.subcore_barrier()
        pltpu.sync_copy(acc.at[pl.ds(base, ROWS_PER_TILE)],
                        out_hbm.at[q, pl.ds(base, ROWS_PER_TILE)])


_scatter_kernel = pl.kernel(_scatter_body, **_SCATTER_KW)


def _ep_body(acc_ref, degp_ref, b_ref, out_ref):
    deg = jnp.sum(degp_ref[...], axis=0)
    norm = lax.rsqrt(jnp.maximum(deg, 1.0))
    out_ref[...] = jnp.maximum(acc_ref[...] * norm[:, None] + b_ref[...], 0.0)


def _ep_call(acc, degp, b2d):
    return pl.pallas_call(
        _ep_body,
        grid=(ACC_ROWS // ROW_BLK,),
        in_specs=[
            pl.BlockSpec((ROW_BLK, D), lambda i: (i, 0)),
            pl.BlockSpec((NT, ROW_BLK), lambda i: (0, i)),
            pl.BlockSpec((1, D), lambda i: (0, 0)),
        ],
        out_specs=pl.BlockSpec((ROW_BLK, D), lambda i: (i, 0)),
        out_shape=jax.ShapeDtypeStruct((N, D), jnp.float32),
    )(acc, degp, b2d)


def kernel(h, edge_index, W, b):
    degp, csrc, cdst, cnts = _compact_kernel(edge_index.reshape(2 * E))
    hwn = _mm_call(h, W, degp)
    accp = _scatter_kernel(csrc.reshape(NT, NQ, NBC, BLK),
                           cdst.reshape(NT, NQ, NBC, BLK), cnts, hwn)
    return _ep_call(accp.reshape(ACC_ROWS, D), degp, b.reshape(1, D))

# --- scband reference (transcript-rebuilt; emitter-appended) ---
"""Pipeline reference for scband-gcnlayer-10969346474530 (READ-ONLY COPY).

The authoritative reference and input builder live on the scoring server;
editing this copy changes nothing except your own understanding.
"""

import jax, jax.numpy as jnp
import numpy as np
import math

N = 10000
E = 320000
D_IN = 128
D_OUT = 128

def setup_inputs(seed: int = 0) -> dict:
    key = jax.random.key(seed)
    k1, k2, k3, k4 = jax.random.split(key, 4)
    h = jax.random.normal(k1, (N, D_IN), dtype=jnp.float32)
    edge_index = jax.random.randint(k2, (2, E), 0, N, dtype=jnp.int32)
    stdv = 1.0 / math.sqrt(D_OUT)
    W = jax.random.uniform(k3, (D_IN, D_OUT), dtype=jnp.float32, minval=-stdv, maxval=stdv)
    b = jax.random.uniform(k4, (D_OUT,), dtype=jnp.float32, minval=-stdv, maxval=stdv)
    return {"h": h, "edge_index": edge_index, "W": W, "b": b}

def reference(h, edge_index, W, b):
    # GCNLayer.forward (dropout=0.0 -> identity)
    src = edge_index[0]
    dst = edge_index[1]
    # node norm = 1/sqrt(in_degree), as in standard DGL GCN setups
    deg = jnp.zeros((N,), dtype=jnp.float32).at[dst].add(1.0)
    norm = jax.lax.rsqrt(jnp.clip(deg, 1.0, None))
    # h = torch.mm(h, self.weight)
    hw = jnp.dot(h, W)
    # gcn_msg: m = h_src * norm_src  (gather over edges)
    msg = jnp.take(hw, src, axis=0) * jnp.take(norm, src)[:, None]
    # gcn_reduce: accum = sum(mailbox) * norm_dst  (scatter-add / segment sum)
    accum = jnp.zeros((N, D_OUT), dtype=jnp.float32).at[dst].add(msg)
    out = accum * norm[:, None]
    # NodeApplyModule: bias + activation
    out = out + b
    out = jax.nn.relu(out)
    return out

if __name__ == "__main__":
    import jax
    _d = setup_inputs()
    print(jax.jit(kernel)(*tuple(_d.values())))

</pallas_src>

<mosaic_0001>
#map = affine_map<(d0, d1) -> (0)>
#map1 = affine_map<(d0, d1) -> (0, 0)>
#map2 = affine_map<(d0, d1) -> (0, 0, 0)>
module attributes {stable_mosaic.version = 14 : i64} {
  func.func @_compact_body(%arg0: i32, %arg1: i32, %arg2: memref<640000xi32, #tpu.memory_space<hbm>>, %arg3: memref<32x10240xf32, #tpu.memory_space<hbm>>, %arg4: memref<32x4x10368xi32, #tpu.memory_space<hbm>>, %arg5: memref<32x4x10368xi32, #tpu.memory_space<hbm>>, %arg6: memref<32x16xf32, #tpu.memory_space<hbm>>, %arg7: memref<10000xi32, #tpu.memory_space<vmem>>, %arg8: memref<10000xi32, #tpu.memory_space<vmem>>, %arg9: memref<41472xi32, #tpu.memory_space<vmem>>, %arg10: memref<41472xi32, #tpu.memory_space<vmem>>, %arg11: memref<10240xf32, #tpu.memory_space<vmem>>, %arg12: memref<16xf32, #tpu.memory_space<vmem>>) attributes {dimension_semantics = [#tpu.dimension_semantics<core_parallel>, #tpu.dimension_semantics<subcore_parallel>], iteration_bounds = array<i64: 2, 16>, scalar_prefetch = 0 : i64, scratch_operands = 6 : i64, tpu.core_type = #tpu.core_type<sc_vector_subcore>, window_params = [{transform_indices = #map}, {transform_indices = #map1}, {transform_indices = #map2}, {transform_indices = #map2}, {transform_indices = #map1}]} {
    %mul3A = arith.constant 16 : i32
    %mul3A_0 = arith.muli %arg0, %mul3A : i32
    %add3A = arith.addi %mul3A_0, %arg1 : i32
    %mul3A_1 = arith.constant 10000 : i32
    %mul3A_2 = arith.muli %add3A, %mul3A_1 : i32
    "tpu.region"() ({
      %run_scoped3A_274 = tpu.sem_alloc : memref<!tpu.dma_semaphore, #tpu.memory_space<semaphore_mem>>
      %dma_start3A = tpu.memref_slice %arg2[%mul3A_2] : memref<640000xi32, #tpu.memory_space<hbm>> -> memref<10000xi32, #tpu.memory_space<hbm>>
      %dma_start3A_275 = tpu.memref_slice %arg2[%mul3A_2] : memref<640000xi32, #tpu.memory_space<hbm>> -> memref<10000xi32, #tpu.memory_space<hbm>>
      tpu.enqueue_dma source(%dma_start3A_275 : memref<10000xi32, #tpu.memory_space<hbm>>) target(%arg7 : memref<10000xi32, #tpu.memory_space<vmem>>) target_semaphore(%run_scoped3A_274 : memref<!tpu.dma_semaphore, #tpu.memory_space<semaphore_mem>>)
      %dma_wait3A = tpu.memref_slice %arg2[%mul3A_2] : memref<640000xi32, #tpu.memory_space<hbm>> -> memref<10000xi32, #tpu.memory_space<hbm>>
      %dma_wait3A_276 = tpu.memref_slice %arg2[%mul3A_2] : memref<640000xi32, #tpu.memory_space<hbm>> -> memref<10000xi32, #tpu.memory_space<hbm>>
      tpu.wait_dma2 semaphore(%run_scoped3A_274 : memref<!tpu.dma_semaphore, #tpu.memory_space<semaphore_mem>>) src(%dma_wait3A_276 : memref<10000xi32, #tpu.memory_space<hbm>>) dst(%arg7 : memref<10000xi32, #tpu.memory_space<vmem>>)
      tpu.yield
    }) : () -> ()
    %mul3A_3 = arith.constant 10000 : i32
    %mul3A_4 = arith.muli %add3A, %mul3A_3 : i32
    %add3A_5 = arith.constant 320000 : i32
    %add3A_6 = arith.addi %add3A_5, %mul3A_4 : i32
    "tpu.region"() ({
      %run_scoped3A_274 = tpu.sem_alloc : memref<!tpu.dma_semaphore, #tpu.memory_space<semaphore_mem>>
      %dma_start3A = tpu.memref_slice %arg2[%add3A_6] : memref<640000xi32, #tpu.memory_space<hbm>> -> memref<10000xi32, #tpu.memory_space<hbm>>
      %dma_start3A_275 = tpu.memref_slice %arg2[%add3A_6] : memref<640000xi32, #tpu.memory_space<hbm>> -> memref<10000xi32, #tpu.memory_space<hbm>>
      tpu.enqueue_dma source(%dma_start3A_275 : memref<10000xi32, #tpu.memory_space<hbm>>) target(%arg8 : memref<10000xi32, #tpu.memory_space<vmem>>) target_semaphore(%run_scoped3A_274 : memref<!tpu.dma_semaphore, #tpu.memory_space<semaphore_mem>>)
      %dma_wait3A = tpu.memref_slice %arg2[%add3A_6] : memref<640000xi32, #tpu.memory_space<hbm>> -> memref<10000xi32, #tpu.memory_space<hbm>>
      %dma_wait3A_276 = tpu.memref_slice %arg2[%add3A_6] : memref<640000xi32, #tpu.memory_space<hbm>> -> memref<10000xi32, #tpu.memory_space<hbm>>
      tpu.wait_dma2 semaphore(%run_scoped3A_274 : memref<!tpu.dma_semaphore, #tpu.memory_space<semaphore_mem>>) src(%dma_wait3A_276 : memref<10000xi32, #tpu.memory_space<hbm>>) dst(%arg8 : memref<10000xi32, #tpu.memory_space<vmem>>)
      tpu.yield
    }) : () -> ()
    %scan3A = arith.constant 0 : i32
    %scan3A_7 = arith.constant 0 : i32
    %scan3A_8 = arith.constant 640 : i32
    %scan3A_9 = arith.addi %scan3A_7, %scan3A_8 : i32
    %scan3A_10 = arith.constant 1 : i32
    scf.for %scan3A_274 = %scan3A_7 to %scan3A_9 step %scan3A_10  : i32 {
      %broadcast_in_dim3A_275 = arith.constant 0.000000e+00 : f32
      %broadcast_in_dim3A_276 = vector.broadcast %broadcast_in_dim3A_275 : f32 to vector<16xf32>
      %mul3A_277 = arith.constant 16 : i32
      %mul3A_278 = arith.muli %scan3A_274, %mul3A_277 : i32
      %swap3A_279 = arith.index_cast %mul3A_278 : i32 to index
      %swap3A_280 = tpu.vector_load %arg11[%swap3A_279] {strides = array<i32>} : memref<10240xf32, #tpu.memory_space<vmem>>, vector<16xf32>,
      tpu.vector_store %arg11[%swap3A_279], %broadcast_in_dim3A_276 {strides = array<i32>} : memref<10240xf32, #tpu.memory_space<vmem>>, vector<16xf32>,
    }
    %scan3A_11 = arith.constant 640 : i32
    %broadcast_in_dim3A = arith.constant 1.000000e+00 : f32
    %broadcast_in_dim3A_12 = vector.broadcast %broadcast_in_dim3A : f32 to vector<16xf32>
    %iota3A = tpu.iota {dimensions = array<i32: 0>} : vector<16xi32>
    %broadcast_in_dim3A_13 = arith.constant 0 : i32
    %broadcast_in_dim3A_14 = vector.broadcast %broadcast_in_dim3A_13 : i32 to vector<16xi32>
    %scan3A_15 = arith.constant 0 : i32
    %scan3A_16 = arith.constant 625 : i32
    %scan3A_17 = arith.addi %scan3A_15, %scan3A_16 : i32
    %scan3A_18 = arith.constant 1 : i32
    %scan3A_19:4 = scf.for %scan3A_274 = %scan3A_15 to %scan3A_17 step %scan3A_18 iter_args(%scan3A_275 = %broadcast_in_dim3A_14, %scan3A_276 = %broadcast_in_dim3A_14, %scan3A_277 = %broadcast_in_dim3A_14, %scan3A_278 = %broadcast_in_dim3A_14) -> (vector<16xi32>, vector<16xi32>, vector<16xi32>, vector<16xi32>)  : i32 {
      %mul3A_279 = arith.constant 16 : i32
      %mul3A_280 = arith.muli %scan3A_274, %mul3A_279 : i32
      %get3A = arith.index_cast %mul3A_280 : i32 to index
      %get3A_281 = tpu.vector_load %arg7[%get3A] {strides = array<i32>} : memref<10000xi32, #tpu.memory_space<vmem>>, vector<16xi32>,
      %mul3A_282 = arith.constant 16 : i32
      %mul3A_283 = arith.muli %scan3A_274, %mul3A_282 : i32
      %get3A_284 = arith.index_cast %mul3A_283 : i32 to index
      %get3A_285 = tpu.vector_load %arg8[%get3A_284] {strides = array<i32>} : memref<10000xi32, #tpu.memory_space<vmem>>, vector<16xi32>,
      tpu.vector_store_idx %arg11[%get3A_285], %broadcast_in_dim3A_12 {add = true} : memref<10240xf32, #tpu.memory_space<vmem>>[vector<16xi32>], vector<16xf32>,
      %ge3A = arith.constant 0 : i32
      %ge3A_286 = vector.broadcast %ge3A : i32 to vector<16xi32>
      %ge3A_287 = arith.cmpi sge, %get3A_285, %ge3A_286 : vector<16xi32>
      %lt3A = arith.constant 2560 : i32
      %lt3A_288 = vector.broadcast %lt3A : i32 to vector<16xi32>
      %lt3A_289 = arith.cmpi slt, %get3A_285, %lt3A_288 : vector<16xi32>
      %and3A = arith.andi %ge3A_287, %lt3A_289 : vector<16xi1>
      %add3A_290 = arith.constant 0 : i32
      %add3A_291 = vector.broadcast %add3A_290 : i32 to vector<16xi32>
      %add3A_292 = arith.addi %add3A_291, %scan3A_275 : vector<16xi32>
      %convert_element_type3A_293 = arith.extui %and3A : vector<16xi1> to vector<16xi32>
      %broadcast_in_dim3A_294 = arith.constant true
      %broadcast_in_dim3A_295 = vector.broadcast %broadcast_in_dim3A_294 : i1 to vector<16xi1>
      %masked_cumsum3A = tpu.scan <sum>, %convert_element_type3A_293 masked %broadcast_in_dim3A_295 : vector<16xi32>, vector<16xi1> -> vector<16xi32>
      %add3A_296 = arith.addi %add3A_292, %masked_cumsum3A : vector<16xi32>
      %sub3A = arith.constant 1 : i32
      %sub3A_297 = vector.broadcast %sub3A : i32 to vector<16xi32>
      %sub3A_298 = arith.subi %add3A_296, %sub3A_297 : vector<16xi32>
      tpu.vector_store_idx %arg9[%sub3A_298], %get3A_281 masked %and3A : memref<41472xi32, #tpu.memory_space<vmem>>[vector<16xi32>], vector<16xi32>, vector<16xi1>
      %sub3A_299 = arith.constant 0 : i32
      %sub3A_300 = vector.broadcast %sub3A_299 : i32 to vector<16xi32>
      %sub3A_301 = arith.subi %get3A_285, %sub3A_300 : vector<16xi32>
      tpu.vector_store_idx %arg10[%sub3A_298], %sub3A_301 masked %and3A : memref<41472xi32, #tpu.memory_space<vmem>>[vector<16xi32>], vector<16xi32>, vector<16xi1>
      %all_reduce_population_count3A = tpu.all_reduce %and3A {dim = 0 : i64, kind = #tpu.reduction_kind<sum>} : vector<16xi1> -> vector<16xi32>
      %add3A_302 = arith.addi %scan3A_275, %all_reduce_population_count3A : vector<16xi32>
      %ge3A_303 = arith.constant 2560 : i32
      %ge3A_304 = vector.broadcast %ge3A_303 : i32 to vector<16xi32>
      %ge3A_305 = arith.cmpi sge, %get3A_285, %ge3A_304 : vector<16xi32>
      %lt3A_306 = arith.constant 5120 : i32
      %lt3A_307 = vector.broadcast %lt3A_306 : i32 to vector<16xi32>
      %lt3A_308 = arith.cmpi slt, %get3A_285, %lt3A_307 : vector<16xi32>
      %and3A_309 = arith.andi %ge3A_305, %lt3A_308 : vector<16xi1>
      %add3A_310 = arith.constant 10368 : i32
      %add3A_311 = vector.broadcast %add3A_310 : i32 to vector<16xi32>
      %add3A_312 = arith.addi %add3A_311, %scan3A_276 : vector<16xi32>
      %convert_element_type3A_313 = arith.extui %and3A_309 : vector<16xi1> to vector<16xi32>
      %broadcast_in_dim3A_314 = arith.constant true
      %broadcast_in_dim3A_315 = vector.broadcast %broadcast_in_dim3A_314 : i1 to vector<16xi1>
      %masked_cumsum3A_316 = tpu.scan <sum>, %convert_element_type3A_313 masked %broadcast_in_dim3A_315 : vector<16xi32>, vector<16xi1> -> vector<16xi32>
      %add3A_317 = arith.addi %add3A_312, %masked_cumsum3A_316 : vector<16xi32>
      %sub3A_318 = arith.constant 1 : i32
      %sub3A_319 = vector.broadcast %sub3A_318 : i32 to vector<16xi32>
      %sub3A_320 = arith.subi %add3A_317, %sub3A_319 : vector<16xi32>
      tpu.vector_store_idx %arg9[%sub3A_320], %get3A_281 masked %and3A_309 : memref<41472xi32, #tpu.memory_space<vmem>>[vector<16xi32>], vector<16xi32>, vector<16xi1>
      %sub3A_321 = arith.constant 2560 : i32
      %sub3A_322 = vector.broadcast %sub3A_321 : i32 to vector<16xi32>
      %sub3A_323 = arith.subi %get3A_285, %sub3A_322 : vector<16xi32>
      tpu.vector_store_idx %arg10[%sub3A_320], %sub3A_323 masked %and3A_309 : memref<41472xi32, #tpu.memory_space<vmem>>[vector<16xi32>], vector<16xi32>, vector<16xi1>
      %all_reduce_population_count3A_324 = tpu.all_reduce %and3A_309 {dim = 0 : i64, kind = #tpu.reduction_kind<sum>} : vector<16xi1> -> vector<16xi32>
      %add3A_325 = arith.addi %scan3A_276, %all_reduce_population_count3A_324 : vector<16xi32>
      %ge3A_326 = arith.constant 5120 : i32
      %ge3A_327 = vector.broadcast %ge3A_326 : i32 to vector<16xi32>
      %ge3A_328 = arith.cmpi sge, %get3A_285, %ge3A_327 : vector<16xi32>
      %lt3A_329 = arith.constant 7680 : i32
      %lt3A_330 = vector.broadcast %lt3A_329 : i32 to vector<16xi32>
      %lt3A_331 = arith.cmpi slt, %get3A_285, %lt3A_330 : vector<16xi32>
      %and3A_332 = arith.andi %ge3A_328, %lt3A_331 : vector<16xi1>
      %add3A_333 = arith.constant 20736 : i32
      %add3A_334 = vector.broadcast %add3A_333 : i32 to vector<16xi32>
      %add3A_335 = arith.addi %add3A_334, %scan3A_277 : vector<16xi32>
      %convert_element_type3A_336 = arith.extui %and3A_332 : vector<16xi1> to vector<16xi32>
      %broadcast_in_dim3A_337 = arith.constant true
      %broadcast_in_dim3A_338 = vector.broadcast %broadcast_in_dim3A_337 : i1 to vector<16xi1>
      %masked_cumsum3A_339 = tpu.scan <sum>, %convert_element_type3A_336 masked %broadcast_in_dim3A_338 : vector<16xi32>, vector<16xi1> -> vector<16xi32>
      %add3A_340 = arith.addi %add3A_335, %masked_cumsum3A_339 : vector<16xi32>
      %sub3A_341 = arith.constant 1 : i32
      %sub3A_342 = vector.broadcast %sub3A_341 : i32 to vector<16xi32>
      %sub3A_343 = arith.subi %add3A_340, %sub3A_342 : vector<16xi32>
      tpu.vector_store_idx %arg9[%sub3A_343], %get3A_281 masked %and3A_332 : memref<41472xi32, #tpu.memory_space<vmem>>[vector<16xi32>], vector<16xi32>, vector<16xi1>
      %sub3A_344 = arith.constant 5120 : i32
      %sub3A_345 = vector.broadcast %sub3A_344 : i32 to vector<16xi32>
      %sub3A_346 = arith.subi %get3A_285, %sub3A_345 : vector<16xi32>
      tpu.vector_store_idx %arg10[%sub3A_343], %sub3A_346 masked %and3A_332 : memref<41472xi32, #tpu.memory_space<vmem>>[vector<16xi32>], vector<16xi32>, vector<16xi1>
      %all_reduce_population_count3A_347 = tpu.all_reduce %and3A_332 {dim = 0 : i64, kind = #tpu.reduction_kind<sum>} : vector<16xi1> -> vector<16xi32>
      %add3A_348 = arith.addi %scan3A_277, %all_reduce_population_count3A_347 : vector<16xi32>
      %ge3A_349 = arith.constant 7680 : i32
      %ge3A_350 = vector.broadcast %ge3A_349 : i32 to vector<16xi32>
      %ge3A_351 = arith.cmpi sge, %get3A_285, %ge3A_350 : vector<16xi32>
      %lt3A_352 = arith.constant 10240 : i32
      %lt3A_353 = vector.broadcast %lt3A_352 : i32 to vector<16xi32>
      %lt3A_354 = arith.cmpi slt, %get3A_285, %lt3A_353 : vector<16xi32>
      %and3A_355 = arith.andi %ge3A_351, %lt3A_354 : vector<16xi1>
      %add3A_356 = arith.constant 31104 : i32
      %add3A_357 = vector.broadcast %add3A_356 : i32 to vector<16xi32>
      %add3A_358 = arith.addi %add3A_357, %scan3A_278 : vector<16xi32>
      %convert_element_type3A_359 = arith.extui %and3A_355 : vector<16xi1> to vector<16xi32>
      %broadcast_in_dim3A_360 = arith.constant true
      %broadcast_in_dim3A_361 = vector.broadcast %broadcast_in_dim3A_360 : i1 to vector<16xi1>
      %masked_cumsum3A_362 = tpu.scan <sum>, %convert_element_type3A_359 masked %broadcast_in_dim3A_361 : vector<16xi32>, vector<16xi1> -> vector<16xi32>
      %add3A_363 = arith.addi %add3A_358, %masked_cumsum3A_362 : vector<16xi32>
      %sub3A_364 = arith.constant 1 : i32
      %sub3A_365 = vector.broadcast %sub3A_364 : i32 to vector<16xi32>
      %sub3A_366 = arith.subi %add3A_363, %sub3A_365 : vector<16xi32>
      tpu.vector_store_idx %arg9[%sub3A_366], %get3A_281 masked %and3A_355 : memref<41472xi32, #tpu.memory_space<vmem>>[vector<16xi32>], vector<16xi32>, vector<16xi1>
      %sub3A_367 = arith.constant 7680 : i32
      %sub3A_368 = vector.broadcast %sub3A_367 : i32 to vector<16xi32>
      %sub3A_369 = arith.subi %get3A_285, %sub3A_368 : vector<16xi32>
      tpu.vector_store_idx %arg10[%sub3A_366], %sub3A_369 masked %and3A_355 : memref<41472xi32, #tpu.memory_space<vmem>>[vector<16xi32>], vector<16xi32>, vector<16xi1>
      %all_reduce_population_count3A_370 = tpu.all_reduce %and3A_355 {dim = 0 : i64, kind = #tpu.reduction_kind<sum>} : vector<16xi1> -> vector<16xi32>
      %add3A_371 = arith.addi %scan3A_278, %all_reduce_population_count3A_370 : vector<16xi32>
      scf.yield %add3A_302, %add3A_325, %add3A_348, %add3A_371 : vector<16xi32>, vector<16xi32>, vector<16xi32>, vector<16xi32>
    }
    %scan3A_20 = arith.constant 625 : i32
    %broadcast_in_dim3A_21 = arith.constant -1 : i32
    %broadcast_in_dim3A_22 = vector.broadcast %broadcast_in_dim3A_21 : i32 to vector<16xi32>
    %add3A_23 = arith.constant 0 : i32
    %add3A_24 = vector.broadcast %add3A_23 : i32 to vector<16xi32>
    %add3A_25 = arith.addi %add3A_24, %scan3A_19#0 : vector<16xi32>
    %add3A_26 = arith.addi %add3A_25, %iota3A : vector<16xi32>
    %add3A_27 = arith.constant 0 : i32
    %add3A_28 = vector.broadcast %add3A_27 : i32 to vector<16xi32>
    %add3A_29 = arith.addi %add3A_26, %add3A_28 : vector<16xi32>
    tpu.vector_store_idx %arg9[%add3A_29], %broadcast_in_dim3A_22 : memref<41472xi32, #tpu.memory_space<vmem>>[vector<16xi32>], vector<16xi32>,
    tpu.vector_store_idx %arg10[%add3A_29], %broadcast_in_dim3A_22 : memref<41472xi32, #tpu.memory_space<vmem>>[vector<16xi32>], vector<16xi32>,
    %add3A_30 = arith.constant 0 : i32
    %add3A_31 = vector.broadcast %add3A_30 : i32 to vector<16xi32>
    %add3A_32 = arith.addi %add3A_31, %scan3A_19#0 : vector<16xi32>
    %add3A_33 = arith.addi %add3A_32, %iota3A : vector<16xi32>
    %add3A_34 = arith.constant 16 : i32
    %add3A_35 = vector.broadcast %add3A_34 : i32 to vector<16xi32>
    %add3A_36 = arith.addi %add3A_33, %add3A_35 : vector<16xi32>
    tpu.vector_store_idx %arg9[%add3A_36], %broadcast_in_dim3A_22 : memref<41472xi32, #tpu.memory_space<vmem>>[vector<16xi32>], vector<16xi32>,
    tpu.vector_store_idx %arg10[%add3A_36], %broadcast_in_dim3A_22 : memref<41472xi32, #tpu.memory_space<vmem>>[vector<16xi32>], vector<16xi32>,
    %add3A_37 = arith.constant 0 : i32
    %add3A_38 = vector.broadcast %add3A_37 : i32 to vector<16xi32>
    %add3A_39 = arith.addi %add3A_38, %scan3A_19#0 : vector<16xi32>
    %add3A_40 = arith.addi %add3A_39, %iota3A : vector<16xi32>
    %add3A_41 = arith.constant 32 : i32
    %add3A_42 = vector.broadcast %add3A_41 : i32 to vector<16xi32>
    %add3A_43 = arith.addi %add3A_40, %add3A_42 : vector<16xi32>
    tpu.vector_store_idx %arg9[%add3A_43], %broadcast_in_dim3A_22 : memref<41472xi32, #tpu.memory_space<vmem>>[vector<16xi32>], vector<16xi32>,
    tpu.vector_store_idx %arg10[%add3A_43], %broadcast_in_dim3A_22 : memref<41472xi32, #tpu.memory_space<vmem>>[vector<16xi32>], vector<16xi32>,
    %add3A_44 = arith.constant 0 : i32
    %add3A_45 = vector.broadcast %add3A_44 : i32 to vector<16xi32>
    %add3A_46 = arith.addi %add3A_45, %scan3A_19#0 : vector<16xi32>
    %add3A_47 = arith.addi %add3A_46, %iota3A : vector<16xi32>
    %add3A_48 = arith.constant 48 : i32
    %add3A_49 = vector.broadcast %add3A_48 : i32 to vector<16xi32>
    %add3A_50 = arith.addi %add3A_47, %add3A_49 : vector<16xi32>
    tpu.vector_store_idx %arg9[%add3A_50], %broadcast_in_dim3A_22 : memref<41472xi32, #tpu.memory_space<vmem>>[vector<16xi32>], vector<16xi32>,
    tpu.vector_store_idx %arg10[%add3A_50], %broadcast_in_dim3A_22 : memref<41472xi32, #tpu.memory_space<vmem>>[vector<16xi32>], vector<16xi32>,
    %add3A_51 = arith.constant 0 : i32
    %add3A_52 = vector.broadcast %add3A_51 : i32 to vector<16xi32>
    %add3A_53 = arith.addi %add3A_52, %scan3A_19#0 : vector<16xi32>
    %add3A_54 = arith.addi %add3A_53, %iota3A : vector<16xi32>
    %add3A_55 = arith.constant 64 : i32
    %add3A_56 = vector.broadcast %add3A_55 : i32 to vector<16xi32>
    %add3A_57 = arith.addi %add3A_54, %add3A_56 : vector<16xi32>
    tpu.vector_store_idx %arg9[%add3A_57], %broadcast_in_dim3A_22 : memref<41472xi32, #tpu.memory_space<vmem>>[vector<16xi32>], vector<16xi32>,
    tpu.vector_store_idx %arg10[%add3A_57], %broadcast_in_dim3A_22 : memref<41472xi32, #tpu.memory_space<vmem>>[vector<16xi32>], vector<16xi32>,
    %add3A_58 = arith.constant 0 : i32
    %add3A_59 = vector.broadcast %add3A_58 : i32 to vector<16xi32>
    %add3A_60 = arith.addi %add3A_59, %scan3A_19#0 : vector<16xi32>
    %add3A_61 = arith.addi %add3A_60, %iota3A : vector<16xi32>
    %add3A_62 = arith.constant 80 : i32
    %add3A_63 = vector.broadcast %add3A_62 : i32 to vector<16xi32>
    %add3A_64 = arith.addi %add3A_61, %add3A_63 : vector<16xi32>
    tpu.vector_store_idx %arg9[%add3A_64], %broadcast_in_dim3A_22 : memref<41472xi32, #tpu.memory_space<vmem>>[vector<16xi32>], vector<16xi32>,
    tpu.vector_store_idx %arg10[%add3A_64], %broadcast_in_dim3A_22 : memref<41472xi32, #tpu.memory_space<vmem>>[vector<16xi32>], vector<16xi32>,
    %add3A_65 = arith.constant 0 : i32
    %add3A_66 = vector.broadcast %add3A_65 : i32 to vector<16xi32>
    %add3A_67 = arith.addi %add3A_66, %scan3A_19#0 : vector<16xi32>
    %add3A_68 = arith.addi %add3A_67, %iota3A : vector<16xi32>
    %add3A_69 = arith.constant 96 : i32
    %add3A_70 = vector.broadcast %add3A_69 : i32 to vector<16xi32>
    %add3A_71 = arith.addi %add3A_68, %add3A_70 : vector<16xi32>
    tpu.vector_store_idx %arg9[%add3A_71], %broadcast_in_dim3A_22 : memref<41472xi32, #tpu.memory_space<vmem>>[vector<16xi32>], vector<16xi32>,
    tpu.vector_store_idx %arg10[%add3A_71], %broadcast_in_dim3A_22 : memref<41472xi32, #tpu.memory_space<vmem>>[vector<16xi32>], vector<16xi32>,
    %add3A_72 = arith.constant 0 : i32
    %add3A_73 = vector.broadcast %add3A_72 : i32 to vector<16xi32>
    %add3A_74 = arith.addi %add3A_73, %scan3A_19#0 : vector<16xi32>
    %add3A_75 = arith.addi %add3A_74, %iota3A : vector<16xi32>
    %add3A_76 = arith.constant 112 : i32
    %add3A_77 = vector.broadcast %add3A_76 : i32 to vector<16xi32>
    %add3A_78 = arith.addi %add3A_75, %add3A_77 : vector<16xi32>
    tpu.vector_store_idx %arg9[%add3A_78], %broadcast_in_dim3A_22 : memref<41472xi32, #tpu.memory_space<vmem>>[vector<16xi32>], vector<16xi32>,
    tpu.vector_store_idx %arg10[%add3A_78], %broadcast_in_dim3A_22 : memref<41472xi32, #tpu.memory_space<vmem>>[vector<16xi32>], vector<16xi32>,
    %add3A_79 = arith.constant 10368 : i32
    %add3A_80 = vector.broadcast %add3A_79 : i32 to vector<16xi32>
    %add3A_81 = arith.addi %add3A_80, %scan3A_19#1 : vector<16xi32>
    %add3A_82 = arith.addi %add3A_81, %iota3A : vector<16xi32>
    %add3A_83 = arith.constant 0 : i32
    %add3A_84 = vector.broadcast %add3A_83 : i32 to vector<16xi32>
    %add3A_85 = arith.addi %add3A_82, %add3A_84 : vector<16xi32>
    tpu.vector_store_idx %arg9[%add3A_85], %broadcast_in_dim3A_22 : memref<41472xi32, #tpu.memory_space<vmem>>[vector<16xi32>], vector<16xi32>,
    tpu.vector_store_idx %arg10[%add3A_85], %broadcast_in_dim3A_22 : memref<41472xi32, #tpu.memory_space<vmem>>[vector<16xi32>], vector<16xi32>,
    %add3A_86 = arith.constant 10368 : i32
    %add3A_87 = vector.broadcast %add3A_86 : i32 to vector<16xi32>
    %add3A_88 = arith.addi %add3A_87, %scan3A_19#1 : vector<16xi32>
    %add3A_89 = arith.addi %add3A_88, %iota3A : vector<16xi32>
    %add3A_90 = arith.constant 16 : i32
    %add3A_91 = vector.broadcast %add3A_90 : i32 to vector<16xi32>
    %add3A_92 = arith.addi %add3A_89, %add3A_91 : vector<16xi32>
    tpu.vector_store_idx %arg9[%add3A_92], %broadcast_in_dim3A_22 : memref<41472xi32, #tpu.memory_space<vmem>>[vector<16xi32>], vector<16xi32>,
    tpu.vector_store_idx %arg10[%add3A_92], %broadcast_in_dim3A_22 : memref<41472xi32, #tpu.memory_space<vmem>>[vector<16xi32>], vector<16xi32>,
    %add3A_93 = arith.constant 10368 : i32
    %add3A_94 = vector.broadcast %add3A_93 : i32 to vector<16xi32>
    %add3A_95 = arith.addi %add3A_94, %scan3A_19#1 : vector<16xi32>
    %add3A_96 = arith.addi %add3A_95, %iota3A : vector<16xi32>
    %add3A_97 = arith.constant 32 : i32
    %add3A_98 = vector.broadcast %add3A_97 : i32 to vector<16xi32>
    %add3A_99 = arith.addi %add3A_96, %add3A_98 : vector<16xi32>
    tpu.vector_store_idx %arg9[%add3A_99], %broadcast_in_dim3A_22 : memref<41472xi32, #tpu.memory_space<vmem>>[vector<16xi32>], vector<16xi32>,
    tpu.vector_store_idx %arg10[%add3A_99], %broadcast_in_dim3A_22 : memref<41472xi32, #tpu.memory_space<vmem>>[vector<16xi32>], vector<16xi32>,
    %add3A_100 = arith.constant 10368 : i32
    %add3A_101 = vector.broadcast %add3A_100 : i32 to vector<16xi32>
    %add3A_102 = arith.addi %add3A_101, %scan3A_19#1 : vector<16xi32>
    %add3A_103 = arith.addi %add3A_102, %iota3A : vector<16xi32>
    %add3A_104 = arith.constant 48 : i32
    %add3A_105 = vector.broadcast %add3A_104 : i32 to vector<16xi32>
    %add3A_106 = arith.addi %add3A_103, %add3A_105 : vector<16xi32>
    tpu.vector_store_idx %arg9[%add3A_106], %broadcast_in_dim3A_22 : memref<41472xi32, #tpu.memory_space<vmem>>[vector<16xi32>], vector<16xi32>,
    tpu.vector_store_idx %arg10[%add3A_106], %broadcast_in_dim3A_22 : memref<41472xi32, #tpu.memory_space<vmem>>[vector<16xi32>], vector<16xi32>,
    %add3A_107 = arith.constant 10368 : i32
    %add3A_108 = vector.broadcast %add3A_107 : i32 to vector<16xi32>
    %add3A_109 = arith.addi %add3A_108, %scan3A_19#1 : vector<16xi32>
    %add3A_110 = arith.addi %add3A_109, %iota3A : vector<16xi32>
    %add3A_111 = arith.constant 64 : i32
    %add3A_112 = vector.broadcast %add3A_111 : i32 to vector<16xi32>
    %add3A_113 = arith.addi %add3A_110, %add3A_112 : vector<16xi32>
    tpu.vector_store_idx %arg9[%add3A_113], %broadcast_in_dim3A_22 : memref<41472xi32, #tpu.memory_space<vmem>>[vector<16xi32>], vector<16xi32>,
    tpu.vector_store_idx %arg10[%add3A_113], %broadcast_in_dim3A_22 : memref<41472xi32, #tpu.memory_space<vmem>>[vector<16xi32>], vector<16xi32>,
    %add3A_114 = arith.constant 10368 : i32
    %add3A_115 = vector.broadcast %add3A_114 : i32 to vector<16xi32>
    %add3A_116 = arith.addi %add3A_115, %scan3A_19#1 : vector<16xi32>
    %add3A_117 = arith.addi %add3A_116, %iota3A : vector<16xi32>
    %add3A_118 = arith.constant 80 : i32
    %add3A_119 = vector.broadcast %add3A_118 : i32 to vector<16xi32>
    %add3A_120 = arith.addi %add3A_117, %add3A_119 : vector<16xi32>
    tpu.vector_store_idx %arg9[%add3A_120], %broadcast_in_dim3A_22 : memref<41472xi32, #tpu.memory_space<vmem>>[vector<16xi32>], vector<16xi32>,
    tpu.vector_store_idx %arg10[%add3A_120], %broadcast_in_dim3A_22 : memref<41472xi32, #tpu.memory_space<vmem>>[vector<16xi32>], vector<16xi32>,
    %add3A_121 = arith.constant 10368 : i32
    %add3A_122 = vector.broadcast %add3A_121 : i32 to vector<16xi32>
    %add3A_123 = arith.addi %add3A_122, %scan3A_19#1 : vector<16xi32>
    %add3A_124 = arith.addi %add3A_123, %iota3A : vector<16xi32>
    %add3A_125 = arith.constant 96 : i32
    %add3A_126 = vector.broadcast %add3A_125 : i32 to vector<16xi32>
    %add3A_127 = arith.addi %add3A_124, %add3A_126 : vector<16xi32>
    tpu.vector_store_idx %arg9[%add3A_127], %broadcast_in_dim3A_22 : memref<41472xi32, #tpu.memory_space<vmem>>[vector<16xi32>], vector<16xi32>,
    tpu.vector_store_idx %arg10[%add3A_127], %broadcast_in_dim3A_22 : memref<41472xi32, #tpu.memory_space<vmem>>[vector<16xi32>], vector<16xi32>,
    %add3A_128 = arith.constant 10368 : i32
    %add3A_129 = vector.broadcast %add3A_128 : i32 to vector<16xi32>
    %add3A_130 = arith.addi %add3A_129, %scan3A_19#1 : vector<16xi32>
    %add3A_131 = arith.addi %add3A_130, %iota3A : vector<16xi32>
    %add3A_132 = arith.constant 112 : i32
    %add3A_133 = vector.broadcast %add3A_132 : i32 to vector<16xi32>
    %add3A_134 = arith.addi %add3A_131, %add3A_133 : vector<16xi32>
    tpu.vector_store_idx %arg9[%add3A_134], %broadcast_in_dim3A_22 : memref<41472xi32, #tpu.memory_space<vmem>>[vector<16xi32>], vector<16xi32>,
    tpu.vector_store_idx %arg10[%add3A_134], %broadcast_in_dim3A_22 : memref<41472xi32, #tpu.memory_space<vmem>>[vector<16xi32>], vector<16xi32>,
    %add3A_135 = arith.constant 20736 : i32
    %add3A_136 = vector.broadcast %add3A_135 : i32 to vector<16xi32>
    %add3A_137 = arith.addi %add3A_136, %scan3A_19#2 : vector<16xi32>
    %add3A_138 = arith.addi %add3A_137, %iota3A : vector<16xi32>
    %add3A_139 = arith.constant 0 : i32
    %add3A_140 = vector.broadcast %add3A_139 : i32 to vector<16xi32>
    %add3A_141 = arith.addi %add3A_138, %add3A_140 : vector<16xi32>
    tpu.vector_store_idx %arg9[%add3A_141], %broadcast_in_dim3A_22 : memref<41472xi32, #tpu.memory_space<vmem>>[vector<16xi32>], vector<16xi32>,
    tpu.vector_store_idx %arg10[%add3A_141], %broadcast_in_dim3A_22 : memref<41472xi32, #tpu.memory_space<vmem>>[vector<16xi32>], vector<16xi32>,
    %add3A_142 = arith.constant 20736 : i32
    %add3A_143 = vector.broadcast %add3A_142 : i32 to vector<16xi32>
    %add3A_144 = arith.addi %add3A_143, %scan3A_19#2 : vector<16xi32>
    %add3A_145 = arith.addi %add3A_144, %iota3A : vector<16xi32>
    %add3A_146 = arith.constant 16 : i32
    %add3A_147 = vector.broadcast %add3A_146 : i32 to vector<16xi32>
    %add3A_148 = arith.addi %add3A_145, %add3A_147 : vector<16xi32>
    tpu.vector_store_idx %arg9[%add3A_148], %broadcast_in_dim3A_22 : memref<41472xi32, #tpu.memory_space<vmem>>[vector<16xi32>], vector<16xi32>,
    tpu.vector_store_idx %arg10[%add3A_148], %broadcast_in_dim3A_22 : memref<41472xi32, #tpu.memory_space<vmem>>[vector<16xi32>], vector<16xi32>,
    %add3A_149 = arith.constant 20736 : i32
    %add3A_150 = vector.broadcast %add3A_149 : i32 to vector<16xi32>
    %add3A_151 = arith.addi %add3A_150, %scan3A_19#2 : vector<16xi32>
    %add3A_152 = arith.addi %add3A_151, %iota3A : vector<16xi32>
    %add3A_153 = arith.constant 32 : i32
    %add3A_154 = vector.broadcast %add3A_153 : i32 to vector<16xi32>
    %add3A_155 = arith.addi %add3A_152, %add3A_154 : vector<16xi32>
    tpu.vector_store_idx %arg9[%add3A_155], %broadcast_in_dim3A_22 : memref<41472xi32, #tpu.memory_space<vmem>>[vector<16xi32>], vector<16xi32>,
    tpu.vector_store_idx %arg10[%add3A_155], %broadcast_in_dim3A_22 : memref<41472xi32, #tpu.memory_space<vmem>>[vector<16xi32>], vector<16xi32>,
    %add3A_156 = arith.constant 20736 : i32
    %add3A_157 = vector.broadcast %add3A_156 : i32 to vector<16xi32>
    %add3A_158 = arith.addi %add3A_157, %scan3A_19#2 : vector<16xi32>
    %add3A_159 = arith.addi %add3A_158, %iota3A : vector<16xi32>
    %add3A_160 = arith.constant 48 : i32
    %add3A_161 = vector.broadcast %add3A_160 : i32 to vector<16xi32>
    %add3A_162 = arith.addi %add3A_159, %add3A_161 : vector<16xi32>
    tpu.vector_store_idx %arg9[%add3A_162], %broadcast_in_dim3A_22 : memref<41472xi32, #tpu.memory_space<vmem>>[vector<16xi32>], vector<16xi32>,
    tpu.vector_store_idx %arg10[%add3A_162], %broadcast_in_dim3A_22 : memref<41472xi32, #tpu.memory_space<vmem>>[vector<16xi32>], vector<16xi32>,
    %add3A_163 = arith.constant 20736 : i32
    %add3A_164 = vector.broadcast %add3A_163 : i32 to vector<16xi32>
    %add3A_165 = arith.addi %add3A_164, %scan3A_19#2 : vector<16xi32>
    %add3A_166 = arith.addi %add3A_165, %iota3A : vector<16xi32>
    %add3A_167 = arith.constant 64 : i32
    %add3A_168 = vector.broadcast %add3A_167 : i32 to vector<16xi32>
    %add3A_169 = arith.addi %add3A_166, %add3A_168 : vector<16xi32>
    tpu.vector_store_idx %arg9[%add3A_169], %broadcast_in_dim3A_22 : memref<41472xi32, #tpu.memory_space<vmem>>[vector<16xi32>], vector<16xi32>,
    tpu.vector_store_idx %arg10[%add3A_169], %broadcast_in_dim3A_22 : memref<41472xi32, #tpu.memory_space<vmem>>[vector<16xi32>], vector<16xi32>,
    %add3A_170 = arith.constant 20736 : i32
    %add3A_171 = vector.broadcast %add3A_170 : i32 to vector<16xi32>
    %add3A_172 = arith.addi %add3A_171, %scan3A_19#2 : vector<16xi32>
    %add3A_173 = arith.addi %add3A_172, %iota3A : vector<16xi32>
    %add3A_174 = arith.constant 80 : i32
    %add3A_175 = vector.broadcast %add3A_174 : i32 to vector<16xi32>
    %add3A_176 = arith.addi %add3A_173, %add3A_175 : vector<16xi32>
    tpu.vector_store_idx %arg9[%add3A_176], %broadcast_in_dim3A_22 : memref<41472xi32, #tpu.memory_space<vmem>>[vector<16xi32>], vector<16xi32>,
    tpu.vector_store_idx %arg10[%add3A_176], %broadcast_in_dim3A_22 : memref<41472xi32, #tpu.memory_space<vmem>>[vector<16xi32>], vector<16xi32>,
    %add3A_177 = arith.constant 20736 : i32
    %add3A_178 = vector.broadcast %add3A_177 : i32 to vector<16xi32>
    %add3A_179 = arith.addi %add3A_178, %scan3A_19#2 : vector<16xi32>
    %add3A_180 = arith.addi %add3A_179, %iota3A : vector<16xi32>
    %add3A_181 = arith.constant 96 : i32
    %add3A_182 = vector.broadcast %add3A_181 : i32 to vector<16xi32>
    %add3A_183 = arith.addi %add3A_180, %add3A_182 : vector<16xi32>
    tpu.vector_store_idx %arg9[%add3A_183], %broadcast_in_dim3A_22 : memref<41472xi32, #tpu.memory_space<vmem>>[vector<16xi32>], vector<16xi32>,
    tpu.vector_store_idx %arg10[%add3A_183], %broadcast_in_dim3A_22 : memref<41472xi32, #tpu.memory_space<vmem>>[vector<16xi32>], vector<16xi32>,
    %add3A_184 = arith.constant 20736 : i32
    %add3A_185 = vector.broadcast %add3A_184 : i32 to vector<16xi32>
    %add3A_186 = arith.addi %add3A_185, %scan3A_19#2 : vector<16xi32>
    %add3A_187 = arith.addi %add3A_186, %iota3A : vector<16xi32>
    %add3A_188 = arith.constant 112 : i32
    %add3A_189 = vector.broadcast %add3A_188 : i32 to vector<16xi32>
    %add3A_190 = arith.addi %add3A_187, %add3A_189 : vector<16xi32>
    tpu.vector_store_idx %arg9[%add3A_190], %broadcast_in_dim3A_22 : memref<41472xi32, #tpu.memory_space<vmem>>[vector<16xi32>], vector<16xi32>,
    tpu.vector_store_idx %arg10[%add3A_190], %broadcast_in_dim3A_22 : memref<41472xi32, #tpu.memory_space<vmem>>[vector<16xi32>], vector<16xi32>,
    %add3A_191 = arith.constant 31104 : i32
    %add3A_192 = vector.broadcast %add3A_191 : i32 to vector<16xi32>
    %add3A_193 = arith.addi %add3A_192, %scan3A_19#3 : vector<16xi32>
    %add3A_194 = arith.addi %add3A_193, %iota3A : vector<16xi32>
    %add3A_195 = arith.constant 0 : i32
    %add3A_196 = vector.broadcast %add3A_195 : i32 to vector<16xi32>
    %add3A_197 = arith.addi %add3A_194, %add3A_196 : vector<16xi32>
    tpu.vector_store_idx %arg9[%add3A_197], %broadcast_in_dim3A_22 : memref<41472xi32, #tpu.memory_space<vmem>>[vector<16xi32>], vector<16xi32>,
    tpu.vector_store_idx %arg10[%add3A_197], %broadcast_in_dim3A_22 : memref<41472xi32, #tpu.memory_space<vmem>>[vector<16xi32>], vector<16xi32>,
    %add3A_198 = arith.constant 31104 : i32
    %add3A_199 = vector.broadcast %add3A_198 : i32 to vector<16xi32>
    %add3A_200 = arith.addi %add3A_199, %scan3A_19#3 : vector<16xi32>
    %add3A_201 = arith.addi %add3A_200, %iota3A : vector<16xi32>
    %add3A_202 = arith.constant 16 : i32
    %add3A_203 = vector.broadcast %add3A_202 : i32 to vector<16xi32>
    %add3A_204 = arith.addi %add3A_201, %add3A_203 : vector<16xi32>
    tpu.vector_store_idx %arg9[%add3A_204], %broadcast_in_dim3A_22 : memref<41472xi32, #tpu.memory_space<vmem>>[vector<16xi32>], vector<16xi32>,
    tpu.vector_store_idx %arg10[%add3A_204], %broadcast_in_dim3A_22 : memref<41472xi32, #tpu.memory_space<vmem>>[vector<16xi32>], vector<16xi32>,
    %add3A_205 = arith.constant 31104 : i32
    %add3A_206 = vector.broadcast %add3A_205 : i32 to vector<16xi32>
    %add3A_207 = arith.addi %add3A_206, %scan3A_19#3 : vector<16xi32>
    %add3A_208 = arith.addi %add3A_207, %iota3A : vector<16xi32>
    %add3A_209 = arith.constant 32 : i32
    %add3A_210 = vector.broadcast %add3A_209 : i32 to vector<16xi32>
    %add3A_211 = arith.addi %add3A_208, %add3A_210 : vector<16xi32>
    tpu.vector_store_idx %arg9[%add3A_211], %broadcast_in_dim3A_22 : memref<41472xi32, #tpu.memory_space<vmem>>[vector<16xi32>], vector<16xi32>,
    tpu.vector_store_idx %arg10[%add3A_211], %broadcast_in_dim3A_22 : memref<41472xi32, #tpu.memory_space<vmem>>[vector<16xi32>], vector<16xi32>,
    %add3A_212 = arith.constant 31104 : i32
    %add3A_213 = vector.broadcast %add3A_212 : i32 to vector<16xi32>
    %add3A_214 = arith.addi %add3A_213, %scan3A_19#3 : vector<16xi32>
    %add3A_215 = arith.addi %add3A_214, %iota3A : vector<16xi32>
    %add3A_216 = arith.constant 48 : i32
    %add3A_217 = vector.broadcast %add3A_216 : i32 to vector<16xi32>
    %add3A_218 = arith.addi %add3A_215, %add3A_217 : vector<16xi32>
    tpu.vector_store_idx %arg9[%add3A_218], %broadcast_in_dim3A_22 : memref<41472xi32, #tpu.memory_space<vmem>>[vector<16xi32>], vector<16xi32>,
    tpu.vector_store_idx %arg10[%add3A_218], %broadcast_in_dim3A_22 : memref<41472xi32, #tpu.memory_space<vmem>>[vector<16xi32>], vector<16xi32>,
    %add3A_219 = arith.constant 31104 : i32
    %add3A_220 = vector.broadcast %add3A_219 : i32 to vector<16xi32>
    %add3A_221 = arith.addi %add3A_220, %scan3A_19#3 : vector<16xi32>
    %add3A_222 = arith.addi %add3A_221, %iota3A : vector<16xi32>
    %add3A_223 = arith.constant 64 : i32
    %add3A_224 = vector.broadcast %add3A_223 : i32 to vector<16xi32>
    %add3A_225 = arith.addi %add3A_222, %add3A_224 : vector<16xi32>
    tpu.vector_store_idx %arg9[%add3A_225], %broadcast_in_dim3A_22 : memref<41472xi32, #tpu.memory_space<vmem>>[vector<16xi32>], vector<16xi32>,
    tpu.vector_store_idx %arg10[%add3A_225], %broadcast_in_dim3A_22 : memref<41472xi32, #tpu.memory_space<vmem>>[vector<16xi32>], vector<16xi32>,
    %add3A_226 = arith.constant 31104 : i32
    %add3A_227 = vector.broadcast %add3A_226 : i32 to vector<16xi32>
    %add3A_228 = arith.addi %add3A_227, %scan3A_19#3 : vector<16xi32>
    %add3A_229 = arith.addi %add3A_228, %iota3A : vector<16xi32>
    %add3A_230 = arith.constant 80 : i32
    %add3A_231 = vector.broadcast %add3A_230 : i32 to vector<16xi32>
    %add3A_232 = arith.addi %add3A_229, %add3A_231 : vector<16xi32>
    tpu.vector_store_idx %arg9[%add3A_232], %broadcast_in_dim3A_22 : memref<41472xi32, #tpu.memory_space<vmem>>[vector<16xi32>], vector<16xi32>,
    tpu.vector_store_idx %arg10[%add3A_232], %broadcast_in_dim3A_22 : memref<41472xi32, #tpu.memory_space<vmem>>[vector<16xi32>], vector<16xi32>,
    %add3A_233 = arith.constant 31104 : i32
    %add3A_234 = vector.broadcast %add3A_233 : i32 to vector<16xi32>
    %add3A_235 = arith.addi %add3A_234, %scan3A_19#3 : vector<16xi32>
    %add3A_236 = arith.addi %add3A_235, %iota3A : vector<16xi32>
    %add3A_237 = arith.constant 96 : i32
    %add3A_238 = vector.broadcast %add3A_237 : i32 to vector<16xi32>
    %add3A_239 = arith.addi %add3A_236, %add3A_238 : vector<16xi32>
    tpu.vector_store_idx %arg9[%add3A_239], %broadcast_in_dim3A_22 : memref<41472xi32, #tpu.memory_space<vmem>>[vector<16xi32>], vector<16xi32>,
    tpu.vector_store_idx %arg10[%add3A_239], %broadcast_in_dim3A_22 : memref<41472xi32, #tpu.memory_space<vmem>>[vector<16xi32>], vector<16xi32>,
    %add3A_240 = arith.constant 31104 : i32
    %add3A_241 = vector.broadcast %add3A_240 : i32 to vector<16xi32>
    %add3A_242 = arith.addi %add3A_241, %scan3A_19#3 : vector<16xi32>
    %add3A_243 = arith.addi %add3A_242, %iota3A : vector<16xi32>
    %add3A_244 = arith.constant 112 : i32
    %add3A_245 = vector.broadcast %add3A_244 : i32 to vector<16xi32>
    %add3A_246 = arith.addi %add3A_243, %add3A_245 : vector<16xi32>
    tpu.vector_store_idx %arg9[%add3A_246], %broadcast_in_dim3A_22 : memref<41472xi32, #tpu.memory_space<vmem>>[vector<16xi32>], vector<16xi32>,
    tpu.vector_store_idx %arg10[%add3A_246], %broadcast_in_dim3A_22 : memref<41472xi32, #tpu.memory_space<vmem>>[vector<16xi32>], vector<16xi32>,
    %broadcast_in_dim3A_247 = arith.constant 0.000000e+00 : f32
    %broadcast_in_dim3A_248 = vector.broadcast %broadcast_in_dim3A_247 : f32 to vector<16xf32>
    %eq3A = arith.constant 0 : i32
    %eq3A_249 = vector.broadcast %eq3A : i32 to vector<16xi32>
    %eq3A_250 = arith.cmpi eq, %iota3A, %eq3A_249 : vector<16xi32>
    %convert_element_type3A = arith.sitofp %scan3A_19#0 : vector<16xi32> to vector<16xf32>
    %select_n3A = arith.select %eq3A_250, %convert_element_type3A, %broadcast_in_dim3A_248 : vector<16xi1>, vector<16xf32>
    %eq3A_251 = arith.constant 1 : i32
    %eq3A_252 = vector.broadcast %eq3A_251 : i32 to vector<16xi32>
    %eq3A_253 = arith.cmpi eq, %iota3A, %eq3A_252 : vector<16xi32>
    %convert_element_type3A_254 = arith.sitofp %scan3A_19#1 : vector<16xi32> to vector<16xf32>
    %select_n3A_255 = arith.select %eq3A_253, %convert_element_type3A_254, %select_n3A : vector<16xi1>, vector<16xf32>
    %eq3A_256 = arith.constant 2 : i32
    %eq3A_257 = vector.broadcast %eq3A_256 : i32 to vector<16xi32>
    %eq3A_258 = arith.cmpi eq, %iota3A, %eq3A_257 : vector<16xi32>
    %convert_element_type3A_259 = arith.sitofp %scan3A_19#2 : vector<16xi32> to vector<16xf32>
    %select_n3A_260 = arith.select %eq3A_258, %convert_element_type3A_259, %select_n3A_255 : vector<16xi1>, vector<16xf32>
    %eq3A_261 = arith.constant 3 : i32
    %eq3A_262 = vector.broadcast %eq3A_261 : i32 to vector<16xi32>
    %eq3A_263 = arith.cmpi eq, %iota3A, %eq3A_262 : vector<16xi32>
    %convert_element_type3A_264 = arith.sitofp %scan3A_19#3 : vector<16xi32> to vector<16xf32>
    %select_n3A_265 = arith.select %eq3A_263, %convert_element_type3A_264, %select_n3A_260 : vector<16xi1>, vector<16xf32>
    %swap3A = arith.constant 0 : index
    %swap3A_266 = tpu.vector_load %arg12[%swap3A] {strides = array<i32>} : memref<16xf32, #tpu.memory_space<vmem>>, vector<16xf32>,
    tpu.vector_store %arg12[%swap3A], %select_n3A_265 {strides = array<i32>} : memref<16xf32, #tpu.memory_space<vmem>>, vector<16xf32>,
    "tpu.region"() ({
      %run_scoped3A_274 = tpu.sem_alloc : memref<!tpu.dma_semaphore, #tpu.memory_space<semaphore_mem>>
      %dma_start3A = arith.constant 0 : i32
      %dma_start3A_275 = tpu.memref_slice %arg3[%add3A, %dma_start3A] : memref<32x10240xf32, #tpu.memory_space<hbm>> -> memref<1x10240xf32, #tpu.memory_space<hbm>>
      %dma_start3A_276 = tpu.memref_squeeze %dma_start3A_275 : memref<1x10240xf32, #tpu.memory_space<hbm>> -> memref<10240xf32, #tpu.memory_space<hbm>>
      %dma_start3A_277 = arith.constant 0 : i32
      %dma_start3A_278 = tpu.memref_slice %arg3[%add3A, %dma_start3A_277] : memref<32x10240xf32, #tpu.memory_space<hbm>> -> memref<1x10240xf32, #tpu.memory_space<hbm>>
      %dma_start3A_279 = tpu.memref_squeeze %dma_start3A_278 : memref<1x10240xf32, #tpu.memory_space<hbm>> -> memref<10240xf32, #tpu.memory_space<hbm>>
      tpu.enqueue_dma source(%arg11 : memref<10240xf32, #tpu.memory_space<vmem>>) target(%dma_start3A_279 : memref<10240xf32, #tpu.memory_space<hbm>>) target_semaphore(%run_scoped3A_274 : memref<!tpu.dma_semaphore, #tpu.memory_space<semaphore_mem>>)
      %dma_wait3A = arith.constant 0 : i32
      %dma_wait3A_280 = tpu.memref_slice %arg3[%add3A, %dma_wait3A] : memref<32x10240xf32, #tpu.memory_space<hbm>> -> memref<1x10240xf32, #tpu.memory_space<hbm>>
      %dma_wait3A_281 = tpu.memref_squeeze %dma_wait3A_280 : memref<1x10240xf32, #tpu.memory_space<hbm>> -> memref<10240xf32, #tpu.memory_space<hbm>>
      %dma_wait3A_282 = arith.constant 0 : i32
      %dma_wait3A_283 = tpu.memref_slice %arg3[%add3A, %dma_wait3A_282] : memref<32x10240xf32, #tpu.memory_space<hbm>> -> memref<1x10240xf32, #tpu.memory_space<hbm>>
      %dma_wait3A_284 = tpu.memref_squeeze %dma_wait3A_283 : memref<1x10240xf32, #tpu.memory_space<hbm>> -> memref<10240xf32, #tpu.memory_space<hbm>>
      tpu.wait_dma2 semaphore(%run_scoped3A_274 : memref<!tpu.dma_semaphore, #tpu.memory_space<semaphore_mem>>) src(%arg11 : memref<10240xf32, #tpu.memory_space<vmem>>) dst(%dma_wait3A_284 : memref<10240xf32, #tpu.memory_space<hbm>>)
      tpu.yield
    }) : () -> ()
    %run_scoped3A = arith.constant 0 : i32
    "tpu.region"() ({
      %run_scoped3A_274 = tpu.sem_alloc : memref<!tpu.dma_semaphore, #tpu.memory_space<semaphore_mem>>
      %dma_start3A = arith.constant 0 : i32
      %dma_start3A_275 = tpu.memref_slice %arg9[%dma_start3A] : memref<41472xi32, #tpu.memory_space<vmem>> -> memref<10368xi32, #tpu.memory_space<vmem>>
      %dma_start3A_276 = arith.constant 0 : i32
      %dma_start3A_277 = tpu.memref_slice %arg4[%add3A, %run_scoped3A, %dma_start3A_276] : memref<32x4x10368xi32, #tpu.memory_space<hbm>> -> memref<1x1x10368xi32, #tpu.memory_space<hbm>>
      %dma_start3A_278 = tpu.memref_squeeze %dma_start3A_277 : memref<1x1x10368xi32, #tpu.memory_space<hbm>> -> memref<10368xi32, #tpu.memory_space<hbm>>
      %dma_start3A_279 = arith.constant 0 : i32
      %dma_start3A_280 = tpu.memref_slice %arg4[%add3A, %run_scoped3A, %dma_start3A_279] : memref<32x4x10368xi32, #tpu.memory_space<hbm>> -> memref<1x1x10368xi32, #tpu.memory_space<hbm>>
      %dma_start3A_281 = tpu.memref_squeeze %dma_start3A_280 : memref<1x1x10368xi32, #tpu.memory_space<hbm>> -> memref<10368xi32, #tpu.memory_space<hbm>>
      %dma_start3A_282 = arith.constant 0 : i32
      %dma_start3A_283 = tpu.memref_slice %arg9[%dma_start3A_282] : memref<41472xi32, #tpu.memory_space<vmem>> -> memref<10368xi32, #tpu.memory_space<vmem>>
      tpu.enqueue_dma source(%dma_start3A_283 : memref<10368xi32, #tpu.memory_space<vmem>>) target(%dma_start3A_281 : memref<10368xi32, #tpu.memory_space<hbm>>) target_semaphore(%run_scoped3A_274 : memref<!tpu.dma_semaphore, #tpu.memory_space<semaphore_mem>>)
      %dma_wait3A = arith.constant 0 : i32
      %dma_wait3A_284 = tpu.memref_slice %arg9[%dma_wait3A] : memref<41472xi32, #tpu.memory_space<vmem>> -> memref<10368xi32, #tpu.memory_space<vmem>>
      %dma_wait3A_285 = arith.constant 0 : i32
      %dma_wait3A_286 = tpu.memref_slice %arg4[%add3A, %run_scoped3A, %dma_wait3A_285] : memref<32x4x10368xi32, #tpu.memory_space<hbm>> -> memref<1x1x10368xi32, #tpu.memory_space<hbm>>
      %dma_wait3A_287 = tpu.memref_squeeze %dma_wait3A_286 : memref<1x1x10368xi32, #tpu.memory_space<hbm>> -> memref<10368xi32, #tpu.memory_space<hbm>>
      %dma_wait3A_288 = arith.constant 0 : i32
      %dma_wait3A_289 = tpu.memref_slice %arg4[%add3A, %run_scoped3A, %dma_wait3A_288] : memref<32x4x10368xi32, #tpu.memory_space<hbm>> -> memref<1x1x10368xi32, #tpu.memory_space<hbm>>
      %dma_wait3A_290 = tpu.memref_squeeze %dma_wait3A_289 : memref<1x1x10368xi32, #tpu.memory_space<hbm>> -> memref<10368xi32, #tpu.memory_space<hbm>>
      %dma_wait3A_291 = arith.constant 0 : i32
      %dma_wait3A_292 = tpu.memref_slice %arg9[%dma_wait3A_291] : memref<41472xi32, #tpu.memory_space<vmem>> -> memref<10368xi32, #tpu.memory_space<vmem>>
      tpu.wait_dma2 semaphore(%run_scoped3A_274 : memref<!tpu.dma_semaphore, #tpu.memory_space<semaphore_mem>>) src(%dma_wait3A_292 : memref<10368xi32, #tpu.memory_space<vmem>>) dst(%dma_wait3A_290 : memref<10368xi32, #tpu.memory_space<hbm>>)
      tpu.yield
    }) : () -> ()
    %run_scoped3A_267 = arith.constant 0 : i32
    "tpu.region"() ({
      %run_scoped3A_274 = tpu.sem_alloc : memref<!tpu.dma_semaphore, #tpu.memory_space<semaphore_mem>>
      %dma_start3A = arith.constant 0 : i32
      %dma_start3A_275 = tpu.memref_slice %arg10[%dma_start3A] : memref<41472xi32, #tpu.memory_space<vmem>> -> memref<10368xi32, #tpu.memory_space<vmem>>
      %dma_start3A_276 = arith.constant 0 : i32
      %dma_start3A_277 = tpu.memref_slice %arg5[%add3A, %run_scoped3A_267, %dma_start3A_276] : memref<32x4x10368xi32, #tpu.memory_space<hbm>> -> memref<1x1x10368xi32, #tpu.memory_space<hbm>>
      %dma_start3A_278 = tpu.memref_squeeze %dma_start3A_277 : memref<1x1x10368xi32, #tpu.memory_space<hbm>> -> memref<10368xi32, #tpu.memory_space<hbm>>
      %dma_start3A_279 = arith.constant 0 : i32
      %dma_start3A_280 = tpu.memref_slice %arg5[%add3A, %run_scoped3A_267, %dma_start3A_279] : memref<32x4x10368xi32, #tpu.memory_space<hbm>> -> memref<1x1x10368xi32, #tpu.memory_space<hbm>>
      %dma_start3A_281 = tpu.memref_squeeze %dma_start3A_280 : memref<1x1x10368xi32, #tpu.memory_space<hbm>> -> memref<10368xi32, #tpu.memory_space<hbm>>
      %dma_start3A_282 = arith.constant 0 : i32
      %dma_start3A_283 = tpu.memref_slice %arg10[%dma_start3A_282] : memref<41472xi32, #tpu.memory_space<vmem>> -> memref<10368xi32, #tpu.memory_space<vmem>>
      tpu.enqueue_dma source(%dma_start3A_283 : memref<10368xi32, #tpu.memory_space<vmem>>) target(%dma_start3A_281 : memref<10368xi32, #tpu.memory_space<hbm>>) target_semaphore(%run_scoped3A_274 : memref<!tpu.dma_semaphore, #tpu.memory_space<semaphore_mem>>)
      %dma_wait3A = arith.constant 0 : i32
      %dma_wait3A_284 = tpu.memref_slice %arg10[%dma_wait3A] : memref<41472xi32, #tpu.memory_space<vmem>> -> memref<10368xi32, #tpu.memory_space<vmem>>
      %dma_wait3A_285 = arith.constant 0 : i32
      %dma_wait3A_286 = tpu.memref_slice %arg5[%add3A, %run_scoped3A_267, %dma_wait3A_285] : memref<32x4x10368xi32, #tpu.memory_space<hbm>> -> memref<1x1x10368xi32, #tpu.memory_space<hbm>>
      %dma_wait3A_287 = tpu.memref_squeeze %dma_wait3A_286 : memref<1x1x10368xi32, #tpu.memory_space<hbm>> -> memref<10368xi32, #tpu.memory_space<hbm>>
      %dma_wait3A_288 = arith.constant 0 : i32
      %dma_wait3A_289 = tpu.memref_slice %arg5[%add3A, %run_scoped3A_267, %dma_wait3A_288] : memref<32x4x10368xi32, #tpu.memory_space<hbm>> -> memref<1x1x10368xi32, #tpu.memory_space<hbm>>
      %dma_wait3A_290 = tpu.memref_squeeze %dma_wait3A_289 : memref<1x1x10368xi32, #tpu.memory_space<hbm>> -> memref<10368xi32, #tpu.memory_space<hbm>>
      %dma_wait3A_291 = arith.constant 0 : i32
      %dma_wait3A_292 = tpu.memref_slice %arg10[%dma_wait3A_291] : memref<41472xi32, #tpu.memory_space<vmem>> -> memref<10368xi32, #tpu.memory_space<vmem>>
      tpu.wait_dma2 semaphore(%run_scoped3A_274 : memref<!tpu.dma_semaphore, #tpu.memory_space<semaphore_mem>>) src(%dma_wait3A_292 : memref<10368xi32, #tpu.memory_space<vmem>>) dst(%dma_wait3A_290 : memref<10368xi32, #tpu.memory_space<hbm>>)
      tpu.yield
    }) : () -> ()
    %run_scoped3A_268 = arith.constant 1 : i32
    "tpu.region"() ({
      %run_scoped3A_274 = tpu.sem_alloc : memref<!tpu.dma_semaphore, #tpu.memory_space<semaphore_mem>>
      %dma_start3A = arith.constant 10368 : i32
      %dma_start3A_275 = tpu.memref_slice %arg9[%dma_start3A] : memref<41472xi32, #tpu.memory_space<vmem>> -> memref<10368xi32, #tpu.memory_space<vmem>>
      %dma_start3A_276 = arith.constant 0 : i32
      %dma_start3A_277 = tpu.memref_slice %arg4[%add3A, %run_scoped3A_268, %dma_start3A_276] : memref<32x4x10368xi32, #tpu.memory_space<hbm>> -> memref<1x1x10368xi32, #tpu.memory_space<hbm>>
      %dma_start3A_278 = tpu.memref_squeeze %dma_start3A_277 : memref<1x1x10368xi32, #tpu.memory_space<hbm>> -> memref<10368xi32, #tpu.memory_space<hbm>>
      %dma_start3A_279 = arith.constant 0 : i32
      %dma_start3A_280 = tpu.memref_slice %arg4[%add3A, %run_scoped3A_268, %dma_start3A_279] : memref<32x4x10368xi32, #tpu.memory_space<hbm>> -> memref<1x1x10368xi32, #tpu.memory_space<hbm>>
      %dma_start3A_281 = tpu.memref_squeeze %dma_start3A_280 : memref<1x1x10368xi32, #tpu.memory_space<hbm>> -> memref<10368xi32, #tpu.memory_space<hbm>>
      %dma_start3A_282 = arith.constant 10368 : i32
      %dma_start3A_283 = tpu.memref_slice %arg9[%dma_start3A_282] : memref<41472xi32, #tpu.memory_space<vmem>> -> memref<10368xi32, #tpu.memory_space<vmem>>
      tpu.enqueue_dma source(%dma_start3A_283 : memref<10368xi32, #tpu.memory_space<vmem>>) target(%dma_start3A_281 : memref<10368xi32, #tpu.memory_space<hbm>>) target_semaphore(%run_scoped3A_274 : memref<!tpu.dma_semaphore, #tpu.memory_space<semaphore_mem>>)
      %dma_wait3A = arith.constant 10368 : i32
      %dma_wait3A_284 = tpu.memref_slice %arg9[%dma_wait3A] : memref<41472xi32, #tpu.memory_space<vmem>> -> memref<10368xi32, #tpu.memory_space<vmem>>
      %dma_wait3A_285 = arith.constant 0 : i32
      %dma_wait3A_286 = tpu.memref_slice %arg4[%add3A, %run_scoped3A_268, %dma_wait3A_285] : memref<32x4x10368xi32, #tpu.memory_space<hbm>> -> memref<1x1x10368xi32, #tpu.memory_space<hbm>>
      %dma_wait3A_287 = tpu.memref_squeeze %dma_wait3A_286 : memref<1x1x10368xi32, #tpu.memory_space<hbm>> -> memref<10368xi32, #tpu.memory_space<hbm>>
      %dma_wait3A_288 = arith.constant 0 : i32
      %dma_wait3A_289 = tpu.memref_slice %arg4[%add3A, %run_scoped3A_268, %dma_wait3A_288] : memref<32x4x10368xi32, #tpu.memory_space<hbm>> -> memref<1x1x10368xi32, #tpu.memory_space<hbm>>
      %dma_wait3A_290 = tpu.memref_squeeze %dma_wait3A_289 : memref<1x1x10368xi32, #tpu.memory_space<hbm>> -> memref<10368xi32, #tpu.memory_space<hbm>>
      %dma_wait3A_291 = arith.constant 10368 : i32
      %dma_wait3A_292 = tpu.memref_slice %arg9[%dma_wait3A_291] : memref<41472xi32, #tpu.memory_space<vmem>> -> memref<10368xi32, #tpu.memory_space<vmem>>
      tpu.wait_dma2 semaphore(%run_scoped3A_274 : memref<!tpu.dma_semaphore, #tpu.memory_space<semaphore_mem>>) src(%dma_wait3A_292 : memref<10368xi32, #tpu.memory_space<vmem>>) dst(%dma_wait3A_290 : memref<10368xi32, #tpu.memory_space<hbm>>)
      tpu.yield
    }) : () -> ()
    %run_scoped3A_269 = arith.constant 1 : i32
    "tpu.region"() ({
      %run_scoped3A_274 = tpu.sem_alloc : memref<!tpu.dma_semaphore, #tpu.memory_space<semaphore_mem>>
      %dma_start3A = arith.constant 10368 : i32
      %dma_start3A_275 = tpu.memref_slice %arg10[%dma_start3A] : memref<41472xi32, #tpu.memory_space<vmem>> -> memref<10368xi32, #tpu.memory_space<vmem>>
      %dma_start3A_276 = arith.constant 0 : i32
      %dma_start3A_277 = tpu.memref_slice %arg5[%add3A, %run_scoped3A_269, %dma_start3A_276] : memref<32x4x10368xi32, #tpu.memory_space<hbm>> -> memref<1x1x10368xi32, #tpu.memory_space<hbm>>
      %dma_start3A_278 = tpu.memref_squeeze %dma_start3A_277 : memref<1x1x10368xi32, #tpu.memory_space<hbm>> -> memref<10368xi32, #tpu.memory_space<hbm>>
      %dma_start3A_279 = arith.constant 0 : i32
      %dma_start3A_280 = tpu.memref_slice %arg5[%add3A, %run_scoped3A_269, %dma_start3A_279] : memref<32x4x10368xi32, #tpu.memory_space<hbm>> -> memref<1x1x10368xi32, #tpu.memory_space<hbm>>
      %dma_start3A_281 = tpu.memref_squeeze %dma_start3A_280 : memref<1x1x10368xi32, #tpu.memory_space<hbm>> -> memref<10368xi32, #tpu.memory_space<hbm>>
      %dma_start3A_282 = arith.constant 10368 : i32
      %dma_start3A_283 = tpu.memref_slice %arg10[%dma_start3A_282] : memref<41472xi32, #tpu.memory_space<vmem>> -> memref<10368xi32, #tpu.memory_space<vmem>>
      tpu.enqueue_dma source(%dma_start3A_283 : memref<10368xi32, #tpu.memory_space<vmem>>) target(%dma_start3A_281 : memref<10368xi32, #tpu.memory_space<hbm>>) target_semaphore(%run_scoped3A_274 : memref<!tpu.dma_semaphore, #tpu.memory_space<semaphore_mem>>)
      %dma_wait3A = arith.constant 10368 : i32
      %dma_wait3A_284 = tpu.memref_slice %arg10[%dma_wait3A] : memref<41472xi32, #tpu.memory_space<vmem>> -> memref<10368xi32, #tpu.memory_space<vmem>>
      %dma_wait3A_285 = arith.constant 0 : i32
      %dma_wait3A_286 = tpu.memref_slice %arg5[%add3A, %run_scoped3A_269, %dma_wait3A_285] : memref<32x4x10368xi32, #tpu.memory_space<hbm>> -> memref<1x1x10368xi32, #tpu.memory_space<hbm>>
      %dma_wait3A_287 = tpu.memref_squeeze %dma_wait3A_286 : memref<1x1x10368xi32, #tpu.memory_space<hbm>> -> memref<10368xi32, #tpu.memory_space<hbm>>
      %dma_wait3A_288 = arith.constant 0 : i32
      %dma_wait3A_289 = tpu.memref_slice %arg5[%add3A, %run_scoped3A_269, %dma_wait3A_288] : memref<32x4x10368xi32, #tpu.memory_space<hbm>> -> memref<1x1x10368xi32, #tpu.memory_space<hbm>>
      %dma_wait3A_290 = tpu.memref_squeeze %dma_wait3A_289 : memref<1x1x10368xi32, #tpu.memory_space<hbm>> -> memref<10368xi32, #tpu.memory_space<hbm>>
      %dma_wait3A_291 = arith.constant 10368 : i32
      %dma_wait3A_292 = tpu.memref_slice %arg10[%dma_wait3A_291] : memref<41472xi32, #tpu.memory_space<vmem>> -> memref<10368xi32, #tpu.memory_space<vmem>>
      tpu.wait_dma2 semaphore(%run_scoped3A_274 : memref<!tpu.dma_semaphore, #tpu.memory_space<semaphore_mem>>) src(%dma_wait3A_292 : memref<10368xi32, #tpu.memory_space<vmem>>) dst(%dma_wait3A_290 : memref<10368xi32, #tpu.memory_space<hbm>>)
      tpu.yield
    }) : () -> ()
    %run_scoped3A_270 = arith.constant 2 : i32
    "tpu.region"() ({
      %run_scoped3A_274 = tpu.sem_alloc : memref<!tpu.dma_semaphore, #tpu.memory_space<semaphore_mem>>
      %dma_start3A = arith.constant 20736 : i32
      %dma_start3A_275 = tpu.memref_slice %arg9[%dma_start3A] : memref<41472xi32, #tpu.memory_space<vmem>> -> memref<10368xi32, #tpu.memory_space<vmem>>
      %dma_start3A_276 = arith.constant 0 : i32
      %dma_start3A_277 = tpu.memref_slice %arg4[%add3A, %run_scoped3A_270, %dma_start3A_276] : memref<32x4x10368xi32, #tpu.memory_space<hbm>> -> memref<1x1x10368xi32, #tpu.memory_space<hbm>>
      %dma_start3A_278 = tpu.memref_squeeze %dma_start3A_277 : memref<1x1x10368xi32, #tpu.memory_space<hbm>> -> memref<10368xi32, #tpu.memory_space<hbm>>
      %dma_start3A_279 = arith.constant 0 : i32
      %dma_start3A_280 = tpu.memref_slice %arg4[%add3A, %run_scoped3A_270, %dma_start3A_279] : memref<32x4x10368xi32, #tpu.memory_space<hbm>> -> memref<1x1x10368xi32, #tpu.memory_space<hbm>>
      %dma_start3A_281 = tpu.memref_squeeze %dma_start3A_280 : memref<1x1x10368xi32, #tpu.memory_space<hbm>> -> memref<10368xi32, #tpu.memory_space<hbm>>
      %dma_start3A_282 = arith.constant 20736 : i32
      %dma_start3A_283 = tpu.memref_slice %arg9[%dma_start3A_282] : memref<41472xi32, #tpu.memory_space<vmem>> -> memref<10368xi32, #tpu.memory_space<vmem>>
      tpu.enqueue_dma source(%dma_start3A_283 : memref<10368xi32, #tpu.memory_space<vmem>>) target(%dma_start3A_281 : memref<10368xi32, #tpu.memory_space<hbm>>) target_semaphore(%run_scoped3A_274 : memref<!tpu.dma_semaphore, #tpu.memory_space<semaphore_mem>>)
      %dma_wait3A = arith.constant 20736 : i32
      %dma_wait3A_284 = tpu.memref_slice %arg9[%dma_wait3A] : memref<41472xi32, #tpu.memory_space<vmem>> -> memref<10368xi32, #tpu.memory_space<vmem>>
      %dma_wait3A_285 = arith.constant 0 : i32
      %dma_wait3A_286 = tpu.memref_slice %arg4[%add3A, %run_scoped3A_270, %dma_wait3A_285] : memref<32x4x10368xi32, #tpu.memory_space<hbm>> -> memref<1x1x10368xi32, #tpu.memory_space<hbm>>
      %dma_wait3A_287 = tpu.memref_squeeze %dma_wait3A_286 : memref<1x1x10368xi32, #tpu.memory_space<hbm>> -> memref<10368xi32, #tpu.memory_space<hbm>>
      %dma_wait3A_288 = arith.constant 0 : i32
      %dma_wait3A_289 = tpu.memref_slice %arg4[%add3A, %run_scoped3A_270, %dma_wait3A_288] : memref<32x4x10368xi32, #tpu.memory_space<hbm>> -> memref<1x1x10368xi32, #tpu.memory_space<hbm>>
      %dma_wait3A_290 = tpu.memref_squeeze %dma_wait3A_289 : memref<1x1x10368xi32, #tpu.memory_space<hbm>> -> memref<10368xi32, #tpu.memory_space<hbm>>
      %dma_wait3A_291 = arith.constant 20736 : i32
      %dma_wait3A_292 = tpu.memref_slice %arg9[%dma_wait3A_291] : memref<41472xi32, #tpu.memory_space<vmem>> -> memref<10368xi32, #tpu.memory_space<vmem>>
      tpu.wait_dma2 semaphore(%run_scoped3A_274 : memref<!tpu.dma_semaphore, #tpu.memory_space<semaphore_mem>>) src(%dma_wait3A_292 : memref<10368xi32, #tpu.memory_space<vmem>>) dst(%dma_wait3A_290 : memref<10368xi32, #tpu.memory_space<hbm>>)
      tpu.yield
    }) : () -> ()
    %run_scoped3A_271 = arith.constant 2 : i32
    "tpu.region"() ({
      %run_scoped3A_274 = tpu.sem_alloc : memref<!tpu.dma_semaphore, #tpu.memory_space<semaphore_mem>>
      %dma_start3A = arith.constant 20736 : i32
      %dma_start3A_275 = tpu.memref_slice %arg10[%dma_start3A] : memref<41472xi32, #tpu.memory_space<vmem>> -> memref<10368xi32, #tpu.memory_space<vmem>>
      %dma_start3A_276 = arith.constant 0 : i32
      %dma_start3A_277 = tpu.memref_slice %arg5[%add3A, %run_scoped3A_271, %dma_start3A_276] : memref<32x4x10368xi32, #tpu.memory_space<hbm>> -> memref<1x1x10368xi32, #tpu.memory_space<hbm>>
      %dma_start3A_278 = tpu.memref_squeeze %dma_start3A_277 : memref<1x1x10368xi32, #tpu.memory_space<hbm>> -> memref<10368xi32, #tpu.memory_space<hbm>>
      %dma_start3A_279 = arith.constant 0 : i32
      %dma_start3A_280 = tpu.memref_slice %arg5[%add3A, %run_scoped3A_271, %dma_start3A_279] : memref<32x4x10368xi32, #tpu.memory_space<hbm>> -> memref<1x1x10368xi32, #tpu.memory_space<hbm>>
      %dma_start3A_281 = tpu.memref_squeeze %dma_start3A_280 : memref<1x1x10368xi32, #tpu.memory_space<hbm>> -> memref<10368xi32, #tpu.memory_space<hbm>>
      %dma_start3A_282 = arith.constant 20736 : i32
      %dma_start3A_283 = tpu.memref_slice %arg10[%dma_start3A_282] : memref<41472xi32, #tpu.memory_space<vmem>> -> memref<10368xi32, #tpu.memory_space<vmem>>
      tpu.enqueue_dma source(%dma_start3A_283 : memref<10368xi32, #tpu.memory_space<vmem>>) target(%dma_start3A_281 : memref<10368xi32, #tpu.memory_space<hbm>>) target_semaphore(%run_scoped3A_274 : memref<!tpu.dma_semaphore, #tpu.memory_space<semaphore_mem>>)
      %dma_wait3A = arith.constant 20736 : i32
      %dma_wait3A_284 = tpu.memref_slice %arg10[%dma_wait3A] : memref<41472xi32, #tpu.memory_space<vmem>> -> memref<10368xi32, #tpu.memory_space<vmem>>
      %dma_wait3A_285 = arith.constant 0 : i32
      %dma_wait3A_286 = tpu.memref_slice %arg5[%add3A, %run_scoped3A_271, %dma_wait3A_285] : memref<32x4x10368xi32, #tpu.memory_space<hbm>> -> memref<1x1x10368xi32, #tpu.memory_space<hbm>>
      %dma_wait3A_287 = tpu.memref_squeeze %dma_wait3A_286 : memref<1x1x10368xi32, #tpu.memory_space<hbm>> -> memref<10368xi32, #tpu.memory_space<hbm>>
      %dma_wait3A_288 = arith.constant 0 : i32
      %dma_wait3A_289 = tpu.memref_slice %arg5[%add3A, %run_scoped3A_271, %dma_wait3A_288] : memref<32x4x10368xi32, #tpu.memory_space<hbm>> -> memref<1x1x10368xi32, #tpu.memory_space<hbm>>
      %dma_wait3A_290 = tpu.memref_squeeze %dma_wait3A_289 : memref<1x1x10368xi32, #tpu.memory_space<hbm>> -> memref<10368xi32, #tpu.memory_space<hbm>>
      %dma_wait3A_291 = arith.constant 20736 : i32
      %dma_wait3A_292 = tpu.memref_slice %arg10[%dma_wait3A_291] : memref<41472xi32, #tpu.memory_space<vmem>> -> memref<10368xi32, #tpu.memory_space<vmem>>
      tpu.wait_dma2 semaphore(%run_scoped3A_274 : memref<!tpu.dma_semaphore, #tpu.memory_space<semaphore_mem>>) src(%dma_wait3A_292 : memref<10368xi32, #tpu.memory_space<vmem>>) dst(%dma_wait3A_290 : memref<10368xi32, #tpu.memory_space<hbm>>)
      tpu.yield
    }) : () -> ()
    %run_scoped3A_272 = arith.constant 3 : i32
    "tpu.region"() ({
      %run_scoped3A_274 = tpu.sem_alloc : memref<!tpu.dma_semaphore, #tpu.memory_space<semaphore_mem>>
      %dma_start3A = arith.constant 31104 : i32
      %dma_start3A_275 = tpu.memref_slice %arg9[%dma_start3A] : memref<41472xi32, #tpu.memory_space<vmem>> -> memref<10368xi32, #tpu.memory_space<vmem>>
      %dma_start3A_276 = arith.constant 0 : i32
      %dma_start3A_277 = tpu.memref_slice %arg4[%add3A, %run_scoped3A_272, %dma_start3A_276] : memref<32x4x10368xi32, #tpu.memory_space<hbm>> -> memref<1x1x10368xi32, #tpu.memory_space<hbm>>
      %dma_start3A_278 = tpu.memref_squeeze %dma_start3A_277 : memref<1x1x10368xi32, #tpu.memory_space<hbm>> -> memref<10368xi32, #tpu.memory_space<hbm>>
      %dma_start3A_279 = arith.constant 0 : i32
      %dma_start3A_280 = tpu.memref_slice %arg4[%add3A, %run_scoped3A_272, %dma_start3A_279] : memref<32x4x10368xi32, #tpu.memory_space<hbm>> -> memref<1x1x10368xi32, #tpu.memory_space<hbm>>
      %dma_start3A_281 = tpu.memref_squeeze %dma_start3A_280 : memref<1x1x10368xi32, #tpu.memory_space<hbm>> -> memref<10368xi32, #tpu.memory_space<hbm>>
      %dma_start3A_282 = arith.constant 31104 : i32
      %dma_start3A_283 = tpu.memref_slice %arg9[%dma_start3A_282] : memref<41472xi32, #tpu.memory_space<vmem>> -> memref<10368xi32, #tpu.memory_space<vmem>>
      tpu.enqueue_dma source(%dma_start3A_283 : memref<10368xi32, #tpu.memory_space<vmem>>) target(%dma_start3A_281 : memref<10368xi32, #tpu.memory_space<hbm>>) target_semaphore(%run_scoped3A_274 : memref<!tpu.dma_semaphore, #tpu.memory_space<semaphore_mem>>)
      %dma_wait3A = arith.constant 31104 : i32
      %dma_wait3A_284 = tpu.memref_slice %arg9[%dma_wait3A] : memref<41472xi32, #tpu.memory_space<vmem>> -> memref<10368xi32, #tpu.memory_space<vmem>>
      %dma_wait3A_285 = arith.constant 0 : i32
      %dma_wait3A_286 = tpu.memref_slice %arg4[%add3A, %run_scoped3A_272, %dma_wait3A_285] : memref<32x4x10368xi32, #tpu.memory_space<hbm>> -> memref<1x1x10368xi32, #tpu.memory_space<hbm>>
      %dma_wait3A_287 = tpu.memref_squeeze %dma_wait3A_286 : memref<1x1x10368xi32, #tpu.memory_space<hbm>> -> memref<10368xi32, #tpu.memory_space<hbm>>
      %dma_wait3A_288 = arith.constant 0 : i32
      %dma_wait3A_289 = tpu.memref_slice %arg4[%add3A, %run_scoped3A_272, %dma_wait3A_288] : memref<32x4x10368xi32, #tpu.memory_space<hbm>> -> memref<1x1x10368xi32, #tpu.memory_space<hbm>>
      %dma_wait3A_290 = tpu.memref_squeeze %dma_wait3A_289 : memref<1x1x10368xi32, #tpu.memory_space<hbm>> -> memref<10368xi32, #tpu.memory_space<hbm>>
      %dma_wait3A_291 = arith.constant 31104 : i32
      %dma_wait3A_292 = tpu.memref_slice %arg9[%dma_wait3A_291] : memref<41472xi32, #tpu.memory_space<vmem>> -> memref<10368xi32, #tpu.memory_space<vmem>>
      tpu.wait_dma2 semaphore(%run_scoped3A_274 : memref<!tpu.dma_semaphore, #tpu.memory_space<semaphore_mem>>) src(%dma_wait3A_292 : memref<10368xi32, #tpu.memory_space<vmem>>) dst(%dma_wait3A_290 : memref<10368xi32, #tpu.memory_space<hbm>>)
      tpu.yield
    }) : () -> ()
    %run_scoped3A_273 = arith.constant 3 : i32
    "tpu.region"() ({
      %run_scoped3A_274 = tpu.sem_alloc : memref<!tpu.dma_semaphore, #tpu.memory_space<semaphore_mem>>
      %dma_start3A = arith.constant 31104 : i32
      %dma_start3A_275 = tpu.memref_slice %arg10[%dma_start3A] : memref<41472xi32, #tpu.memory_space<vmem>> -> memref<10368xi32, #tpu.memory_space<vmem>>
      %dma_start3A_276 = arith.constant 0 : i32
      %dma_start3A_277 = tpu.memref_slice %arg5[%add3A, %run_scoped3A_273, %dma_start3A_276] : memref<32x4x10368xi32, #tpu.memory_space<hbm>> -> memref<1x1x10368xi32, #tpu.memory_space<hbm>>
      %dma_start3A_278 = tpu.memref_squeeze %dma_start3A_277 : memref<1x1x10368xi32, #tpu.memory_space<hbm>> -> memref<10368xi32, #tpu.memory_space<hbm>>
      %dma_start3A_279 = arith.constant 0 : i32
      %dma_start3A_280 = tpu.memref_slice %arg5[%add3A, %run_scoped3A_273, %dma_start3A_279] : memref<32x4x10368xi32, #tpu.memory_space<hbm>> -> memref<1x1x10368xi32, #tpu.memory_space<hbm>>
      %dma_start3A_281 = tpu.memref_squeeze %dma_start3A_280 : memref<1x1x10368xi32, #tpu.memory_space<hbm>> -> memref<10368xi32, #tpu.memory_space<hbm>>
      %dma_start3A_282 = arith.constant 31104 : i32
      %dma_start3A_283 = tpu.memref_slice %arg10[%dma_start3A_282] : memref<41472xi32, #tpu.memory_space<vmem>> -> memref<10368xi32, #tpu.memory_space<vmem>>
      tpu.enqueue_dma source(%dma_start3A_283 : memref<10368xi32, #tpu.memory_space<vmem>>) target(%dma_start3A_281 : memref<10368xi32, #tpu.memory_space<hbm>>) target_semaphore(%run_scoped3A_274 : memref<!tpu.dma_semaphore, #tpu.memory_space<semaphore_mem>>)
      %dma_wait3A = arith.constant 31104 : i32
      %dma_wait3A_284 = tpu.memref_slice %arg10[%dma_wait3A] : memref<41472xi32, #tpu.memory_space<vmem>> -> memref<10368xi32, #tpu.memory_space<vmem>>
      %dma_wait3A_285 = arith.constant 0 : i32
      %dma_wait3A_286 = tpu.memref_slice %arg5[%add3A, %run_scoped3A_273, %dma_wait3A_285] : memref<32x4x10368xi32, #tpu.memory_space<hbm>> -> memref<1x1x10368xi32, #tpu.memory_space<hbm>>
      %dma_wait3A_287 = tpu.memref_squeeze %dma_wait3A_286 : memref<1x1x10368xi32, #tpu.memory_space<hbm>> -> memref<10368xi32, #tpu.memory_space<hbm>>
      %dma_wait3A_288 = arith.constant 0 : i32
      %dma_wait3A_289 = tpu.memref_slice %arg5[%add3A, %run_scoped3A_273, %dma_wait3A_288] : memref<32x4x10368xi32, #tpu.memory_space<hbm>> -> memref<1x1x10368xi32, #tpu.memory_space<hbm>>
      %dma_wait3A_290 = tpu.memref_squeeze %dma_wait3A_289 : memref<1x1x10368xi32, #tpu.memory_space<hbm>> -> memref<10368xi32, #tpu.memory_space<hbm>>
      %dma_wait3A_291 = arith.constant 31104 : i32
      %dma_wait3A_292 = tpu.memref_slice %arg10[%dma_wait3A_291] : memref<41472xi32, #tpu.memory_space<vmem>> -> memref<10368xi32, #tpu.memory_space<vmem>>
      tpu.wait_dma2 semaphore(%run_scoped3A_274 : memref<!tpu.dma_semaphore, #tpu.memory_space<semaphore_mem>>) src(%dma_wait3A_292 : memref<10368xi32, #tpu.memory_space<vmem>>) dst(%dma_wait3A_290 : memref<10368xi32, #tpu.memory_space<hbm>>)
      tpu.yield
    }) : () -> ()
    "tpu.region"() ({
      %run_scoped3A_274 = tpu.sem_alloc : memref<!tpu.dma_semaphore, #tpu.memory_space<semaphore_mem>>
      %dma_start3A = arith.constant 0 : i32
      %dma_start3A_275 = tpu.memref_slice %arg6[%add3A, %dma_start3A] : memref<32x16xf32, #tpu.memory_space<hbm>> -> memref<1x16xf32, #tpu.memory_space<hbm>>
      %dma_start3A_276 = tpu.memref_squeeze %dma_start3A_275 : memref<1x16xf32, #tpu.memory_space<hbm>> -> memref<16xf32, #tpu.memory_space<hbm>>
      %dma_start3A_277 = arith.constant 0 : i32
      %dma_start3A_278 = tpu.memref_slice %arg6[%add3A, %dma_start3A_277] : memref<32x16xf32, #tpu.memory_space<hbm>> -> memref<1x16xf32, #tpu.memory_space<hbm>>
      %dma_start3A_279 = tpu.memref_squeeze %dma_start3A_278 : memref<1x16xf32, #tpu.memory_space<hbm>> -> memref<16xf32, #tpu.memory_space<hbm>>
      tpu.enqueue_dma source(%arg12 : memref<16xf32, #tpu.memory_space<vmem>>) target(%dma_start3A_279 : memref<16xf32, #tpu.memory_space<hbm>>) target_semaphore(%run_scoped3A_274 : memref<!tpu.dma_semaphore, #tpu.memory_space<semaphore_mem>>)
      %dma_wait3A = arith.constant 0 : i32
      %dma_wait3A_280 = tpu.memref_slice %arg6[%add3A, %dma_wait3A] : memref<32x16xf32, #tpu.memory_space<hbm>> -> memref<1x16xf32, #tpu.memory_space<hbm>>
      %dma_wait3A_281 = tpu.memref_squeeze %dma_wait3A_280 : memref<1x16xf32, #tpu.memory_space<hbm>> -> memref<16xf32, #tpu.memory_space<hbm>>
      %dma_wait3A_282 = arith.constant 0 : i32
      %dma_wait3A_283 = tpu.memref_slice %arg6[%add3A, %dma_wait3A_282] : memref<32x16xf32, #tpu.memory_space<hbm>> -> memref<1x16xf32, #tpu.memory_space<hbm>>
      %dma_wait3A_284 = tpu.memref_squeeze %dma_wait3A_283 : memref<1x16xf32, #tpu.memory_space<hbm>> -> memref<16xf32, #tpu.memory_space<hbm>>
      tpu.wait_dma2 semaphore(%run_scoped3A_274 : memref<!tpu.dma_semaphore, #tpu.memory_space<semaphore_mem>>) src(%arg12 : memref<16xf32, #tpu.memory_space<vmem>>) dst(%dma_wait3A_284 : memref<16xf32, #tpu.memory_space<hbm>>)
      tpu.yield
    }) : () -> ()
    return
  }
}

#map = affine_map<(d0, d1) -> (0, 0, 0, 0)>
#map1 = affine_map<(d0, d1) -> (0, 0)>
#map2 = affine_map<(d0, d1) -> (0, 0, 0)>
module attributes {stable_mosaic.version = 14 : i64} {
  func.func @_scatter_body(%arg0: i32, %arg1: i32, %arg2: memref<32x4x81x128xi32, #tpu.memory_space<hbm>>, %arg3: memref<32x4x81x128xi32, #tpu.memory_space<hbm>>, %arg4: memref<32x16xf32, #tpu.memory_space<hbm>>, %arg5: memref<10000x128xf32, #tpu.memory_space<hbm>>, %arg6: memref<4x2560x128xf32, #tpu.memory_space<hbm>>, %arg7: memref<81x128xi32, #tpu.memory_space<vmem>>, %arg8: memref<81x128xi32, #tpu.memory_space<vmem>>, %arg9: memref<128x128xf32, #tpu.memory_space<vmem>>, %arg10: memref<128x128xf32, #tpu.memory_space<vmem>>, %arg11: memref<128x128xf32, #tpu.memory_space<vmem>>, %arg12: memref<128x128xf32, #tpu.memory_space<vmem>>, %arg13: memref<32x128xf32, #tpu.memory_space<vmem>>, %arg14: memref<16xf32, #tpu.memory_space<vmem>>, %arg15: memref<2560x128xf32, #tpu.memory_space<vmem_shared>>, %arg16: memref<!tpu.dma_semaphore, #tpu.memory_space<semaphore_mem>>, %arg17: memref<!tpu.dma_semaphore, #tpu.memory_space<semaphore_mem>>, %arg18: memref<!tpu.dma_semaphore, #tpu.memory_space<semaphore_mem>>, %arg19: memref<!tpu.dma_semaphore, #tpu.memory_space<semaphore_mem>>) attributes {dimension_semantics = [#tpu.dimension_semantics<core_parallel>, #tpu.dimension_semantics<subcore_parallel>], iteration_bounds = array<i64: 2, 16>, scalar_prefetch = 0 : i64, scratch_operands = 13 : i64, tpu.core_type = #tpu.core_type<sc_vector_subcore>, window_params = [{transform_indices = #map}, {transform_indices = #map}, {transform_indices = #map1}, {transform_indices = #map1}, {transform_indices = #map2}]} {
    %mul3A = arith.constant 160 : i32
    %mul3A_0 = arith.muli %arg1, %mul3A : i32
    %scan3A = arith.constant 0 : i32
    %scan3A_1 = arith.constant 0 : i32
    %scan3A_2 = arith.constant 256 : i32
    %scan3A_3 = arith.addi %scan3A_1, %scan3A_2 : i32
    %scan3A_4 = arith.constant 1 : i32
    scf.for %scan3A_446 = %scan3A_1 to %scan3A_3 step %scan3A_4  : i32 {
      %broadcast_in_dim3A_447 = arith.constant 0.000000e+00 : f32
      %broadcast_in_dim3A_448 = vector.broadcast %broadcast_in_dim3A_447 : f32 to vector<16xf32>
      %jit3A_449 = arith.constant 8 : i32
      %div3A_450 = arith.divsi %scan3A_446, %jit3A_449 : i32
      %sign3A_451 = arith.constant 0 : i32
      %sign3A_452 = arith.cmpi sgt, %scan3A_446, %sign3A_451 : i32
      %sign3A_453 = arith.extui %sign3A_452 : i1 to i32
      %sign3A_454 = arith.constant 0 : i32
      %sign3A_455 = arith.cmpi slt, %scan3A_446, %sign3A_454 : i32
      %sign3A_456 = arith.extui %sign3A_455 : i1 to i32
      %sign3A_457 = arith.subi %sign3A_453, %sign3A_456 : i32
      %sign3A_458 = arith.constant 0 : i32
      %sign3A_459 = arith.cmpi sgt, %jit3A_449, %sign3A_458 : i32
      %sign3A_460 = arith.extui %sign3A_459 : i1 to i32
      %sign3A_461 = arith.constant 0 : i32
      %sign3A_462 = arith.cmpi slt, %jit3A_449, %sign3A_461 : i32
      %sign3A_463 = arith.extui %sign3A_462 : i1 to i32
      %sign3A_464 = arith.subi %sign3A_460, %sign3A_463 : i32
      %ne3A_465 = arith.cmpi ne, %sign3A_457, %sign3A_464 : i32
      %rem3A_466 = arith.remsi %scan3A_446, %jit3A_449 : i32
      %ne3A_467 = arith.constant 0 : i32
      %ne3A_468 = arith.cmpi ne, %rem3A_466, %ne3A_467 : i32
      %and3A_469 = arith.andi %ne3A_465, %ne3A_468 : i1
      %sub3A_470 = arith.constant 1 : i32
      %sub3A_471 = arith.subi %div3A_450, %sub3A_470 : i32
      %select_n3A_472 = arith.select %and3A_469, %sub3A_471, %div3A_450 : i32
      %jit3A_473 = arith.constant 8 : i32
      %eq3A_474 = arith.constant 0 : i32
      %eq3A_475 = arith.cmpi eq, %jit3A_473, %eq3A_474 : i32
      %jit3A_476 = arith.constant 1 : i32
      %select_n3A_477 = arith.select %eq3A_475, %jit3A_476, %jit3A_473 : i32
      %rem3A_478 = arith.remsi %scan3A_446, %select_n3A_477 : i32
      %ne3A_479 = arith.constant 0 : i32
      %ne3A_480 = arith.cmpi ne, %rem3A_478, %ne3A_479 : i32
      %lt3A = arith.constant 0 : i32
      %lt3A_481 = arith.cmpi slt, %rem3A_478, %lt3A : i32
      %lt3A_482 = arith.constant 0 : i32
      %lt3A_483 = arith.cmpi slt, %select_n3A_477, %lt3A_482 : i32
      %ne3A_484 = arith.xori %lt3A_481, %lt3A_483 : i1
      %and3A_485 = arith.andi %ne3A_484, %ne3A_480 : i1
      %add3A_486 = arith.addi %rem3A_478, %select_n3A_477 : i32
      %select_n3A_487 = arith.select %and3A_485, %add3A_486, %rem3A_478 : i32
      %mul3A_488 = arith.constant 16 : i32
      %mul3A_489 = arith.muli %select_n3A_487, %mul3A_488 : i32
      %swap3A = arith.index_cast %select_n3A_472 : i32 to index
      %swap3A_490 = arith.index_cast %mul3A_489 : i32 to index
      %swap3A_491 = tpu.vector_load %arg13[%swap3A, %swap3A_490] {strides = array<i32>} : memref<32x128xf32, #tpu.memory_space<vmem>>, vector<16xf32>,
      tpu.vector_store %arg13[%swap3A, %swap3A_490], %broadcast_in_dim3A_448 {strides = array<i32>} : memref<32x128xf32, #tpu.memory_space<vmem>>, vector<16xf32>,
    }
    %scan3A_5 = arith.constant 256 : i32
    %mul3A_6 = arith.constant 2 : i32
    %mul3A_7 = arith.muli %arg0, %mul3A_6 : i32
    %add3A = arith.constant 0 : i32
    %add3A_8 = arith.addi %mul3A_7, %add3A : i32
    %add3A_9 = arith.constant 0 : i32
    %add3A_10 = arith.addi %mul3A_0, %add3A_9 : i32
    "tpu.region"() ({
      %run_scoped3A = tpu.sem_alloc : memref<!tpu.dma_semaphore, #tpu.memory_space<semaphore_mem>>
      %dma_start3A = arith.constant 0 : i32
      %dma_start3A_446 = tpu.memref_slice %arg15[%add3A_10, %dma_start3A] : memref<2560x128xf32, #tpu.memory_space<vmem_shared>> -> memref<32x128xf32, #tpu.memory_space<vmem_shared>>
      %dma_start3A_447 = arith.constant 0 : i32
      %dma_start3A_448 = tpu.memref_slice %arg15[%add3A_10, %dma_start3A_447] : memref<2560x128xf32, #tpu.memory_space<vmem_shared>> -> memref<32x128xf32, #tpu.memory_space<vmem_shared>>
      tpu.enqueue_dma source(%arg13 : memref<32x128xf32, #tpu.memory_space<vmem>>) target(%dma_start3A_448 : memref<32x128xf32, #tpu.memory_space<vmem_shared>>) target_semaphore(%run_scoped3A : memref<!tpu.dma_semaphore, #tpu.memory_space<semaphore_mem>>)
      %dma_wait3A = arith.constant 0 : i32
      %dma_wait3A_449 = tpu.memref_slice %arg15[%add3A_10, %dma_wait3A] : memref<2560x128xf32, #tpu.memory_space<vmem_shared>> -> memref<32x128xf32, #tpu.memory_space<vmem_shared>>
      %dma_wait3A_450 = arith.constant 0 : i32
      %dma_wait3A_451 = tpu.memref_slice %arg15[%add3A_10, %dma_wait3A_450] : memref<2560x128xf32, #tpu.memory_space<vmem_shared>> -> memref<32x128xf32, #tpu.memory_space<vmem_shared>>
      tpu.wait_dma2 semaphore(%run_scoped3A : memref<!tpu.dma_semaphore, #tpu.memory_space<semaphore_mem>>) src(%arg13 : memref<32x128xf32, #tpu.memory_space<vmem>>) dst(%dma_wait3A_451 : memref<32x128xf32, #tpu.memory_space<vmem_shared>>)
      tpu.yield
    }) : () -> ()
    %add3A_11 = arith.constant 32 : i32
    %add3A_12 = arith.addi %mul3A_0, %add3A_11 : i32
    "tpu.region"() ({
      %run_scoped3A = tpu.sem_alloc : memref<!tpu.dma_semaphore, #tpu.memory_space<semaphore_mem>>
      %dma_start3A = arith.constant 0 : i32
      %dma_start3A_446 = tpu.memref_slice %arg15[%add3A_12, %dma_start3A] : memref<2560x128xf32, #tpu.memory_space<vmem_shared>> -> memref<32x128xf32, #tpu.memory_space<vmem_shared>>
      %dma_start3A_447 = arith.constant 0 : i32
      %dma_start3A_448 = tpu.memref_slice %arg15[%add3A_12, %dma_start3A_447] : memref<2560x128xf32, #tpu.memory_space<vmem_shared>> -> memref<32x128xf32, #tpu.memory_space<vmem_shared>>
      tpu.enqueue_dma source(%arg13 : memref<32x128xf32, #tpu.memory_space<vmem>>) target(%dma_start3A_448 : memref<32x128xf32, #tpu.memory_space<vmem_shared>>) target_semaphore(%run_scoped3A : memref<!tpu.dma_semaphore, #tpu.memory_space<semaphore_mem>>)
      %dma_wait3A = arith.constant 0 : i32
      %dma_wait3A_449 = tpu.memref_slice %arg15[%add3A_12, %dma_wait3A] : memref<2560x128xf32, #tpu.memory_space<vmem_shared>> -> memref<32x128xf32, #tpu.memory_space<vmem_shared>>
      %dma_wait3A_450 = arith.constant 0 : i32
      %dma_wait3A_451 = tpu.memref_slice %arg15[%add3A_12, %dma_wait3A_450] : memref<2560x128xf32, #tpu.memory_space<vmem_shared>> -> memref<32x128xf32, #tpu.memory_space<vmem_shared>>
      tpu.wait_dma2 semaphore(%run_scoped3A : memref<!tpu.dma_semaphore, #tpu.memory_space<semaphore_mem>>) src(%arg13 : memref<32x128xf32, #tpu.memory_space<vmem>>) dst(%dma_wait3A_451 : memref<32x128xf32, #tpu.memory_space<vmem_shared>>)
      tpu.yield
    }) : () -> ()
    %add3A_13 = arith.constant 64 : i32
    %add3A_14 = arith.addi %mul3A_0, %add3A_13 : i32
    "tpu.region"() ({
      %run_scoped3A = tpu.sem_alloc : memref<!tpu.dma_semaphore, #tpu.memory_space<semaphore_mem>>
      %dma_start3A = arith.constant 0 : i32
      %dma_start3A_446 = tpu.memref_slice %arg15[%add3A_14, %dma_start3A] : memref<2560x128xf32, #tpu.memory_space<vmem_shared>> -> memref<32x128xf32, #tpu.memory_space<vmem_shared>>
      %dma_start3A_447 = arith.constant 0 : i32
      %dma_start3A_448 = tpu.memref_slice %arg15[%add3A_14, %dma_start3A_447] : memref<2560x128xf32, #tpu.memory_space<vmem_shared>> -> memref<32x128xf32, #tpu.memory_space<vmem_shared>>
      tpu.enqueue_dma source(%arg13 : memref<32x128xf32, #tpu.memory_space<vmem>>) target(%dma_start3A_448 : memref<32x128xf32, #tpu.memory_space<vmem_shared>>) target_semaphore(%run_scoped3A : memref<!tpu.dma_semaphore, #tpu.memory_space<semaphore_mem>>)
      %dma_wait3A = arith.constant 0 : i32
      %dma_wait3A_449 = tpu.memref_slice %arg15[%add3A_14, %dma_wait3A] : memref<2560x128xf32, #tpu.memory_space<vmem_shared>> -> memref<32x128xf32, #tpu.memory_space<vmem_shared>>
      %dma_wait3A_450 = arith.constant 0 : i32
      %dma_wait3A_451 = tpu.memref_slice %arg15[%add3A_14, %dma_wait3A_450] : memref<2560x128xf32, #tpu.memory_space<vmem_shared>> -> memref<32x128xf32, #tpu.memory_space<vmem_shared>>
      tpu.wait_dma2 semaphore(%run_scoped3A : memref<!tpu.dma_semaphore, #tpu.memory_space<semaphore_mem>>) src(%arg13 : memref<32x128xf32, #tpu.memory_space<vmem>>) dst(%dma_wait3A_451 : memref<32x128xf32, #tpu.memory_space<vmem_shared>>)
      tpu.yield
    }) : () -> ()
    %add3A_15 = arith.constant 96 : i32
    %add3A_16 = arith.addi %mul3A_0, %add3A_15 : i32
    "tpu.region"() ({
      %run_scoped3A = tpu.sem_alloc : memref<!tpu.dma_semaphore, #tpu.memory_space<semaphore_mem>>
      %dma_start3A = arith.constant 0 : i32
      %dma_start3A_446 = tpu.memref_slice %arg15[%add3A_16, %dma_start3A] : memref<2560x128xf32, #tpu.memory_space<vmem_shared>> -> memref<32x128xf32, #tpu.memory_space<vmem_shared>>
      %dma_start3A_447 = arith.constant 0 : i32
      %dma_start3A_448 = tpu.memref_slice %arg15[%add3A_16, %dma_start3A_447] : memref<2560x128xf32, #tpu.memory_space<vmem_shared>> -> memref<32x128xf32, #tpu.memory_space<vmem_shared>>
      tpu.enqueue_dma source(%arg13 : memref<32x128xf32, #tpu.memory_space<vmem>>) target(%dma_start3A_448 : memref<32x128xf32, #tpu.memory_space<vmem_shared>>) target_semaphore(%run_scoped3A : memref<!tpu.dma_semaphore, #tpu.memory_space<semaphore_mem>>)
      %dma_wait3A = arith.constant 0 : i32
      %dma_wait3A_449 = tpu.memref_slice %arg15[%add3A_16, %dma_wait3A] : memref<2560x128xf32, #tpu.memory_space<vmem_shared>> -> memref<32x128xf32, #tpu.memory_space<vmem_shared>>
      %dma_wait3A_450 = arith.constant 0 : i32
      %dma_wait3A_451 = tpu.memref_slice %arg15[%add3A_16, %dma_wait3A_450] : memref<2560x128xf32, #tpu.memory_space<vmem_shared>> -> memref<32x128xf32, #tpu.memory_space<vmem_shared>>
      tpu.wait_dma2 semaphore(%run_scoped3A : memref<!tpu.dma_semaphore, #tpu.memory_space<semaphore_mem>>) src(%arg13 : memref<32x128xf32, #tpu.memory_space<vmem>>) dst(%dma_wait3A_451 : memref<32x128xf32, #tpu.memory_space<vmem_shared>>)
      tpu.yield
    }) : () -> ()
    %add3A_17 = arith.constant 128 : i32
    %add3A_18 = arith.addi %mul3A_0, %add3A_17 : i32
    "tpu.region"() ({
      %run_scoped3A = tpu.sem_alloc : memref<!tpu.dma_semaphore, #tpu.memory_space<semaphore_mem>>
      %dma_start3A = arith.constant 0 : i32
      %dma_start3A_446 = tpu.memref_slice %arg15[%add3A_18, %dma_start3A] : memref<2560x128xf32, #tpu.memory_space<vmem_shared>> -> memref<32x128xf32, #tpu.memory_space<vmem_shared>>
      %dma_start3A_447 = arith.constant 0 : i32
      %dma_start3A_448 = tpu.memref_slice %arg15[%add3A_18, %dma_start3A_447] : memref<2560x128xf32, #tpu.memory_space<vmem_shared>> -> memref<32x128xf32, #tpu.memory_space<vmem_shared>>
      tpu.enqueue_dma source(%arg13 : memref<32x128xf32, #tpu.memory_space<vmem>>) target(%dma_start3A_448 : memref<32x128xf32, #tpu.memory_space<vmem_shared>>) target_semaphore(%run_scoped3A : memref<!tpu.dma_semaphore, #tpu.memory_space<semaphore_mem>>)
      %dma_wait3A = arith.constant 0 : i32
      %dma_wait3A_449 = tpu.memref_slice %arg15[%add3A_18, %dma_wait3A] : memref<2560x128xf32, #tpu.memory_space<vmem_shared>> -> memref<32x128xf32, #tpu.memory_space<vmem_shared>>
      %dma_wait3A_450 = arith.constant 0 : i32
      %dma_wait3A_451 = tpu.memref_slice %arg15[%add3A_18, %dma_wait3A_450] : memref<2560x128xf32, #tpu.memory_space<vmem_shared>> -> memref<32x128xf32, #tpu.memory_space<vmem_shared>>
      tpu.wait_dma2 semaphore(%run_scoped3A : memref<!tpu.dma_semaphore, #tpu.memory_space<semaphore_mem>>) src(%arg13 : memref<32x128xf32, #tpu.memory_space<vmem>>) dst(%dma_wait3A_451 : memref<32x128xf32, #tpu.memory_space<vmem_shared>>)
      tpu.yield
    }) : () -> ()
    %barrier3A = arith.constant 0 : index
    tpu.barrier barrier_id(%barrier3A)
    %mul3A_19 = arith.constant 2 : i32
    %mul3A_20 = arith.muli %arg1, %mul3A_19 : i32
    %add3A_21 = arith.constant 0 : i32
    %add3A_22 = arith.addi %mul3A_20, %add3A_21 : i32
    "tpu.region"() ({
      %run_scoped3A = tpu.sem_alloc : memref<!tpu.dma_semaphore, #tpu.memory_space<semaphore_mem>>
      %dma_start3A = arith.constant 0 : i32
      %dma_start3A_446 = arith.constant 0 : i32
      %dma_start3A_447 = tpu.memref_slice %arg2[%add3A_22, %add3A_8, %dma_start3A, %dma_start3A_446] : memref<32x4x81x128xi32, #tpu.memory_space<hbm>> -> memref<1x1x81x128xi32, #tpu.memory_space<hbm>>
      %dma_start3A_448 = tpu.memref_squeeze %dma_start3A_447 : memref<1x1x81x128xi32, #tpu.memory_space<hbm>> -> memref<81x128xi32, #tpu.memory_space<hbm>>
      %dma_start3A_449 = arith.constant 0 : i32
      %dma_start3A_450 = arith.constant 0 : i32
      %dma_start3A_451 = tpu.memref_slice %arg2[%add3A_22, %add3A_8, %dma_start3A_449, %dma_start3A_450] : memref<32x4x81x128xi32, #tpu.memory_space<hbm>> -> memref<1x1x81x128xi32, #tpu.memory_space<hbm>>
      %dma_start3A_452 = tpu.memref_squeeze %dma_start3A_451 : memref<1x1x81x128xi32, #tpu.memory_space<hbm>> -> memref<81x128xi32, #tpu.memory_space<hbm>>
      tpu.enqueue_dma source(%dma_start3A_452 : memref<81x128xi32, #tpu.memory_space<hbm>>) target(%arg7 : memref<81x128xi32, #tpu.memory_space<vmem>>) target_semaphore(%run_scoped3A : memref<!tpu.dma_semaphore, #tpu.memory_space<semaphore_mem>>)
      %dma_wait3A = arith.constant 0 : i32
      %dma_wait3A_453 = arith.constant 0 : i32
      %dma_wait3A_454 = tpu.memref_slice %arg2[%add3A_22, %add3A_8, %dma_wait3A, %dma_wait3A_453] : memref<32x4x81x128xi32, #tpu.memory_space<hbm>> -> memref<1x1x81x128xi32, #tpu.memory_space<hbm>>
      %dma_wait3A_455 = tpu.memref_squeeze %dma_wait3A_454 : memref<1x1x81x128xi32, #tpu.memory_space<hbm>> -> memref<81x128xi32, #tpu.memory_space<hbm>>
      %dma_wait3A_456 = arith.constant 0 : i32
      %dma_wait3A_457 = arith.constant 0 : i32
      %dma_wait3A_458 = tpu.memref_slice %arg2[%add3A_22, %add3A_8, %dma_wait3A_456, %dma_wait3A_457] : memref<32x4x81x128xi32, #tpu.memory_space<hbm>> -> memref<1x1x81x128xi32, #tpu.memory_space<hbm>>
      %dma_wait3A_459 = tpu.memref_squeeze %dma_wait3A_458 : memref<1x1x81x128xi32, #tpu.memory_space<hbm>> -> memref<81x128xi32, #tpu.memory_space<hbm>>
      tpu.wait_dma2 semaphore(%run_scoped3A : memref<!tpu.dma_semaphore, #tpu.memory_space<semaphore_mem>>) src(%dma_wait3A_459 : memref<81x128xi32, #tpu.memory_space<hbm>>) dst(%arg7 : memref<81x128xi32, #tpu.memory_space<vmem>>)
      tpu.yield
    }) : () -> ()
    "tpu.region"() ({
      %run_scoped3A = tpu.sem_alloc : memref<!tpu.dma_semaphore, #tpu.memory_space<semaphore_mem>>
      %dma_start3A = arith.constant 0 : i32
      %dma_start3A_446 = arith.constant 0 : i32
      %dma_start3A_447 = tpu.memref_slice %arg3[%add3A_22, %add3A_8, %dma_start3A, %dma_start3A_446] : memref<32x4x81x128xi32, #tpu.memory_space<hbm>> -> memref<1x1x81x128xi32, #tpu.memory_space<hbm>>
      %dma_start3A_448 = tpu.memref_squeeze %dma_start3A_447 : memref<1x1x81x128xi32, #tpu.memory_space<hbm>> -> memref<81x128xi32, #tpu.memory_space<hbm>>
      %dma_start3A_449 = arith.constant 0 : i32
      %dma_start3A_450 = arith.constant 0 : i32
      %dma_start3A_451 = tpu.memref_slice %arg3[%add3A_22, %add3A_8, %dma_start3A_449, %dma_start3A_450] : memref<32x4x81x128xi32, #tpu.memory_space<hbm>> -> memref<1x1x81x128xi32, #tpu.memory_space<hbm>>
      %dma_start3A_452 = tpu.memref_squeeze %dma_start3A_451 : memref<1x1x81x128xi32, #tpu.memory_space<hbm>> -> memref<81x128xi32, #tpu.memory_space<hbm>>
      tpu.enqueue_dma source(%dma_start3A_452 : memref<81x128xi32, #tpu.memory_space<hbm>>) target(%arg8 : memref<81x128xi32, #tpu.memory_space<vmem>>) target_semaphore(%run_scoped3A : memref<!tpu.dma_semaphore, #tpu.memory_space<semaphore_mem>>)
      %dma_wait3A = arith.constant 0 : i32
      %dma_wait3A_453 = arith.constant 0 : i32
      %dma_wait3A_454 = tpu.memref_slice %arg3[%add3A_22, %add3A_8, %dma_wait3A, %dma_wait3A_453] : memref<32x4x81x128xi32, #tpu.memory_space<hbm>> -> memref<1x1x81x128xi32, #tpu.memory_space<hbm>>
      %dma_wait3A_455 = tpu.memref_squeeze %dma_wait3A_454 : memref<1x1x81x128xi32, #tpu.memory_space<hbm>> -> memref<81x128xi32, #tpu.memory_space<hbm>>
      %dma_wait3A_456 = arith.constant 0 : i32
      %dma_wait3A_457 = arith.constant 0 : i32
      %dma_wait3A_458 = tpu.memref_slice %arg3[%add3A_22, %add3A_8, %dma_wait3A_456, %dma_wait3A_457] : memref<32x4x81x128xi32, #tpu.memory_space<hbm>> -> memref<1x1x81x128xi32, #tpu.memory_space<hbm>>
      %dma_wait3A_459 = tpu.memref_squeeze %dma_wait3A_458 : memref<1x1x81x128xi32, #tpu.memory_space<hbm>> -> memref<81x128xi32, #tpu.memory_space<hbm>>
      tpu.wait_dma2 semaphore(%run_scoped3A : memref<!tpu.dma_semaphore, #tpu.memory_space<semaphore_mem>>) src(%dma_wait3A_459 : memref<81x128xi32, #tpu.memory_space<hbm>>) dst(%arg8 : memref<81x128xi32, #tpu.memory_space<vmem>>)
      tpu.yield
    }) : () -> ()
    "tpu.region"() ({
      %run_scoped3A = tpu.sem_alloc : memref<!tpu.dma_semaphore, #tpu.memory_space<semaphore_mem>>
      %dma_start3A = arith.constant 0 : i32
      %dma_start3A_446 = tpu.memref_slice %arg4[%add3A_22, %dma_start3A] : memref<32x16xf32, #tpu.memory_space<hbm>> -> memref<1x16xf32, #tpu.memory_space<hbm>>
      %dma_start3A_447 = tpu.memref_squeeze %dma_start3A_446 : memref<1x16xf32, #tpu.memory_space<hbm>> -> memref<16xf32, #tpu.memory_space<hbm>>
      %dma_start3A_448 = arith.constant 0 : i32
      %dma_start3A_449 = tpu.memref_slice %arg4[%add3A_22, %dma_start3A_448] : memref<32x16xf32, #tpu.memory_space<hbm>> -> memref<1x16xf32, #tpu.memory_space<hbm>>
      %dma_start3A_450 = tpu.memref_squeeze %dma_start3A_449 : memref<1x16xf32, #tpu.memory_space<hbm>> -> memref<16xf32, #tpu.memory_space<hbm>>
      tpu.enqueue_dma source(%dma_start3A_450 : memref<16xf32, #tpu.memory_space<hbm>>) target(%arg14 : memref<16xf32, #tpu.memory_space<vmem>>) target_semaphore(%run_scoped3A : memref<!tpu.dma_semaphore, #tpu.memory_space<semaphore_mem>>)
      %dma_wait3A = arith.constant 0 : i32
      %dma_wait3A_451 = tpu.memref_slice %arg4[%add3A_22, %dma_wait3A] : memref<32x16xf32, #tpu.memory_space<hbm>> -> memref<1x16xf32, #tpu.memory_space<hbm>>
      %dma_wait3A_452 = tpu.memref_squeeze %dma_wait3A_451 : memref<1x16xf32, #tpu.memory_space<hbm>> -> memref<16xf32, #tpu.memory_space<hbm>>
      %dma_wait3A_453 = arith.constant 0 : i32
      %dma_wait3A_454 = tpu.memref_slice %arg4[%add3A_22, %dma_wait3A_453] : memref<32x16xf32, #tpu.memory_space<hbm>> -> memref<1x16xf32, #tpu.memory_space<hbm>>
      %dma_wait3A_455 = tpu.memref_squeeze %dma_wait3A_454 : memref<1x16xf32, #tpu.memory_space<hbm>> -> memref<16xf32, #tpu.memory_space<hbm>>
      tpu.wait_dma2 semaphore(%run_scoped3A : memref<!tpu.dma_semaphore, #tpu.memory_space<semaphore_mem>>) src(%dma_wait3A_455 : memref<16xf32, #tpu.memory_space<hbm>>) dst(%arg14 : memref<16xf32, #tpu.memory_space<vmem>>)
      tpu.yield
    }) : () -> ()
    %iota3A = tpu.iota {dimensions = array<i32: 0>} : vector<16xi32>
    %eq3A = vector.broadcast %add3A_8 : i32 to vector<16xi32>
    %eq3A_23 = arith.cmpi eq, %iota3A, %eq3A : vector<16xi32>
    %get3A = arith.constant 0 : index
    %get3A_24 = tpu.vector_load %arg14[%get3A] {strides = array<i32>} : memref<16xf32, #tpu.memory_space<vmem>>, vector<16xf32>,
    %jit3A = arith.constant 0.000000e+00 : f32
    %broadcast_in_dim3A = vector.broadcast %jit3A : f32 to vector<16xf32>
    %select_n3A = arith.select %eq3A_23, %get3A_24, %broadcast_in_dim3A : vector<16xi1>, vector<16xf32>
    %reduce_sum3A = arith.constant true
    %reduce_sum3A_25 = vector.broadcast %reduce_sum3A : i1 to vector<16xi1>
    %reduce_sum3A_26 = tpu.scan <sum>, %select_n3A masked %reduce_sum3A_25 : vector<16xf32>, vector<16xi1> -> vector<16xf32>
    %reduce_sum3A_27 = vector.extract %reduce_sum3A_26[15] : f32 from vector<16xf32>
    %convert_element_type3A = arith.fptosi %reduce_sum3A_27 : f32 to i32
    %add3A_28 = arith.constant 128 : i32
    %add3A_29 = arith.addi %convert_element_type3A, %add3A_28 : i32
    %sub3A = arith.constant 1 : i32
    %sub3A_30 = arith.subi %add3A_29, %sub3A : i32
    %jit3A_31 = arith.constant 128 : i32
    %div3A = arith.divsi %sub3A_30, %jit3A_31 : i32
    %sign3A = arith.constant 0 : i32
    %sign3A_32 = arith.cmpi sgt, %sub3A_30, %sign3A : i32
    %sign3A_33 = arith.extui %sign3A_32 : i1 to i32
    %sign3A_34 = arith.constant 0 : i32
    %sign3A_35 = arith.cmpi slt, %sub3A_30, %sign3A_34 : i32
    %sign3A_36 = arith.extui %sign3A_35 : i1 to i32
    %sign3A_37 = arith.subi %sign3A_33, %sign3A_36 : i32
    %sign3A_38 = arith.constant 0 : i32
    %sign3A_39 = arith.cmpi sgt, %jit3A_31, %sign3A_38 : i32
    %sign3A_40 = arith.extui %sign3A_39 : i1 to i32
    %sign3A_41 = arith.constant 0 : i32
    %sign3A_42 = arith.cmpi slt, %jit3A_31, %sign3A_41 : i32
    %sign3A_43 = arith.extui %sign3A_42 : i1 to i32
    %sign3A_44 = arith.subi %sign3A_40, %sign3A_43 : i32
    %ne3A = arith.cmpi ne, %sign3A_37, %sign3A_44 : i32
    %rem3A = arith.remsi %sub3A_30, %jit3A_31 : i32
    %ne3A_45 = arith.constant 0 : i32
    %ne3A_46 = arith.cmpi ne, %rem3A, %ne3A_45 : i32
    %and3A = arith.andi %ne3A, %ne3A_46 : i1
    %sub3A_47 = arith.constant 1 : i32
    %sub3A_48 = arith.subi %div3A, %sub3A_47 : i32
    %select_n3A_49 = arith.select %and3A, %sub3A_48, %div3A : i32
    %jit3A_50 = arith.constant 0 : i32
    %jit3A_51 = arith.constant 81 : i32
    %max3A = arith.maxsi %jit3A_50, %select_n3A_49 : i32
    %min3A = arith.minsi %jit3A_51, %max3A : i32
    %gt3A = arith.constant 0 : i32
    %gt3A_52 = arith.cmpi sgt, %min3A, %gt3A : i32
    %convert_element_type3A_53 = arith.extui %gt3A_52 : i1 to i32
    %cond3A = arith.constant 0 : i32
    %cond3A_54 = arith.cmpi ne, %convert_element_type3A_53, %cond3A : i32
    scf.if %cond3A_54 {
      %dma_start3A = arith.constant 0 : i32
      %dma_start3A_446 = arith.constant 0 : i32
      %dma_start3A_447 = tpu.memref_slice %arg7[%dma_start3A, %dma_start3A_446] : memref<81x128xi32, #tpu.memory_space<vmem>> -> memref<1x128xi32, #tpu.memory_space<vmem>>
      %dma_start3A_448 = tpu.memref_squeeze %dma_start3A_447 : memref<1x128xi32, #tpu.memory_space<vmem>> -> memref<128xi32, #tpu.memory_space<vmem>>
      %dma_start3A_449 = arith.constant 0 : i32
      %dma_start3A_450 = arith.constant 0 : i32
      %dma_start3A_451 = tpu.memref_slice %arg5[%dma_start3A_449, %dma_start3A_450] : memref<10000x128xf32, #tpu.memory_space<hbm>> -> memref<10000x128xf32, #tpu.memory_space<hbm>>
      %dma_start3A_452 = arith.constant -1 : i32
      tpu.enqueue_indirect_dma source(%dma_start3A_451 : memref<10000x128xf32, #tpu.memory_space<hbm>>) target(%arg9 : memref<128x128xf32, #tpu.memory_space<vmem>>) offsets(%dma_start3A_448 : memref<128xi32, #tpu.memory_space<vmem>>) offset_filter(%dma_start3A_452) semaphore(%arg16 : memref<!tpu.dma_semaphore, #tpu.memory_space<semaphore_mem>>)
    } else {
    }
    %gt3A_55 = arith.constant 1 : i32
    %gt3A_56 = arith.cmpi sgt, %min3A, %gt3A_55 : i32
    %convert_element_type3A_57 = arith.extui %gt3A_56 : i1 to i32
    %cond3A_58 = arith.constant 0 : i32
    %cond3A_59 = arith.cmpi ne, %convert_element_type3A_57, %cond3A_58 : i32
    scf.if %cond3A_59 {
      %dma_start3A = arith.constant 1 : i32
      %dma_start3A_446 = arith.constant 0 : i32
      %dma_start3A_447 = tpu.memref_slice %arg7[%dma_start3A, %dma_start3A_446] : memref<81x128xi32, #tpu.memory_space<vmem>> -> memref<1x128xi32, #tpu.memory_space<vmem>>
      %dma_start3A_448 = tpu.memref_squeeze %dma_start3A_447 : memref<1x128xi32, #tpu.memory_space<vmem>> -> memref<128xi32, #tpu.memory_space<vmem>>
      %dma_start3A_449 = arith.constant 0 : i32
      %dma_start3A_450 = arith.constant 0 : i32
      %dma_start3A_451 = tpu.memref_slice %arg5[%dma_start3A_449, %dma_start3A_450] : memref<10000x128xf32, #tpu.memory_space<hbm>> -> memref<10000x128xf32, #tpu.memory_space<hbm>>
      %dma_start3A_452 = arith.constant -1 : i32
      tpu.enqueue_indirect_dma source(%dma_start3A_451 : memref<10000x128xf32, #tpu.memory_space<hbm>>) target(%arg10 : memref<128x128xf32, #tpu.memory_space<vmem>>) offsets(%dma_start3A_448 : memref<128xi32, #tpu.memory_space<vmem>>) offset_filter(%dma_start3A_452) semaphore(%arg17 : memref<!tpu.dma_semaphore, #tpu.memory_space<semaphore_mem>>)
    } else {
    }
    %gt3A_60 = arith.constant 2 : i32
    %gt3A_61 = arith.cmpi sgt, %min3A, %gt3A_60 : i32
    %convert_element_type3A_62 = arith.extui %gt3A_61 : i1 to i32
    %cond3A_63 = arith.constant 0 : i32
    %cond3A_64 = arith.cmpi ne, %convert_element_type3A_62, %cond3A_63 : i32
    scf.if %cond3A_64 {
      %dma_start3A = arith.constant 2 : i32
      %dma_start3A_446 = arith.constant 0 : i32
      %dma_start3A_447 = tpu.memref_slice %arg7[%dma_start3A, %dma_start3A_446] : memref<81x128xi32, #tpu.memory_space<vmem>> -> memref<1x128xi32, #tpu.memory_space<vmem>>
      %dma_start3A_448 = tpu.memref_squeeze %dma_start3A_447 : memref<1x128xi32, #tpu.memory_space<vmem>> -> memref<128xi32, #tpu.memory_space<vmem>>
      %dma_start3A_449 = arith.constant 0 : i32
      %dma_start3A_450 = arith.constant 0 : i32
      %dma_start3A_451 = tpu.memref_slice %arg5[%dma_start3A_449, %dma_start3A_450] : memref<10000x128xf32, #tpu.memory_space<hbm>> -> memref<10000x128xf32, #tpu.memory_space<hbm>>
      %dma_start3A_452 = arith.constant -1 : i32
      tpu.enqueue_indirect_dma source(%dma_start3A_451 : memref<10000x128xf32, #tpu.memory_space<hbm>>) target(%arg11 : memref<128x128xf32, #tpu.memory_space<vmem>>) offsets(%dma_start3A_448 : memref<128xi32, #tpu.memory_space<vmem>>) offset_filter(%dma_start3A_452) semaphore(%arg18 : memref<!tpu.dma_semaphore, #tpu.memory_space<semaphore_mem>>)
    } else {
    }
    %gt3A_65 = arith.constant 3 : i32
    %gt3A_66 = arith.cmpi sgt, %min3A, %gt3A_65 : i32
    %convert_element_type3A_67 = arith.extui %gt3A_66 : i1 to i32
    %cond3A_68 = arith.constant 0 : i32
    %cond3A_69 = arith.cmpi ne, %convert_element_type3A_67, %cond3A_68 : i32
    scf.if %cond3A_69 {
      %dma_start3A = arith.constant 3 : i32
      %dma_start3A_446 = arith.constant 0 : i32
      %dma_start3A_447 = tpu.memref_slice %arg7[%dma_start3A, %dma_start3A_446] : memref<81x128xi32, #tpu.memory_space<vmem>> -> memref<1x128xi32, #tpu.memory_space<vmem>>
      %dma_start3A_448 = tpu.memref_squeeze %dma_start3A_447 : memref<1x128xi32, #tpu.memory_space<vmem>> -> memref<128xi32, #tpu.memory_space<vmem>>
      %dma_start3A_449 = arith.constant 0 : i32
      %dma_start3A_450 = arith.constant 0 : i32
      %dma_start3A_451 = tpu.memref_slice %arg5[%dma_start3A_449, %dma_start3A_450] : memref<10000x128xf32, #tpu.memory_space<hbm>> -> memref<10000x128xf32, #tpu.memory_space<hbm>>
      %dma_start3A_452 = arith.constant -1 : i32
      tpu.enqueue_indirect_dma source(%dma_start3A_451 : memref<10000x128xf32, #tpu.memory_space<hbm>>) target(%arg12 : memref<128x128xf32, #tpu.memory_space<vmem>>) offsets(%dma_start3A_448 : memref<128xi32, #tpu.memory_space<vmem>>) offset_filter(%dma_start3A_452) semaphore(%arg19 : memref<!tpu.dma_semaphore, #tpu.memory_space<semaphore_mem>>)
    } else {
    }
    %add3A_70 = arith.constant 4 : i32
    %add3A_71 = arith.addi %min3A, %add3A_70 : i32
    %sub3A_72 = arith.constant 1 : i32
    %sub3A_73 = arith.subi %add3A_71, %sub3A_72 : i32
    %jit3A_74 = arith.constant 4 : i32
    %div3A_75 = arith.divsi %sub3A_73, %jit3A_74 : i32
    %sign3A_76 = arith.constant 0 : i32
    %sign3A_77 = arith.cmpi sgt, %sub3A_73, %sign3A_76 : i32
    %sign3A_78 = arith.extui %sign3A_77 : i1 to i32
    %sign3A_79 = arith.constant 0 : i32
    %sign3A_80 = arith.cmpi slt, %sub3A_73, %sign3A_79 : i32
    %sign3A_81 = arith.extui %sign3A_80 : i1 to i32
    %sign3A_82 = arith.subi %sign3A_78, %sign3A_81 : i32
    %sign3A_83 = arith.constant 0 : i32
    %sign3A_84 = arith.cmpi sgt, %jit3A_74, %sign3A_83 : i32
    %sign3A_85 = arith.extui %sign3A_84 : i1 to i32
    %sign3A_86 = arith.constant 0 : i32
    %sign3A_87 = arith.cmpi slt, %jit3A_74, %sign3A_86 : i32
    %sign3A_88 = arith.extui %sign3A_87 : i1 to i32
    %sign3A_89 = arith.subi %sign3A_85, %sign3A_88 : i32
    %ne3A_90 = arith.cmpi ne, %sign3A_82, %sign3A_89 : i32
    %rem3A_91 = arith.remsi %sub3A_73, %jit3A_74 : i32
    %ne3A_92 = arith.constant 0 : i32
    %ne3A_93 = arith.cmpi ne, %rem3A_91, %ne3A_92 : i32
    %and3A_94 = arith.andi %ne3A_90, %ne3A_93 : i1
    %sub3A_95 = arith.constant 1 : i32
    %sub3A_96 = arith.subi %div3A_75, %sub3A_95 : i32
    %select_n3A_97 = arith.select %and3A_94, %sub3A_96, %div3A_75 : i32
    %while3A = arith.constant 0 : i32
    %while3A_98 = arith.constant 0 : i32
    %while3A_99 = arith.subi %select_n3A_97, %while3A_98 : i32
    %while3A_100 = arith.addi %while3A_98, %while3A_99 : i32
    %while3A_101 = arith.constant 1 : i32
    %while3A_102 = arith.divsi %while3A_99, %while3A_101 : i32
    %while3A_103 = arith.muli %while3A_102, %while3A_101 : i32
    %while3A_104 = arith.addi %while3A_98, %while3A_103 : i32
    %while3A_105 = arith.constant 1 : i32
    scf.for %while3A_446 = %while3A_98 to %while3A_104 step %while3A_105  : i32 {
      %mul3A_447 = arith.constant 4 : i32
      %mul3A_448 = arith.muli %while3A_446, %mul3A_447 : i32
      %add3A_449 = arith.constant 0 : i32
      %add3A_450 = arith.addi %mul3A_448, %add3A_449 : i32
      %lt3A = arith.cmpi slt, %add3A_450, %min3A : i32
      %convert_element_type3A_451 = arith.extui %lt3A : i1 to i32
      %cond3A_452 = arith.constant 0 : i32
      %cond3A_453 = arith.cmpi ne, %convert_element_type3A_451, %cond3A_452 : i32
      scf.if %cond3A_453 {
        %dma_wait3A = arith.constant 0 : i32
        %dma_wait3A_478 = tpu.memref_slice %arg7[%add3A_450, %dma_wait3A] : memref<81x128xi32, #tpu.memory_space<vmem>> -> memref<1x128xi32, #tpu.memory_space<vmem>>
        %dma_wait3A_479 = tpu.memref_squeeze %dma_wait3A_478 : memref<1x128xi32, #tpu.memory_space<vmem>> -> memref<128xi32, #tpu.memory_space<vmem>>
        %dma_wait3A_480 = arith.constant 0 : i32
        %dma_wait3A_481 = arith.constant 0 : i32
        %dma_wait3A_482 = tpu.memref_slice %arg5[%dma_wait3A_480, %dma_wait3A_481] : memref<10000x128xf32, #tpu.memory_space<hbm>> -> memref<10000x128xf32, #tpu.memory_space<hbm>>
        tpu.wait_indirect_dma semaphore(%arg16 : memref<!tpu.dma_semaphore, #tpu.memory_space<semaphore_mem>>) src(%dma_wait3A_482 : memref<10000x128xf32, #tpu.memory_space<hbm>>) dst(%arg9 : memref<128x128xf32, #tpu.memory_space<vmem>>)
        "tpu.region"() ({
          %run_scoped3A = tpu.sem_alloc : memref<!tpu.dma_semaphore, #tpu.memory_space<semaphore_mem>>
          %dma_start3A = arith.constant 0 : i32
          %dma_start3A_489 = tpu.memref_slice %arg8[%add3A_450, %dma_start3A] : memref<81x128xi32, #tpu.memory_space<vmem>> -> memref<1x128xi32, #tpu.memory_space<vmem>>
          %dma_start3A_490 = tpu.memref_squeeze %dma_start3A_489 : memref<1x128xi32, #tpu.memory_space<vmem>> -> memref<128xi32, #tpu.memory_space<vmem>>
          %dma_start3A_491 = arith.constant 0 : i32
          %dma_start3A_492 = arith.constant 0 : i32
          %dma_start3A_493 = tpu.memref_slice %arg15[%dma_start3A_491, %dma_start3A_492] : memref<2560x128xf32, #tpu.memory_space<vmem_shared>> -> memref<2560x128xf32, #tpu.memory_space<vmem_shared>>
          %dma_start3A_494 = arith.constant -1 : i32
          tpu.enqueue_indirect_dma source(%arg9 : memref<128x128xf32, #tpu.memory_space<vmem>>) target(%dma_start3A_493 : memref<2560x128xf32, #tpu.memory_space<vmem_shared>>) offsets(%dma_start3A_490 : memref<128xi32, #tpu.memory_space<vmem>>) offset_filter(%dma_start3A_494) semaphore(%run_scoped3A : memref<!tpu.dma_semaphore, #tpu.memory_space<semaphore_mem>>) {add = true}
          %dma_wait3A_495 = arith.constant 0 : i32
          %dma_wait3A_496 = tpu.memref_slice %arg8[%add3A_450, %dma_wait3A_495] : memref<81x128xi32, #tpu.memory_space<vmem>> -> memref<1x128xi32, #tpu.memory_space<vmem>>
          %dma_wait3A_497 = tpu.memref_squeeze %dma_wait3A_496 : memref<1x128xi32, #tpu.memory_space<vmem>> -> memref<128xi32, #tpu.memory_space<vmem>>
          %dma_wait3A_498 = arith.constant 0 : i32
          %dma_wait3A_499 = arith.constant 0 : i32
          %dma_wait3A_500 = tpu.memref_slice %arg15[%dma_wait3A_498, %dma_wait3A_499] : memref<2560x128xf32, #tpu.memory_space<vmem_shared>> -> memref<2560x128xf32, #tpu.memory_space<vmem_shared>>
          tpu.wait_indirect_dma semaphore(%run_scoped3A : memref<!tpu.dma_semaphore, #tpu.memory_space<semaphore_mem>>) src(%arg9 : memref<128x128xf32, #tpu.memory_space<vmem>>) dst(%dma_wait3A_500 : memref<2560x128xf32, #tpu.memory_space<vmem_shared>>)
          tpu.yield
        }) : () -> ()
        %add3A_483 = arith.constant 4 : i32
        %add3A_484 = arith.addi %add3A_450, %add3A_483 : i32
        %lt3A_485 = arith.cmpi slt, %add3A_484, %min3A : i32
        %convert_element_type3A_486 = arith.extui %lt3A_485 : i1 to i32
        %cond3A_487 = arith.constant 0 : i32
        %cond3A_488 = arith.cmpi ne, %convert_element_type3A_486, %cond3A_487 : i32
        scf.if %cond3A_488 {
          %add3A_489 = arith.constant 4 : i32
          %add3A_490 = arith.addi %add3A_450, %add3A_489 : i32
          %dma_start3A = arith.constant 0 : i32
          %dma_start3A_491 = tpu.memref_slice %arg7[%add3A_490, %dma_start3A] : memref<81x128xi32, #tpu.memory_space<vmem>> -> memref<1x128xi32, #tpu.memory_space<vmem>>
          %dma_start3A_492 = tpu.memref_squeeze %dma_start3A_491 : memref<1x128xi32, #tpu.memory_space<vmem>> -> memref<128xi32, #tpu.memory_space<vmem>>
          %dma_start3A_493 = arith.constant 0 : i32
          %dma_start3A_494 = arith.constant 0 : i32
          %dma_start3A_495 = tpu.memref_slice %arg5[%dma_start3A_493, %dma_start3A_494] : memref<10000x128xf32, #tpu.memory_space<hbm>> -> memref<10000x128xf32, #tpu.memory_space<hbm>>
          %dma_start3A_496 = arith.constant -1 : i32
          tpu.enqueue_indirect_dma source(%dma_start3A_495 : memref<10000x128xf32, #tpu.memory_space<hbm>>) target(%arg9 : memref<128x128xf32, #tpu.memory_space<vmem>>) offsets(%dma_start3A_492 : memref<128xi32, #tpu.memory_space<vmem>>) offset_filter(%dma_start3A_496) semaphore(%arg16 : memref<!tpu.dma_semaphore, #tpu.memory_space<semaphore_mem>>)
        } else {
        }
      } else {
      }
      %mul3A_454 = arith.constant 4 : i32
      %mul3A_455 = arith.muli %while3A_446, %mul3A_454 : i32
      %add3A_456 = arith.constant 1 : i32
      %add3A_457 = arith.addi %mul3A_455, %add3A_456 : i32
      %lt3A_458 = arith.cmpi slt, %add3A_457, %min3A : i32
      %convert_element_type3A_459 = arith.extui %lt3A_458 : i1 to i32
      %cond3A_460 = arith.constant 0 : i32
      %cond3A_461 = arith.cmpi ne, %convert_element_type3A_459, %cond3A_460 : i32
      scf.if %cond3A_461 {
        %dma_wait3A = arith.constant 0 : i32
        %dma_wait3A_478 = tpu.memref_slice %arg7[%add3A_457, %dma_wait3A] : memref<81x128xi32, #tpu.memory_space<vmem>> -> memref<1x128xi32, #tpu.memory_space<vmem>>
        %dma_wait3A_479 = tpu.memref_squeeze %dma_wait3A_478 : memref<1x128xi32, #tpu.memory_space<vmem>> -> memref<128xi32, #tpu.memory_space<vmem>>
        %dma_wait3A_480 = arith.constant 0 : i32
        %dma_wait3A_481 = arith.constant 0 : i32
        %dma_wait3A_482 = tpu.memref_slice %arg5[%dma_wait3A_480, %dma_wait3A_481] : memref<10000x128xf32, #tpu.memory_space<hbm>> -> memref<10000x128xf32, #tpu.memory_space<hbm>>
        tpu.wait_indirect_dma semaphore(%arg17 : memref<!tpu.dma_semaphore, #tpu.memory_space<semaphore_mem>>) src(%dma_wait3A_482 : memref<10000x128xf32, #tpu.memory_space<hbm>>) dst(%arg10 : memref<128x128xf32, #tpu.memory_space<vmem>>)
        "tpu.region"() ({
          %run_scoped3A = tpu.sem_alloc : memref<!tpu.dma_semaphore, #tpu.memory_space<semaphore_mem>>
          %dma_start3A = arith.constant 0 : i32
          %dma_start3A_489 = tpu.memref_slice %arg8[%add3A_457, %dma_start3A] : memref<81x128xi32, #tpu.memory_space<vmem>> -> memref<1x128xi32, #tpu.memory_space<vmem>>
          %dma_start3A_490 = tpu.memref_squeeze %dma_start3A_489 : memref<1x128xi32, #tpu.memory_space<vmem>> -> memref<128xi32, #tpu.memory_space<vmem>>
          %dma_start3A_491 = arith.constant 0 : i32
          %dma_start3A_492 = arith.constant 0 : i32
          %dma_start3A_493 = tpu.memref_slice %arg15[%dma_start3A_491, %dma_start3A_492] : memref<2560x128xf32, #tpu.memory_space<vmem_shared>> -> memref<2560x128xf32, #tpu.memory_space<vmem_shared>>
          %dma_start3A_494 = arith.constant -1 : i32
          tpu.enqueue_indirect_dma source(%arg10 : memref<128x128xf32, #tpu.memory_space<vmem>>) target(%dma_start3A_493 : memref<2560x128xf32, #tpu.memory_space<vmem_shared>>) offsets(%dma_start3A_490 : memref<128xi32, #tpu.memory_space<vmem>>) offset_filter(%dma_start3A_494) semaphore(%run_scoped3A : memref<!tpu.dma_semaphore, #tpu.memory_space<semaphore_mem>>) {add = true}
          %dma_wait3A_495 = arith.constant 0 : i32
          %dma_wait3A_496 = tpu.memref_slice %arg8[%add3A_457, %dma_wait3A_495] : memref<81x128xi32, #tpu.memory_space<vmem>> -> memref<1x128xi32, #tpu.memory_space<vmem>>
          %dma_wait3A_497 = tpu.memref_squeeze %dma_wait3A_496 : memref<1x128xi32, #tpu.memory_space<vmem>> -> memref<128xi32, #tpu.memory_space<vmem>>
          %dma_wait3A_498 = arith.constant 0 : i32
          %dma_wait3A_499 = arith.constant 0 : i32
          %dma_wait3A_500 = tpu.memref_slice %arg15[%dma_wait3A_498, %dma_wait3A_499] : memref<2560x128xf32, #tpu.memory_space<vmem_shared>> -> memref<2560x128xf32, #tpu.memory_space<vmem_shared>>
          tpu.wait_indirect_dma semaphore(%run_scoped3A : memref<!tpu.dma_semaphore, #tpu.memory_space<semaphore_mem>>) src(%arg10 : memref<128x128xf32, #tpu.memory_space<vmem>>) dst(%dma_wait3A_500 : memref<2560x128xf32, #tpu.memory_space<vmem_shared>>)
          tpu.yield
        }) : () -> ()
        %add3A_483 = arith.constant 4 : i32
        %add3A_484 = arith.addi %add3A_457, %add3A_483 : i32
        %lt3A_485 = arith.cmpi slt, %add3A_484, %min3A : i32
        %convert_element_type3A_486 = arith.extui %lt3A_485 : i1 to i32
        %cond3A_487 = arith.constant 0 : i32
        %cond3A_488 = arith.cmpi ne, %convert_element_type3A_486, %cond3A_487 : i32
        scf.if %cond3A_488 {
          %add3A_489 = arith.constant 4 : i32
          %add3A_490 = arith.addi %add3A_457, %add3A_489 : i32
          %dma_start3A = arith.constant 0 : i32
          %dma_start3A_491 = tpu.memref_slice %arg7[%add3A_490, %dma_start3A] : memref<81x128xi32, #tpu.memory_space<vmem>> -> memref<1x128xi32, #tpu.memory_space<vmem>>
          %dma_start3A_492 = tpu.memref_squeeze %dma_start3A_491 : memref<1x128xi32, #tpu.memory_space<vmem>> -> memref<128xi32, #tpu.memory_space<vmem>>
          %dma_start3A_493 = arith.constant 0 : i32
          %dma_start3A_494 = arith.constant 0 : i32
          %dma_start3A_495 = tpu.memref_slice %arg5[%dma_start3A_493, %dma_start3A_494] : memref<10000x128xf32, #tpu.memory_space<hbm>> -> memref<10000x128xf32, #tpu.memory_space<hbm>>
          %dma_start3A_496 = arith.constant -1 : i32
          tpu.enqueue_indirect_dma source(%dma_start3A_495 : memref<10000x128xf32, #tpu.memory_space<hbm>>) target(%arg10 : memref<128x128xf32, #tpu.memory_space<vmem>>) offsets(%dma_start3A_492 : memref<128xi32, #tpu.memory_space<vmem>>) offset_filter(%dma_start3A_496) semaphore(%arg17 : memref<!tpu.dma_semaphore, #tpu.memory_space<semaphore_mem>>)
        } else {
        }
      } else {
      }
      %mul3A_462 = arith.constant 4 : i32
      %mul3A_463 = arith.muli %while3A_446, %mul3A_462 : i32
      %add3A_464 = arith.constant 2 : i32
      %add3A_465 = arith.addi %mul3A_463, %add3A_464 : i32
      %lt3A_466 = arith.cmpi slt, %add3A_465, %min3A : i32
      %convert_element_type3A_467 = arith.extui %lt3A_466 : i1 to i32
      %cond3A_468 = arith.constant 0 : i32
      %cond3A_469 = arith.cmpi ne, %convert_element_type3A_467, %cond3A_468 : i32
      scf.if %cond3A_469 {
        %dma_wait3A = arith.constant 0 : i32
        %dma_wait3A_478 = tpu.memref_slice %arg7[%add3A_465, %dma_wait3A] : memref<81x128xi32, #tpu.memory_space<vmem>> -> memref<1x128xi32, #tpu.memory_space<vmem>>
        %dma_wait3A_479 = tpu.memref_squeeze %dma_wait3A_478 : memref<1x128xi32, #tpu.memory_space<vmem>> -> memref<128xi32, #tpu.memory_space<vmem>>
        %dma_wait3A_480 = arith.constant 0 : i32
        %dma_wait3A_481 = arith.constant 0 : i32
        %dma_wait3A_482 = tpu.memref_slice %arg5[%dma_wait3A_480, %dma_wait3A_481] : memref<10000x128xf32, #tpu.memory_space<hbm>> -> memref<10000x128xf32, #tpu.memory_space<hbm>>
        tpu.wait_indirect_dma semaphore(%arg18 : memref<!tpu.dma_semaphore, #tpu.memory_space<semaphore_mem>>) src(%dma_wait3A_482 : memref<10000x128xf32, #tpu.memory_space<hbm>>) dst(%arg11 : memref<128x128xf32, #tpu.memory_space<vmem>>)
        "tpu.region"() ({
          %run_scoped3A = tpu.sem_alloc : memref<!tpu.dma_semaphore, #tpu.memory_space<semaphore_mem>>
          %dma_start3A = arith.constant 0 : i32
          %dma_start3A_489 = tpu.memref_slice %arg8[%add3A_465, %dma_start3A] : memref<81x128xi32, #tpu.memory_space<vmem>> -> memref<1x128xi32, #tpu.memory_space<vmem>>
          %dma_start3A_490 = tpu.memref_squeeze %dma_start3A_489 : memref<1x128xi32, #tpu.memory_space<vmem>> -> memref<128xi32, #tpu.memory_space<vmem>>
          %dma_start3A_491 = arith.constant 0 : i32
          %dma_start3A_492 = arith.constant 0 : i32
          %dma_start3A_493 = tpu.memref_slice %arg15[%dma_start3A_491, %dma_start3A_492] : memref<2560x128xf32, #tpu.memory_space<vmem_shared>> -> memref<2560x128xf32, #tpu.memory_space<vmem_shared>>
          %dma_start3A_494 = arith.constant -1 : i32
          tpu.enqueue_indirect_dma source(%arg11 : memref<128x128xf32, #tpu.memory_space<vmem>>) target(%dma_start3A_493 : memref<2560x128xf32, #tpu.memory_space<vmem_shared>>) offsets(%dma_start3A_490 : memref<128xi32, #tpu.memory_space<vmem>>) offset_filter(%dma_start3A_494) semaphore(%run_scoped3A : memref<!tpu.dma_semaphore, #tpu.memory_space<semaphore_mem>>) {add = true}
          %dma_wait3A_495 = arith.constant 0 : i32
          %dma_wait3A_496 = tpu.memref_slice %arg8[%add3A_465, %dma_wait3A_495] : memref<81x128xi32, #tpu.memory_space<vmem>> -> memref<1x128xi32, #tpu.memory_space<vmem>>
          %dma_wait3A_497 = tpu.memref_squeeze %dma_wait3A_496 : memref<1x128xi32, #tpu.memory_space<vmem>> -> memref<128xi32, #tpu.memory_space<vmem>>
          %dma_wait3A_498 = arith.constant 0 : i32
          %dma_wait3A_499 = arith.constant 0 : i32
          %dma_wait3A_500 = tpu.memref_slice %arg15[%dma_wait3A_498, %dma_wait3A_499] : memref<2560x128xf32, #tpu.memory_space<vmem_shared>> -> memref<2560x128xf32, #tpu.memory_space<vmem_shared>>
          tpu.wait_indirect_dma semaphore(%run_scoped3A : memref<!tpu.dma_semaphore, #tpu.memory_space<semaphore_mem>>) src(%arg11 : memref<128x128xf32, #tpu.memory_space<vmem>>) dst(%dma_wait3A_500 : memref<2560x128xf32, #tpu.memory_space<vmem_shared>>)
          tpu.yield
        }) : () -> ()
        %add3A_483 = arith.constant 4 : i32
        %add3A_484 = arith.addi %add3A_465, %add3A_483 : i32
        %lt3A_485 = arith.cmpi slt, %add3A_484, %min3A : i32
        %convert_element_type3A_486 = arith.extui %lt3A_485 : i1 to i32
        %cond3A_487 = arith.constant 0 : i32
        %cond3A_488 = arith.cmpi ne, %convert_element_type3A_486, %cond3A_487 : i32
        scf.if %cond3A_488 {
          %add3A_489 = arith.constant 4 : i32
          %add3A_490 = arith.addi %add3A_465, %add3A_489 : i32
          %dma_start3A = arith.constant 0 : i32
          %dma_start3A_491 = tpu.memref_slice %arg7[%add3A_490, %dma_start3A] : memref<81x128xi32, #tpu.memory_space<vmem>> -> memref<1x128xi32, #tpu.memory_space<vmem>>
          %dma_start3A_492 = tpu.memref_squeeze %dma_start3A_491 : memref<1x128xi32, #tpu.memory_space<vmem>> -> memref<128xi32, #tpu.memory_space<vmem>>
          %dma_start3A_493 = arith.constant 0 : i32
          %dma_start3A_494 = arith.constant 0 : i32
          %dma_start3A_495 = tpu.memref_slice %arg5[%dma_start3A_493, %dma_start3A_494] : memref<10000x128xf32, #tpu.memory_space<hbm>> -> memref<10000x128xf32, #tpu.memory_space<hbm>>
          %dma_start3A_496 = arith.constant -1 : i32
          tpu.enqueue_indirect_dma source(%dma_start3A_495 : memref<10000x128xf32, #tpu.memory_space<hbm>>) target(%arg11 : memref<128x128xf32, #tpu.memory_space<vmem>>) offsets(%dma_start3A_492 : memref<128xi32, #tpu.memory_space<vmem>>) offset_filter(%dma_start3A_496) semaphore(%arg18 : memref<!tpu.dma_semaphore, #tpu.memory_space<semaphore_mem>>)
        } else {
        }
      } else {
      }
      %mul3A_470 = arith.constant 4 : i32
      %mul3A_471 = arith.muli %while3A_446, %mul3A_470 : i32
      %add3A_472 = arith.constant 3 : i32
      %add3A_473 = arith.addi %mul3A_471, %add3A_472 : i32
      %lt3A_474 = arith.cmpi slt, %add3A_473, %min3A : i32
      %convert_element_type3A_475 = arith.extui %lt3A_474 : i1 to i32
      %cond3A_476 = arith.constant 0 : i32
      %cond3A_477 = arith.cmpi ne, %convert_element_type3A_475, %cond3A_476 : i32
      scf.if %cond3A_477 {
        %dma_wait3A = arith.constant 0 : i32
        %dma_wait3A_478 = tpu.memref_slice %arg7[%add3A_473, %dma_wait3A] : memref<81x128xi32, #tpu.memory_space<vmem>> -> memref<1x128xi32, #tpu.memory_space<vmem>>
        %dma_wait3A_479 = tpu.memref_squeeze %dma_wait3A_478 : memref<1x128xi32, #tpu.memory_space<vmem>> -> memref<128xi32, #tpu.memory_space<vmem>>
        %dma_wait3A_480 = arith.constant 0 : i32
        %dma_wait3A_481 = arith.constant 0 : i32
        %dma_wait3A_482 = tpu.memref_slice %arg5[%dma_wait3A_480, %dma_wait3A_481] : memref<10000x128xf32, #tpu.memory_space<hbm>> -> memref<10000x128xf32, #tpu.memory_space<hbm>>
        tpu.wait_indirect_dma semaphore(%arg19 : memref<!tpu.dma_semaphore, #tpu.memory_space<semaphore_mem>>) src(%dma_wait3A_482 : memref<10000x128xf32, #tpu.memory_space<hbm>>) dst(%arg12 : memref<128x128xf32, #tpu.memory_space<vmem>>)
        "tpu.region"() ({
          %run_scoped3A = tpu.sem_alloc : memref<!tpu.dma_semaphore, #tpu.memory_space<semaphore_mem>>
          %dma_start3A = arith.constant 0 : i32
          %dma_start3A_489 = tpu.memref_slice %arg8[%add3A_473, %dma_start3A] : memref<81x128xi32, #tpu.memory_space<vmem>> -> memref<1x128xi32, #tpu.memory_space<vmem>>
          %dma_start3A_490 = tpu.memref_squeeze %dma_start3A_489 : memref<1x128xi32, #tpu.memory_space<vmem>> -> memref<128xi32, #tpu.memory_space<vmem>>
          %dma_start3A_491 = arith.constant 0 : i32
          %dma_start3A_492 = arith.constant 0 : i32
          %dma_start3A_493 = tpu.memref_slice %arg15[%dma_start3A_491, %dma_start3A_492] : memref<2560x128xf32, #tpu.memory_space<vmem_shared>> -> memref<2560x128xf32, #tpu.memory_space<vmem_shared>>
          %dma_start3A_494 = arith.constant -1 : i32
          tpu.enqueue_indirect_dma source(%arg12 : memref<128x128xf32, #tpu.memory_space<vmem>>) target(%dma_start3A_493 : memref<2560x128xf32, #tpu.memory_space<vmem_shared>>) offsets(%dma_start3A_490 : memref<128xi32, #tpu.memory_space<vmem>>) offset_filter(%dma_start3A_494) semaphore(%run_scoped3A : memref<!tpu.dma_semaphore, #tpu.memory_space<semaphore_mem>>) {add = true}
          %dma_wait3A_495 = arith.constant 0 : i32
          %dma_wait3A_496 = tpu.memref_slice %arg8[%add3A_473, %dma_wait3A_495] : memref<81x128xi32, #tpu.memory_space<vmem>> -> memref<1x128xi32, #tpu.memory_space<vmem>>
          %dma_wait3A_497 = tpu.memref_squeeze %dma_wait3A_496 : memref<1x128xi32, #tpu.memory_space<vmem>> -> memref<128xi32, #tpu.memory_space<vmem>>
          %dma_wait3A_498 = arith.constant 0 : i32
          %dma_wait3A_499 = arith.constant 0 : i32
          %dma_wait3A_500 = tpu.memref_slice %arg15[%dma_wait3A_498, %dma_wait3A_499] : memref<2560x128xf32, #tpu.memory_space<vmem_shared>> -> memref<2560x128xf32, #tpu.memory_space<vmem_shared>>
          tpu.wait_indirect_dma semaphore(%run_scoped3A : memref<!tpu.dma_semaphore, #tpu.memory_space<semaphore_mem>>) src(%arg12 : memref<128x128xf32, #tpu.memory_space<vmem>>) dst(%dma_wait3A_500 : memref<2560x128xf32, #tpu.memory_space<vmem_shared>>)
          tpu.yield
        }) : () -> ()
        %add3A_483 = arith.constant 4 : i32
        %add3A_484 = arith.addi %add3A_473, %add3A_483 : i32
        %lt3A_485 = arith.cmpi slt, %add3A_484, %min3A : i32
        %convert_element_type3A_486 = arith.extui %lt3A_485 : i1 to i32
        %cond3A_487 = arith.constant 0 : i32
        %cond3A_488 = arith.cmpi ne, %convert_element_type3A_486, %cond3A_487 : i32
        scf.if %cond3A_488 {
          %add3A_489 = arith.constant 4 : i32
          %add3A_490 = arith.addi %add3A_473, %add3A_489 : i32
          %dma_start3A = arith.constant 0 : i32
          %dma_start3A_491 = tpu.memref_slice %arg7[%add3A_490, %dma_start3A] : memref<81x128xi32, #tpu.memory_space<vmem>> -> memref<1x128xi32, #tpu.memory_space<vmem>>
          %dma_start3A_492 = tpu.memref_squeeze %dma_start3A_491 : memref<1x128xi32, #tpu.memory_space<vmem>> -> memref<128xi32, #tpu.memory_space<vmem>>
          %dma_start3A_493 = arith.constant 0 : i32
          %dma_start3A_494 = arith.constant 0 : i32
          %dma_start3A_495 = tpu.memref_slice %arg5[%dma_start3A_493, %dma_start3A_494] : memref<10000x128xf32, #tpu.memory_space<hbm>> -> memref<10000x128xf32, #tpu.memory_space<hbm>>
          %dma_start3A_496 = arith.constant -1 : i32
          tpu.enqueue_indirect_dma source(%dma_start3A_495 : memref<10000x128xf32, #tpu.memory_space<hbm>>) target(%arg12 : memref<128x128xf32, #tpu.memory_space<vmem>>) offsets(%dma_start3A_492 : memref<128xi32, #tpu.memory_space<vmem>>) offset_filter(%dma_start3A_496) semaphore(%arg19 : memref<!tpu.dma_semaphore, #tpu.memory_space<semaphore_mem>>)
        } else {
        }
      } else {
      }
    }
    %while3A_106 = arith.constant 1 : i32
    scf.for %while3A_446 = %while3A_104 to %while3A_100 step %while3A_106  : i32 {
      %mul3A_447 = arith.constant 4 : i32
      %mul3A_448 = arith.muli %while3A_446, %mul3A_447 : i32
      %add3A_449 = arith.constant 0 : i32
      %add3A_450 = arith.addi %mul3A_448, %add3A_449 : i32
      %lt3A = arith.cmpi slt, %add3A_450, %min3A : i32
      %convert_element_type3A_451 = arith.extui %lt3A : i1 to i32
      %cond3A_452 = arith.constant 0 : i32
      %cond3A_453 = arith.cmpi ne, %convert_element_type3A_451, %cond3A_452 : i32
      scf.if %cond3A_453 {
        %dma_wait3A = arith.constant 0 : i32
        %dma_wait3A_478 = tpu.memref_slice %arg7[%add3A_450, %dma_wait3A] : memref<81x128xi32, #tpu.memory_space<vmem>> -> memref<1x128xi32, #tpu.memory_space<vmem>>
        %dma_wait3A_479 = tpu.memref_squeeze %dma_wait3A_478 : memref<1x128xi32, #tpu.memory_space<vmem>> -> memref<128xi32, #tpu.memory_space<vmem>>
        %dma_wait3A_480 = arith.constant 0 : i32
        %dma_wait3A_481 = arith.constant 0 : i32
        %dma_wait3A_482 = tpu.memref_slice %arg5[%dma_wait3A_480, %dma_wait3A_481] : memref<10000x128xf32, #tpu.memory_space<hbm>> -> memref<10000x128xf32, #tpu.memory_space<hbm>>
        tpu.wait_indirect_dma semaphore(%arg16 : memref<!tpu.dma_semaphore, #tpu.memory_space<semaphore_mem>>) src(%dma_wait3A_482 : memref<10000x128xf32, #tpu.memory_space<hbm>>) dst(%arg9 : memref<128x128xf32, #tpu.memory_space<vmem>>)
        "tpu.region"() ({
          %run_scoped3A = tpu.sem_alloc : memref<!tpu.dma_semaphore, #tpu.memory_space<semaphore_mem>>
          %dma_start3A = arith.constant 0 : i32
          %dma_start3A_489 = tpu.memref_slice %arg8[%add3A_450, %dma_start3A] : memref<81x128xi32, #tpu.memory_space<vmem>> -> memref<1x128xi32, #tpu.memory_space<vmem>>
          %dma_start3A_490 = tpu.memref_squeeze %dma_start3A_489 : memref<1x128xi32, #tpu.memory_space<vmem>> -> memref<128xi32, #tpu.memory_space<vmem>>
          %dma_start3A_491 = arith.constant 0 : i32
          %dma_start3A_492 = arith.constant 0 : i32
          %dma_start3A_493 = tpu.memref_slice %arg15[%dma_start3A_491, %dma_start3A_492] : memref<2560x128xf32, #tpu.memory_space<vmem_shared>> -> memref<2560x128xf32, #tpu.memory_space<vmem_shared>>
          %dma_start3A_494 = arith.constant -1 : i32
          tpu.enqueue_indirect_dma source(%arg9 : memref<128x128xf32, #tpu.memory_space<vmem>>) target(%dma_start3A_493 : memref<2560x128xf32, #tpu.memory_space<vmem_shared>>) offsets(%dma_start3A_490 : memref<128xi32, #tpu.memory_space<vmem>>) offset_filter(%dma_start3A_494) semaphore(%run_scoped3A : memref<!tpu.dma_semaphore, #tpu.memory_space<semaphore_mem>>) {add = true}
          %dma_wait3A_495 = arith.constant 0 : i32
          %dma_wait3A_496 = tpu.memref_slice %arg8[%add3A_450, %dma_wait3A_495] : memref<81x128xi32, #tpu.memory_space<vmem>> -> memref<1x128xi32, #tpu.memory_space<vmem>>
          %dma_wait3A_497 = tpu.memref_squeeze %dma_wait3A_496 : memref<1x128xi32, #tpu.memory_space<vmem>> -> memref<128xi32, #tpu.memory_space<vmem>>
          %dma_wait3A_498 = arith.constant 0 : i32
          %dma_wait3A_499 = arith.constant 0 : i32
          %dma_wait3A_500 = tpu.memref_slice %arg15[%dma_wait3A_498, %dma_wait3A_499] : memref<2560x128xf32, #tpu.memory_space<vmem_shared>> -> memref<2560x128xf32, #tpu.memory_space<vmem_shared>>
          tpu.wait_indirect_dma semaphore(%run_scoped3A : memref<!tpu.dma_semaphore, #tpu.memory_space<semaphore_mem>>) src(%arg9 : memref<128x128xf32, #tpu.memory_space<vmem>>) dst(%dma_wait3A_500 : memref<2560x128xf32, #tpu.memory_space<vmem_shared>>)
          tpu.yield
        }) : () -> ()
        %add3A_483 = arith.constant 4 : i32
        %add3A_484 = arith.addi %add3A_450, %add3A_483 : i32
        %lt3A_485 = arith.cmpi slt, %add3A_484, %min3A : i32
        %convert_element_type3A_486 = arith.extui %lt3A_485 : i1 to i32
        %cond3A_487 = arith.constant 0 : i32
        %cond3A_488 = arith.cmpi ne, %convert_element_type3A_486, %cond3A_487 : i32
        scf.if %cond3A_488 {
          %add3A_489 = arith.constant 4 : i32
          %add3A_490 = arith.addi %add3A_450, %add3A_489 : i32
          %dma_start3A = arith.constant 0 : i32
          %dma_start3A_491 = tpu.memref_slice %arg7[%add3A_490, %dma_start3A] : memref<81x128xi32, #tpu.memory_space<vmem>> -> memref<1x128xi32, #tpu.memory_space<vmem>>
          %dma_start3A_492 = tpu.memref_squeeze %dma_start3A_491 : memref<1x128xi32, #tpu.memory_space<vmem>> -> memref<128xi32, #tpu.memory_space<vmem>>
          %dma_start3A_493 = arith.constant 0 : i32
          %dma_start3A_494 = arith.constant 0 : i32
          %dma_start3A_495 = tpu.memref_slice %arg5[%dma_start3A_493, %dma_start3A_494] : memref<10000x128xf32, #tpu.memory_space<hbm>> -> memref<10000x128xf32, #tpu.memory_space<hbm>>
          %dma_start3A_496 = arith.constant -1 : i32
          tpu.enqueue_indirect_dma source(%dma_start3A_495 : memref<10000x128xf32, #tpu.memory_space<hbm>>) target(%arg9 : memref<128x128xf32, #tpu.memory_space<vmem>>) offsets(%dma_start3A_492 : memref<128xi32, #tpu.memory_space<vmem>>) offset_filter(%dma_start3A_496) semaphore(%arg16 : memref<!tpu.dma_semaphore, #tpu.memory_space<semaphore_mem>>)
        } else {
        }
      } else {
      }
      %mul3A_454 = arith.constant 4 : i32
      %mul3A_455 = arith.muli %while3A_446, %mul3A_454 : i32
      %add3A_456 = arith.constant 1 : i32
      %add3A_457 = arith.addi %mul3A_455, %add3A_456 : i32
      %lt3A_458 = arith.cmpi slt, %add3A_457, %min3A : i32
      %convert_element_type3A_459 = arith.extui %lt3A_458 : i1 to i32
      %cond3A_460 = arith.constant 0 : i32
      %cond3A_461 = arith.cmpi ne, %convert_element_type3A_459, %cond3A_460 : i32
      scf.if %cond3A_461 {
        %dma_wait3A = arith.constant 0 : i32
        %dma_wait3A_478 = tpu.memref_slice %arg7[%add3A_457, %dma_wait3A] : memref<81x128xi32, #tpu.memory_space<vmem>> -> memref<1x128xi32, #tpu.memory_space<vmem>>
        %dma_wait3A_479 = tpu.memref_squeeze %dma_wait3A_478 : memref<1x128xi32, #tpu.memory_space<vmem>> -> memref<128xi32, #tpu.memory_space<vmem>>
        %dma_wait3A_480 = arith.constant 0 : i32
        %dma_wait3A_481 = arith.constant 0 : i32
        %dma_wait3A_482 = tpu.memref_slice %arg5[%dma_wait3A_480, %dma_wait3A_481] : memref<10000x128xf32, #tpu.memory_space<hbm>> -> memref<10000x128xf32, #tpu.memory_space<hbm>>
        tpu.wait_indirect_dma semaphore(%arg17 : memref<!tpu.dma_semaphore, #tpu.memory_space<semaphore_mem>>) src(%dma_wait3A_482 : memref<10000x128xf32, #tpu.memory_space<hbm>>) dst(%arg10 : memref<128x128xf32, #tpu.memory_space<vmem>>)
        "tpu.region"() ({
          %run_scoped3A = tpu.sem_alloc : memref<!tpu.dma_semaphore, #tpu.memory_space<semaphore_mem>>
          %dma_start3A = arith.constant 0 : i32
          %dma_start3A_489 = tpu.memref_slice %arg8[%add3A_457, %dma_start3A] : memref<81x128xi32, #tpu.memory_space<vmem>> -> memref<1x128xi32, #tpu.memory_space<vmem>>
          %dma_start3A_490 = tpu.memref_squeeze %dma_start3A_489 : memref<1x128xi32, #tpu.memory_space<vmem>> -> memref<128xi32, #tpu.memory_space<vmem>>
          %dma_start3A_491 = arith.constant 0 : i32
          %dma_start3A_492 = arith.constant 0 : i32
          %dma_start3A_493 = tpu.memref_slice %arg15[%dma_start3A_491, %dma_start3A_492] : memref<2560x128xf32, #tpu.memory_space<vmem_shared>> -> memref<2560x128xf32, #tpu.memory_space<vmem_shared>>
          %dma_start3A_494 = arith.constant -1 : i32
          tpu.enqueue_indirect_dma source(%arg10 : memref<128x128xf32, #tpu.memory_space<vmem>>) target(%dma_start3A_493 : memref<2560x128xf32, #tpu.memory_space<vmem_shared>>) offsets(%dma_start3A_490 : memref<128xi32, #tpu.memory_space<vmem>>) offset_filter(%dma_start3A_494) semaphore(%run_scoped3A : memref<!tpu.dma_semaphore, #tpu.memory_space<semaphore_mem>>) {add = true}
          %dma_wait3A_495 = arith.constant 0 : i32
          %dma_wait3A_496 = tpu.memref_slice %arg8[%add3A_457, %dma_wait3A_495] : memref<81x128xi32, #tpu.memory_space<vmem>> -> memref<1x128xi32, #tpu.memory_space<vmem>>
          %dma_wait3A_497 = tpu.memref_squeeze %dma_wait3A_496 : memref<1x128xi32, #tpu.memory_space<vmem>> -> memref<128xi32, #tpu.memory_space<vmem>>
          %dma_wait3A_498 = arith.constant 0 : i32
          %dma_wait3A_499 = arith.constant 0 : i32
          %dma_wait3A_500 = tpu.memref_slice %arg15[%dma_wait3A_498, %dma_wait3A_499] : memref<2560x128xf32, #tpu.memory_space<vmem_shared>> -> memref<2560x128xf32, #tpu.memory_space<vmem_shared>>
          tpu.wait_indirect_dma semaphore(%run_scoped3A : memref<!tpu.dma_semaphore, #tpu.memory_space<semaphore_mem>>) src(%arg10 : memref<128x128xf32, #tpu.memory_space<vmem>>) dst(%dma_wait3A_500 : memref<2560x128xf32, #tpu.memory_space<vmem_shared>>)
          tpu.yield
        }) : () -> ()
        %add3A_483 = arith.constant 4 : i32
        %add3A_484 = arith.addi %add3A_457, %add3A_483 : i32
        %lt3A_485 = arith.cmpi slt, %add3A_484, %min3A : i32
        %convert_element_type3A_486 = arith.extui %lt3A_485 : i1 to i32
        %cond3A_487 = arith.constant 0 : i32
        %cond3A_488 = arith.cmpi ne, %convert_element_type3A_486, %cond3A_487 : i32
        scf.if %cond3A_488 {
          %add3A_489 = arith.constant 4 : i32
          %add3A_490 = arith.addi %add3A_457, %add3A_489 : i32
          %dma_start3A = arith.constant 0 : i32
          %dma_start3A_491 = tpu.memref_slice %arg7[%add3A_490, %dma_start3A] : memref<81x128xi32, #tpu.memory_space<vmem>> -> memref<1x128xi32, #tpu.memory_space<vmem>>
          %dma_start3A_492 = tpu.memref_squeeze %dma_start3A_491 : memref<1x128xi32, #tpu.memory_space<vmem>> -> memref<128xi32, #tpu.memory_space<vmem>>
          %dma_start3A_493 = arith.constant 0 : i32
          %dma_start3A_494 = arith.constant 0 : i32
          %dma_start3A_495 = tpu.memref_slice %arg5[%dma_start3A_493, %dma_start3A_494] : memref<10000x128xf32, #tpu.memory_space<hbm>> -> memref<10000x128xf32, #tpu.memory_space<hbm>>
          %dma_start3A_496 = arith.constant -1 : i32
          tpu.enqueue_indirect_dma source(%dma_start3A_495 : memref<10000x128xf32, #tpu.memory_space<hbm>>) target(%arg10 : memref<128x128xf32, #tpu.memory_space<vmem>>) offsets(%dma_start3A_492 : memref<128xi32, #tpu.memory_space<vmem>>) offset_filter(%dma_start3A_496) semaphore(%arg17 : memref<!tpu.dma_semaphore, #tpu.memory_space<semaphore_mem>>)
        } else {
        }
      } else {
      }
      %mul3A_462 = arith.constant 4 : i32
      %mul3A_463 = arith.muli %while3A_446, %mul3A_462 : i32
      %add3A_464 = arith.constant 2 : i32
      %add3A_465 = arith.addi %mul3A_463, %add3A_464 : i32
      %lt3A_466 = arith.cmpi slt, %add3A_465, %min3A : i32
      %convert_element_type3A_467 = arith.extui %lt3A_466 : i1 to i32
      %cond3A_468 = arith.constant 0 : i32
      %cond3A_469 = arith.cmpi ne, %convert_element_type3A_467, %cond3A_468 : i32
      scf.if %cond3A_469 {
        %dma_wait3A = arith.constant 0 : i32
        %dma_wait3A_478 = tpu.memref_slice %arg7[%add3A_465, %dma_wait3A] : memref<81x128xi32, #tpu.memory_space<vmem>> -> memref<1x128xi32, #tpu.memory_space<vmem>>
        %dma_wait3A_479 = tpu.memref_squeeze %dma_wait3A_478 : memref<1x128xi32, #tpu.memory_space<vmem>> -> memref<128xi32, #tpu.memory_space<vmem>>
        %dma_wait3A_480 = arith.constant 0 : i32
        %dma_wait3A_481 = arith.constant 0 : i32
        %dma_wait3A_482 = tpu.memref_slice %arg5[%dma_wait3A_480, %dma_wait3A_481] : memref<10000x128xf32, #tpu.memory_space<hbm>> -> memref<10000x128xf32, #tpu.memory_space<hbm>>
        tpu.wait_indirect_dma semaphore(%arg18 : memref<!tpu.dma_semaphore, #tpu.memory_space<semaphore_mem>>) src(%dma_wait3A_482 : memref<10000x128xf32, #tpu.memory_space<hbm>>) dst(%arg11 : memref<128x128xf32, #tpu.memory_space<vmem>>)
        "tpu.region"() ({
          %run_scoped3A = tpu.sem_alloc : memref<!tpu.dma_semaphore, #tpu.memory_space<semaphore_mem>>
          %dma_start3A = arith.constant 0 : i32
          %dma_start3A_489 = tpu.memref_slice %arg8[%add3A_465, %dma_start3A] : memref<81x128xi32, #tpu.memory_space<vmem>> -> memref<1x128xi32, #tpu.memory_space<vmem>>
          %dma_start3A_490 = tpu.memref_squeeze %dma_start3A_489 : memref<1x128xi32, #tpu.memory_space<vmem>> -> memref<128xi32, #tpu.memory_space<vmem>>
          %dma_start3A_491 = arith.constant 0 : i32
          %dma_start3A_492 = arith.constant 0 : i32
          %dma_start3A_493 = tpu.memref_slice %arg15[%dma_start3A_491, %dma_start3A_492] : memref<2560x128xf32, #tpu.memory_space<vmem_shared>> -> memref<2560x128xf32, #tpu.memory_space<vmem_shared>>
          %dma_start3A_494 = arith.constant -1 : i32
          tpu.enqueue_indirect_dma source(%arg11 : memref<128x128xf32, #tpu.memory_space<vmem>>) target(%dma_start3A_493 : memref<2560x128xf32, #tpu.memory_space<vmem_shared>>) offsets(%dma_start3A_490 : memref<128xi32, #tpu.memory_space<vmem>>) offset_filter(%dma_start3A_494) semaphore(%run_scoped3A : memref<!tpu.dma_semaphore, #tpu.memory_space<semaphore_mem>>) {add = true}
          %dma_wait3A_495 = arith.constant 0 : i32
          %dma_wait3A_496 = tpu.memref_slice %arg8[%add3A_465, %dma_wait3A_495] : memref<81x128xi32, #tpu.memory_space<vmem>> -> memref<1x128xi32, #tpu.memory_space<vmem>>
          %dma_wait3A_497 = tpu.memref_squeeze %dma_wait3A_496 : memref<1x128xi32, #tpu.memory_space<vmem>> -> memref<128xi32, #tpu.memory_space<vmem>>
          %dma_wait3A_498 = arith.constant 0 : i32
          %dma_wait3A_499 = arith.constant 0 : i32
          %dma_wait3A_500 = tpu.memref_slice %arg15[%dma_wait3A_498, %dma_wait3A_499] : memref<2560x128xf32, #tpu.memory_space<vmem_shared>> -> memref<2560x128xf32, #tpu.memory_space<vmem_shared>>
          tpu.wait_indirect_dma semaphore(%run_scoped3A : memref<!tpu.dma_semaphore, #tpu.memory_space<semaphore_mem>>) src(%arg11 : memref<128x128xf32, #tpu.memory_space<vmem>>) dst(%dma_wait3A_500 : memref<2560x128xf32, #tpu.memory_space<vmem_shared>>)
          tpu.yield
        }) : () -> ()
        %add3A_483 = arith.constant 4 : i32
        %add3A_484 = arith.addi %add3A_465, %add3A_483 : i32
        %lt3A_485 = arith.cmpi slt, %add3A_484, %min3A : i32
        %convert_element_type3A_486 = arith.extui %lt3A_485 : i1 to i32
        %cond3A_487 = arith.constant 0 : i32
        %cond3A_488 = arith.cmpi ne, %convert_element_type3A_486, %cond3A_487 : i32
        scf.if %cond3A_488 {
          %add3A_489 = arith.constant 4 : i32
          %add3A_490 = arith.addi %add3A_465, %add3A_489 : i32
          %dma_start3A = arith.constant 0 : i32
          %dma_start3A_491 = tpu.memref_slice %arg7[%add3A_490, %dma_start3A] : memref<81x128xi32, #tpu.memory_space<vmem>> -> memref<1x128xi32, #tpu.memory_space<vmem>>
          %dma_start3A_492 = tpu.memref_squeeze %dma_start3A_491 : memref<1x128xi32, #tpu.memory_space<vmem>> -> memref<128xi32, #tpu.memory_space<vmem>>
          %dma_start3A_493 = arith.constant 0 : i32
          %dma_start3A_494 = arith.constant 0 : i32
          %dma_start3A_495 = tpu.memref_slice %arg5[%dma_start3A_493, %dma_start3A_494] : memref<10000x128xf32, #tpu.memory_space<hbm>> -> memref<10000x128xf32, #tpu.memory_space<hbm>>
          %dma_start3A_496 = arith.constant -1 : i32
          tpu.enqueue_indirect_dma source(%dma_start3A_495 : memref<10000x128xf32, #tpu.memory_space<hbm>>) target(%arg11 : memref<128x128xf32, #tpu.memory_space<vmem>>) offsets(%dma_start3A_492 : memref<128xi32, #tpu.memory_space<vmem>>) offset_filter(%dma_start3A_496) semaphore(%arg18 : memref<!tpu.dma_semaphore, #tpu.memory_space<semaphore_mem>>)
        } else {
        }
      } else {
      }
      %mul3A_470 = arith.constant 4 : i32
      %mul3A_471 = arith.muli %while3A_446, %mul3A_470 : i32
      %add3A_472 = arith.constant 3 : i32
      %add3A_473 = arith.addi %mul3A_471, %add3A_472 : i32
      %lt3A_474 = arith.cmpi slt, %add3A_473, %min3A : i32
      %convert_element_type3A_475 = arith.extui %lt3A_474 : i1 to i32
      %cond3A_476 = arith.constant 0 : i32
      %cond3A_477 = arith.cmpi ne, %convert_element_type3A_475, %cond3A_476 : i32
      scf.if %cond3A_477 {
        %dma_wait3A = arith.constant 0 : i32
        %dma_wait3A_478 = tpu.memref_slice %arg7[%add3A_473, %dma_wait3A] : memref<81x128xi32, #tpu.memory_space<vmem>> -> memref<1x128xi32, #tpu.memory_space<vmem>>
        %dma_wait3A_479 = tpu.memref_squeeze %dma_wait3A_478 : memref<1x128xi32, #tpu.memory_space<vmem>> -> memref<128xi32, #tpu.memory_space<vmem>>
        %dma_wait3A_480 = arith.constant 0 : i32
        %dma_wait3A_481 = arith.constant 0 : i32
        %dma_wait3A_482 = tpu.memref_slice %arg5[%dma_wait3A_480, %dma_wait3A_481] : memref<10000x128xf32, #tpu.memory_space<hbm>> -> memref<10000x128xf32, #tpu.memory_space<hbm>>
        tpu.wait_indirect_dma semaphore(%arg19 : memref<!tpu.dma_semaphore, #tpu.memory_space<semaphore_mem>>) src(%dma_wait3A_482 : memref<10000x128xf32, #tpu.memory_space<hbm>>) dst(%arg12 : memref<128x128xf32, #tpu.memory_space<vmem>>)
        "tpu.region"() ({
          %run_scoped3A = tpu.sem_alloc : memref<!tpu.dma_semaphore, #tpu.memory_space<semaphore_mem>>
          %dma_start3A = arith.constant 0 : i32
          %dma_start3A_489 = tpu.memref_slice %arg8[%add3A_473, %dma_start3A] : memref<81x128xi32, #tpu.memory_space<vmem>> -> memref<1x128xi32, #tpu.memory_space<vmem>>
          %dma_start3A_490 = tpu.memref_squeeze %dma_start3A_489 : memref<1x128xi32, #tpu.memory_space<vmem>> -> memref<128xi32, #tpu.memory_space<vmem>>
          %dma_start3A_491 = arith.constant 0 : i32
          %dma_start3A_492 = arith.constant 0 : i32
          %dma_start3A_493 = tpu.memref_slice %arg15[%dma_start3A_491, %dma_start3A_492] : memref<2560x128xf32, #tpu.memory_space<vmem_shared>> -> memref<2560x128xf32, #tpu.memory_space<vmem_shared>>
          %dma_start3A_494 = arith.constant -1 : i32
          tpu.enqueue_indirect_dma source(%arg12 : memref<128x128xf32, #tpu.memory_space<vmem>>) target(%dma_start3A_493 : memref<2560x128xf32, #tpu.memory_space<vmem_shared>>) offsets(%dma_start3A_490 : memref<128xi32, #tpu.memory_space<vmem>>) offset_filter(%dma_start3A_494) semaphore(%run_scoped3A : memref<!tpu.dma_semaphore, #tpu.memory_space<semaphore_mem>>) {add = true}
          %dma_wait3A_495 = arith.constant 0 : i32
          %dma_wait3A_496 = tpu.memref_slice %arg8[%add3A_473, %dma_wait3A_495] : memref<81x128xi32, #tpu.memory_space<vmem>> -> memref<1x128xi32, #tpu.memory_space<vmem>>
          %dma_wait3A_497 = tpu.memref_squeeze %dma_wait3A_496 : memref<1x128xi32, #tpu.memory_space<vmem>> -> memref<128xi32, #tpu.memory_space<vmem>>
          %dma_wait3A_498 = arith.constant 0 : i32
          %dma_wait3A_499 = arith.constant 0 : i32
          %dma_wait3A_500 = tpu.memref_slice %arg15[%dma_wait3A_498, %dma_wait3A_499] : memref<2560x128xf32, #tpu.memory_space<vmem_shared>> -> memref<2560x128xf32, #tpu.memory_space<vmem_shared>>
          tpu.wait_indirect_dma semaphore(%run_scoped3A : memref<!tpu.dma_semaphore, #tpu.memory_space<semaphore_mem>>) src(%arg12 : memref<128x128xf32, #tpu.memory_space<vmem>>) dst(%dma_wait3A_500 : memref<2560x128xf32, #tpu.memory_space<vmem_shared>>)
          tpu.yield
        }) : () -> ()
        %add3A_483 = arith.constant 4 : i32
        %add3A_484 = arith.addi %add3A_473, %add3A_483 : i32
        %lt3A_485 = arith.cmpi slt, %add3A_484, %min3A : i32
        %convert_element_type3A_486 = arith.extui %lt3A_485 : i1 to i32
        %cond3A_487 = arith.constant 0 : i32
        %cond3A_488 = arith.cmpi ne, %convert_element_type3A_486, %cond3A_487 : i32
        scf.if %cond3A_488 {
          %add3A_489 = arith.constant 4 : i32
          %add3A_490 = arith.addi %add3A_473, %add3A_489 : i32
          %dma_start3A = arith.constant 0 : i32
          %dma_start3A_491 = tpu.memref_slice %arg7[%add3A_490, %dma_start3A] : memref<81x128xi32, #tpu.memory_space<vmem>> -> memref<1x128xi32, #tpu.memory_space<vmem>>
          %dma_start3A_492 = tpu.memref_squeeze %dma_start3A_491 : memref<1x128xi32, #tpu.memory_space<vmem>> -> memref<128xi32, #tpu.memory_space<vmem>>
          %dma_start3A_493 = arith.constant 0 : i32
          %dma_start3A_494 = arith.constant 0 : i32
          %dma_start3A_495 = tpu.memref_slice %arg5[%dma_start3A_493, %dma_start3A_494] : memref<10000x128xf32, #tpu.memory_space<hbm>> -> memref<10000x128xf32, #tpu.memory_space<hbm>>
          %dma_start3A_496 = arith.constant -1 : i32
          tpu.enqueue_indirect_dma source(%dma_start3A_495 : memref<10000x128xf32, #tpu.memory_space<hbm>>) target(%arg12 : memref<128x128xf32, #tpu.memory_space<vmem>>) offsets(%dma_start3A_492 : memref<128xi32, #tpu.memory_space<vmem>>) offset_filter(%dma_start3A_496) semaphore(%arg19 : memref<!tpu.dma_semaphore, #tpu.memory_space<semaphore_mem>>)
        } else {
        }
      } else {
      }
    }
    %mul3A_107 = arith.constant 2 : i32
    %mul3A_108 = arith.muli %arg1, %mul3A_107 : i32
    %add3A_109 = arith.constant 1 : i32
    %add3A_110 = arith.addi %mul3A_108, %add3A_109 : i32
    "tpu.region"() ({
      %run_scoped3A = tpu.sem_alloc : memref<!tpu.dma_semaphore, #tpu.memory_space<semaphore_mem>>
      %dma_start3A = arith.constant 0 : i32
      %dma_start3A_446 = arith.constant 0 : i32
      %dma_start3A_447 = tpu.memref_slice %arg2[%add3A_110, %add3A_8, %dma_start3A, %dma_start3A_446] : memref<32x4x81x128xi32, #tpu.memory_space<hbm>> -> memref<1x1x81x128xi32, #tpu.memory_space<hbm>>
      %dma_start3A_448 = tpu.memref_squeeze %dma_start3A_447 : memref<1x1x81x128xi32, #tpu.memory_space<hbm>> -> memref<81x128xi32, #tpu.memory_space<hbm>>
      %dma_start3A_449 = arith.constant 0 : i32
      %dma_start3A_450 = arith.constant 0 : i32
      %dma_start3A_451 = tpu.memref_slice %arg2[%add3A_110, %add3A_8, %dma_start3A_449, %dma_start3A_450] : memref<32x4x81x128xi32, #tpu.memory_space<hbm>> -> memref<1x1x81x128xi32, #tpu.memory_space<hbm>>
      %dma_start3A_452 = tpu.memref_squeeze %dma_start3A_451 : memref<1x1x81x128xi32, #tpu.memory_space<hbm>> -> memref<81x128xi32, #tpu.memory_space<hbm>>
      tpu.enqueue_dma source(%dma_start3A_452 : memref<81x128xi32, #tpu.memory_space<hbm>>) target(%arg7 : memref<81x128xi32, #tpu.memory_space<vmem>>) target_semaphore(%run_scoped3A : memref<!tpu.dma_semaphore, #tpu.memory_space<semaphore_mem>>)
      %dma_wait3A = arith.constant 0 : i32
      %dma_wait3A_453 = arith.constant 0 : i32
      %dma_wait3A_454 = tpu.memref_slice %arg2[%add3A_110, %add3A_8, %dma_wait3A, %dma_wait3A_453] : memref<32x4x81x128xi32, #tpu.memory_space<hbm>> -> memref<1x1x81x128xi32, #tpu.memory_space<hbm>>
      %dma_wait3A_455 = tpu.memref_squeeze %dma_wait3A_454 : memref<1x1x81x128xi32, #tpu.memory_space<hbm>> -> memref<81x128xi32, #tpu.memory_space<hbm>>
      %dma_wait3A_456 = arith.constant 0 : i32
      %dma_wait3A_457 = arith.constant 0 : i32
      %dma_wait3A_458 = tpu.memref_slice %arg2[%add3A_110, %add3A_8, %dma_wait3A_456, %dma_wait3A_457] : memref<32x4x81x128xi32, #tpu.memory_space<hbm>> -> memref<1x1x81x128xi32, #tpu.memory_space<hbm>>
      %dma_wait3A_459 = tpu.memref_squeeze %dma_wait3A_458 : memref<1x1x81x128xi32, #tpu.memory_space<hbm>> -> memref<81x128xi32, #tpu.memory_space<hbm>>
      tpu.wait_dma2 semaphore(%run_scoped3A : memref<!tpu.dma_semaphore, #tpu.memory_space<semaphore_mem>>) src(%dma_wait3A_459 : memref<81x128xi32, #tpu.memory_space<hbm>>) dst(%arg7 : memref<81x128xi32, #tpu.memory_space<vmem>>)
      tpu.yield
    }) : () -> ()
    "tpu.region"() ({
      %run_scoped3A = tpu.sem_alloc : memref<!tpu.dma_semaphore, #tpu.memory_space<semaphore_mem>>
      %dma_start3A = arith.constant 0 : i32
      %dma_start3A_446 = arith.constant 0 : i32
      %dma_start3A_447 = tpu.memref_slice %arg3[%add3A_110, %add3A_8, %dma_start3A, %dma_start3A_446] : memref<32x4x81x128xi32, #tpu.memory_space<hbm>> -> memref<1x1x81x128xi32, #tpu.memory_space<hbm>>
      %dma_start3A_448 = tpu.memref_squeeze %dma_start3A_447 : memref<1x1x81x128xi32, #tpu.memory_space<hbm>> -> memref<81x128xi32, #tpu.memory_space<hbm>>
      %dma_start3A_449 = arith.constant 0 : i32
      %dma_start3A_450 = arith.constant 0 : i32
      %dma_start3A_451 = tpu.memref_slice %arg3[%add3A_110, %add3A_8, %dma_start3A_449, %dma_start3A_450] : memref<32x4x81x128xi32, #tpu.memory_space<hbm>> -> memref<1x1x81x128xi32, #tpu.memory_space<hbm>>
      %dma_start3A_452 = tpu.memref_squeeze %dma_start3A_451 : memref<1x1x81x128xi32, #tpu.memory_space<hbm>> -> memref<81x128xi32, #tpu.memory_space<hbm>>
      tpu.enqueue_dma source(%dma_start3A_452 : memref<81x128xi32, #tpu.memory_space<hbm>>) target(%arg8 : memref<81x128xi32, #tpu.memory_space<vmem>>) target_semaphore(%run_scoped3A : memref<!tpu.dma_semaphore, #tpu.memory_space<semaphore_mem>>)
      %dma_wait3A = arith.constant 0 : i32
      %dma_wait3A_453 = arith.constant 0 : i32
      %dma_wait3A_454 = tpu.memref_slice %arg3[%add3A_110, %add3A_8, %dma_wait3A, %dma_wait3A_453] : memref<32x4x81x128xi32, #tpu.memory_space<hbm>> -> memref<1x1x81x128xi32, #tpu.memory_space<hbm>>
      %dma_wait3A_455 = tpu.memref_squeeze %dma_wait3A_454 : memref<1x1x81x128xi32, #tpu.memory_space<hbm>> -> memref<81x128xi32, #tpu.memory_space<hbm>>
      %dma_wait3A_456 = arith.constant 0 : i32
      %dma_wait3A_457 = arith.constant 0 : i32
      %dma_wait3A_458 = tpu.memref_slice %arg3[%add3A_110, %add3A_8, %dma_wait3A_456, %dma_wait3A_457] : memref<32x4x81x128xi32, #tpu.memory_space<hbm>> -> memref<1x1x81x128xi32, #tpu.memory_space<hbm>>
      %dma_wait3A_459 = tpu.memref_squeeze %dma_wait3A_458 : memref<1x1x81x128xi32, #tpu.memory_space<hbm>> -> memref<81x128xi32, #tpu.memory_space<hbm>>
      tpu.wait_dma2 semaphore(%run_scoped3A : memref<!tpu.dma_semaphore, #tpu.memory_space<semaphore_mem>>) src(%dma_wait3A_459 : memref<81x128xi32, #tpu.memory_space<hbm>>) dst(%arg8 : memref<81x128xi32, #tpu.memory_space<vmem>>)
      tpu.yield
    }) : () -> ()
    "tpu.region"() ({
      %run_scoped3A = tpu.sem_alloc : memref<!tpu.dma_semaphore, #tpu.memory_space<semaphore_mem>>
      %dma_start3A = arith.constant 0 : i32
      %dma_start3A_446 = tpu.memref_slice %arg4[%add3A_110, %dma_start3A] : memref<32x16xf32, #tpu.memory_space<hbm>> -> memref<1x16xf32, #tpu.memory_space<hbm>>
      %dma_start3A_447 = tpu.memref_squeeze %dma_start3A_446 : memref<1x16xf32, #tpu.memory_space<hbm>> -> memref<16xf32, #tpu.memory_space<hbm>>
      %dma_start3A_448 = arith.constant 0 : i32
      %dma_start3A_449 = tpu.memref_slice %arg4[%add3A_110, %dma_start3A_448] : memref<32x16xf32, #tpu.memory_space<hbm>> -> memref<1x16xf32, #tpu.memory_space<hbm>>
      %dma_start3A_450 = tpu.memref_squeeze %dma_start3A_449 : memref<1x16xf32, #tpu.memory_space<hbm>> -> memref<16xf32, #tpu.memory_space<hbm>>
      tpu.enqueue_dma source(%dma_start3A_450 : memref<16xf32, #tpu.memory_space<hbm>>) target(%arg14 : memref<16xf32, #tpu.memory_space<vmem>>) target_semaphore(%run_scoped3A : memref<!tpu.dma_semaphore, #tpu.memory_space<semaphore_mem>>)
      %dma_wait3A = arith.constant 0 : i32
      %dma_wait3A_451 = tpu.memref_slice %arg4[%add3A_110, %dma_wait3A] : memref<32x16xf32, #tpu.memory_space<hbm>> -> memref<1x16xf32, #tpu.memory_space<hbm>>
      %dma_wait3A_452 = tpu.memref_squeeze %dma_wait3A_451 : memref<1x16xf32, #tpu.memory_space<hbm>> -> memref<16xf32, #tpu.memory_space<hbm>>
      %dma_wait3A_453 = arith.constant 0 : i32
      %dma_wait3A_454 = tpu.memref_slice %arg4[%add3A_110, %dma_wait3A_453] : memref<32x16xf32, #tpu.memory_space<hbm>> -> memref<1x16xf32, #tpu.memory_space<hbm>>
      %dma_wait3A_455 = tpu.memref_squeeze %dma_wait3A_454 : memref<1x16xf32, #tpu.memory_space<hbm>> -> memref<16xf32, #tpu.memory_space<hbm>>
      tpu.wait_dma2 semaphore(%run_scoped3A : memref<!tpu.dma_semaphore, #tpu.memory_space<semaphore_mem>>) src(%dma_wait3A_455 : memref<16xf32, #tpu.memory_space<hbm>>) dst(%arg14 : memref<16xf32, #tpu.memory_space<vmem>>)
      tpu.yield
    }) : () -> ()
    %iota3A_111 = tpu.iota {dimensions = array<i32: 0>} : vector<16xi32>
    %eq3A_112 = vector.broadcast %add3A_8 : i32 to vector<16xi32>
    %eq3A_113 = arith.cmpi eq, %iota3A_111, %eq3A_112 : vector<16xi32>
    %get3A_114 = arith.constant 0 : index
    %get3A_115 = tpu.vector_load %arg14[%get3A_114] {strides = array<i32>} : memref<16xf32, #tpu.memory_space<vmem>>, vector<16xf32>,
    %jit3A_116 = arith.constant 0.000000e+00 : f32
    %broadcast_in_dim3A_117 = vector.broadcast %jit3A_116 : f32 to vector<16xf32>
    %select_n3A_118 = arith.select %eq3A_113, %get3A_115, %broadcast_in_dim3A_117 : vector<16xi1>, vector<16xf32>
    %reduce_sum3A_119 = arith.constant true
    %reduce_sum3A_120 = vector.broadcast %reduce_sum3A_119 : i1 to vector<16xi1>
    %reduce_sum3A_121 = tpu.scan <sum>, %select_n3A_118 masked %reduce_sum3A_120 : vector<16xf32>, vector<16xi1> -> vector<16xf32>
    %reduce_sum3A_122 = vector.extract %reduce_sum3A_121[15] : f32 from vector<16xf32>
    %convert_element_type3A_123 = arith.fptosi %reduce_sum3A_122 : f32 to i32
    %add3A_124 = arith.constant 128 : i32
    %add3A_125 = arith.addi %convert_element_type3A_123, %add3A_124 : i32
    %sub3A_126 = arith.constant 1 : i32
    %sub3A_127 = arith.subi %add3A_125, %sub3A_126 : i32
    %jit3A_128 = arith.constant 128 : i32
    %div3A_129 = arith.divsi %sub3A_127, %jit3A_128 : i32
    %sign3A_130 = arith.constant 0 : i32
    %sign3A_131 = arith.cmpi sgt, %sub3A_127, %sign3A_130 : i32
    %sign3A_132 = arith.extui %sign3A_131 : i1 to i32
    %sign3A_133 = arith.constant 0 : i32
    %sign3A_134 = arith.cmpi slt, %sub3A_127, %sign3A_133 : i32
    %sign3A_135 = arith.extui %sign3A_134 : i1 to i32
    %sign3A_136 = arith.subi %sign3A_132, %sign3A_135 : i32
    %sign3A_137 = arith.constant 0 : i32
    %sign3A_138 = arith.cmpi sgt, %jit3A_128, %sign3A_137 : i32
    %sign3A_139 = arith.extui %sign3A_138 : i1 to i32
    %sign3A_140 = arith.constant 0 : i32
    %sign3A_141 = arith.cmpi slt, %jit3A_128, %sign3A_140 : i32
    %sign3A_142 = arith.extui %sign3A_141 : i1 to i32
    %sign3A_143 = arith.subi %sign3A_139, %sign3A_142 : i32
    %ne3A_144 = arith.cmpi ne, %sign3A_136, %sign3A_143 : i32
    %rem3A_145 = arith.remsi %sub3A_127, %jit3A_128 : i32
    %ne3A_146 = arith.constant 0 : i32
    %ne3A_147 = arith.cmpi ne, %rem3A_145, %ne3A_146 : i32
    %and3A_148 = arith.andi %ne3A_144, %ne3A_147 : i1
    %sub3A_149 = arith.constant 1 : i32
    %sub3A_150 = arith.subi %div3A_129, %sub3A_149 : i32
    %select_n3A_151 = arith.select %and3A_148, %sub3A_150, %div3A_129 : i32
    %jit3A_152 = arith.constant 0 : i32
    %jit3A_153 = arith.constant 81 : i32
    %max3A_154 = arith.maxsi %jit3A_152, %select_n3A_151 : i32
    %min3A_155 = arith.minsi %jit3A_153, %max3A_154 : i32
    %gt3A_156 = arith.constant 0 : i32
    %gt3A_157 = arith.cmpi sgt, %min3A_155, %gt3A_156 : i32
    %convert_element_type3A_158 = arith.extui %gt3A_157 : i1 to i32
    %cond3A_159 = arith.constant 0 : i32
    %cond3A_160 = arith.cmpi ne, %convert_element_type3A_158, %cond3A_159 : i32
    scf.if %cond3A_160 {
      %dma_start3A = arith.constant 0 : i32
      %dma_start3A_446 = arith.constant 0 : i32
      %dma_start3A_447 = tpu.memref_slice %arg7[%dma_start3A, %dma_start3A_446] : memref<81x128xi32, #tpu.memory_space<vmem>> -> memref<1x128xi32, #tpu.memory_space<vmem>>
      %dma_start3A_448 = tpu.memref_squeeze %dma_start3A_447 : memref<1x128xi32, #tpu.memory_space<vmem>> -> memref<128xi32, #tpu.memory_space<vmem>>
      %dma_start3A_449 = arith.constant 0 : i32
      %dma_start3A_450 = arith.constant 0 : i32
      %dma_start3A_451 = tpu.memref_slice %arg5[%dma_start3A_449, %dma_start3A_450] : memref<10000x128xf32, #tpu.memory_space<hbm>> -> memref<10000x128xf32, #tpu.memory_space<hbm>>
      %dma_start3A_452 = arith.constant -1 : i32
      tpu.enqueue_indirect_dma source(%dma_start3A_451 : memref<10000x128xf32, #tpu.memory_space<hbm>>) target(%arg9 : memref<128x128xf32, #tpu.memory_space<vmem>>) offsets(%dma_start3A_448 : memref<128xi32, #tpu.memory_space<vmem>>) offset_filter(%dma_start3A_452) semaphore(%arg16 : memref<!tpu.dma_semaphore, #tpu.memory_space<semaphore_mem>>)
    } else {
    }
    %gt3A_161 = arith.constant 1 : i32
    %gt3A_162 = arith.cmpi sgt, %min3A_155, %gt3A_161 : i32
    %convert_element_type3A_163 = arith.extui %gt3A_162 : i1 to i32
    %cond3A_164 = arith.constant 0 : i32
    %cond3A_165 = arith.cmpi ne, %convert_element_type3A_163, %cond3A_164 : i32
    scf.if %cond3A_165 {
      %dma_start3A = arith.constant 1 : i32
      %dma_start3A_446 = arith.constant 0 : i32
      %dma_start3A_447 = tpu.memref_slice %arg7[%dma_start3A, %dma_start3A_446] : memref<81x128xi32, #tpu.memory_space<vmem>> -> memref<1x128xi32, #tpu.memory_space<vmem>>
      %dma_start3A_448 = tpu.memref_squeeze %dma_start3A_447 : memref<1x128xi32, #tpu.memory_space<vmem>> -> memref<128xi32, #tpu.memory_space<vmem>>
      %dma_start3A_449 = arith.constant 0 : i32
      %dma_start3A_450 = arith.constant 0 : i32
      %dma_start3A_451 = tpu.memref_slice %arg5[%dma_start3A_449, %dma_start3A_450] : memref<10000x128xf32, #tpu.memory_space<hbm>> -> memref<10000x128xf32, #tpu.memory_space<hbm>>
      %dma_start3A_452 = arith.constant -1 : i32
      tpu.enqueue_indirect_dma source(%dma_start3A_451 : memref<10000x128xf32, #tpu.memory_space<hbm>>) target(%arg10 : memref<128x128xf32, #tpu.memory_space<vmem>>) offsets(%dma_start3A_448 : memref<128xi32, #tpu.memory_space<vmem>>) offset_filter(%dma_start3A_452) semaphore(%arg17 : memref<!tpu.dma_semaphore, #tpu.memory_space<semaphore_mem>>)
    } else {
    }
    %gt3A_166 = arith.constant 2 : i32
    %gt3A_167 = arith.cmpi sgt, %min3A_155, %gt3A_166 : i32
    %convert_element_type3A_168 = arith.extui %gt3A_167 : i1 to i32
    %cond3A_169 = arith.constant 0 : i32
    %cond3A_170 = arith.cmpi ne, %convert_element_type3A_168, %cond3A_169 : i32
    scf.if %cond3A_170 {
      %dma_start3A = arith.constant 2 : i32
      %dma_start3A_446 = arith.constant 0 : i32
      %dma_start3A_447 = tpu.memref_slice %arg7[%dma_start3A, %dma_start3A_446] : memref<81x128xi32, #tpu.memory_space<vmem>> -> memref<1x128xi32, #tpu.memory_space<vmem>>
      %dma_start3A_448 = tpu.memref_squeeze %dma_start3A_447 : memref<1x128xi32, #tpu.memory_space<vmem>> -> memref<128xi32, #tpu.memory_space<vmem>>
      %dma_start3A_449 = arith.constant 0 : i32
      %dma_start3A_450 = arith.constant 0 : i32
      %dma_start3A_451 = tpu.memref_slice %arg5[%dma_start3A_449, %dma_start3A_450] : memref<10000x128xf32, #tpu.memory_space<hbm>> -> memref<10000x128xf32, #tpu.memory_space<hbm>>
      %dma_start3A_452 = arith.constant -1 : i32
      tpu.enqueue_indirect_dma source(%dma_start3A_451 : memref<10000x128xf32, #tpu.memory_space<hbm>>) target(%arg11 : memref<128x128xf32, #tpu.memory_space<vmem>>) offsets(%dma_start3A_448 : memref<128xi32, #tpu.memory_space<vmem>>) offset_filter(%dma_start3A_452) semaphore(%arg18 : memref<!tpu.dma_semaphore, #tpu.memory_space<semaphore_mem>>)
    } else {
    }
    %gt3A_171 = arith.constant 3 : i32
    %gt3A_172 = arith.cmpi sgt, %min3A_155, %gt3A_171 : i32
    %convert_element_type3A_173 = arith.extui %gt3A_172 : i1 to i32
    %cond3A_174 = arith.constant 0 : i32
    %cond3A_175 = arith.cmpi ne, %convert_element_type3A_173, %cond3A_174 : i32
    scf.if %cond3A_175 {
      %dma_start3A = arith.constant 3 : i32
      %dma_start3A_446 = arith.constant 0 : i32
      %dma_start3A_447 = tpu.memref_slice %arg7[%dma_start3A, %dma_start3A_446] : memref<81x128xi32, #tpu.memory_space<vmem>> -> memref<1x128xi32, #tpu.memory_space<vmem>>
      %dma_start3A_448 = tpu.memref_squeeze %dma_start3A_447 : memref<1x128xi32, #tpu.memory_space<vmem>> -> memref<128xi32, #tpu.memory_space<vmem>>
      %dma_start3A_449 = arith.constant 0 : i32
      %dma_start3A_450 = arith.constant 0 : i32
      %dma_start3A_451 = tpu.memref_slice %arg5[%dma_start3A_449, %dma_start3A_450] : memref<10000x128xf32, #tpu.memory_space<hbm>> -> memref<10000x128xf32, #tpu.memory_space<hbm>>
      %dma_start3A_452 = arith.constant -1 : i32
      tpu.enqueue_indirect_dma source(%dma_start3A_451 : memref<10000x128xf32, #tpu.memory_space<hbm>>) target(%arg12 : memref<128x128xf32, #tpu.memory_space<vmem>>) offsets(%dma_start3A_448 : memref<128xi32, #tpu.memory_space<vmem>>) offset_filter(%dma_start3A_452) semaphore(%arg19 : memref<!tpu.dma_semaphore, #tpu.memory_space<semaphore_mem>>)
    } else {
    }
    %add3A_176 = arith.constant 4 : i32
    %add3A_177 = arith.addi %min3A_155, %add3A_176 : i32
    %sub3A_178 = arith.constant 1 : i32
    %sub3A_179 = arith.subi %add3A_177, %sub3A_178 : i32
    %jit3A_180 = arith.constant 4 : i32
    %div3A_181 = arith.divsi %sub3A_179, %jit3A_180 : i32
    %sign3A_182 = arith.constant 0 : i32
    %sign3A_183 = arith.cmpi sgt, %sub3A_179, %sign3A_182 : i32
    %sign3A_184 = arith.extui %sign3A_183 : i1 to i32
    %sign3A_185 = arith.constant 0 : i32
    %sign3A_186 = arith.cmpi slt, %sub3A_179, %sign3A_185 : i32
    %sign3A_187 = arith.extui %sign3A_186 : i1 to i32
    %sign3A_188 = arith.subi %sign3A_184, %sign3A_187 : i32
    %sign3A_189 = arith.constant 0 : i32
    %sign3A_190 = arith.cmpi sgt, %jit3A_180, %sign3A_189 : i32
    %sign3A_191 = arith.extui %sign3A_190 : i1 to i32
    %sign3A_192 = arith.constant 0 : i32
    %sign3A_193 = arith.cmpi slt, %jit3A_180, %sign3A_192 : i32
    %sign3A_194 = arith.extui %sign3A_193 : i1 to i32
    %sign3A_195 = arith.subi %sign3A_191, %sign3A_194 : i32
    %ne3A_196 = arith.cmpi ne, %sign3A_188, %sign3A_195 : i32
    %rem3A_197 = arith.remsi %sub3A_179, %jit3A_180 : i32
    %ne3A_198 = arith.constant 0 : i32
    %ne3A_199 = arith.cmpi ne, %rem3A_197, %ne3A_198 : i32
    %and3A_200 = arith.andi %ne3A_196, %ne3A_199 : i1
    %sub3A_201 = arith.constant 1 : i32
    %sub3A_202 = arith.subi %div3A_181, %sub3A_201 : i32
    %select_n3A_203 = arith.select %and3A_200, %sub3A_202, %div3A_181 : i32
    %while3A_204 = arith.constant 0 : i32
    %while3A_205 = arith.constant 0 : i32
    %while3A_206 = arith.subi %select_n3A_203, %while3A_205 : i32
    %while3A_207 = arith.addi %while3A_205, %while3A_206 : i32
    %while3A_208 = arith.constant 1 : i32
    %while3A_209 = arith.divsi %while3A_206, %while3A_208 : i32
    %while3A_210 = arith.muli %while3A_209, %while3A_208 : i32
    %while3A_211 = arith.addi %while3A_205, %while3A_210 : i32
    %while3A_212 = arith.constant 1 : i32
    scf.for %while3A_446 = %while3A_205 to %while3A_211 step %while3A_212  : i32 {
      %mul3A_447 = arith.constant 4 : i32
      %mul3A_448 = arith.muli %while3A_446, %mul3A_447 : i32
      %add3A_449 = arith.constant 0 : i32
      %add3A_450 = arith.addi %mul3A_448, %add3A_449 : i32
      %lt3A = arith.cmpi slt, %add3A_450, %min3A_155 : i32
      %convert_element_type3A_451 = arith.extui %lt3A : i1 to i32
      %cond3A_452 = arith.constant 0 : i32
      %cond3A_453 = arith.cmpi ne, %convert_element_type3A_451, %cond3A_452 : i32
      scf.if %cond3A_453 {
        %dma_wait3A = arith.constant 0 : i32
        %dma_wait3A_478 = tpu.memref_slice %arg7[%add3A_450, %dma_wait3A] : memref<81x128xi32, #tpu.memory_space<vmem>> -> memref<1x128xi32, #tpu.memory_space<vmem>>
        %dma_wait3A_479 = tpu.memref_squeeze %dma_wait3A_478 : memref<1x128xi32, #tpu.memory_space<vmem>> -> memref<128xi32, #tpu.memory_space<vmem>>
        %dma_wait3A_480 = arith.constant 0 : i32
        %dma_wait3A_481 = arith.constant 0 : i32
        %dma_wait3A_482 = tpu.memref_slice %arg5[%dma_wait3A_480, %dma_wait3A_481] : memref<10000x128xf32, #tpu.memory_space<hbm>> -> memref<10000x128xf32, #tpu.memory_space<hbm>>
        tpu.wait_indirect_dma semaphore(%arg16 : memref<!tpu.dma_semaphore, #tpu.memory_space<semaphore_mem>>) src(%dma_wait3A_482 : memref<10000x128xf32, #tpu.memory_space<hbm>>) dst(%arg9 : memref<128x128xf32, #tpu.memory_space<vmem>>)
        "tpu.region"() ({
          %run_scoped3A = tpu.sem_alloc : memref<!tpu.dma_semaphore, #tpu.memory_space<semaphore_mem>>
          %dma_start3A = arith.constant 0 : i32
          %dma_start3A_489 = tpu.memref_slice %arg8[%add3A_450, %dma_start3A] : memref<81x128xi32, #tpu.memory_space<vmem>> -> memref<1x128xi32, #tpu.memory_space<vmem>>
          %dma_start3A_490 = tpu.memref_squeeze %dma_start3A_489 : memref<1x128xi32, #tpu.memory_space<vmem>> -> memref<128xi32, #tpu.memory_space<vmem>>
          %dma_start3A_491 = arith.constant 0 : i32
          %dma_start3A_492 = arith.constant 0 : i32
          %dma_start3A_493 = tpu.memref_slice %arg15[%dma_start3A_491, %dma_start3A_492] : memref<2560x128xf32, #tpu.memory_space<vmem_shared>> -> memref<2560x128xf32, #tpu.memory_space<vmem_shared>>
          %dma_start3A_494 = arith.constant -1 : i32
          tpu.enqueue_indirect_dma source(%arg9 : memref<128x128xf32, #tpu.memory_space<vmem>>) target(%dma_start3A_493 : memref<2560x128xf32, #tpu.memory_space<vmem_shared>>) offsets(%dma_start3A_490 : memref<128xi32, #tpu.memory_space<vmem>>) offset_filter(%dma_start3A_494) semaphore(%run_scoped3A : memref<!tpu.dma_semaphore, #tpu.memory_space<semaphore_mem>>) {add = true}
          %dma_wait3A_495 = arith.constant 0 : i32
          %dma_wait3A_496 = tpu.memref_slice %arg8[%add3A_450, %dma_wait3A_495] : memref<81x128xi32, #tpu.memory_space<vmem>> -> memref<1x128xi32, #tpu.memory_space<vmem>>
          %dma_wait3A_497 = tpu.memref_squeeze %dma_wait3A_496 : memref<1x128xi32, #tpu.memory_space<vmem>> -> memref<128xi32, #tpu.memory_space<vmem>>
          %dma_wait3A_498 = arith.constant 0 : i32
          %dma_wait3A_499 = arith.constant 0 : i32
          %dma_wait3A_500 = tpu.memref_slice %arg15[%dma_wait3A_498, %dma_wait3A_499] : memref<2560x128xf32, #tpu.memory_space<vmem_shared>> -> memref<2560x128xf32, #tpu.memory_space<vmem_shared>>
          tpu.wait_indirect_dma semaphore(%run_scoped3A : memref<!tpu.dma_semaphore, #tpu.memory_space<semaphore_mem>>) src(%arg9 : memref<128x128xf32, #tpu.memory_space<vmem>>) dst(%dma_wait3A_500 : memref<2560x128xf32, #tpu.memory_space<vmem_shared>>)
          tpu.yield
        }) : () -> ()
        %add3A_483 = arith.constant 4 : i32
        %add3A_484 = arith.addi %add3A_450, %add3A_483 : i32
        %lt3A_485 = arith.cmpi slt, %add3A_484, %min3A_155 : i32
        %convert_element_type3A_486 = arith.extui %lt3A_485 : i1 to i32
        %cond3A_487 = arith.constant 0 : i32
        %cond3A_488 = arith.cmpi ne, %convert_element_type3A_486, %cond3A_487 : i32
        scf.if %cond3A_488 {
          %add3A_489 = arith.constant 4 : i32
          %add3A_490 = arith.addi %add3A_450, %add3A_489 : i32
          %dma_start3A = arith.constant 0 : i32
          %dma_start3A_491 = tpu.memref_slice %arg7[%add3A_490, %dma_start3A] : memref<81x128xi32, #tpu.memory_space<vmem>> -> memref<1x128xi32, #tpu.memory_space<vmem>>
          %dma_start3A_492 = tpu.memref_squeeze %dma_start3A_491 : memref<1x128xi32, #tpu.memory_space<vmem>> -> memref<128xi32, #tpu.memory_space<vmem>>
          %dma_start3A_493 = arith.constant 0 : i32
          %dma_start3A_494 = arith.constant 0 : i32
          %dma_start3A_495 = tpu.memref_slice %arg5[%dma_start3A_493, %dma_start3A_494] : memref<10000x128xf32, #tpu.memory_space<hbm>> -> memref<10000x128xf32, #tpu.memory_space<hbm>>
          %dma_start3A_496 = arith.constant -1 : i32
          tpu.enqueue_indirect_dma source(%dma_start3A_495 : memref<10000x128xf32, #tpu.memory_space<hbm>>) target(%arg9 : memref<128x128xf32, #tpu.memory_space<vmem>>) offsets(%dma_start3A_492 : memref<128xi32, #tpu.memory_space<vmem>>) offset_filter(%dma_start3A_496) semaphore(%arg16 : memref<!tpu.dma_semaphore, #tpu.memory_space<semaphore_mem>>)
        } else {
        }
      } else {
      }
      %mul3A_454 = arith.constant 4 : i32
      %mul3A_455 = arith.muli %while3A_446, %mul3A_454 : i32
      %add3A_456 = arith.constant 1 : i32
      %add3A_457 = arith.addi %mul3A_455, %add3A_456 : i32
      %lt3A_458 = arith.cmpi slt, %add3A_457, %min3A_155 : i32
      %convert_element_type3A_459 = arith.extui %lt3A_458 : i1 to i32
      %cond3A_460 = arith.constant 0 : i32
      %cond3A_461 = arith.cmpi ne, %convert_element_type3A_459, %cond3A_460 : i32
      scf.if %cond3A_461 {
        %dma_wait3A = arith.constant 0 : i32
        %dma_wait3A_478 = tpu.memref_slice %arg7[%add3A_457, %dma_wait3A] : memref<81x128xi32, #tpu.memory_space<vmem>> -> memref<1x128xi32, #tpu.memory_space<vmem>>
        %dma_wait3A_479 = tpu.memref_squeeze %dma_wait3A_478 : memref<1x128xi32, #tpu.memory_space<vmem>> -> memref<128xi32, #tpu.memory_space<vmem>>
        %dma_wait3A_480 = arith.constant 0 : i32
        %dma_wait3A_481 = arith.constant 0 : i32
        %dma_wait3A_482 = tpu.memref_slice %arg5[%dma_wait3A_480, %dma_wait3A_481] : memref<10000x128xf32, #tpu.memory_space<hbm>> -> memref<10000x128xf32, #tpu.memory_space<hbm>>
        tpu.wait_indirect_dma semaphore(%arg17 : memref<!tpu.dma_semaphore, #tpu.memory_space<semaphore_mem>>) src(%dma_wait3A_482 : memref<10000x128xf32, #tpu.memory_space<hbm>>) dst(%arg10 : memref<128x128xf32, #tpu.memory_space<vmem>>)
        "tpu.region"() ({
          %run_scoped3A = tpu.sem_alloc : memref<!tpu.dma_semaphore, #tpu.memory_space<semaphore_mem>>
          %dma_start3A = arith.constant 0 : i32
          %dma_start3A_489 = tpu.memref_slice %arg8[%add3A_457, %dma_start3A] : memref<81x128xi32, #tpu.memory_space<vmem>> -> memref<1x128xi32, #tpu.memory_space<vmem>>
          %dma_start3A_490 = tpu.memref_squeeze %dma_start3A_489 : memref<1x128xi32, #tpu.memory_space<vmem>> -> memref<128xi32, #tpu.memory_space<vmem>>
          %dma_start3A_491 = arith.constant 0 : i32
          %dma_start3A_492 = arith.constant 0 : i32
          %dma_start3A_493 = tpu.memref_slice %arg15[%dma_start3A_491, %dma_start3A_492] : memref<2560x128xf32, #tpu.memory_space<vmem_shared>> -> memref<2560x128xf32, #tpu.memory_space<vmem_shared>>
          %dma_start3A_494 = arith.constant -1 : i32
          tpu.enqueue_indirect_dma source(%arg10 : memref<128x128xf32, #tpu.memory_space<vmem>>) target(%dma_start3A_493 : memref<2560x128xf32, #tpu.memory_space<vmem_shared>>) offsets(%dma_start3A_490 : memref<128xi32, #tpu.memory_space<vmem>>) offset_filter(%dma_start3A_494) semaphore(%run_scoped3A : memref<!tpu.dma_semaphore, #tpu.memory_space<semaphore_mem>>) {add = true}
          %dma_wait3A_495 = arith.constant 0 : i32
          %dma_wait3A_496 = tpu.memref_slice %arg8[%add3A_457, %dma_wait3A_495] : memref<81x128xi32, #tpu.memory_space<vmem>> -> memref<1x128xi32, #tpu.memory_space<vmem>>
          %dma_wait3A_497 = tpu.memref_squeeze %dma_wait3A_496 : memref<1x128xi32, #tpu.memory_space<vmem>> -> memref<128xi32, #tpu.memory_space<vmem>>
          %dma_wait3A_498 = arith.constant 0 : i32
          %dma_wait3A_499 = arith.constant 0 : i32
          %dma_wait3A_500 = tpu.memref_slice %arg15[%dma_wait3A_498, %dma_wait3A_499] : memref<2560x128xf32, #tpu.memory_space<vmem_shared>> -> memref<2560x128xf32, #tpu.memory_space<vmem_shared>>
          tpu.wait_indirect_dma semaphore(%run_scoped3A : memref<!tpu.dma_semaphore, #tpu.memory_space<semaphore_mem>>) src(%arg10 : memref<128x128xf32, #tpu.memory_space<vmem>>) dst(%dma_wait3A_500 : memref<2560x128xf32, #tpu.memory_space<vmem_shared>>)
          tpu.yield
        }) : () -> ()
        %add3A_483 = arith.constant 4 : i32
        %add3A_484 = arith.addi %add3A_457, %add3A_483 : i32
        %lt3A_485 = arith.cmpi slt, %add3A_484, %min3A_155 : i32
        %convert_element_type3A_486 = arith.extui %lt3A_485 : i1 to i32
        %cond3A_487 = arith.constant 0 : i32
        %cond3A_488 = arith.cmpi ne, %convert_element_type3A_486, %cond3A_487 : i32
        scf.if %cond3A_488 {
          %add3A_489 = arith.constant 4 : i32
          %add3A_490 = arith.addi %add3A_457, %add3A_489 : i32
          %dma_start3A = arith.constant 0 : i32
          %dma_start3A_491 = tpu.memref_slice %arg7[%add3A_490, %dma_start3A] : memref<81x128xi32, #tpu.memory_space<vmem>> -> memref<1x128xi32, #tpu.memory_space<vmem>>
          %dma_start3A_492 = tpu.memref_squeeze %dma_start3A_491 : memref<1x128xi32, #tpu.memory_space<vmem>> -> memref<128xi32, #tpu.memory_space<vmem>>
          %dma_start3A_493 = arith.constant 0 : i32
          %dma_start3A_494 = arith.constant 0 : i32
          %dma_start3A_495 = tpu.memref_slice %arg5[%dma_start3A_493, %dma_start3A_494] : memref<10000x128xf32, #tpu.memory_space<hbm>> -> memref<10000x128xf32, #tpu.memory_space<hbm>>
          %dma_start3A_496 = arith.constant -1 : i32
          tpu.enqueue_indirect_dma source(%dma_start3A_495 : memref<10000x128xf32, #tpu.memory_space<hbm>>) target(%arg10 : memref<128x128xf32, #tpu.memory_space<vmem>>) offsets(%dma_start3A_492 : memref<128xi32, #tpu.memory_space<vmem>>) offset_filter(%dma_start3A_496) semaphore(%arg17 : memref<!tpu.dma_semaphore, #tpu.memory_space<semaphore_mem>>)
        } else {
        }
      } else {
      }
      %mul3A_462 = arith.constant 4 : i32
      %mul3A_463 = arith.muli %while3A_446, %mul3A_462 : i32
      %add3A_464 = arith.constant 2 : i32
      %add3A_465 = arith.addi %mul3A_463, %add3A_464 : i32
      %lt3A_466 = arith.cmpi slt, %add3A_465, %min3A_155 : i32
      %convert_element_type3A_467 = arith.extui %lt3A_466 : i1 to i32
      %cond3A_468 = arith.constant 0 : i32
      %cond3A_469 = arith.cmpi ne, %convert_element_type3A_467, %cond3A_468 : i32
      scf.if %cond3A_469 {
        %dma_wait3A = arith.constant 0 : i32
        %dma_wait3A_478 = tpu.memref_slice %arg7[%add3A_465, %dma_wait3A] : memref<81x128xi32, #tpu.memory_space<vmem>> -> memref<1x128xi32, #tpu.memory_space<vmem>>
        %dma_wait3A_479 = tpu.memref_squeeze %dma_wait3A_478 : memref<1x128xi32, #tpu.memory_space<vmem>> -> memref<128xi32, #tpu.memory_space<vmem>>
        %dma_wait3A_480 = arith.constant 0 : i32
        %dma_wait3A_481 = arith.constant 0 : i32
        %dma_wait3A_482 = tpu.memref_slice %arg5[%dma_wait3A_480, %dma_wait3A_481] : memref<10000x128xf32, #tpu.memory_space<hbm>> -> memref<10000x128xf32, #tpu.memory_space<hbm>>
        tpu.wait_indirect_dma semaphore(%arg18 : memref<!tpu.dma_semaphore, #tpu.memory_space<semaphore_mem>>) src(%dma_wait3A_482 : memref<10000x128xf32, #tpu.memory_space<hbm>>) dst(%arg11 : memref<128x128xf32, #tpu.memory_space<vmem>>)
        "tpu.region"() ({
          %run_scoped3A = tpu.sem_alloc : memref<!tpu.dma_semaphore, #tpu.memory_space<semaphore_mem>>
          %dma_start3A = arith.constant 0 : i32
          %dma_start3A_489 = tpu.memref_slice %arg8[%add3A_465, %dma_start3A] : memref<81x128xi32, #tpu.memory_space<vmem>> -> memref<1x128xi32, #tpu.memory_space<vmem>>
          %dma_start3A_490 = tpu.memref_squeeze %dma_start3A_489 : memref<1x128xi32, #tpu.memory_space<vmem>> -> memref<128xi32, #tpu.memory_space<vmem>>
          %dma_start3A_491 = arith.constant 0 : i32
          %dma_start3A_492 = arith.constant 0 : i32
          %dma_start3A_493 = tpu.memref_slice %arg15[%dma_start3A_491, %dma_start3A_492] : memref<2560x128xf32, #tpu.memory_space<vmem_shared>> -> memref<2560x128xf32, #tpu.memory_space<vmem_shared>>
          %dma_start3A_494 = arith.constant -1 : i32
          tpu.enqueue_indirect_dma source(%arg11 : memref<128x128xf32, #tpu.memory_space<vmem>>) target(%dma_start3A_493 : memref<2560x128xf32, #tpu.memory_space<vmem_shared>>) offsets(%dma_start3A_490 : memref<128xi32, #tpu.memory_space<vmem>>) offset_filter(%dma_start3A_494) semaphore(%run_scoped3A : memref<!tpu.dma_semaphore, #tpu.memory_space<semaphore_mem>>) {add = true}
          %dma_wait3A_495 = arith.constant 0 : i32
          %dma_wait3A_496 = tpu.memref_slice %arg8[%add3A_465, %dma_wait3A_495] : memref<81x128xi32, #tpu.memory_space<vmem>> -> memref<1x128xi32, #tpu.memory_space<vmem>>
          %dma_wait3A_497 = tpu.memref_squeeze %dma_wait3A_496 : memref<1x128xi32, #tpu.memory_space<vmem>> -> memref<128xi32, #tpu.memory_space<vmem>>
          %dma_wait3A_498 = arith.constant 0 : i32
          %dma_wait3A_499 = arith.constant 0 : i32
          %dma_wait3A_500 = tpu.memref_slice %arg15[%dma_wait3A_498, %dma_wait3A_499] : memref<2560x128xf32, #tpu.memory_space<vmem_shared>> -> memref<2560x128xf32, #tpu.memory_space<vmem_shared>>
          tpu.wait_indirect_dma semaphore(%run_scoped3A : memref<!tpu.dma_semaphore, #tpu.memory_space<semaphore_mem>>) src(%arg11 : memref<128x128xf32, #tpu.memory_space<vmem>>) dst(%dma_wait3A_500 : memref<2560x128xf32, #tpu.memory_space<vmem_shared>>)
          tpu.yield
        }) : () -> ()
        %add3A_483 = arith.constant 4 : i32
        %add3A_484 = arith.addi %add3A_465, %add3A_483 : i32
        %lt3A_485 = arith.cmpi slt, %add3A_484, %min3A_155 : i32
        %convert_element_type3A_486 = arith.extui %lt3A_485 : i1 to i32
        %cond3A_487 = arith.constant 0 : i32
        %cond3A_488 = arith.cmpi ne, %convert_element_type3A_486, %cond3A_487 : i32
        scf.if %cond3A_488 {
          %add3A_489 = arith.constant 4 : i32
          %add3A_490 = arith.addi %add3A_465, %add3A_489 : i32
          %dma_start3A = arith.constant 0 : i32
          %dma_start3A_491 = tpu.memref_slice %arg7[%add3A_490, %dma_start3A] : memref<81x128xi32, #tpu.memory_space<vmem>> -> memref<1x128xi32, #tpu.memory_space<vmem>>
          %dma_start3A_492 = tpu.memref_squeeze %dma_start3A_491 : memref<1x128xi32, #tpu.memory_space<vmem>> -> memref<128xi32, #tpu.memory_space<vmem>>
          %dma_start3A_493 = arith.constant 0 : i32
          %dma_start3A_494 = arith.constant 0 : i32
          %dma_start3A_495 = tpu.memref_slice %arg5[%dma_start3A_493, %dma_start3A_494] : memref<10000x128xf32, #tpu.memory_space<hbm>> -> memref<10000x128xf32, #tpu.memory_space<hbm>>
          %dma_start3A_496 = arith.constant -1 : i32
          tpu.enqueue_indirect_dma source(%dma_start3A_495 : memref<10000x128xf32, #tpu.memory_space<hbm>>) target(%arg11 : memref<128x128xf32, #tpu.memory_space<vmem>>) offsets(%dma_start3A_492 : memref<128xi32, #tpu.memory_space<vmem>>) offset_filter(%dma_start3A_496) semaphore(%arg18 : memref<!tpu.dma_semaphore, #tpu.memory_space<semaphore_mem>>)
        } else {
        }
      } else {
      }
      %mul3A_470 = arith.constant 4 : i32
      %mul3A_471 = arith.muli %while3A_446, %mul3A_470 : i32
      %add3A_472 = arith.constant 3 : i32
      %add3A_473 = arith.addi %mul3A_471, %add3A_472 : i32
      %lt3A_474 = arith.cmpi slt, %add3A_473, %min3A_155 : i32
      %convert_element_type3A_475 = arith.extui %lt3A_474 : i1 to i32
      %cond3A_476 = arith.constant 0 : i32
      %cond3A_477 = arith.cmpi ne, %convert_element_type3A_475, %cond3A_476 : i32
      scf.if %cond3A_477 {
        %dma_wait3A = arith.constant 0 : i32
        %dma_wait3A_478 = tpu.memref_slice %arg7[%add3A_473, %dma_wait3A] : memref<81x128xi32, #tpu.memory_space<vmem>> -> memref<1x128xi32, #tpu.memory_space<vmem>>
        %dma_wait3A_479 = tpu.memref_squeeze %dma_wait3A_478 : memref<1x128xi32, #tpu.memory_space<vmem>> -> memref<128xi32, #tpu.memory_space<vmem>>
        %dma_wait3A_480 = arith.constant 0 : i32
        %dma_wait3A_481 = arith.constant 0 : i32
        %dma_wait3A_482 = tpu.memref_slice %arg5[%dma_wait3A_480, %dma_wait3A_481] : memref<10000x128xf32, #tpu.memory_space<hbm>> -> memref<10000x128xf32, #tpu.memory_space<hbm>>
        tpu.wait_indirect_dma semaphore(%arg19 : memref<!tpu.dma_semaphore, #tpu.memory_space<semaphore_mem>>) src(%dma_wait3A_482 : memref<10000x128xf32, #tpu.memory_space<hbm>>) dst(%arg12 : memref<128x128xf32, #tpu.memory_space<vmem>>)
        "tpu.region"() ({
          %run_scoped3A = tpu.sem_alloc : memref<!tpu.dma_semaphore, #tpu.memory_space<semaphore_mem>>
          %dma_start3A = arith.constant 0 : i32
          %dma_start3A_489 = tpu.memref_slice %arg8[%add3A_473, %dma_start3A] : memref<81x128xi32, #tpu.memory_space<vmem>> -> memref<1x128xi32, #tpu.memory_space<vmem>>
          %dma_start3A_490 = tpu.memref_squeeze %dma_start3A_489 : memref<1x128xi32, #tpu.memory_space<vmem>> -> memref<128xi32, #tpu.memory_space<vmem>>
          %dma_start3A_491 = arith.constant 0 : i32
          %dma_start3A_492 = arith.constant 0 : i32
          %dma_start3A_493 = tpu.memref_slice %arg15[%dma_start3A_491, %dma_start3A_492] : memref<2560x128xf32, #tpu.memory_space<vmem_shared>> -> memref<2560x128xf32, #tpu.memory_space<vmem_shared>>
          %dma_start3A_494 = arith.constant -1 : i32
          tpu.enqueue_indirect_dma source(%arg12 : memref<128x128xf32, #tpu.memory_space<vmem>>) target(%dma_start3A_493 : memref<2560x128xf32, #tpu.memory_space<vmem_shared>>) offsets(%dma_start3A_490 : memref<128xi32, #tpu.memory_space<vmem>>) offset_filter(%dma_start3A_494) semaphore(%run_scoped3A : memref<!tpu.dma_semaphore, #tpu.memory_space<semaphore_mem>>) {add = true}
          %dma_wait3A_495 = arith.constant 0 : i32
          %dma_wait3A_496 = tpu.memref_slice %arg8[%add3A_473, %dma_wait3A_495] : memref<81x128xi32, #tpu.memory_space<vmem>> -> memref<1x128xi32, #tpu.memory_space<vmem>>
          %dma_wait3A_497 = tpu.memref_squeeze %dma_wait3A_496 : memref<1x128xi32, #tpu.memory_space<vmem>> -> memref<128xi32, #tpu.memory_space<vmem>>
          %dma_wait3A_498 = arith.constant 0 : i32
          %dma_wait3A_499 = arith.constant 0 : i32
          %dma_wait3A_500 = tpu.memref_slice %arg15[%dma_wait3A_498, %dma_wait3A_499] : memref<2560x128xf32, #tpu.memory_space<vmem_shared>> -> memref<2560x128xf32, #tpu.memory_space<vmem_shared>>
          tpu.wait_indirect_dma semaphore(%run_scoped3A : memref<!tpu.dma_semaphore, #tpu.memory_space<semaphore_mem>>) src(%arg12 : memref<128x128xf32, #tpu.memory_space<vmem>>) dst(%dma_wait3A_500 : memref<2560x128xf32, #tpu.memory_space<vmem_shared>>)
          tpu.yield
        }) : () -> ()
        %add3A_483 = arith.constant 4 : i32
        %add3A_484 = arith.addi %add3A_473, %add3A_483 : i32
        %lt3A_485 = arith.cmpi slt, %add3A_484, %min3A_155 : i32
        %convert_element_type3A_486 = arith.extui %lt3A_485 : i1 to i32
        %cond3A_487 = arith.constant 0 : i32
        %cond3A_488 = arith.cmpi ne, %convert_element_type3A_486, %cond3A_487 : i32
        scf.if %cond3A_488 {
          %add3A_489 = arith.constant 4 : i32
          %add3A_490 = arith.addi %add3A_473, %add3A_489 : i32
          %dma_start3A = arith.constant 0 : i32
          %dma_start3A_491 = tpu.memref_slice %arg7[%add3A_490, %dma_start3A] : memref<81x128xi32, #tpu.memory_space<vmem>> -> memref<1x128xi32, #tpu.memory_space<vmem>>
          %dma_start3A_492 = tpu.memref_squeeze %dma_start3A_491 : memref<1x128xi32, #tpu.memory_space<vmem>> -> memref<128xi32, #tpu.memory_space<vmem>>
          %dma_start3A_493 = arith.constant 0 : i32
          %dma_start3A_494 = arith.constant 0 : i32
          %dma_start3A_495 = tpu.memref_slice %arg5[%dma_start3A_493, %dma_start3A_494] : memref<10000x128xf32, #tpu.memory_space<hbm>> -> memref<10000x128xf32, #tpu.memory_space<hbm>>
          %dma_start3A_496 = arith.constant -1 : i32
          tpu.enqueue_indirect_dma source(%dma_start3A_495 : memref<10000x128xf32, #tpu.memory_space<hbm>>) target(%arg12 : memref<128x128xf32, #tpu.memory_space<vmem>>) offsets(%dma_start3A_492 : memref<128xi32, #tpu.memory_space<vmem>>) offset_filter(%dma_start3A_496) semaphore(%arg19 : memref<!tpu.dma_semaphore, #tpu.memory_space<semaphore_mem>>)
        } else {
        }
      } else {
      }
    }
    %while3A_213 = arith.constant 1 : i32
    scf.for %while3A_446 = %while3A_211 to %while3A_207 step %while3A_213  : i32 {
      %mul3A_447 = arith.constant 4 : i32
      %mul3A_448 = arith.muli %while3A_446, %mul3A_447 : i32
      %add3A_449 = arith.constant 0 : i32
      %add3A_450 = arith.addi %mul3A_448, %add3A_449 : i32
      %lt3A = arith.cmpi slt, %add3A_450, %min3A_155 : i32
      %convert_element_type3A_451 = arith.extui %lt3A : i1 to i32
      %cond3A_452 = arith.constant 0 : i32
      %cond3A_453 = arith.cmpi ne, %convert_element_type3A_451, %cond3A_452 : i32
      scf.if %cond3A_453 {
        %dma_wait3A = arith.constant 0 : i32
        %dma_wait3A_478 = tpu.memref_slice %arg7[%add3A_450, %dma_wait3A] : memref<81x128xi32, #tpu.memory_space<vmem>> -> memref<1x128xi32, #tpu.memory_space<vmem>>
        %dma_wait3A_479 = tpu.memref_squeeze %dma_wait3A_478 : memref<1x128xi32, #tpu.memory_space<vmem>> -> memref<128xi32, #tpu.memory_space<vmem>>
        %dma_wait3A_480 = arith.constant 0 : i32
        %dma_wait3A_481 = arith.constant 0 : i32
        %dma_wait3A_482 = tpu.memref_slice %arg5[%dma_wait3A_480, %dma_wait3A_481] : memref<10000x128xf32, #tpu.memory_space<hbm>> -> memref<10000x128xf32, #tpu.memory_space<hbm>>
        tpu.wait_indirect_dma semaphore(%arg16 : memref<!tpu.dma_semaphore, #tpu.memory_space<semaphore_mem>>) src(%dma_wait3A_482 : memref<10000x128xf32, #tpu.memory_space<hbm>>) dst(%arg9 : memref<128x128xf32, #tpu.memory_space<vmem>>)
        "tpu.region"() ({
          %run_scoped3A = tpu.sem_alloc : memref<!tpu.dma_semaphore, #tpu.memory_space<semaphore_mem>>
          %dma_start3A = arith.constant 0 : i32
          %dma_start3A_489 = tpu.memref_slice %arg8[%add3A_450, %dma_start3A] : memref<81x128xi32, #tpu.memory_space<vmem>> -> memref<1x128xi32, #tpu.memory_space<vmem>>
          %dma_start3A_490 = tpu.memref_squeeze %dma_start3A_489 : memref<1x128xi32, #tpu.memory_space<vmem>> -> memref<128xi32, #tpu.memory_space<vmem>>
          %dma_start3A_491 = arith.constant 0 : i32
          %dma_start3A_492 = arith.constant 0 : i32
          %dma_start3A_493 = tpu.memref_slice %arg15[%dma_start3A_491, %dma_start3A_492] : memref<2560x128xf32, #tpu.memory_space<vmem_shared>> -> memref<2560x128xf32, #tpu.memory_space<vmem_shared>>
          %dma_start3A_494 = arith.constant -1 : i32
          tpu.enqueue_indirect_dma source(%arg9 : memref<128x128xf32, #tpu.memory_space<vmem>>) target(%dma_start3A_493 : memref<2560x128xf32, #tpu.memory_space<vmem_shared>>) offsets(%dma_start3A_490 : memref<128xi32, #tpu.memory_space<vmem>>) offset_filter(%dma_start3A_494) semaphore(%run_scoped3A : memref<!tpu.dma_semaphore, #tpu.memory_space<semaphore_mem>>) {add = true}
          %dma_wait3A_495 = arith.constant 0 : i32
          %dma_wait3A_496 = tpu.memref_slice %arg8[%add3A_450, %dma_wait3A_495] : memref<81x128xi32, #tpu.memory_space<vmem>> -> memref<1x128xi32, #tpu.memory_space<vmem>>
          %dma_wait3A_497 = tpu.memref_squeeze %dma_wait3A_496 : memref<1x128xi32, #tpu.memory_space<vmem>> -> memref<128xi32, #tpu.memory_space<vmem>>
          %dma_wait3A_498 = arith.constant 0 : i32
          %dma_wait3A_499 = arith.constant 0 : i32
          %dma_wait3A_500 = tpu.memref_slice %arg15[%dma_wait3A_498, %dma_wait3A_499] : memref<2560x128xf32, #tpu.memory_space<vmem_shared>> -> memref<2560x128xf32, #tpu.memory_space<vmem_shared>>
          tpu.wait_indirect_dma semaphore(%run_scoped3A : memref<!tpu.dma_semaphore, #tpu.memory_space<semaphore_mem>>) src(%arg9 : memref<128x128xf32, #tpu.memory_space<vmem>>) dst(%dma_wait3A_500 : memref<2560x128xf32, #tpu.memory_space<vmem_shared>>)
          tpu.yield
        }) : () -> ()
        %add3A_483 = arith.constant 4 : i32
        %add3A_484 = arith.addi %add3A_450, %add3A_483 : i32
        %lt3A_485 = arith.cmpi slt, %add3A_484, %min3A_155 : i32
        %convert_element_type3A_486 = arith.extui %lt3A_485 : i1 to i32
        %cond3A_487 = arith.constant 0 : i32
        %cond3A_488 = arith.cmpi ne, %convert_element_type3A_486, %cond3A_487 : i32
        scf.if %cond3A_488 {
          %add3A_489 = arith.constant 4 : i32
          %add3A_490 = arith.addi %add3A_450, %add3A_489 : i32
          %dma_start3A = arith.constant 0 : i32
          %dma_start3A_491 = tpu.memref_slice %arg7[%add3A_490, %dma_start3A] : memref<81x128xi32, #tpu.memory_space<vmem>> -> memref<1x128xi32, #tpu.memory_space<vmem>>
          %dma_start3A_492 = tpu.memref_squeeze %dma_start3A_491 : memref<1x128xi32, #tpu.memory_space<vmem>> -> memref<128xi32, #tpu.memory_space<vmem>>
          %dma_start3A_493 = arith.constant 0 : i32
          %dma_start3A_494 = arith.constant 0 : i32
          %dma_start3A_495 = tpu.memref_slice %arg5[%dma_start3A_493, %dma_start3A_494] : memref<10000x128xf32, #tpu.memory_space<hbm>> -> memref<10000x128xf32, #tpu.memory_space<hbm>>
          %dma_start3A_496 = arith.constant -1 : i32
          tpu.enqueue_indirect_dma source(%dma_start3A_495 : memref<10000x128xf32, #tpu.memory_space<hbm>>) target(%arg9 : memref<128x128xf32, #tpu.memory_space<vmem>>) offsets(%dma_start3A_492 : memref<128xi32, #tpu.memory_space<vmem>>) offset_filter(%dma_start3A_496) semaphore(%arg16 : memref<!tpu.dma_semaphore, #tpu.memory_space<semaphore_mem>>)
        } else {
        }
      } else {
      }
      %mul3A_454 = arith.constant 4 : i32
      %mul3A_455 = arith.muli %while3A_446, %mul3A_454 : i32
      %add3A_456 = arith.constant 1 : i32
      %add3A_457 = arith.addi %mul3A_455, %add3A_456 : i32
      %lt3A_458 = arith.cmpi slt, %add3A_457, %min3A_155 : i32
      %convert_element_type3A_459 = arith.extui %lt3A_458 : i1 to i32
      %cond3A_460 = arith.constant 0 : i32
      %cond3A_461 = arith.cmpi ne, %convert_element_type3A_459, %cond3A_460 : i32
      scf.if %cond3A_461 {
        %dma_wait3A = arith.constant 0 : i32
        %dma_wait3A_478 = tpu.memref_slice %arg7[%add3A_457, %dma_wait3A] : memref<81x128xi32, #tpu.memory_space<vmem>> -> memref<1x128xi32, #tpu.memory_space<vmem>>
        %dma_wait3A_479 = tpu.memref_squeeze %dma_wait3A_478 : memref<1x128xi32, #tpu.memory_space<vmem>> -> memref<128xi32, #tpu.memory_space<vmem>>
        %dma_wait3A_480 = arith.constant 0 : i32
        %dma_wait3A_481 = arith.constant 0 : i32
        %dma_wait3A_482 = tpu.memref_slice %arg5[%dma_wait3A_480, %dma_wait3A_481] : memref<10000x128xf32, #tpu.memory_space<hbm>> -> memref<10000x128xf32, #tpu.memory_space<hbm>>
        tpu.wait_indirect_dma semaphore(%arg17 : memref<!tpu.dma_semaphore, #tpu.memory_space<semaphore_mem>>) src(%dma_wait3A_482 : memref<10000x128xf32, #tpu.memory_space<hbm>>) dst(%arg10 : memref<128x128xf32, #tpu.memory_space<vmem>>)
        "tpu.region"() ({
          %run_scoped3A = tpu.sem_alloc : memref<!tpu.dma_semaphore, #tpu.memory_space<semaphore_mem>>
          %dma_start3A = arith.constant 0 : i32
          %dma_start3A_489 = tpu.memref_slice %arg8[%add3A_457, %dma_start3A] : memref<81x128xi32, #tpu.memory_space<vmem>> -> memref<1x128xi32, #tpu.memory_space<vmem>>
          %dma_start3A_490 = tpu.memref_squeeze %dma_start3A_489 : memref<1x128xi32, #tpu.memory_space<vmem>> -> memref<128xi32, #tpu.memory_space<vmem>>
          %dma_start3A_491 = arith.constant 0 : i32
          %dma_start3A_492 = arith.constant 0 : i32
          %dma_start3A_493 = tpu.memref_slice %arg15[%dma_start3A_491, %dma_start3A_492] : memref<2560x128xf32, #tpu.memory_space<vmem_shared>> -> memref<2560x128xf32, #tpu.memory_space<vmem_shared>>
          %dma_start3A_494 = arith.constant -1 : i32
          tpu.enqueue_indirect_dma source(%arg10 : memref<128x128xf32, #tpu.memory_space<vmem>>) target(%dma_start3A_493 : memref<2560x128xf32, #tpu.memory_space<vmem_shared>>) offsets(%dma_start3A_490 : memref<128xi32, #tpu.memory_space<vmem>>) offset_filter(%dma_start3A_494) semaphore(%run_scoped3A : memref<!tpu.dma_semaphore, #tpu.memory_space<semaphore_mem>>) {add = true}
          %dma_wait3A_495 = arith.constant 0 : i32
          %dma_wait3A_496 = tpu.memref_slice %arg8[%add3A_457, %dma_wait3A_495] : memref<81x128xi32, #tpu.memory_space<vmem>> -> memref<1x128xi32, #tpu.memory_space<vmem>>
          %dma_wait3A_497 = tpu.memref_squeeze %dma_wait3A_496 : memref<1x128xi32, #tpu.memory_space<vmem>> -> memref<128xi32, #tpu.memory_space<vmem>>
          %dma_wait3A_498 = arith.constant 0 : i32
          %dma_wait3A_499 = arith.constant 0 : i32
          %dma_wait3A_500 = tpu.memref_slice %arg15[%dma_wait3A_498, %dma_wait3A_499] : memref<2560x128xf32, #tpu.memory_space<vmem_shared>> -> memref<2560x128xf32, #tpu.memory_space<vmem_shared>>
          tpu.wait_indirect_dma semaphore(%run_scoped3A : memref<!tpu.dma_semaphore, #tpu.memory_space<semaphore_mem>>) src(%arg10 : memref<128x128xf32, #tpu.memory_space<vmem>>) dst(%dma_wait3A_500 : memref<2560x128xf32, #tpu.memory_space<vmem_shared>>)
          tpu.yield
        }) : () -> ()
        %add3A_483 = arith.constant 4 : i32
        %add3A_484 = arith.addi %add3A_457, %add3A_483 : i32
        %lt3A_485 = arith.cmpi slt, %add3A_484, %min3A_155 : i32
        %convert_element_type3A_486 = arith.extui %lt3A_485 : i1 to i32
        %cond3A_487 = arith.constant 0 : i32
        %cond3A_488 = arith.cmpi ne, %convert_element_type3A_486, %cond3A_487 : i32
        scf.if %cond3A_488 {
          %add3A_489 = arith.constant 4 : i32
          %add3A_490 = arith.addi %add3A_457, %add3A_489 : i32
          %dma_start3A = arith.constant 0 : i32
          %dma_start3A_491 = tpu.memref_slice %arg7[%add3A_490, %dma_start3A] : memref<81x128xi32, #tpu.memory_space<vmem>> -> memref<1x128xi32, #tpu.memory_space<vmem>>
          %dma_start3A_492 = tpu.memref_squeeze %dma_start3A_491 : memref<1x128xi32, #tpu.memory_space<vmem>> -> memref<128xi32, #tpu.memory_space<vmem>>
          %dma_start3A_493 = arith.constant 0 : i32
          %dma_start3A_494 = arith.constant 0 : i32
          %dma_start3A_495 = tpu.memref_slice %arg5[%dma_start3A_493, %dma_start3A_494] : memref<10000x128xf32, #tpu.memory_space<hbm>> -> memref<10000x128xf32, #tpu.memory_space<hbm>>
          %dma_start3A_496 = arith.constant -1 : i32
          tpu.enqueue_indirect_dma source(%dma_start3A_495 : memref<10000x128xf32, #tpu.memory_space<hbm>>) target(%arg10 : memref<128x128xf32, #tpu.memory_space<vmem>>) offsets(%dma_start3A_492 : memref<128xi32, #tpu.memory_space<vmem>>) offset_filter(%dma_start3A_496) semaphore(%arg17 : memref<!tpu.dma_semaphore, #tpu.memory_space<semaphore_mem>>)
        } else {
        }
      } else {
      }
      %mul3A_462 = arith.constant 4 : i32
      %mul3A_463 = arith.muli %while3A_446, %mul3A_462 : i32
      %add3A_464 = arith.constant 2 : i32
      %add3A_465 = arith.addi %mul3A_463, %add3A_464 : i32
      %lt3A_466 = arith.cmpi slt, %add3A_465, %min3A_155 : i32
      %convert_element_type3A_467 = arith.extui %lt3A_466 : i1 to i32
      %cond3A_468 = arith.constant 0 : i32
      %cond3A_469 = arith.cmpi ne, %convert_element_type3A_467, %cond3A_468 : i32
      scf.if %cond3A_469 {
        %dma_wait3A = arith.constant 0 : i32
        %dma_wait3A_478 = tpu.memref_slice %arg7[%add3A_465, %dma_wait3A] : memref<81x128xi32, #tpu.memory_space<vmem>> -> memref<1x128xi32, #tpu.memory_space<vmem>>
        %dma_wait3A_479 = tpu.memref_squeeze %dma_wait3A_478 : memref<1x128xi32, #tpu.memory_space<vmem>> -> memref<128xi32, #tpu.memory_space<vmem>>
        %dma_wait3A_480 = arith.constant 0 : i32
        %dma_wait3A_481 = arith.constant 0 : i32
        %dma_wait3A_482 = tpu.memref_slice %arg5[%dma_wait3A_480, %dma_wait3A_481] : memref<10000x128xf32, #tpu.memory_space<hbm>> -> memref<10000x128xf32, #tpu.memory_space<hbm>>
        tpu.wait_indirect_dma semaphore(%arg18 : memref<!tpu.dma_semaphore, #tpu.memory_space<semaphore_mem>>) src(%dma_wait3A_482 : memref<10000x128xf32, #tpu.memory_space<hbm>>) dst(%arg11 : memref<128x128xf32, #tpu.memory_space<vmem>>)
        "tpu.region"() ({
          %run_scoped3A = tpu.sem_alloc : memref<!tpu.dma_semaphore, #tpu.memory_space<semaphore_mem>>
          %dma_start3A = arith.constant 0 : i32
          %dma_start3A_489 = tpu.memref_slice %arg8[%add3A_465, %dma_start3A] : memref<81x128xi32, #tpu.memory_space<vmem>> -> memref<1x128xi32, #tpu.memory_space<vmem>>
          %dma_start3A_490 = tpu.memref_squeeze %dma_start3A_489 : memref<1x128xi32, #tpu.memory_space<vmem>> -> memref<128xi32, #tpu.memory_space<vmem>>
          %dma_start3A_491 = arith.constant 0 : i32
          %dma_start3A_492 = arith.constant 0 : i32
          %dma_start3A_493 = tpu.memref_slice %arg15[%dma_start3A_491, %dma_start3A_492] : memref<2560x128xf32, #tpu.memory_space<vmem_shared>> -> memref<2560x128xf32, #tpu.memory_space<vmem_shared>>
          %dma_start3A_494 = arith.constant -1 : i32
          tpu.enqueue_indirect_dma source(%arg11 : memref<128x128xf32, #tpu.memory_space<vmem>>) target(%dma_start3A_493 : memref<2560x128xf32, #tpu.memory_space<vmem_shared>>) offsets(%dma_start3A_490 : memref<128xi32, #tpu.memory_space<vmem>>) offset_filter(%dma_start3A_494) semaphore(%run_scoped3A : memref<!tpu.dma_semaphore, #tpu.memory_space<semaphore_mem>>) {add = true}
          %dma_wait3A_495 = arith.constant 0 : i32
          %dma_wait3A_496 = tpu.memref_slice %arg8[%add3A_465, %dma_wait3A_495] : memref<81x128xi32, #tpu.memory_space<vmem>> -> memref<1x128xi32, #tpu.memory_space<vmem>>
          %dma_wait3A_497 = tpu.memref_squeeze %dma_wait3A_496 : memref<1x128xi32, #tpu.memory_space<vmem>> -> memref<128xi32, #tpu.memory_space<vmem>>
          %dma_wait3A_498 = arith.constant 0 : i32
          %dma_wait3A_499 = arith.constant 0 : i32
          %dma_wait3A_500 = tpu.memref_slice %arg15[%dma_wait3A_498, %dma_wait3A_499] : memref<2560x128xf32, #tpu.memory_space<vmem_shared>> -> memref<2560x128xf32, #tpu.memory_space<vmem_shared>>
          tpu.wait_indirect_dma semaphore(%run_scoped3A : memref<!tpu.dma_semaphore, #tpu.memory_space<semaphore_mem>>) src(%arg11 : memref<128x128xf32, #tpu.memory_space<vmem>>) dst(%dma_wait3A_500 : memref<2560x128xf32, #tpu.memory_space<vmem_shared>>)
          tpu.yield
        }) : () -> ()
        %add3A_483 = arith.constant 4 : i32
        %add3A_484 = arith.addi %add3A_465, %add3A_483 : i32
        %lt3A_485 = arith.cmpi slt, %add3A_484, %min3A_155 : i32
        %convert_element_type3A_486 = arith.extui %lt3A_485 : i1 to i32
        %cond3A_487 = arith.constant 0 : i32
        %cond3A_488 = arith.cmpi ne, %convert_element_type3A_486, %cond3A_487 : i32
        scf.if %cond3A_488 {
          %add3A_489 = arith.constant 4 : i32
          %add3A_490 = arith.addi %add3A_465, %add3A_489 : i32
          %dma_start3A = arith.constant 0 : i32
          %dma_start3A_491 = tpu.memref_slice %arg7[%add3A_490, %dma_start3A] : memref<81x128xi32, #tpu.memory_space<vmem>> -> memref<1x128xi32, #tpu.memory_space<vmem>>
          %dma_start3A_492 = tpu.memref_squeeze %dma_start3A_491 : memref<1x128xi32, #tpu.memory_space<vmem>> -> memref<128xi32, #tpu.memory_space<vmem>>
          %dma_start3A_493 = arith.constant 0 : i32
          %dma_start3A_494 = arith.constant 0 : i32
          %dma_start3A_495 = tpu.memref_slice %arg5[%dma_start3A_493, %dma_start3A_494] : memref<10000x128xf32, #tpu.memory_space<hbm>> -> memref<10000x128xf32, #tpu.memory_space<hbm>>
          %dma_start3A_496 = arith.constant -1 : i32
          tpu.enqueue_indirect_dma source(%dma_start3A_495 : memref<10000x128xf32, #tpu.memory_space<hbm>>) target(%arg11 : memref<128x128xf32, #tpu.memory_space<vmem>>) offsets(%dma_start3A_492 : memref<128xi32, #tpu.memory_space<vmem>>) offset_filter(%dma_start3A_496) semaphore(%arg18 : memref<!tpu.dma_semaphore, #tpu.memory_space<semaphore_mem>>)
        } else {
        }
      } else {
      }
      %mul3A_470 = arith.constant 4 : i32
      %mul3A_471 = arith.muli %while3A_446, %mul3A_470 : i32
      %add3A_472 = arith.constant 3 : i32
      %add3A_473 = arith.addi %mul3A_471, %add3A_472 : i32
      %lt3A_474 = arith.cmpi slt, %add3A_473, %min3A_155 : i32
      %convert_element_type3A_475 = arith.extui %lt3A_474 : i1 to i32
      %cond3A_476 = arith.constant 0 : i32
      %cond3A_477 = arith.cmpi ne, %convert_element_type3A_475, %cond3A_476 : i32
      scf.if %cond3A_477 {
        %dma_wait3A = arith.constant 0 : i32
        %dma_wait3A_478 = tpu.memref_slice %arg7[%add3A_473, %dma_wait3A] : memref<81x128xi32, #tpu.memory_space<vmem>> -> memref<1x128xi32, #tpu.memory_space<vmem>>
        %dma_wait3A_479 = tpu.memref_squeeze %dma_wait3A_478 : memref<1x128xi32, #tpu.memory_space<vmem>> -> memref<128xi32, #tpu.memory_space<vmem>>
        %dma_wait3A_480 = arith.constant 0 : i32
        %dma_wait3A_481 = arith.constant 0 : i32
        %dma_wait3A_482 = tpu.memref_slice %arg5[%dma_wait3A_480, %dma_wait3A_481] : memref<10000x128xf32, #tpu.memory_space<hbm>> -> memref<10000x128xf32, #tpu.memory_space<hbm>>
        tpu.wait_indirect_dma semaphore(%arg19 : memref<!tpu.dma_semaphore, #tpu.memory_space<semaphore_mem>>) src(%dma_wait3A_482 : memref<10000x128xf32, #tpu.memory_space<hbm>>) dst(%arg12 : memref<128x128xf32, #tpu.memory_space<vmem>>)
        "tpu.region"() ({
          %run_scoped3A = tpu.sem_alloc : memref<!tpu.dma_semaphore, #tpu.memory_space<semaphore_mem>>
          %dma_start3A = arith.constant 0 : i32
          %dma_start3A_489 = tpu.memref_slice %arg8[%add3A_473, %dma_start3A] : memref<81x128xi32, #tpu.memory_space<vmem>> -> memref<1x128xi32, #tpu.memory_space<vmem>>
          %dma_start3A_490 = tpu.memref_squeeze %dma_start3A_489 : memref<1x128xi32, #tpu.memory_space<vmem>> -> memref<128xi32, #tpu.memory_space<vmem>>
          %dma_start3A_491 = arith.constant 0 : i32
          %dma_start3A_492 = arith.constant 0 : i32
          %dma_start3A_493 = tpu.memref_slice %arg15[%dma_start3A_491, %dma_start3A_492] : memref<2560x128xf32, #tpu.memory_space<vmem_shared>> -> memref<2560x128xf32, #tpu.memory_space<vmem_shared>>
          %dma_start3A_494 = arith.constant -1 : i32
          tpu.enqueue_indirect_dma source(%arg12 : memref<128x128xf32, #tpu.memory_space<vmem>>) target(%dma_start3A_493 : memref<2560x128xf32, #tpu.memory_space<vmem_shared>>) offsets(%dma_start3A_490 : memref<128xi32, #tpu.memory_space<vmem>>) offset_filter(%dma_start3A_494) semaphore(%run_scoped3A : memref<!tpu.dma_semaphore, #tpu.memory_space<semaphore_mem>>) {add = true}
          %dma_wait3A_495 = arith.constant 0 : i32
          %dma_wait3A_496 = tpu.memref_slice %arg8[%add3A_473, %dma_wait3A_495] : memref<81x128xi32, #tpu.memory_space<vmem>> -> memref<1x128xi32, #tpu.memory_space<vmem>>
          %dma_wait3A_497 = tpu.memref_squeeze %dma_wait3A_496 : memref<1x128xi32, #tpu.memory_space<vmem>> -> memref<128xi32, #tpu.memory_space<vmem>>
          %dma_wait3A_498 = arith.constant 0 : i32
          %dma_wait3A_499 = arith.constant 0 : i32
          %dma_wait3A_500 = tpu.memref_slice %arg15[%dma_wait3A_498, %dma_wait3A_499] : memref<2560x128xf32, #tpu.memory_space<vmem_shared>> -> memref<2560x128xf32, #tpu.memory_space<vmem_shared>>
          tpu.wait_indirect_dma semaphore(%run_scoped3A : memref<!tpu.dma_semaphore, #tpu.memory_space<semaphore_mem>>) src(%arg12 : memref<128x128xf32, #tpu.memory_space<vmem>>) dst(%dma_wait3A_500 : memref<2560x128xf32, #tpu.memory_space<vmem_shared>>)
          tpu.yield
        }) : () -> ()
        %add3A_483 = arith.constant 4 : i32
        %add3A_484 = arith.addi %add3A_473, %add3A_483 : i32
        %lt3A_485 = arith.cmpi slt, %add3A_484, %min3A_155 : i32
        %convert_element_type3A_486 = arith.extui %lt3A_485 : i1 to i32
        %cond3A_487 = arith.constant 0 : i32
        %cond3A_488 = arith.cmpi ne, %convert_element_type3A_486, %cond3A_487 : i32
        scf.if %cond3A_488 {
          %add3A_489 = arith.constant 4 : i32
          %add3A_490 = arith.addi %add3A_473, %add3A_489 : i32
          %dma_start3A = arith.constant 0 : i32
          %dma_start3A_491 = tpu.memref_slice %arg7[%add3A_490, %dma_start3A] : memref<81x128xi32, #tpu.memory_space<vmem>> -> memref<1x128xi32, #tpu.memory_space<vmem>>
          %dma_start3A_492 = tpu.memref_squeeze %dma_start3A_491 : memref<1x128xi32, #tpu.memory_space<vmem>> -> memref<128xi32, #tpu.memory_space<vmem>>
          %dma_start3A_493 = arith.constant 0 : i32
          %dma_start3A_494 = arith.constant 0 : i32
          %dma_start3A_495 = tpu.memref_slice %arg5[%dma_start3A_493, %dma_start3A_494] : memref<10000x128xf32, #tpu.memory_space<hbm>> -> memref<10000x128xf32, #tpu.memory_space<hbm>>
          %dma_start3A_496 = arith.constant -1 : i32
          tpu.enqueue_indirect_dma source(%dma_start3A_495 : memref<10000x128xf32, #tpu.memory_space<hbm>>) target(%arg12 : memref<128x128xf32, #tpu.memory_space<vmem>>) offsets(%dma_start3A_492 : memref<128xi32, #tpu.memory_space<vmem>>) offset_filter(%dma_start3A_496) semaphore(%arg19 : memref<!tpu.dma_semaphore, #tpu.memory_space<semaphore_mem>>)
        } else {
        }
      } else {
      }
    }
    %barrier3A_214 = arith.constant 0 : index
    tpu.barrier barrier_id(%barrier3A_214)
    "tpu.region"() ({
      %run_scoped3A = tpu.sem_alloc : memref<!tpu.dma_semaphore, #tpu.memory_space<semaphore_mem>>
      %dma_start3A = arith.constant 0 : i32
      %dma_start3A_446 = tpu.memref_slice %arg6[%add3A_8, %mul3A_0, %dma_start3A] : memref<4x2560x128xf32, #tpu.memory_space<hbm>> -> memref<1x160x128xf32, #tpu.memory_space<hbm>>
      %dma_start3A_447 = tpu.memref_squeeze %dma_start3A_446 : memref<1x160x128xf32, #tpu.memory_space<hbm>> -> memref<160x128xf32, #tpu.memory_space<hbm>>
      %dma_start3A_448 = arith.constant 0 : i32
      %dma_start3A_449 = tpu.memref_slice %arg15[%mul3A_0, %dma_start3A_448] : memref<2560x128xf32, #tpu.memory_space<vmem_shared>> -> memref<160x128xf32, #tpu.memory_space<vmem_shared>>
      tpu.enqueue_dma source(%dma_start3A_449 : memref<160x128xf32, #tpu.memory_space<vmem_shared>>) target(%dma_start3A_447 : memref<160x128xf32, #tpu.memory_space<hbm>>) target_semaphore(%run_scoped3A : memref<!tpu.dma_semaphore, #tpu.memory_space<semaphore_mem>>)
      %dma_wait3A = arith.constant 0 : i32
      %dma_wait3A_450 = tpu.memref_slice %arg6[%add3A_8, %mul3A_0, %dma_wait3A] : memref<4x2560x128xf32, #tpu.memory_space<hbm>> -> memref<1x160x128xf32, #tpu.memory_space<hbm>>
      %dma_wait3A_451 = tpu.memref_squeeze %dma_wait3A_450 : memref<1x160x128xf32, #tpu.memory_space<hbm>> -> memref<160x128xf32, #tpu.memory_space<hbm>>
      %dma_wait3A_452 = arith.constant 0 : i32
      %dma_wait3A_453 = tpu.memref_slice %arg15[%mul3A_0, %dma_wait3A_452] : memref<2560x128xf32, #tpu.memory_space<vmem_shared>> -> memref<160x128xf32, #tpu.memory_space<vmem_shared>>
      tpu.wait_dma2 semaphore(%run_scoped3A : memref<!tpu.dma_semaphore, #tpu.memory_space<semaphore_mem>>) src(%dma_wait3A_453 : memref<160x128xf32, #tpu.memory_space<vmem_shared>>) dst(%dma_wait3A_451 : memref<160x128xf32, #tpu.memory_space<hbm>>)
      tpu.yield
    }) : () -> ()
    %mul3A_215 = arith.constant 2 : i32
    %mul3A_216 = arith.muli %arg0, %mul3A_215 : i32
    %add3A_217 = arith.constant 1 : i32
    %add3A_218 = arith.addi %mul3A_216, %add3A_217 : i32
    %barrier3A_219 = arith.constant 0 : index
    tpu.barrier barrier_id(%barrier3A_219)
    %add3A_220 = arith.constant 0 : i32
    %add3A_221 = arith.addi %mul3A_0, %add3A_220 : i32
    "tpu.region"() ({
      %run_scoped3A = tpu.sem_alloc : memref<!tpu.dma_semaphore, #tpu.memory_space<semaphore_mem>>
      %dma_start3A = arith.constant 0 : i32
      %dma_start3A_446 = tpu.memref_slice %arg15[%add3A_221, %dma_start3A] : memref<2560x128xf32, #tpu.memory_space<vmem_shared>> -> memref<32x128xf32, #tpu.memory_space<vmem_shared>>
      %dma_start3A_447 = arith.constant 0 : i32
      %dma_start3A_448 = tpu.memref_slice %arg15[%add3A_221, %dma_start3A_447] : memref<2560x128xf32, #tpu.memory_space<vmem_shared>> -> memref<32x128xf32, #tpu.memory_space<vmem_shared>>
      tpu.enqueue_dma source(%arg13 : memref<32x128xf32, #tpu.memory_space<vmem>>) target(%dma_start3A_448 : memref<32x128xf32, #tpu.memory_space<vmem_shared>>) target_semaphore(%run_scoped3A : memref<!tpu.dma_semaphore, #tpu.memory_space<semaphore_mem>>)
      %dma_wait3A = arith.constant 0 : i32
      %dma_wait3A_449 = tpu.memref_slice %arg15[%add3A_221, %dma_wait3A] : memref<2560x128xf32, #tpu.memory_space<vmem_shared>> -> memref<32x128xf32, #tpu.memory_space<vmem_shared>>
      %dma_wait3A_450 = arith.constant 0 : i32
      %dma_wait3A_451 = tpu.memref_slice %arg15[%add3A_221, %dma_wait3A_450] : memref<2560x128xf32, #tpu.memory_space<vmem_shared>> -> memref<32x128xf32, #tpu.memory_space<vmem_shared>>
      tpu.wait_dma2 semaphore(%run_scoped3A : memref<!tpu.dma_semaphore, #tpu.memory_space<semaphore_mem>>) src(%arg13 : memref<32x128xf32, #tpu.memory_space<vmem>>) dst(%dma_wait3A_451 : memref<32x128xf32, #tpu.memory_space<vmem_shared>>)
      tpu.yield
    }) : () -> ()
    %add3A_222 = arith.constant 32 : i32
    %add3A_223 = arith.addi %mul3A_0, %add3A_222 : i32
    "tpu.region"() ({
      %run_scoped3A = tpu.sem_alloc : memref<!tpu.dma_semaphore, #tpu.memory_space<semaphore_mem>>
      %dma_start3A = arith.constant 0 : i32
      %dma_start3A_446 = tpu.memref_slice %arg15[%add3A_223, %dma_start3A] : memref<2560x128xf32, #tpu.memory_space<vmem_shared>> -> memref<32x128xf32, #tpu.memory_space<vmem_shared>>
      %dma_start3A_447 = arith.constant 0 : i32
      %dma_start3A_448 = tpu.memref_slice %arg15[%add3A_223, %dma_start3A_447] : memref<2560x128xf32, #tpu.memory_space<vmem_shared>> -> memref<32x128xf32, #tpu.memory_space<vmem_shared>>
      tpu.enqueue_dma source(%arg13 : memref<32x128xf32, #tpu.memory_space<vmem>>) target(%dma_start3A_448 : memref<32x128xf32, #tpu.memory_space<vmem_shared>>) target_semaphore(%run_scoped3A : memref<!tpu.dma_semaphore, #tpu.memory_space<semaphore_mem>>)
      %dma_wait3A = arith.constant 0 : i32
      %dma_wait3A_449 = tpu.memref_slice %arg15[%add3A_223, %dma_wait3A] : memref<2560x128xf32, #tpu.memory_space<vmem_shared>> -> memref<32x128xf32, #tpu.memory_space<vmem_shared>>
      %dma_wait3A_450 = arith.constant 0 : i32
      %dma_wait3A_451 = tpu.memref_slice %arg15[%add3A_223, %dma_wait3A_450] : memref<2560x128xf32, #tpu.memory_space<vmem_shared>> -> memref<32x128xf32, #tpu.memory_space<vmem_shared>>
      tpu.wait_dma2 semaphore(%run_scoped3A : memref<!tpu.dma_semaphore, #tpu.memory_space<semaphore_mem>>) src(%arg13 : memref<32x128xf32, #tpu.memory_space<vmem>>) dst(%dma_wait3A_451 : memref<32x128xf32, #tpu.memory_space<vmem_shared>>)
      tpu.yield
    }) : () -> ()
    %add3A_224 = arith.constant 64 : i32
    %add3A_225 = arith.addi %mul3A_0, %add3A_224 : i32
    "tpu.region"() ({
      %run_scoped3A = tpu.sem_alloc : memref<!tpu.dma_semaphore, #tpu.memory_space<semaphore_mem>>
      %dma_start3A = arith.constant 0 : i32
      %dma_start3A_446 = tpu.memref_slice %arg15[%add3A_225, %dma_start3A] : memref<2560x128xf32, #tpu.memory_space<vmem_shared>> -> memref<32x128xf32, #tpu.memory_space<vmem_shared>>
      %dma_start3A_447 = arith.constant 0 : i32
      %dma_start3A_448 = tpu.memref_slice %arg15[%add3A_225, %dma_start3A_447] : memref<2560x128xf32, #tpu.memory_space<vmem_shared>> -> memref<32x128xf32, #tpu.memory_space<vmem_shared>>
      tpu.enqueue_dma source(%arg13 : memref<32x128xf32, #tpu.memory_space<vmem>>) target(%dma_start3A_448 : memref<32x128xf32, #tpu.memory_space<vmem_shared>>) target_semaphore(%run_scoped3A : memref<!tpu.dma_semaphore, #tpu.memory_space<semaphore_mem>>)
      %dma_wait3A = arith.constant 0 : i32
      %dma_wait3A_449 = tpu.memref_slice %arg15[%add3A_225, %dma_wait3A] : memref<2560x128xf32, #tpu.memory_space<vmem_shared>> -> memref<32x128xf32, #tpu.memory_space<vmem_shared>>
      %dma_wait3A_450 = arith.constant 0 : i32
      %dma_wait3A_451 = tpu.memref_slice %arg15[%add3A_225, %dma_wait3A_450] : memref<2560x128xf32, #tpu.memory_space<vmem_shared>> -> memref<32x128xf32, #tpu.memory_space<vmem_shared>>
      tpu.wait_dma2 semaphore(%run_scoped3A : memref<!tpu.dma_semaphore, #tpu.memory_space<semaphore_mem>>) src(%arg13 : memref<32x128xf32, #tpu.memory_space<vmem>>) dst(%dma_wait3A_451 : memref<32x128xf32, #tpu.memory_space<vmem_shared>>)
      tpu.yield
    }) : () -> ()
    %add3A_226 = arith.constant 96 : i32
    %add3A_227 = arith.addi %mul3A_0, %add3A_226 : i32
    "tpu.region"() ({
      %run_scoped3A = tpu.sem_alloc : memref<!tpu.dma_semaphore, #tpu.memory_space<semaphore_mem>>
      %dma_start3A = arith.constant 0 : i32
      %dma_start3A_446 = tpu.memref_slice %arg15[%add3A_227, %dma_start3A] : memref<2560x128xf32, #tpu.memory_space<vmem_shared>> -> memref<32x128xf32, #tpu.memory_space<vmem_shared>>
      %dma_start3A_447 = arith.constant 0 : i32
      %dma_start3A_448 = tpu.memref_slice %arg15[%add3A_227, %dma_start3A_447] : memref<2560x128xf32, #tpu.memory_space<vmem_shared>> -> memref<32x128xf32, #tpu.memory_space<vmem_shared>>
      tpu.enqueue_dma source(%arg13 : memref<32x128xf32, #tpu.memory_space<vmem>>) target(%dma_start3A_448 : memref<32x128xf32, #tpu.memory_space<vmem_shared>>) target_semaphore(%run_scoped3A : memref<!tpu.dma_semaphore, #tpu.memory_space<semaphore_mem>>)
      %dma_wait3A = arith.constant 0 : i32
      %dma_wait3A_449 = tpu.memref_slice %arg15[%add3A_227, %dma_wait3A] : memref<2560x128xf32, #tpu.memory_space<vmem_shared>> -> memref<32x128xf32, #tpu.memory_space<vmem_shared>>
      %dma_wait3A_450 = arith.constant 0 : i32
      %dma_wait3A_451 = tpu.memref_slice %arg15[%add3A_227, %dma_wait3A_450] : memref<2560x128xf32, #tpu.memory_space<vmem_shared>> -> memref<32x128xf32, #tpu.memory_space<vmem_shared>>
      tpu.wait_dma2 semaphore(%run_scoped3A : memref<!tpu.dma_semaphore, #tpu.memory_space<semaphore_mem>>) src(%arg13 : memref<32x128xf32, #tpu.memory_space<vmem>>) dst(%dma_wait3A_451 : memref<32x128xf32, #tpu.memory_space<vmem_shared>>)
      tpu.yield
    }) : () -> ()
    %add3A_228 = arith.constant 128 : i32
    %add3A_229 = arith.addi %mul3A_0, %add3A_228 : i32
    "tpu.region"() ({
      %run_scoped3A = tpu.sem_alloc : memref<!tpu.dma_semaphore, #tpu.memory_space<semaphore_mem>>
      %dma_start3A = arith.constant 0 : i32
      %dma_start3A_446 = tpu.memref_slice %arg15[%add3A_229, %dma_start3A] : memref<2560x128xf32, #tpu.memory_space<vmem_shared>> -> memref<32x128xf32, #tpu.memory_space<vmem_shared>>
      %dma_start3A_447 = arith.constant 0 : i32
      %dma_start3A_448 = tpu.memref_slice %arg15[%add3A_229, %dma_start3A_447] : memref<2560x128xf32, #tpu.memory_space<vmem_shared>> -> memref<32x128xf32, #tpu.memory_space<vmem_shared>>
      tpu.enqueue_dma source(%arg13 : memref<32x128xf32, #tpu.memory_space<vmem>>) target(%dma_start3A_448 : memref<32x128xf32, #tpu.memory_space<vmem_shared>>) target_semaphore(%run_scoped3A : memref<!tpu.dma_semaphore, #tpu.memory_space<semaphore_mem>>)
      %dma_wait3A = arith.constant 0 : i32
      %dma_wait3A_449 = tpu.memref_slice %arg15[%add3A_229, %dma_wait3A] : memref<2560x128xf32, #tpu.memory_space<vmem_shared>> -> memref<32x128xf32, #tpu.memory_space<vmem_shared>>
      %dma_wait3A_450 = arith.constant 0 : i32
      %dma_wait3A_451 = tpu.memref_slice %arg15[%add3A_229, %dma_wait3A_450] : memref<2560x128xf32, #tpu.memory_space<vmem_shared>> -> memref<32x128xf32, #tpu.memory_space<vmem_shared>>
      tpu.wait_dma2 semaphore(%run_scoped3A : memref<!tpu.dma_semaphore, #tpu.memory_space<semaphore_mem>>) src(%arg13 : memref<32x128xf32, #tpu.memory_space<vmem>>) dst(%dma_wait3A_451 : memref<32x128xf32, #tpu.memory_space<vmem_shared>>)
      tpu.yield
    }) : () -> ()
    %barrier3A_230 = arith.constant 0 : index
    tpu.barrier barrier_id(%barrier3A_230)
    %mul3A_231 = arith.constant 2 : i32
    %mul3A_232 = arith.muli %arg1, %mul3A_231 : i32
    %add3A_233 = arith.constant 0 : i32
    %add3A_234 = arith.addi %mul3A_232, %add3A_233 : i32
    "tpu.region"() ({
      %run_scoped3A = tpu.sem_alloc : memref<!tpu.dma_semaphore, #tpu.memory_space<semaphore_mem>>
      %dma_start3A = arith.constant 0 : i32
      %dma_start3A_446 = arith.constant 0 : i32
      %dma_start3A_447 = tpu.memref_slice %arg2[%add3A_234, %add3A_218, %dma_start3A, %dma_start3A_446] : memref<32x4x81x128xi32, #tpu.memory_space<hbm>> -> memref<1x1x81x128xi32, #tpu.memory_space<hbm>>
      %dma_start3A_448 = tpu.memref_squeeze %dma_start3A_447 : memref<1x1x81x128xi32, #tpu.memory_space<hbm>> -> memref<81x128xi32, #tpu.memory_space<hbm>>
      %dma_start3A_449 = arith.constant 0 : i32
      %dma_start3A_450 = arith.constant 0 : i32
      %dma_start3A_451 = tpu.memref_slice %arg2[%add3A_234, %add3A_218, %dma_start3A_449, %dma_start3A_450] : memref<32x4x81x128xi32, #tpu.memory_space<hbm>> -> memref<1x1x81x128xi32, #tpu.memory_space<hbm>>
      %dma_start3A_452 = tpu.memref_squeeze %dma_start3A_451 : memref<1x1x81x128xi32, #tpu.memory_space<hbm>> -> memref<81x128xi32, #tpu.memory_space<hbm>>
      tpu.enqueue_dma source(%dma_start3A_452 : memref<81x128xi32, #tpu.memory_space<hbm>>) target(%arg7 : memref<81x128xi32, #tpu.memory_space<vmem>>) target_semaphore(%run_scoped3A : memref<!tpu.dma_semaphore, #tpu.memory_space<semaphore_mem>>)
      %dma_wait3A = arith.constant 0 : i32
      %dma_wait3A_453 = arith.constant 0 : i32
      %dma_wait3A_454 = tpu.memref_slice %arg2[%add3A_234, %add3A_218, %dma_wait3A, %dma_wait3A_453] : memref<32x4x81x128xi32, #tpu.memory_space<hbm>> -> memref<1x1x81x128xi32, #tpu.memory_space<hbm>>
      %dma_wait3A_455 = tpu.memref_squeeze %dma_wait3A_454 : memref<1x1x81x128xi32, #tpu.memory_space<hbm>> -> memref<81x128xi32, #tpu.memory_space<hbm>>
      %dma_wait3A_456 = arith.constant 0 : i32
      %dma_wait3A_457 = arith.constant 0 : i32
      %dma_wait3A_458 = tpu.memref_slice %arg2[%add3A_234, %add3A_218, %dma_wait3A_456, %dma_wait3A_457] : memref<32x4x81x128xi32, #tpu.memory_space<hbm>> -> memref<1x1x81x128xi32, #tpu.memory_space<hbm>>
      %dma_wait3A_459 = tpu.memref_squeeze %dma_wait3A_458 : memref<1x1x81x128xi32, #tpu.memory_space<hbm>> -> memref<81x128xi32, #tpu.memory_space<hbm>>
      tpu.wait_dma2 semaphore(%run_scoped3A : memref<!tpu.dma_semaphore, #tpu.memory_space<semaphore_mem>>) src(%dma_wait3A_459 : memref<81x128xi32, #tpu.memory_space<hbm>>) dst(%arg7 : memref<81x128xi32, #tpu.memory_space<vmem>>)
      tpu.yield
    }) : () -> ()
    "tpu.region"() ({
      %run_scoped3A = tpu.sem_alloc : memref<!tpu.dma_semaphore, #tpu.memory_space<semaphore_mem>>
      %dma_start3A = arith.constant 0 : i32
      %dma_start3A_446 = arith.constant 0 : i32
      %dma_start3A_447 = tpu.memref_slice %arg3[%add3A_234, %add3A_218, %dma_start3A, %dma_start3A_446] : memref<32x4x81x128xi32, #tpu.memory_space<hbm>> -> memref<1x1x81x128xi32, #tpu.memory_space<hbm>>
      %dma_start3A_448 = tpu.memref_squeeze %dma_start3A_447 : memref<1x1x81x128xi32, #tpu.memory_space<hbm>> -> memref<81x128xi32, #tpu.memory_space<hbm>>
      %dma_start3A_449 = arith.constant 0 : i32
      %dma_start3A_450 = arith.constant 0 : i32
      %dma_start3A_451 = tpu.memref_slice %arg3[%add3A_234, %add3A_218, %dma_start3A_449, %dma_start3A_450] : memref<32x4x81x128xi32, #tpu.memory_space<hbm>> -> memref<1x1x81x128xi32, #tpu.memory_space<hbm>>
      %dma_start3A_452 = tpu.memref_squeeze %dma_start3A_451 : memref<1x1x81x128xi32, #tpu.memory_space<hbm>> -> memref<81x128xi32, #tpu.memory_space<hbm>>
      tpu.enqueue_dma source(%dma_start3A_452 : memref<81x128xi32, #tpu.memory_space<hbm>>) target(%arg8 : memref<81x128xi32, #tpu.memory_space<vmem>>) target_semaphore(%run_scoped3A : memref<!tpu.dma_semaphore, #tpu.memory_space<semaphore_mem>>)
      %dma_wait3A = arith.constant 0 : i32
      %dma_wait3A_453 = arith.constant 0 : i32
      %dma_wait3A_454 = tpu.memref_slice %arg3[%add3A_234, %add3A_218, %dma_wait3A, %dma_wait3A_453] : memref<32x4x81x128xi32, #tpu.memory_space<hbm>> -> memref<1x1x81x128xi32, #tpu.memory_space<hbm>>
      %dma_wait3A_455 = tpu.memref_squeeze %dma_wait3A_454 : memref<1x1x81x128xi32, #tpu.memory_space<hbm>> -> memref<81x128xi32, #tpu.memory_space<hbm>>
      %dma_wait3A_456 = arith.constant 0 : i32
      %dma_wait3A_457 = arith.constant 0 : i32
      %dma_wait3A_458 = tpu.memref_slice %arg3[%add3A_234, %add3A_218, %dma_wait3A_456, %dma_wait3A_457] : memref<32x4x81x128xi32, #tpu.memory_space<hbm>> -> memref<1x1x81x128xi32, #tpu.memory_space<hbm>>
      %dma_wait3A_459 = tpu.memref_squeeze %dma_wait3A_458 : memref<1x1x81x128xi32, #tpu.memory_space<hbm>> -> memref<81x128xi32, #tpu.memory_space<hbm>>
      tpu.wait_dma2 semaphore(%run_scoped3A : memref<!tpu.dma_semaphore, #tpu.memory_space<semaphore_mem>>) src(%dma_wait3A_459 : memref<81x128xi32, #tpu.memory_space<hbm>>) dst(%arg8 : memref<81x128xi32, #tpu.memory_space<vmem>>)
      tpu.yield
    }) : () -> ()
    "tpu.region"() ({
      %run_scoped3A = tpu.sem_alloc : memref<!tpu.dma_semaphore, #tpu.memory_space<semaphore_mem>>
      %dma_start3A = arith.constant 0 : i32
      %dma_start3A_446 = tpu.memref_slice %arg4[%add3A_234, %dma_start3A] : memref<32x16xf32, #tpu.memory_space<hbm>> -> memref<1x16xf32, #tpu.memory_space<hbm>>
      %dma_start3A_447 = tpu.memref_squeeze %dma_start3A_446 : memref<1x16xf32, #tpu.memory_space<hbm>> -> memref<16xf32, #tpu.memory_space<hbm>>
      %dma_start3A_448 = arith.constant 0 : i32
      %dma_start3A_449 = tpu.memref_slice %arg4[%add3A_234, %dma_start3A_448] : memref<32x16xf32, #tpu.memory_space<hbm>> -> memref<1x16xf32, #tpu.memory_space<hbm>>
      %dma_start3A_450 = tpu.memref_squeeze %dma_start3A_449 : memref<1x16xf32, #tpu.memory_space<hbm>> -> memref<16xf32, #tpu.memory_space<hbm>>
      tpu.enqueue_dma source(%dma_start3A_450 : memref<16xf32, #tpu.memory_space<hbm>>) target(%arg14 : memref<16xf32, #tpu.memory_space<vmem>>) target_semaphore(%run_scoped3A : memref<!tpu.dma_semaphore, #tpu.memory_space<semaphore_mem>>)
      %dma_wait3A = arith.constant 0 : i32
      %dma_wait3A_451 = tpu.memref_slice %arg4[%add3A_234, %dma_wait3A] : memref<32x16xf32, #tpu.memory_space<hbm>> -> memref<1x16xf32, #tpu.memory_space<hbm>>
      %dma_wait3A_452 = tpu.memref_squeeze %dma_wait3A_451 : memref<1x16xf32, #tpu.memory_space<hbm>> -> memref<16xf32, #tpu.memory_space<hbm>>
      %dma_wait3A_453 = arith.constant 0 : i32
      %dma_wait3A_454 = tpu.memref_slice %arg4[%add3A_234, %dma_wait3A_453] : memref<32x16xf32, #tpu.memory_space<hbm>> -> memref<1x16xf32, #tpu.memory_space<hbm>>
      %dma_wait3A_455 = tpu.memref_squeeze %dma_wait3A_454 : memref<1x16xf32, #tpu.memory_space<hbm>> -> memref<16xf32, #tpu.memory_space<hbm>>
      tpu.wait_dma2 semaphore(%run_scoped3A : memref<!tpu.dma_semaphore, #tpu.memory_space<semaphore_mem>>) src(%dma_wait3A_455 : memref<16xf32, #tpu.memory_space<hbm>>) dst(%arg14 : memref<16xf32, #tpu.memory_space<vmem>>)
      tpu.yield
    }) : () -> ()
    %iota3A_235 = tpu.iota {dimensions = array<i32: 0>} : vector<16xi32>
    %eq3A_236 = vector.broadcast %add3A_218 : i32 to vector<16xi32>
    %eq3A_237 = arith.cmpi eq, %iota3A_235, %eq3A_236 : vector<16xi32>
    %get3A_238 = arith.constant 0 : index
    %get3A_239 = tpu.vector_load %arg14[%get3A_238] {strides = array<i32>} : memref<16xf32, #tpu.memory_space<vmem>>, vector<16xf32>,
    %jit3A_240 = arith.constant 0.000000e+00 : f32
    %broadcast_in_dim3A_241 = vector.broadcast %jit3A_240 : f32 to vector<16xf32>
    %select_n3A_242 = arith.select %eq3A_237, %get3A_239, %broadcast_in_dim3A_241 : vector<16xi1>, vector<16xf32>
    %reduce_sum3A_243 = arith.constant true
    %reduce_sum3A_244 = vector.broadcast %reduce_sum3A_243 : i1 to vector<16xi1>
    %reduce_sum3A_245 = tpu.scan <sum>, %select_n3A_242 masked %reduce_sum3A_244 : vector<16xf32>, vector<16xi1> -> vector<16xf32>
    %reduce_sum3A_246 = vector.extract %reduce_sum3A_245[15] : f32 from vector<16xf32>
    %convert_element_type3A_247 = arith.fptosi %reduce_sum3A_246 : f32 to i32
    %add3A_248 = arith.constant 128 : i32
    %add3A_249 = arith.addi %convert_element_type3A_247, %add3A_248 : i32
    %sub3A_250 = arith.constant 1 : i32
    %sub3A_251 = arith.subi %add3A_249, %sub3A_250 : i32
    %jit3A_252 = arith.constant 128 : i32
    %div3A_253 = arith.divsi %sub3A_251, %jit3A_252 : i32
    %sign3A_254 = arith.constant 0 : i32
    %sign3A_255 = arith.cmpi sgt, %sub3A_251, %sign3A_254 : i32
    %sign3A_256 = arith.extui %sign3A_255 : i1 to i32
    %sign3A_257 = arith.constant 0 : i32
    %sign3A_258 = arith.cmpi slt, %sub3A_251, %sign3A_257 : i32
    %sign3A_259 = arith.extui %sign3A_258 : i1 to i32
    %sign3A_260 = arith.subi %sign3A_256, %sign3A_259 : i32
    %sign3A_261 = arith.constant 0 : i32
    %sign3A_262 = arith.cmpi sgt, %jit3A_252, %sign3A_261 : i32
    %sign3A_263 = arith.extui %sign3A_262 : i1 to i32
    %sign3A_264 = arith.constant 0 : i32
    %sign3A_265 = arith.cmpi slt, %jit3A_252, %sign3A_264 : i32
    %sign3A_266 = arith.extui %sign3A_265 : i1 to i32
    %sign3A_267 = arith.subi %sign3A_263, %sign3A_266 : i32
    %ne3A_268 = arith.cmpi ne, %sign3A_260, %sign3A_267 : i32
    %rem3A_269 = arith.remsi %sub3A_251, %jit3A_252 : i32
    %ne3A_270 = arith.constant 0 : i32
    %ne3A_271 = arith.cmpi ne, %rem3A_269, %ne3A_270 : i32
    %and3A_272 = arith.andi %ne3A_268, %ne3A_271 : i1
    %sub3A_273 = arith.constant 1 : i32
    %sub3A_274 = arith.subi %div3A_253, %sub3A_273 : i32
    %select_n3A_275 = arith.select %and3A_272, %sub3A_274, %div3A_253 : i32
    %jit3A_276 = arith.constant 0 : i32
    %jit3A_277 = arith.constant 81 : i32
    %max3A_278 = arith.maxsi %jit3A_276, %select_n3A_275 : i32
    %min3A_279 = arith.minsi %jit3A_277, %max3A_278 : i32
    %gt3A_280 = arith.constant 0 : i32
    %gt3A_281 = arith.cmpi sgt, %min3A_279, %gt3A_280 : i32
    %convert_element_type3A_282 = arith.extui %gt3A_281 : i1 to i32
    %cond3A_283 = arith.constant 0 : i32
    %cond3A_284 = arith.cmpi ne, %convert_element_type3A_282, %cond3A_283 : i32
    scf.if %cond3A_284 {
      %dma_start3A = arith.constant 0 : i32
      %dma_start3A_446 = arith.constant 0 : i32
      %dma_start3A_447 = tpu.memref_slice %arg7[%dma_start3A, %dma_start3A_446] : memref<81x128xi32, #tpu.memory_space<vmem>> -> memref<1x128xi32, #tpu.memory_space<vmem>>
      %dma_start3A_448 = tpu.memref_squeeze %dma_start3A_447 : memref<1x128xi32, #tpu.memory_space<vmem>> -> memref<128xi32, #tpu.memory_space<vmem>>
      %dma_start3A_449 = arith.constant 0 : i32
      %dma_start3A_450 = arith.constant 0 : i32
      %dma_start3A_451 = tpu.memref_slice %arg5[%dma_start3A_449, %dma_start3A_450] : memref<10000x128xf32, #tpu.memory_space<hbm>> -> memref<10000x128xf32, #tpu.memory_space<hbm>>
      %dma_start3A_452 = arith.constant -1 : i32
      tpu.enqueue_indirect_dma source(%dma_start3A_451 : memref<10000x128xf32, #tpu.memory_space<hbm>>) target(%arg9 : memref<128x128xf32, #tpu.memory_space<vmem>>) offsets(%dma_start3A_448 : memref<128xi32, #tpu.memory_space<vmem>>) offset_filter(%dma_start3A_452) semaphore(%arg16 : memref<!tpu.dma_semaphore, #tpu.memory_space<semaphore_mem>>)
    } else {
    }
    %gt3A_285 = arith.constant 1 : i32
    %gt3A_286 = arith.cmpi sgt, %min3A_279, %gt3A_285 : i32
    %convert_element_type3A_287 = arith.extui %gt3A_286 : i1 to i32
    %cond3A_288 = arith.constant 0 : i32
    %cond3A_289 = arith.cmpi ne, %convert_element_type3A_287, %cond3A_288 : i32
    scf.if %cond3A_289 {
      %dma_start3A = arith.constant 1 : i32
      %dma_start3A_446 = arith.constant 0 : i32
      %dma_start3A_447 = tpu.memref_slice %arg7[%dma_start3A, %dma_start3A_446] : memref<81x128xi32, #tpu.memory_space<vmem>> -> memref<1x128xi32, #tpu.memory_space<vmem>>
      %dma_start3A_448 = tpu.memref_squeeze %dma_start3A_447 : memref<1x128xi32, #tpu.memory_space<vmem>> -> memref<128xi32, #tpu.memory_space<vmem>>
      %dma_start3A_449 = arith.constant 0 : i32
      %dma_start3A_450 = arith.constant 0 : i32
      %dma_start3A_451 = tpu.memref_slice %arg5[%dma_start3A_449, %dma_start3A_450] : memref<10000x128xf32, #tpu.memory_space<hbm>> -> memref<10000x128xf32, #tpu.memory_space<hbm>>
      %dma_start3A_452 = arith.constant -1 : i32
      tpu.enqueue_indirect_dma source(%dma_start3A_451 : memref<10000x128xf32, #tpu.memory_space<hbm>>) target(%arg10 : memref<128x128xf32, #tpu.memory_space<vmem>>) offsets(%dma_start3A_448 : memref<128xi32, #tpu.memory_space<vmem>>) offset_filter(%dma_start3A_452) semaphore(%arg17 : memref<!tpu.dma_semaphore, #tpu.memory_space<semaphore_mem>>)
    } else {
    }
    %gt3A_290 = arith.constant 2 : i32
    %gt3A_291 = arith.cmpi sgt, %min3A_279, %gt3A_290 : i32
    %convert_element_type3A_292 = arith.extui %gt3A_291 : i1 to i32
    %cond3A_293 = arith.constant 0 : i32
    %cond3A_294 = arith.cmpi ne, %convert_element_type3A_292, %cond3A_293 : i32
    scf.if %cond3A_294 {
      %dma_start3A = arith.constant 2 : i32
      %dma_start3A_446 = arith.constant 0 : i32
      %dma_start3A_447 = tpu.memref_slice %arg7[%dma_start3A, %dma_start3A_446] : memref<81x128xi32, #tpu.memory_space<vmem>> -> memref<1x128xi32, #tpu.memory_space<vmem>>
      %dma_start3A_448 = tpu.memref_squeeze %dma_start3A_447 : memref<1x128xi32, #tpu.memory_space<vmem>> -> memref<128xi32, #tpu.memory_space<vmem>>
      %dma_start3A_449 = arith.constant 0 : i32
      %dma_start3A_450 = arith.constant 0 : i32
      %dma_start3A_451 = tpu.memref_slice %arg5[%dma_start3A_449, %dma_start3A_450] : memref<10000x128xf32, #tpu.memory_space<hbm>> -> memref<10000x128xf32, #tpu.memory_space<hbm>>
      %dma_start3A_452 = arith.constant -1 : i32
      tpu.enqueue_indirect_dma source(%dma_start3A_451 : memref<10000x128xf32, #tpu.memory_space<hbm>>) target(%arg11 : memref<128x128xf32, #tpu.memory_space<vmem>>) offsets(%dma_start3A_448 : memref<128xi32, #tpu.memory_space<vmem>>) offset_filter(%dma_start3A_452) semaphore(%arg18 : memref<!tpu.dma_semaphore, #tpu.memory_space<semaphore_mem>>)
    } else {
    }
    %gt3A_295 = arith.constant 3 : i32
    %gt3A_296 = arith.cmpi sgt, %min3A_279, %gt3A_295 : i32
    %convert_element_type3A_297 = arith.extui %gt3A_296 : i1 to i32
    %cond3A_298 = arith.constant 0 : i32
    %cond3A_299 = arith.cmpi ne, %convert_element_type3A_297, %cond3A_298 : i32
    scf.if %cond3A_299 {
      %dma_start3A = arith.constant 3 : i32
      %dma_start3A_446 = arith.constant 0 : i32
      %dma_start3A_447 = tpu.memref_slice %arg7[%dma_start3A, %dma_start3A_446] : memref<81x128xi32, #tpu.memory_space<vmem>> -> memref<1x128xi32, #tpu.memory_space<vmem>>
      %dma_start3A_448 = tpu.memref_squeeze %dma_start3A_447 : memref<1x128xi32, #tpu.memory_space<vmem>> -> memref<128xi32, #tpu.memory_space<vmem>>
      %dma_start3A_449 = arith.constant 0 : i32
      %dma_start3A_450 = arith.constant 0 : i32
      %dma_start3A_451 = tpu.memref_slice %arg5[%dma_start3A_449, %dma_start3A_450] : memref<10000x128xf32, #tpu.memory_space<hbm>> -> memref<10000x128xf32, #tpu.memory_space<hbm>>
      %dma_start3A_452 = arith.constant -1 : i32
      tpu.enqueue_indirect_dma source(%dma_start3A_451 : memref<10000x128xf32, #tpu.memory_space<hbm>>) target(%arg12 : memref<128x128xf32, #tpu.memory_space<vmem>>) offsets(%dma_start3A_448 : memref<128xi32, #tpu.memory_space<vmem>>) offset_filter(%dma_start3A_452) semaphore(%arg19 : memref<!tpu.dma_semaphore, #tpu.memory_space<semaphore_mem>>)
    } else {
    }
    %add3A_300 = arith.constant 4 : i32
    %add3A_301 = arith.addi %min3A_279, %add3A_300 : i32
    %sub3A_302 = arith.constant 1 : i32
    %sub3A_303 = arith.subi %add3A_301, %sub3A_302 : i32
    %jit3A_304 = arith.constant 4 : i32
    %div3A_305 = arith.divsi %sub3A_303, %jit3A_304 : i32
    %sign3A_306 = arith.constant 0 : i32
    %sign3A_307 = arith.cmpi sgt, %sub3A_303, %sign3A_306 : i32
    %sign3A_308 = arith.extui %sign3A_307 : i1 to i32
    %sign3A_309 = arith.constant 0 : i32
    %sign3A_310 = arith.cmpi slt, %sub3A_303, %sign3A_309 : i32
    %sign3A_311 = arith.extui %sign3A_310 : i1 to i32
    %sign3A_312 = arith.subi %sign3A_308, %sign3A_311 : i32
    %sign3A_313 = arith.constant 0 : i32
    %sign3A_314 = arith.cmpi sgt, %jit3A_304, %sign3A_313 : i32
    %sign3A_315 = arith.extui %sign3A_314 : i1 to i32
    %sign3A_316 = arith.constant 0 : i32
    %sign3A_317 = arith.cmpi slt, %jit3A_304, %sign3A_316 : i32
    %sign3A_318 = arith.extui %sign3A_317 : i1 to i32
    %sign3A_319 = arith.subi %sign3A_315, %sign3A_318 : i32
    %ne3A_320 = arith.cmpi ne, %sign3A_312, %sign3A_319 : i32
    %rem3A_321 = arith.remsi %sub3A_303, %jit3A_304 : i32
    %ne3A_322 = arith.constant 0 : i32
    %ne3A_323 = arith.cmpi ne, %rem3A_321, %ne3A_322 : i32
    %and3A_324 = arith.andi %ne3A_320, %ne3A_323 : i1
    %sub3A_325 = arith.constant 1 : i32
    %sub3A_326 = arith.subi %div3A_305, %sub3A_325 : i32
    %select_n3A_327 = arith.select %and3A_324, %sub3A_326, %div3A_305 : i32
    %while3A_328 = arith.constant 0 : i32
    %while3A_329 = arith.constant 0 : i32
    %while3A_330 = arith.subi %select_n3A_327, %while3A_329 : i32
    %while3A_331 = arith.addi %while3A_329, %while3A_330 : i32
    %while3A_332 = arith.constant 1 : i32
    %while3A_333 = arith.divsi %while3A_330, %while3A_332 : i32
    %while3A_334 = arith.muli %while3A_333, %while3A_332 : i32
    %while3A_335 = arith.addi %while3A_329, %while3A_334 : i32
    %while3A_336 = arith.constant 1 : i32
    scf.for %while3A_446 = %while3A_329 to %while3A_335 step %while3A_336  : i32 {
      %mul3A_447 = arith.constant 4 : i32
      %mul3A_448 = arith.muli %while3A_446, %mul3A_447 : i32
      %add3A_449 = arith.constant 0 : i32
      %add3A_450 = arith.addi %mul3A_448, %add3A_449 : i32
      %lt3A = arith.cmpi slt, %add3A_450, %min3A_279 : i32
      %convert_element_type3A_451 = arith.extui %lt3A : i1 to i32
      %cond3A_452 = arith.constant 0 : i32
      %cond3A_453 = arith.cmpi ne, %convert_element_type3A_451, %cond3A_452 : i32
      scf.if %cond3A_453 {
        %dma_wait3A = arith.constant 0 : i32
        %dma_wait3A_478 = tpu.memref_slice %arg7[%add3A_450, %dma_wait3A] : memref<81x128xi32, #tpu.memory_space<vmem>> -> memref<1x128xi32, #tpu.memory_space<vmem>>
        %dma_wait3A_479 = tpu.memref_squeeze %dma_wait3A_478 : memref<1x128xi32, #tpu.memory_space<vmem>> -> memref<128xi32, #tpu.memory_space<vmem>>
        %dma_wait3A_480 = arith.constant 0 : i32
        %dma_wait3A_481 = arith.constant 0 : i32
        %dma_wait3A_482 = tpu.memref_slice %arg5[%dma_wait3A_480, %dma_wait3A_481] : memref<10000x128xf32, #tpu.memory_space<hbm>> -> memref<10000x128xf32, #tpu.memory_space<hbm>>
        tpu.wait_indirect_dma semaphore(%arg16 : memref<!tpu.dma_semaphore, #tpu.memory_space<semaphore_mem>>) src(%dma_wait3A_482 : memref<10000x128xf32, #tpu.memory_space<hbm>>) dst(%arg9 : memref<128x128xf32, #tpu.memory_space<vmem>>)
        "tpu.region"() ({
          %run_scoped3A = tpu.sem_alloc : memref<!tpu.dma_semaphore, #tpu.memory_space<semaphore_mem>>
          %dma_start3A = arith.constant 0 : i32
          %dma_start3A_489 = tpu.memref_slice %arg8[%add3A_450, %dma_start3A] : memref<81x128xi32, #tpu.memory_space<vmem>> -> memref<1x128xi32, #tpu.memory_space<vmem>>
          %dma_start3A_490 = tpu.memref_squeeze %dma_start3A_489 : memref<1x128xi32, #tpu.memory_space<vmem>> -> memref<128xi32, #tpu.memory_space<vmem>>
          %dma_start3A_491 = arith.constant 0 : i32
          %dma_start3A_492 = arith.constant 0 : i32
          %dma_start3A_493 = tpu.memref_slice %arg15[%dma_start3A_491, %dma_start3A_492] : memref<2560x128xf32, #tpu.memory_space<vmem_shared>> -> memref<2560x128xf32, #tpu.memory_space<vmem_shared>>
          %dma_start3A_494 = arith.constant -1 : i32
          tpu.enqueue_indirect_dma source(%arg9 : memref<128x128xf32, #tpu.memory_space<vmem>>) target(%dma_start3A_493 : memref<2560x128xf32, #tpu.memory_space<vmem_shared>>) offsets(%dma_start3A_490 : memref<128xi32, #tpu.memory_space<vmem>>) offset_filter(%dma_start3A_494) semaphore(%run_scoped3A : memref<!tpu.dma_semaphore, #tpu.memory_space<semaphore_mem>>) {add = true}
          %dma_wait3A_495 = arith.constant 0 : i32
          %dma_wait3A_496 = tpu.memref_slice %arg8[%add3A_450, %dma_wait3A_495] : memref<81x128xi32, #tpu.memory_space<vmem>> -> memref<1x128xi32, #tpu.memory_space<vmem>>
          %dma_wait3A_497 = tpu.memref_squeeze %dma_wait3A_496 : memref<1x128xi32, #tpu.memory_space<vmem>> -> memref<128xi32, #tpu.memory_space<vmem>>
          %dma_wait3A_498 = arith.constant 0 : i32
          %dma_wait3A_499 = arith.constant 0 : i32
          %dma_wait3A_500 = tpu.memref_slice %arg15[%dma_wait3A_498, %dma_wait3A_499] : memref<2560x128xf32, #tpu.memory_space<vmem_shared>> -> memref<2560x128xf32, #tpu.memory_space<vmem_shared>>
          tpu.wait_indirect_dma semaphore(%run_scoped3A : memref<!tpu.dma_semaphore, #tpu.memory_space<semaphore_mem>>) src(%arg9 : memref<128x128xf32, #tpu.memory_space<vmem>>) dst(%dma_wait3A_500 : memref<2560x128xf32, #tpu.memory_space<vmem_shared>>)
          tpu.yield
        }) : () -> ()
        %add3A_483 = arith.constant 4 : i32
        %add3A_484 = arith.addi %add3A_450, %add3A_483 : i32
        %lt3A_485 = arith.cmpi slt, %add3A_484, %min3A_279 : i32
        %convert_element_type3A_486 = arith.extui %lt3A_485 : i1 to i32
        %cond3A_487 = arith.constant 0 : i32
        %cond3A_488 = arith.cmpi ne, %convert_element_type3A_486, %cond3A_487 : i32
        scf.if %cond3A_488 {
          %add3A_489 = arith.constant 4 : i32
          %add3A_490 = arith.addi %add3A_450, %add3A_489 : i32
          %dma_start3A = arith.constant 0 : i32
          %dma_start3A_491 = tpu.memref_slice %arg7[%add3A_490, %dma_start3A] : memref<81x128xi32, #tpu.memory_space<vmem>> -> memref<1x128xi32, #tpu.memory_space<vmem>>
          %dma_start3A_492 = tpu.memref_squeeze %dma_start3A_491 : memref<1x128xi32, #tpu.memory_space<vmem>> -> memref<128xi32, #tpu.memory_space<vmem>>
          %dma_start3A_493 = arith.constant 0 : i32
          %dma_start3A_494 = arith.constant 0 : i32
          %dma_start3A_495 = tpu.memref_slice %arg5[%dma_start3A_493, %dma_start3A_494] : memref<10000x128xf32, #tpu.memory_space<hbm>> -> memref<10000x128xf32, #tpu.memory_space<hbm>>
          %dma_start3A_496 = arith.constant -1 : i32
          tpu.enqueue_indirect_dma source(%dma_start3A_495 : memref<10000x128xf32, #tpu.memory_space<hbm>>) target(%arg9 : memref<128x128xf32, #tpu.memory_space<vmem>>) offsets(%dma_start3A_492 : memref<128xi32, #tpu.memory_space<vmem>>) offset_filter(%dma_start3A_496) semaphore(%arg16 : memref<!tpu.dma_semaphore, #tpu.memory_space<semaphore_mem>>)
        } else {
        }
      } else {
      }
      %mul3A_454 = arith.constant 4 : i32
      %mul3A_455 = arith.muli %while3A_446, %mul3A_454 : i32
      %add3A_456 = arith.constant 1 : i32
      %add3A_457 = arith.addi %mul3A_455, %add3A_456 : i32
      %lt3A_458 = arith.cmpi slt, %add3A_457, %min3A_279 : i32
      %convert_element_type3A_459 = arith.extui %lt3A_458 : i1 to i32
      %cond3A_460 = arith.constant 0 : i32
      %cond3A_461 = arith.cmpi ne, %convert_element_type3A_459, %cond3A_460 : i32
      scf.if %cond3A_461 {
        %dma_wait3A = arith.constant 0 : i32
        %dma_wait3A_478 = tpu.memref_slice %arg7[%add3A_457, %dma_wait3A] : memref<81x128xi32, #tpu.memory_space<vmem>> -> memref<1x128xi32, #tpu.memory_space<vmem>>
        %dma_wait3A_479 = tpu.memref_squeeze %dma_wait3A_478 : memref<1x128xi32, #tpu.memory_space<vmem>> -> memref<128xi32, #tpu.memory_space<vmem>>
        %dma_wait3A_480 = arith.constant 0 : i32
        %dma_wait3A_481 = arith.constant 0 : i32
        %dma_wait3A_482 = tpu.memref_slice %arg5[%dma_wait3A_480, %dma_wait3A_481] : memref<10000x128xf32, #tpu.memory_space<hbm>> -> memref<10000x128xf32, #tpu.memory_space<hbm>>
        tpu.wait_indirect_dma semaphore(%arg17 : memref<!tpu.dma_semaphore, #tpu.memory_space<semaphore_mem>>) src(%dma_wait3A_482 : memref<10000x128xf32, #tpu.memory_space<hbm>>) dst(%arg10 : memref<128x128xf32, #tpu.memory_space<vmem>>)
        "tpu.region"() ({
          %run_scoped3A = tpu.sem_alloc : memref<!tpu.dma_semaphore, #tpu.memory_space<semaphore_mem>>
          %dma_start3A = arith.constant 0 : i32
          %dma_start3A_489 = tpu.memref_slice %arg8[%add3A_457, %dma_start3A] : memref<81x128xi32, #tpu.memory_space<vmem>> -> memref<1x128xi32, #tpu.memory_space<vmem>>
          %dma_start3A_490 = tpu.memref_squeeze %dma_start3A_489 : memref<1x128xi32, #tpu.memory_space<vmem>> -> memref<128xi32, #tpu.memory_space<vmem>>
          %dma_start3A_491 = arith.constant 0 : i32
          %dma_start3A_492 = arith.constant 0 : i32
          %dma_start3A_493 = tpu.memref_slice %arg15[%dma_start3A_491, %dma_start3A_492] : memref<2560x128xf32, #tpu.memory_space<vmem_shared>> -> memref<2560x128xf32, #tpu.memory_space<vmem_shared>>
          %dma_start3A_494 = arith.constant -1 : i32
          tpu.enqueue_indirect_dma source(%arg10 : memref<128x128xf32, #tpu.memory_space<vmem>>) target(%dma_start3A_493 : memref<2560x128xf32, #tpu.memory_space<vmem_shared>>) offsets(%dma_start3A_490 : memref<128xi32, #tpu.memory_space<vmem>>) offset_filter(%dma_start3A_494) semaphore(%run_scoped3A : memref<!tpu.dma_semaphore, #tpu.memory_space<semaphore_mem>>) {add = true}
          %dma_wait3A_495 = arith.constant 0 : i32
          %dma_wait3A_496 = tpu.memref_slice %arg8[%add3A_457, %dma_wait3A_495] : memref<81x128xi32, #tpu.memory_space<vmem>> -> memref<1x128xi32, #tpu.memory_space<vmem>>
          %dma_wait3A_497 = tpu.memref_squeeze %dma_wait3A_496 : memref<1x128xi32, #tpu.memory_space<vmem>> -> memref<128xi32, #tpu.memory_space<vmem>>
          %dma_wait3A_498 = arith.constant 0 : i32
          %dma_wait3A_499 = arith.constant 0 : i32
          %dma_wait3A_500 = tpu.memref_slice %arg15[%dma_wait3A_498, %dma_wait3A_499] : memref<2560x128xf32, #tpu.memory_space<vmem_shared>> -> memref<2560x128xf32, #tpu.memory_space<vmem_shared>>
          tpu.wait_indirect_dma semaphore(%run_scoped3A : memref<!tpu.dma_semaphore, #tpu.memory_space<semaphore_mem>>) src(%arg10 : memref<128x128xf32, #tpu.memory_space<vmem>>) dst(%dma_wait3A_500 : memref<2560x128xf32, #tpu.memory_space<vmem_shared>>)
          tpu.yield
        }) : () -> ()
        %add3A_483 = arith.constant 4 : i32
        %add3A_484 = arith.addi %add3A_457, %add3A_483 : i32
        %lt3A_485 = arith.cmpi slt, %add3A_484, %min3A_279 : i32
        %convert_element_type3A_486 = arith.extui %lt3A_485 : i1 to i32
        %cond3A_487 = arith.constant 0 : i32
        %cond3A_488 = arith.cmpi ne, %convert_element_type3A_486, %cond3A_487 : i32
        scf.if %cond3A_488 {
          %add3A_489 = arith.constant 4 : i32
          %add3A_490 = arith.addi %add3A_457, %add3A_489 : i32
          %dma_start3A = arith.constant 0 : i32
          %dma_start3A_491 = tpu.memref_slice %arg7[%add3A_490, %dma_start3A] : memref<81x128xi32, #tpu.memory_space<vmem>> -> memref<1x128xi32, #tpu.memory_space<vmem>>
          %dma_start3A_492 = tpu.memref_squeeze %dma_start3A_491 : memref<1x128xi32, #tpu.memory_space<vmem>> -> memref<128xi32, #tpu.memory_space<vmem>>
          %dma_start3A_493 = arith.constant 0 : i32
          %dma_start3A_494 = arith.constant 0 : i32
          %dma_start3A_495 = tpu.memref_slice %arg5[%dma_start3A_493, %dma_start3A_494] : memref<10000x128xf32, #tpu.memory_space<hbm>> -> memref<10000x128xf32, #tpu.memory_space<hbm>>
          %dma_start3A_496 = arith.constant -1 : i32
          tpu.enqueue_indirect_dma source(%dma_start3A_495 : memref<10000x128xf32, #tpu.memory_space<hbm>>) target(%arg10 : memref<128x128xf32, #tpu.memory_space<vmem>>) offsets(%dma_start3A_492 : memref<128xi32, #tpu.memory_space<vmem>>) offset_filter(%dma_start3A_496) semaphore(%arg17 : memref<!tpu.dma_semaphore, #tpu.memory_space<semaphore_mem>>)
        } else {
        }
      } else {
      }
      %mul3A_462 = arith.constant 4 : i32
      %mul3A_463 = arith.muli %while3A_446, %mul3A_462 : i32
      %add3A_464 = arith.constant 2 : i32
      %add3A_465 = arith.addi %mul3A_463, %add3A_464 : i32
      %lt3A_466 = arith.cmpi slt, %add3A_465, %min3A_279 : i32
      %convert_element_type3A_467 = arith.extui %lt3A_466 : i1 to i32
      %cond3A_468 = arith.constant 0 : i32
      %cond3A_469 = arith.cmpi ne, %convert_element_type3A_467, %cond3A_468 : i32
      scf.if %cond3A_469 {
        %dma_wait3A = arith.constant 0 : i32
        %dma_wait3A_478 = tpu.memref_slice %arg7[%add3A_465, %dma_wait3A] : memref<81x128xi32, #tpu.memory_space<vmem>> -> memref<1x128xi32, #tpu.memory_space<vmem>>
        %dma_wait3A_479 = tpu.memref_squeeze %dma_wait3A_478 : memref<1x128xi32, #tpu.memory_space<vmem>> -> memref<128xi32, #tpu.memory_space<vmem>>
        %dma_wait3A_480 = arith.constant 0 : i32
        %dma_wait3A_481 = arith.constant 0 : i32
        %dma_wait3A_482 = tpu.memref_slice %arg5[%dma_wait3A_480, %dma_wait3A_481] : memref<10000x128xf32, #tpu.memory_space<hbm>> -> memref<10000x128xf32, #tpu.memory_space<hbm>>
        tpu.wait_indirect_dma semaphore(%arg18 : memref<!tpu.dma_semaphore, #tpu.memory_space<semaphore_mem>>) src(%dma_wait3A_482 : memref<10000x128xf32, #tpu.memory_space<hbm>>) dst(%arg11 : memref<128x128xf32, #tpu.memory_space<vmem>>)
        "tpu.region"() ({
          %run_scoped3A = tpu.sem_alloc : memref<!tpu.dma_semaphore, #tpu.memory_space<semaphore_mem>>
          %dma_start3A = arith.constant 0 : i32
          %dma_start3A_489 = tpu.memref_slice %arg8[%add3A_465, %dma_start3A] : memref<81x128xi32, #tpu.memory_space<vmem>> -> memref<1x128xi32, #tpu.memory_space<vmem>>
          %dma_start3A_490 = tpu.memref_squeeze %dma_start3A_489 : memref<1x128xi32, #tpu.memory_space<vmem>> -> memref<128xi32, #tpu.memory_space<vmem>>
          %dma_start3A_491 = arith.constant 0 : i32
          %dma_start3A_492 = arith.constant 0 : i32
          %dma_start3A_493 = tpu.memref_slice %arg15[%dma_start3A_491, %dma_start3A_492] : memref<2560x128xf32, #tpu.memory_space<vmem_shared>> -> memref<2560x128xf32, #tpu.memory_space<vmem_shared>>
          %dma_start3A_494 = arith.constant -1 : i32
          tpu.enqueue_indirect_dma source(%arg11 : memref<128x128xf32, #tpu.memory_space<vmem>>) target(%dma_start3A_493 : memref<2560x128xf32, #tpu.memory_space<vmem_shared>>) offsets(%dma_start3A_490 : memref<128xi32, #tpu.memory_space<vmem>>) offset_filter(%dma_start3A_494) semaphore(%run_scoped3A : memref<!tpu.dma_semaphore, #tpu.memory_space<semaphore_mem>>) {add = true}
          %dma_wait3A_495 = arith.constant 0 : i32
          %dma_wait3A_496 = tpu.memref_slice %arg8[%add3A_465, %dma_wait3A_495] : memref<81x128xi32, #tpu.memory_space<vmem>> -> memref<1x128xi32, #tpu.memory_space<vmem>>
          %dma_wait3A_497 = tpu.memref_squeeze %dma_wait3A_496 : memref<1x128xi32, #tpu.memory_space<vmem>> -> memref<128xi32, #tpu.memory_space<vmem>>
          %dma_wait3A_498 = arith.constant 0 : i32
          %dma_wait3A_499 = arith.constant 0 : i32
          %dma_wait3A_500 = tpu.memref_slice %arg15[%dma_wait3A_498, %dma_wait3A_499] : memref<2560x128xf32, #tpu.memory_space<vmem_shared>> -> memref<2560x128xf32, #tpu.memory_space<vmem_shared>>
          tpu.wait_indirect_dma semaphore(%run_scoped3A : memref<!tpu.dma_semaphore, #tpu.memory_space<semaphore_mem>>) src(%arg11 : memref<128x128xf32, #tpu.memory_space<vmem>>) dst(%dma_wait3A_500 : memref<2560x128xf32, #tpu.memory_space<vmem_shared>>)
          tpu.yield
        }) : () -> ()
        %add3A_483 = arith.constant 4 : i32
        %add3A_484 = arith.addi %add3A_465, %add3A_483 : i32
        %lt3A_485 = arith.cmpi slt, %add3A_484, %min3A_279 : i32
        %convert_element_type3A_486 = arith.extui %lt3A_485 : i1 to i32
        %cond3A_487 = arith.constant 0 : i32
        %cond3A_488 = arith.cmpi ne, %convert_element_type3A_486, %cond3A_487 : i32
        scf.if %cond3A_488 {
          %add3A_489 = arith.constant 4 : i32
          %add3A_490 = arith.addi %add3A_465, %add3A_489 : i32
          %dma_start3A = arith.constant 0 : i32
          %dma_start3A_491 = tpu.memref_slice %arg7[%add3A_490, %dma_start3A] : memref<81x128xi32, #tpu.memory_space<vmem>> -> memref<1x128xi32, #tpu.memory_space<vmem>>
          %dma_start3A_492 = tpu.memref_squeeze %dma_start3A_491 : memref<1x128xi32, #tpu.memory_space<vmem>> -> memref<128xi32, #tpu.memory_space<vmem>>
          %dma_start3A_493 = arith.constant 0 : i32
          %dma_start3A_494 = arith.constant 0 : i32
          %dma_start3A_495 = tpu.memref_slice %arg5[%dma_start3A_493, %dma_start3A_494] : memref<10000x128xf32, #tpu.memory_space<hbm>> -> memref<10000x128xf32, #tpu.memory_space<hbm>>
          %dma_start3A_496 = arith.constant -1 : i32
          tpu.enqueue_indirect_dma source(%dma_start3A_495 : memref<10000x128xf32, #tpu.memory_space<hbm>>) target(%arg11 : memref<128x128xf32, #tpu.memory_space<vmem>>) offsets(%dma_start3A_492 : memref<128xi32, #tpu.memory_space<vmem>>) offset_filter(%dma_start3A_496) semaphore(%arg18 : memref<!tpu.dma_semaphore, #tpu.memory_space<semaphore_mem>>)
        } else {
        }
      } else {
      }
      %mul3A_470 = arith.constant 4 : i32
      %mul3A_471 = arith.muli %while3A_446, %mul3A_470 : i32
      %add3A_472 = arith.constant 3 : i32
      %add3A_473 = arith.addi %mul3A_471, %add3A_472 : i32
      %lt3A_474 = arith.cmpi slt, %add3A_473, %min3A_279 : i32
      %convert_element_type3A_475 = arith.extui %lt3A_474 : i1 to i32
      %cond3A_476 = arith.constant 0 : i32
      %cond3A_477 = arith.cmpi ne, %convert_element_type3A_475, %cond3A_476 : i32
      scf.if %cond3A_477 {
        %dma_wait3A = arith.constant 0 : i32
        %dma_wait3A_478 = tpu.memref_slice %arg7[%add3A_473, %dma_wait3A] : memref<81x128xi32, #tpu.memory_space<vmem>> -> memref<1x128xi32, #tpu.memory_space<vmem>>
        %dma_wait3A_479 = tpu.memref_squeeze %dma_wait3A_478 : memref<1x128xi32, #tpu.memory_space<vmem>> -> memref<128xi32, #tpu.memory_space<vmem>>
        %dma_wait3A_480 = arith.constant 0 : i32
        %dma_wait3A_481 = arith.constant 0 : i32
        %dma_wait3A_482 = tpu.memref_slice %arg5[%dma_wait3A_480, %dma_wait3A_481] : memref<10000x128xf32, #tpu.memory_space<hbm>> -> memref<10000x128xf32, #tpu.memory_space<hbm>>
        tpu.wait_indirect_dma semaphore(%arg19 : memref<!tpu.dma_semaphore, #tpu.memory_space<semaphore_mem>>) src(%dma_wait3A_482 : memref<10000x128xf32, #tpu.memory_space<hbm>>) dst(%arg12 : memref<128x128xf32, #tpu.memory_space<vmem>>)
        "tpu.region"() ({
          %run_scoped3A = tpu.sem_alloc : memref<!tpu.dma_semaphore, #tpu.memory_space<semaphore_mem>>
          %dma_start3A = arith.constant 0 : i32
          %dma_start3A_489 = tpu.memref_slice %arg8[%add3A_473, %dma_start3A] : memref<81x128xi32, #tpu.memory_space<vmem>> -> memref<1x128xi32, #tpu.memory_space<vmem>>
          %dma_start3A_490 = tpu.memref_squeeze %dma_start3A_489 : memref<1x128xi32, #tpu.memory_space<vmem>> -> memref<128xi32, #tpu.memory_space<vmem>>
          %dma_start3A_491 = arith.constant 0 : i32
          %dma_start3A_492 = arith.constant 0 : i32
          %dma_start3A_493 = tpu.memref_slice %arg15[%dma_start3A_491, %dma_start3A_492] : memref<2560x128xf32, #tpu.memory_space<vmem_shared>> -> memref<2560x128xf32, #tpu.memory_space<vmem_shared>>
          %dma_start3A_494 = arith.constant -1 : i32
          tpu.enqueue_indirect_dma source(%arg12 : memref<128x128xf32, #tpu.memory_space<vmem>>) target(%dma_start3A_493 : memref<2560x128xf32, #tpu.memory_space<vmem_shared>>) offsets(%dma_start3A_490 : memref<128xi32, #tpu.memory_space<vmem>>) offset_filter(%dma_start3A_494) semaphore(%run_scoped3A : memref<!tpu.dma_semaphore, #tpu.memory_space<semaphore_mem>>) {add = true}
          %dma_wait3A_495 = arith.constant 0 : i32
          %dma_wait3A_496 = tpu.memref_slice %arg8[%add3A_473, %dma_wait3A_495] : memref<81x128xi32, #tpu.memory_space<vmem>> -> memref<1x128xi32, #tpu.memory_space<vmem>>
          %dma_wait3A_497 = tpu.memref_squeeze %dma_wait3A_496 : memref<1x128xi32, #tpu.memory_space<vmem>> -> memref<128xi32, #tpu.memory_space<vmem>>
          %dma_wait3A_498 = arith.constant 0 : i32
          %dma_wait3A_499 = arith.constant 0 : i32
          %dma_wait3A_500 = tpu.memref_slice %arg15[%dma_wait3A_498, %dma_wait3A_499] : memref<2560x128xf32, #tpu.memory_space<vmem_shared>> -> memref<2560x128xf32, #tpu.memory_space<vmem_shared>>
          tpu.wait_indirect_dma semaphore(%run_scoped3A : memref<!tpu.dma_semaphore, #tpu.memory_space<semaphore_mem>>) src(%arg12 : memref<128x128xf32, #tpu.memory_space<vmem>>) dst(%dma_wait3A_500 : memref<2560x128xf32, #tpu.memory_space<vmem_shared>>)
          tpu.yield
        }) : () -> ()
        %add3A_483 = arith.constant 4 : i32
        %add3A_484 = arith.addi %add3A_473, %add3A_483 : i32
        %lt3A_485 = arith.cmpi slt, %add3A_484, %min3A_279 : i32
        %convert_element_type3A_486 = arith.extui %lt3A_485 : i1 to i32
        %cond3A_487 = arith.constant 0 : i32
        %cond3A_488 = arith.cmpi ne, %convert_element_type3A_486, %cond3A_487 : i32
        scf.if %cond3A_488 {
          %add3A_489 = arith.constant 4 : i32
          %add3A_490 = arith.addi %add3A_473, %add3A_489 : i32
          %dma_start3A = arith.constant 0 : i32
          %dma_start3A_491 = tpu.memref_slice %arg7[%add3A_490, %dma_start3A] : memref<81x128xi32, #tpu.memory_space<vmem>> -> memref<1x128xi32, #tpu.memory_space<vmem>>
          %dma_start3A_492 = tpu.memref_squeeze %dma_start3A_491 : memref<1x128xi32, #tpu.memory_space<vmem>> -> memref<128xi32, #tpu.memory_space<vmem>>
          %dma_start3A_493 = arith.constant 0 : i32
          %dma_start3A_494 = arith.constant 0 : i32
          %dma_start3A_495 = tpu.memref_slice %arg5[%dma_start3A_493, %dma_start3A_494] : memref<10000x128xf32, #tpu.memory_space<hbm>> -> memref<10000x128xf32, #tpu.memory_space<hbm>>
          %dma_start3A_496 = arith.constant -1 : i32
          tpu.enqueue_indirect_dma source(%dma_start3A_495 : memref<10000x128xf32, #tpu.memory_space<hbm>>) target(%arg12 : memref<128x128xf32, #tpu.memory_space<vmem>>) offsets(%dma_start3A_492 : memref<128xi32, #tpu.memory_space<vmem>>) offset_filter(%dma_start3A_496) semaphore(%arg19 : memref<!tpu.dma_semaphore, #tpu.memory_space<semaphore_mem>>)
        } else {
        }
      } else {
      }
    }
    %while3A_337 = arith.constant 1 : i32
    scf.for %while3A_446 = %while3A_335 to %while3A_331 step %while3A_337  : i32 {
      %mul3A_447 = arith.constant 4 : i32
      %mul3A_448 = arith.muli %while3A_446, %mul3A_447 : i32
      %add3A_449 = arith.constant 0 : i32
      %add3A_450 = arith.addi %mul3A_448, %add3A_449 : i32
      %lt3A = arith.cmpi slt, %add3A_450, %min3A_279 : i32
      %convert_element_type3A_451 = arith.extui %lt3A : i1 to i32
      %cond3A_452 = arith.constant 0 : i32
      %cond3A_453 = arith.cmpi ne, %convert_element_type3A_451, %cond3A_452 : i32
      scf.if %cond3A_453 {
        %dma_wait3A = arith.constant 0 : i32
        %dma_wait3A_478 = tpu.memref_slice %arg7[%add3A_450, %dma_wait3A] : memref<81x128xi32, #tpu.memory_space<vmem>> -> memref<1x128xi32, #tpu.memory_space<vmem>>
        %dma_wait3A_479 = tpu.memref_squeeze %dma_wait3A_478 : memref<1x128xi32, #tpu.memory_space<vmem>> -> memref<128xi32, #tpu.memory_space<vmem>>
        %dma_wait3A_480 = arith.constant 0 : i32
        %dma_wait3A_481 = arith.constant 0 : i32
        %dma_wait3A_482 = tpu.memref_slice %arg5[%dma_wait3A_480, %dma_wait3A_481] : memref<10000x128xf32, #tpu.memory_space<hbm>> -> memref<10000x128xf32, #tpu.memory_space<hbm>>
        tpu.wait_indirect_dma semaphore(%arg16 : memref<!tpu.dma_semaphore, #tpu.memory_space<semaphore_mem>>) src(%dma_wait3A_482 : memref<10000x128xf32, #tpu.memory_space<hbm>>) dst(%arg9 : memref<128x128xf32, #tpu.memory_space<vmem>>)
        "tpu.region"() ({
          %run_scoped3A = tpu.sem_alloc : memref<!tpu.dma_semaphore, #tpu.memory_space<semaphore_mem>>
          %dma_start3A = arith.constant 0 : i32
          %dma_start3A_489 = tpu.memref_slice %arg8[%add3A_450, %dma_start3A] : memref<81x128xi32, #tpu.memory_space<vmem>> -> memref<1x128xi32, #tpu.memory_space<vmem>>
          %dma_start3A_490 = tpu.memref_squeeze %dma_start3A_489 : memref<1x128xi32, #tpu.memory_space<vmem>> -> memref<128xi32, #tpu.memory_space<vmem>>
          %dma_start3A_491 = arith.constant 0 : i32
          %dma_start3A_492 = arith.constant 0 : i32
          %dma_start3A_493 = tpu.memref_slice %arg15[%dma_start3A_491, %dma_start3A_492] : memref<2560x128xf32, #tpu.memory_space<vmem_shared>> -> memref<2560x128xf32, #tpu.memory_space<vmem_shared>>
          %dma_start3A_494 = arith.constant -1 : i32
          tpu.enqueue_indirect_dma source(%arg9 : memref<128x128xf32, #tpu.memory_space<vmem>>) target(%dma_start3A_493 : memref<2560x128xf32, #tpu.memory_space<vmem_shared>>) offsets(%dma_start3A_490 : memref<128xi32, #tpu.memory_space<vmem>>) offset_filter(%dma_start3A_494) semaphore(%run_scoped3A : memref<!tpu.dma_semaphore, #tpu.memory_space<semaphore_mem>>) {add = true}
          %dma_wait3A_495 = arith.constant 0 : i32
          %dma_wait3A_496 = tpu.memref_slice %arg8[%add3A_450, %dma_wait3A_495] : memref<81x128xi32, #tpu.memory_space<vmem>> -> memref<1x128xi32, #tpu.memory_space<vmem>>
          %dma_wait3A_497 = tpu.memref_squeeze %dma_wait3A_496 : memref<1x128xi32, #tpu.memory_space<vmem>> -> memref<128xi32, #tpu.memory_space<vmem>>
          %dma_wait3A_498 = arith.constant 0 : i32
          %dma_wait3A_499 = arith.constant 0 : i32
          %dma_wait3A_500 = tpu.memref_slice %arg15[%dma_wait3A_498, %dma_wait3A_499] : memref<2560x128xf32, #tpu.memory_space<vmem_shared>> -> memref<2560x128xf32, #tpu.memory_space<vmem_shared>>
          tpu.wait_indirect_dma semaphore(%run_scoped3A : memref<!tpu.dma_semaphore, #tpu.memory_space<semaphore_mem>>) src(%arg9 : memref<128x128xf32, #tpu.memory_space<vmem>>) dst(%dma_wait3A_500 : memref<2560x128xf32, #tpu.memory_space<vmem_shared>>)
          tpu.yield
        }) : () -> ()
        %add3A_483 = arith.constant 4 : i32
        %add3A_484 = arith.addi %add3A_450, %add3A_483 : i32
        %lt3A_485 = arith.cmpi slt, %add3A_484, %min3A_279 : i32
        %convert_element_type3A_486 = arith.extui %lt3A_485 : i1 to i32
        %cond3A_487 = arith.constant 0 : i32
        %cond3A_488 = arith.cmpi ne, %convert_element_type3A_486, %cond3A_487 : i32
        scf.if %cond3A_488 {
          %add3A_489 = arith.constant 4 : i32
          %add3A_490 = arith.addi %add3A_450, %add3A_489 : i32
          %dma_start3A = arith.constant 0 : i32
          %dma_start3A_491 = tpu.memref_slice %arg7[%add3A_490, %dma_start3A] : memref<81x128xi32, #tpu.memory_space<vmem>> -> memref<1x128xi32, #tpu.memory_space<vmem>>
          %dma_start3A_492 = tpu.memref_squeeze %dma_start3A_491 : memref<1x128xi32, #tpu.memory_space<vmem>> -> memref<128xi32, #tpu.memory_space<vmem>>
          %dma_start3A_493 = arith.constant 0 : i32
          %dma_start3A_494 = arith.constant 0 : i32
          %dma_start3A_495 = tpu.memref_slice %arg5[%dma_start3A_493, %dma_start3A_494] : memref<10000x128xf32, #tpu.memory_space<hbm>> -> memref<10000x128xf32, #tpu.memory_space<hbm>>
          %dma_start3A_496 = arith.constant -1 : i32
          tpu.enqueue_indirect_dma source(%dma_start3A_495 : memref<10000x128xf32, #tpu.memory_space<hbm>>) target(%arg9 : memref<128x128xf32, #tpu.memory_space<vmem>>) offsets(%dma_start3A_492 : memref<128xi32, #tpu.memory_space<vmem>>) offset_filter(%dma_start3A_496) semaphore(%arg16 : memref<!tpu.dma_semaphore, #tpu.memory_space<semaphore_mem>>)
        } else {
        }
      } else {
      }
      %mul3A_454 = arith.constant 4 : i32
      %mul3A_455 = arith.muli %while3A_446, %mul3A_454 : i32
      %add3A_456 = arith.constant 1 : i32
      %add3A_457 = arith.addi %mul3A_455, %add3A_456 : i32
      %lt3A_458 = arith.cmpi slt, %add3A_457, %min3A_279 : i32
      %convert_element_type3A_459 = arith.extui %lt3A_458 : i1 to i32
      %cond3A_460 = arith.constant 0 : i32
      %cond3A_461 = arith.cmpi ne, %convert_element_type3A_459, %cond3A_460 : i32
      scf.if %cond3A_461 {
        %dma_wait3A = arith.constant 0 : i32
        %dma_wait3A_478 = tpu.memref_slice %arg7[%add3A_457, %dma_wait3A] : memref<81x128xi32, #tpu.memory_space<vmem>> -> memref<1x128xi32, #tpu.memory_space<vmem>>
        %dma_wait3A_479 = tpu.memref_squeeze %dma_wait3A_478 : memref<1x128xi32, #tpu.memory_space<vmem>> -> memref<128xi32, #tpu.memory_space<vmem>>
        %dma_wait3A_480 = arith.constant 0 : i32
        %dma_wait3A_481 = arith.constant 0 : i32
        %dma_wait3A_482 = tpu.memref_slice %arg5[%dma_wait3A_480, %dma_wait3A_481] : memref<10000x128xf32, #tpu.memory_space<hbm>> -> memref<10000x128xf32, #tpu.memory_space<hbm>>
        tpu.wait_indirect_dma semaphore(%arg17 : memref<!tpu.dma_semaphore, #tpu.memory_space<semaphore_mem>>) src(%dma_wait3A_482 : memref<10000x128xf32, #tpu.memory_space<hbm>>) dst(%arg10 : memref<128x128xf32, #tpu.memory_space<vmem>>)
        "tpu.region"() ({
          %run_scoped3A = tpu.sem_alloc : memref<!tpu.dma_semaphore, #tpu.memory_space<semaphore_mem>>
          %dma_start3A = arith.constant 0 : i32
          %dma_start3A_489 = tpu.memref_slice %arg8[%add3A_457, %dma_start3A] : memref<81x128xi32, #tpu.memory_space<vmem>> -> memref<1x128xi32, #tpu.memory_space<vmem>>
          %dma_start3A_490 = tpu.memref_squeeze %dma_start3A_489 : memref<1x128xi32, #tpu.memory_space<vmem>> -> memref<128xi32, #tpu.memory_space<vmem>>
          %dma_start3A_491 = arith.constant 0 : i32
          %dma_start3A_492 = arith.constant 0 : i32
          %dma_start3A_493 = tpu.memref_slice %arg15[%dma_start3A_491, %dma_start3A_492] : memref<2560x128xf32, #tpu.memory_space<vmem_shared>> -> memref<2560x128xf32, #tpu.memory_space<vmem_shared>>
          %dma_start3A_494 = arith.constant -1 : i32
          tpu.enqueue_indirect_dma source(%arg10 : memref<128x128xf32, #tpu.memory_space<vmem>>) target(%dma_start3A_493 : memref<2560x128xf32, #tpu.memory_space<vmem_shared>>) offsets(%dma_start3A_490 : memref<128xi32, #tpu.memory_space<vmem>>) offset_filter(%dma_start3A_494) semaphore(%run_scoped3A : memref<!tpu.dma_semaphore, #tpu.memory_space<semaphore_mem>>) {add = true}
          %dma_wait3A_495 = arith.constant 0 : i32
          %dma_wait3A_496 = tpu.memref_slice %arg8[%add3A_457, %dma_wait3A_495] : memref<81x128xi32, #tpu.memory_space<vmem>> -> memref<1x128xi32, #tpu.memory_space<vmem>>
          %dma_wait3A_497 = tpu.memref_squeeze %dma_wait3A_496 : memref<1x128xi32, #tpu.memory_space<vmem>> -> memref<128xi32, #tpu.memory_space<vmem>>
          %dma_wait3A_498 = arith.constant 0 : i32
          %dma_wait3A_499 = arith.constant 0 : i32
          %dma_wait3A_500 = tpu.memref_slice %arg15[%dma_wait3A_498, %dma_wait3A_499] : memref<2560x128xf32, #tpu.memory_space<vmem_shared>> -> memref<2560x128xf32, #tpu.memory_space<vmem_shared>>
          tpu.wait_indirect_dma semaphore(%run_scoped3A : memref<!tpu.dma_semaphore, #tpu.memory_space<semaphore_mem>>) src(%arg10 : memref<128x128xf32, #tpu.memory_space<vmem>>) dst(%dma_wait3A_500 : memref<2560x128xf32, #tpu.memory_space<vmem_shared>>)
          tpu.yield
        }) : () -> ()
        %add3A_483 = arith.constant 4 : i32
        %add3A_484 = arith.addi %add3A_457, %add3A_483 : i32
        %lt3A_485 = arith.cmpi slt, %add3A_484, %min3A_279 : i32
        %convert_element_type3A_486 = arith.extui %lt3A_485 : i1 to i32
        %cond3A_487 = arith.constant 0 : i32
        %cond3A_488 = arith.cmpi ne, %convert_element_type3A_486, %cond3A_487 : i32
        scf.if %cond3A_488 {
          %add3A_489 = arith.constant 4 : i32
          %add3A_490 = arith.addi %add3A_457, %add3A_489 : i32
          %dma_start3A = arith.constant 0 : i32
          %dma_start3A_491 = tpu.memref_slice %arg7[%add3A_490, %dma_start3A] : memref<81x128xi32, #tpu.memory_space<vmem>> -> memref<1x128xi32, #tpu.memory_space<vmem>>
          %dma_start3A_492 = tpu.memref_squeeze %dma_start3A_491 : memref<1x128xi32, #tpu.memory_space<vmem>> -> memref<128xi32, #tpu.memory_space<vmem>>
          %dma_start3A_493 = arith.constant 0 : i32
          %dma_start3A_494 = arith.constant 0 : i32
          %dma_start3A_495 = tpu.memref_slice %arg5[%dma_start3A_493, %dma_start3A_494] : memref<10000x128xf32, #tpu.memory_space<hbm>> -> memref<10000x128xf32, #tpu.memory_space<hbm>>
          %dma_start3A_496 = arith.constant -1 : i32
          tpu.enqueue_indirect_dma source(%dma_start3A_495 : memref<10000x128xf32, #tpu.memory_space<hbm>>) target(%arg10 : memref<128x128xf32, #tpu.memory_space<vmem>>) offsets(%dma_start3A_492 : memref<128xi32, #tpu.memory_space<vmem>>) offset_filter(%dma_start3A_496) semaphore(%arg17 : memref<!tpu.dma_semaphore, #tpu.memory_space<semaphore_mem>>)
        } else {
        }
      } else {
      }
      %mul3A_462 = arith.constant 4 : i32
      %mul3A_463 = arith.muli %while3A_446, %mul3A_462 : i32
      %add3A_464 = arith.constant 2 : i32
      %add3A_465 = arith.addi %mul3A_463, %add3A_464 : i32
      %lt3A_466 = arith.cmpi slt, %add3A_465, %min3A_279 : i32
      %convert_element_type3A_467 = arith.extui %lt3A_466 : i1 to i32
      %cond3A_468 = arith.constant 0 : i32
      %cond3A_469 = arith.cmpi ne, %convert_element_type3A_467, %cond3A_468 : i32
      scf.if %cond3A_469 {
        %dma_wait3A = arith.constant 0 : i32
        %dma_wait3A_478 = tpu.memref_slice %arg7[%add3A_465, %dma_wait3A] : memref<81x128xi32, #tpu.memory_space<vmem>> -> memref<1x128xi32, #tpu.memory_space<vmem>>
        %dma_wait3A_479 = tpu.memref_squeeze %dma_wait3A_478 : memref<1x128xi32, #tpu.memory_space<vmem>> -> memref<128xi32, #tpu.memory_space<vmem>>
        %dma_wait3A_480 = arith.constant 0 : i32
        %dma_wait3A_481 = arith.constant 0 : i32
        %dma_wait3A_482 = tpu.memref_slice %arg5[%dma_wait3A_480, %dma_wait3A_481] : memref<10000x128xf32, #tpu.memory_space<hbm>> -> memref<10000x128xf32, #tpu.memory_space<hbm>>
        tpu.wait_indirect_dma semaphore(%arg18 : memref<!tpu.dma_semaphore, #tpu.memory_space<semaphore_mem>>) src(%dma_wait3A_482 : memref<10000x128xf32, #tpu.memory_space<hbm>>) dst(%arg11 : memref<128x128xf32, #tpu.memory_space<vmem>>)
        "tpu.region"() ({
          %run_scoped3A = tpu.sem_alloc : memref<!tpu.dma_semaphore, #tpu.memory_space<semaphore_mem>>
          %dma_start3A = arith.constant 0 : i32
          %dma_start3A_489 = tpu.memref_slice %arg8[%add3A_465, %dma_start3A] : memref<81x128xi32, #tpu.memory_space<vmem>> -> memref<1x128xi32, #tpu.memory_space<vmem>>
          %dma_start3A_490 = tpu.memref_squeeze %dma_start3A_489 : memref<1x128xi32, #tpu.memory_space<vmem>> -> memref<128xi32, #tpu.memory_space<vmem>>
          %dma_start3A_491 = arith.constant 0 : i32
          %dma_start3A_492 = arith.constant 0 : i32
          %dma_start3A_493 = tpu.memref_slice %arg15[%dma_start3A_491, %dma_start3A_492] : memref<2560x128xf32, #tpu.memory_space<vmem_shared>> -> memref<2560x128xf32, #tpu.memory_space<vmem_shared>>
          %dma_start3A_494 = arith.constant -1 : i32
          tpu.enqueue_indirect_dma source(%arg11 : memref<128x128xf32, #tpu.memory_space<vmem>>) target(%dma_start3A_493 : memref<2560x128xf32, #tpu.memory_space<vmem_shared>>) offsets(%dma_start3A_490 : memref<128xi32, #tpu.memory_space<vmem>>) offset_filter(%dma_start3A_494) semaphore(%run_scoped3A : memref<!tpu.dma_semaphore, #tpu.memory_space<semaphore_mem>>) {add = true}
          %dma_wait3A_495 = arith.constant 0 : i32
          %dma_wait3A_496 = tpu.memref_slice %arg8[%add3A_465, %dma_wait3A_495] : memref<81x128xi32, #tpu.memory_space<vmem>> -> memref<1x128xi32, #tpu.memory_space<vmem>>
          %dma_wait3A_497 = tpu.memref_squeeze %dma_wait3A_496 : memref<1x128xi32, #tpu.memory_space<vmem>> -> memref<128xi32, #tpu.memory_space<vmem>>
          %dma_wait3A_498 = arith.constant 0 : i32
          %dma_wait3A_499 = arith.constant 0 : i32
          %dma_wait3A_500 = tpu.memref_slice %arg15[%dma_wait3A_498, %dma_wait3A_499] : memref<2560x128xf32, #tpu.memory_space<vmem_shared>> -> memref<2560x128xf32, #tpu.memory_space<vmem_shared>>
          tpu.wait_indirect_dma semaphore(%run_scoped3A : memref<!tpu.dma_semaphore, #tpu.memory_space<semaphore_mem>>) src(%arg11 : memref<128x128xf32, #tpu.memory_space<vmem>>) dst(%dma_wait3A_500 : memref<2560x128xf32, #tpu.memory_space<vmem_shared>>)
          tpu.yield
        }) : () -> ()
        %add3A_483 = arith.constant 4 : i32
        %add3A_484 = arith.addi %add3A_465, %add3A_483 : i32
        %lt3A_485 = arith.cmpi slt, %add3A_484, %min3A_279 : i32
        %convert_element_type3A_486 = arith.extui %lt3A_485 : i1 to i32
        %cond3A_487 = arith.constant 0 : i32
        %cond3A_488 = arith.cmpi ne, %convert_element_type3A_486, %cond3A_487 : i32
        scf.if %cond3A_488 {
          %add3A_489 = arith.constant 4 : i32
          %add3A_490 = arith.addi %add3A_465, %add3A_489 : i32
          %dma_start3A = arith.constant 0 : i32
          %dma_start3A_491 = tpu.memref_slice %arg7[%add3A_490, %dma_start3A] : memref<81x128xi32, #tpu.memory_space<vmem>> -> memref<1x128xi32, #tpu.memory_space<vmem>>
          %dma_start3A_492 = tpu.memref_squeeze %dma_start3A_491 : memref<1x128xi32, #tpu.memory_space<vmem>> -> memref<128xi32, #tpu.memory_space<vmem>>
          %dma_start3A_493 = arith.constant 0 : i32
          %dma_start3A_494 = arith.constant 0 : i32
          %dma_start3A_495 = tpu.memref_slice %arg5[%dma_start3A_493, %dma_start3A_494] : memref<10000x128xf32, #tpu.memory_space<hbm>> -> memref<10000x128xf32, #tpu.memory_space<hbm>>
          %dma_start3A_496 = arith.constant -1 : i32
          tpu.enqueue_indirect_dma source(%dma_start3A_495 : memref<10000x128xf32, #tpu.memory_space<hbm>>) target(%arg11 : memref<128x128xf32, #tpu.memory_space<vmem>>) offsets(%dma_start3A_492 : memref<128xi32, #tpu.memory_space<vmem>>) offset_filter(%dma_start3A_496) semaphore(%arg18 : memref<!tpu.dma_semaphore, #tpu.memory_space<semaphore_mem>>)
        } else {
        }
      } else {
      }
      %mul3A_470 = arith.constant 4 : i32
      %mul3A_471 = arith.muli %while3A_446, %mul3A_470 : i32
      %add3A_472 = arith.constant 3 : i32
      %add3A_473 = arith.addi %mul3A_471, %add3A_472 : i32
      %lt3A_474 = arith.cmpi slt, %add3A_473, %min3A_279 : i32
      %convert_element_type3A_475 = arith.extui %lt3A_474 : i1 to i32
      %cond3A_476 = arith.constant 0 : i32
      %cond3A_477 = arith.cmpi ne, %convert_element_type3A_475, %cond3A_476 : i32
      scf.if %cond3A_477 {
        %dma_wait3A = arith.constant 0 : i32
        %dma_wait3A_478 = tpu.memref_slice %arg7[%add3A_473, %dma_wait3A] : memref<81x128xi32, #tpu.memory_space<vmem>> -> memref<1x128xi32, #tpu.memory_space<vmem>>
        %dma_wait3A_479 = tpu.memref_squeeze %dma_wait3A_478 : memref<1x128xi32, #tpu.memory_space<vmem>> -> memref<128xi32, #tpu.memory_space<vmem>>
        %dma_wait3A_480 = arith.constant 0 : i32
        %dma_wait3A_481 = arith.constant 0 : i32
        %dma_wait3A_482 = tpu.memref_slice %arg5[%dma_wait3A_480, %dma_wait3A_481] : memref<10000x128xf32, #tpu.memory_space<hbm>> -> memref<10000x128xf32, #tpu.memory_space<hbm>>
        tpu.wait_indirect_dma semaphore(%arg19 : memref<!tpu.dma_semaphore, #tpu.memory_space<semaphore_mem>>) src(%dma_wait3A_482 : memref<10000x128xf32, #tpu.memory_space<hbm>>) dst(%arg12 : memref<128x128xf32, #tpu.memory_space<vmem>>)
        "tpu.region"() ({
          %run_scoped3A = tpu.sem_alloc : memref<!tpu.dma_semaphore, #tpu.memory_space<semaphore_mem>>
          %dma_start3A = arith.constant 0 : i32
          %dma_start3A_489 = tpu.memref_slice %arg8[%add3A_473, %dma_start3A] : memref<81x128xi32, #tpu.memory_space<vmem>> -> memref<1x128xi32, #tpu.memory_space<vmem>>
          %dma_start3A_490 = tpu.memref_squeeze %dma_start3A_489 : memref<1x128xi32, #tpu.memory_space<vmem>> -> memref<128xi32, #tpu.memory_space<vmem>>
          %dma_start3A_491 = arith.constant 0 : i32
          %dma_start3A_492 = arith.constant 0 : i32
          %dma_start3A_493 = tpu.memref_slice %arg15[%dma_start3A_491, %dma_start3A_492] : memref<2560x128xf32, #tpu.memory_space<vmem_shared>> -> memref<2560x128xf32, #tpu.memory_space<vmem_shared>>
          %dma_start3A_494 = arith.constant -1 : i32
          tpu.enqueue_indirect_dma source(%arg12 : memref<128x128xf32, #tpu.memory_space<vmem>>) target(%dma_start3A_493 : memref<2560x128xf32, #tpu.memory_space<vmem_shared>>) offsets(%dma_start3A_490 : memref<128xi32, #tpu.memory_space<vmem>>) offset_filter(%dma_start3A_494) semaphore(%run_scoped3A : memref<!tpu.dma_semaphore, #tpu.memory_space<semaphore_mem>>) {add = true}
          %dma_wait3A_495 = arith.constant 0 : i32
          %dma_wait3A_496 = tpu.memref_slice %arg8[%add3A_473, %dma_wait3A_495] : memref<81x128xi32, #tpu.memory_space<vmem>> -> memref<1x128xi32, #tpu.memory_space<vmem>>
          %dma_wait3A_497 = tpu.memref_squeeze %dma_wait3A_496 : memref<1x128xi32, #tpu.memory_space<vmem>> -> memref<128xi32, #tpu.memory_space<vmem>>
          %dma_wait3A_498 = arith.constant 0 : i32
          %dma_wait3A_499 = arith.constant 0 : i32
          %dma_wait3A_500 = tpu.memref_slice %arg15[%dma_wait3A_498, %dma_wait3A_499] : memref<2560x128xf32, #tpu.memory_space<vmem_shared>> -> memref<2560x128xf32, #tpu.memory_space<vmem_shared>>
          tpu.wait_indirect_dma semaphore(%run_scoped3A : memref<!tpu.dma_semaphore, #tpu.memory_space<semaphore_mem>>) src(%arg12 : memref<128x128xf32, #tpu.memory_space<vmem>>) dst(%dma_wait3A_500 : memref<2560x128xf32, #tpu.memory_space<vmem_shared>>)
          tpu.yield
        }) : () -> ()
        %add3A_483 = arith.constant 4 : i32
        %add3A_484 = arith.addi %add3A_473, %add3A_483 : i32
        %lt3A_485 = arith.cmpi slt, %add3A_484, %min3A_279 : i32
        %convert_element_type3A_486 = arith.extui %lt3A_485 : i1 to i32
        %cond3A_487 = arith.constant 0 : i32
        %cond3A_488 = arith.cmpi ne, %convert_element_type3A_486, %cond3A_487 : i32
        scf.if %cond3A_488 {
          %add3A_489 = arith.constant 4 : i32
          %add3A_490 = arith.addi %add3A_473, %add3A_489 : i32
          %dma_start3A = arith.constant 0 : i32
          %dma_start3A_491 = tpu.memref_slice %arg7[%add3A_490, %dma_start3A] : memref<81x128xi32, #tpu.memory_space<vmem>> -> memref<1x128xi32, #tpu.memory_space<vmem>>
          %dma_start3A_492 = tpu.memref_squeeze %dma_start3A_491 : memref<1x128xi32, #tpu.memory_space<vmem>> -> memref<128xi32, #tpu.memory_space<vmem>>
          %dma_start3A_493 = arith.constant 0 : i32
          %dma_start3A_494 = arith.constant 0 : i32
          %dma_start3A_495 = tpu.memref_slice %arg5[%dma_start3A_493, %dma_start3A_494] : memref<10000x128xf32, #tpu.memory_space<hbm>> -> memref<10000x128xf32, #tpu.memory_space<hbm>>
          %dma_start3A_496 = arith.constant -1 : i32
          tpu.enqueue_indirect_dma source(%dma_start3A_495 : memref<10000x128xf32, #tpu.memory_space<hbm>>) target(%arg12 : memref<128x128xf32, #tpu.memory_space<vmem>>) offsets(%dma_start3A_492 : memref<128xi32, #tpu.memory_space<vmem>>) offset_filter(%dma_start3A_496) semaphore(%arg19 : memref<!tpu.dma_semaphore, #tpu.memory_space<semaphore_mem>>)
        } else {
        }
      } else {
      }
    }
    %mul3A_338 = arith.constant 2 : i32
    %mul3A_339 = arith.muli %arg1, %mul3A_338 : i32
    %add3A_340 = arith.constant 1 : i32
    %add3A_341 = arith.addi %mul3A_339, %add3A_340 : i32
    "tpu.region"() ({
      %run_scoped3A = tpu.sem_alloc : memref<!tpu.dma_semaphore, #tpu.memory_space<semaphore_mem>>
      %dma_start3A = arith.constant 0 : i32
      %dma_start3A_446 = arith.constant 0 : i32
      %dma_start3A_447 = tpu.memref_slice %arg2[%add3A_341, %add3A_218, %dma_start3A, %dma_start3A_446] : memref<32x4x81x128xi32, #tpu.memory_space<hbm>> -> memref<1x1x81x128xi32, #tpu.memory_space<hbm>>
      %dma_start3A_448 = tpu.memref_squeeze %dma_start3A_447 : memref<1x1x81x128xi32, #tpu.memory_space<hbm>> -> memref<81x128xi32, #tpu.memory_space<hbm>>
      %dma_start3A_449 = arith.constant 0 : i32
      %dma_start3A_450 = arith.constant 0 : i32
      %dma_start3A_451 = tpu.memref_slice %arg2[%add3A_341, %add3A_218, %dma_start3A_449, %dma_start3A_450] : memref<32x4x81x128xi32, #tpu.memory_space<hbm>> -> memref<1x1x81x128xi32, #tpu.memory_space<hbm>>
      %dma_start3A_452 = tpu.memref_squeeze %dma_start3A_451 : memref<1x1x81x128xi32, #tpu.memory_space<hbm>> -> memref<81x128xi32, #tpu.memory_space<hbm>>
      tpu.enqueue_dma source(%dma_start3A_452 : memref<81x128xi32, #tpu.memory_space<hbm>>) target(%arg7 : memref<81x128xi32, #tpu.memory_space<vmem>>) target_semaphore(%run_scoped3A : memref<!tpu.dma_semaphore, #tpu.memory_space<semaphore_mem>>)
      %dma_wait3A = arith.constant 0 : i32
      %dma_wait3A_453 = arith.constant 0 : i32
      %dma_wait3A_454 = tpu.memref_slice %arg2[%add3A_341, %add3A_218, %dma_wait3A, %dma_wait3A_453] : memref<32x4x81x128xi32, #tpu.memory_space<hbm>> -> memref<1x1x81x128xi32, #tpu.memory_space<hbm>>
      %dma_wait3A_455 = tpu.memref_squeeze %dma_wait3A_454 : memref<1x1x81x128xi32, #tpu.memory_space<hbm>> -> memref<81x128xi32, #tpu.memory_space<hbm>>
      %dma_wait3A_456 = arith.constant 0 : i32
      %dma_wait3A_457 = arith.constant 0 : i32
      %dma_wait3A_458 = tpu.memref_slice %arg2[%add3A_341, %add3A_218, %dma_wait3A_456, %dma_wait3A_457] : memref<32x4x81x128xi32, #tpu.memory_space<hbm>> -> memref<1x1x81x128xi32, #tpu.memory_space<hbm>>
      %dma_wait3A_459 = tpu.memref_squeeze %dma_wait3A_458 : memref<1x1x81x128xi32, #tpu.memory_space<hbm>> -> memref<81x128xi32, #tpu.memory_space<hbm>>
      tpu.wait_dma2 semaphore(%run_scoped3A : memref<!tpu.dma_semaphore, #tpu.memory_space<semaphore_mem>>) src(%dma_wait3A_459 : memref<81x128xi32, #tpu.memory_space<hbm>>) dst(%arg7 : memref<81x128xi32, #tpu.memory_space<vmem>>)
      tpu.yield
    }) : () -> ()
    "tpu.region"() ({
      %run_scoped3A = tpu.sem_alloc : memref<!tpu.dma_semaphore, #tpu.memory_space<semaphore_mem>>
      %dma_start3A = arith.constant 0 : i32
      %dma_start3A_446 = arith.constant 0 : i32
      %dma_start3A_447 = tpu.memref_slice %arg3[%add3A_341, %add3A_218, %dma_start3A, %dma_start3A_446] : memref<32x4x81x128xi32, #tpu.memory_space<hbm>> -> memref<1x1x81x128xi32, #tpu.memory_space<hbm>>
      %dma_start3A_448 = tpu.memref_squeeze %dma_start3A_447 : memref<1x1x81x128xi32, #tpu.memory_space<hbm>> -> memref<81x128xi32, #tpu.memory_space<hbm>>
      %dma_start3A_449 = arith.constant 0 : i32
      %dma_start3A_450 = arith.constant 0 : i32
      %dma_start3A_451 = tpu.memref_slice %arg3[%add3A_341, %add3A_218, %dma_start3A_449, %dma_start3A_450] : memref<32x4x81x128xi32, #tpu.memory_space<hbm>> -> memref<1x1x81x128xi32, #tpu.memory_space<hbm>>
      %dma_start3A_452 = tpu.memref_squeeze %dma_start3A_451 : memref<1x1x81x128xi32, #tpu.memory_space<hbm>> -> memref<81x128xi32, #tpu.memory_space<hbm>>
      tpu.enqueue_dma source(%dma_start3A_452 : memref<81x128xi32, #tpu.memory_space<hbm>>) target(%arg8 : memref<81x128xi32, #tpu.memory_space<vmem>>) target_semaphore(%run_scoped3A : memref<!tpu.dma_semaphore, #tpu.memory_space<semaphore_mem>>)
      %dma_wait3A = arith.constant 0 : i32
      %dma_wait3A_453 = arith.constant 0 : i32
      %dma_wait3A_454 = tpu.memref_slice %arg3[%add3A_341, %add3A_218, %dma_wait3A, %dma_wait3A_453] : memref<32x4x81x128xi32, #tpu.memory_space<hbm>> -> memref<1x1x81x128xi32, #tpu.memory_space<hbm>>
      %dma_wait3A_455 = tpu.memref_squeeze %dma_wait3A_454 : memref<1x1x81x128xi32, #tpu.memory_space<hbm>> -> memref<81x128xi32, #tpu.memory_space<hbm>>
      %dma_wait3A_456 = arith.constant 0 : i32
      %dma_wait3A_457 = arith.constant 0 : i32
      %dma_wait3A_458 = tpu.memref_slice %arg3[%add3A_341, %add3A_218, %dma_wait3A_456, %dma_wait3A_457] : memref<32x4x81x128xi32, #tpu.memory_space<hbm>> -> memref<1x1x81x128xi32, #tpu.memory_space<hbm>>
      %dma_wait3A_459 = tpu.memref_squeeze %dma_wait3A_458 : memref<1x1x81x128xi32, #tpu.memory_space<hbm>> -> memref<81x128xi32, #tpu.memory_space<hbm>>
      tpu.wait_dma2 semaphore(%run_scoped3A : memref<!tpu.dma_semaphore, #tpu.memory_space<semaphore_mem>>) src(%dma_wait3A_459 : memref<81x128xi32, #tpu.memory_space<hbm>>) dst(%arg8 : memref<81x128xi32, #tpu.memory_space<vmem>>)
      tpu.yield
    }) : () -> ()
    "tpu.region"() ({
      %run_scoped3A = tpu.sem_alloc : memref<!tpu.dma_semaphore, #tpu.memory_space<semaphore_mem>>
      %dma_start3A = arith.constant 0 : i32
      %dma_start3A_446 = tpu.memref_slice %arg4[%add3A_341, %dma_start3A] : memref<32x16xf32, #tpu.memory_space<hbm>> -> memref<1x16xf32, #tpu.memory_space<hbm>>
      %dma_start3A_447 = tpu.memref_squeeze %dma_start3A_446 : memref<1x16xf32, #tpu.memory_space<hbm>> -> memref<16xf32, #tpu.memory_space<hbm>>
      %dma_start3A_448 = arith.constant 0 : i32
      %dma_start3A_449 = tpu.memref_slice %arg4[%add3A_341, %dma_start3A_448] : memref<32x16xf32, #tpu.memory_space<hbm>> -> memref<1x16xf32, #tpu.memory_space<hbm>>
      %dma_start3A_450 = tpu.memref_squeeze %dma_start3A_449 : memref<1x16xf32, #tpu.memory_space<hbm>> -> memref<16xf32, #tpu.memory_space<hbm>>
      tpu.enqueue_dma source(%dma_start3A_450 : memref<16xf32, #tpu.memory_space<hbm>>) target(%arg14 : memref<16xf32, #tpu.memory_space<vmem>>) target_semaphore(%run_scoped3A : memref<!tpu.dma_semaphore, #tpu.memory_space<semaphore_mem>>)
      %dma_wait3A = arith.constant 0 : i32
      %dma_wait3A_451 = tpu.memref_slice %arg4[%add3A_341, %dma_wait3A] : memref<32x16xf32, #tpu.memory_space<hbm>> -> memref<1x16xf32, #tpu.memory_space<hbm>>
      %dma_wait3A_452 = tpu.memref_squeeze %dma_wait3A_451 : memref<1x16xf32, #tpu.memory_space<hbm>> -> memref<16xf32, #tpu.memory_space<hbm>>
      %dma_wait3A_453 = arith.constant 0 : i32
      %dma_wait3A_454 = tpu.memref_slice %arg4[%add3A_341, %dma_wait3A_453] : memref<32x16xf32, #tpu.memory_space<hbm>> -> memref<1x16xf32, #tpu.memory_space<hbm>>
      %dma_wait3A_455 = tpu.memref_squeeze %dma_wait3A_454 : memref<1x16xf32, #tpu.memory_space<hbm>> -> memref<16xf32, #tpu.memory_space<hbm>>
      tpu.wait_dma2 semaphore(%run_scoped3A : memref<!tpu.dma_semaphore, #tpu.memory_space<semaphore_mem>>) src(%dma_wait3A_455 : memref<16xf32, #tpu.memory_space<hbm>>) dst(%arg14 : memref<16xf32, #tpu.memory_space<vmem>>)
      tpu.yield
    }) : () -> ()
    %iota3A_342 = tpu.iota {dimensions = array<i32: 0>} : vector<16xi32>
    %eq3A_343 = vector.broadcast %add3A_218 : i32 to vector<16xi32>
    %eq3A_344 = arith.cmpi eq, %iota3A_342, %eq3A_343 : vector<16xi32>
    %get3A_345 = arith.constant 0 : index
    %get3A_346 = tpu.vector_load %arg14[%get3A_345] {strides = array<i32>} : memref<16xf32, #tpu.memory_space<vmem>>, vector<16xf32>,
    %jit3A_347 = arith.constant 0.000000e+00 : f32
    %broadcast_in_dim3A_348 = vector.broadcast %jit3A_347 : f32 to vector<16xf32>
    %select_n3A_349 = arith.select %eq3A_344, %get3A_346, %broadcast_in_dim3A_348 : vector<16xi1>, vector<16xf32>
    %reduce_sum3A_350 = arith.constant true
    %reduce_sum3A_351 = vector.broadcast %reduce_sum3A_350 : i1 to vector<16xi1>
    %reduce_sum3A_352 = tpu.scan <sum>, %select_n3A_349 masked %reduce_sum3A_351 : vector<16xf32>, vector<16xi1> -> vector<16xf32>
    %reduce_sum3A_353 = vector.extract %reduce_sum3A_352[15] : f32 from vector<16xf32>
    %convert_element_type3A_354 = arith.fptosi %reduce_sum3A_353 : f32 to i32
    %add3A_355 = arith.constant 128 : i32
    %add3A_356 = arith.addi %convert_element_type3A_354, %add3A_355 : i32
    %sub3A_357 = arith.constant 1 : i32
    %sub3A_358 = arith.subi %add3A_356, %sub3A_357 : i32
    %jit3A_359 = arith.constant 128 : i32
    %div3A_360 = arith.divsi %sub3A_358, %jit3A_359 : i32
    %sign3A_361 = arith.constant 0 : i32
    %sign3A_362 = arith.cmpi sgt, %sub3A_358, %sign3A_361 : i32
    %sign3A_363 = arith.extui %sign3A_362 : i1 to i32
    %sign3A_364 = arith.constant 0 : i32
    %sign3A_365 = arith.cmpi slt, %sub3A_358, %sign3A_364 : i32
    %sign3A_366 = arith.extui %sign3A_365 : i1 to i32
    %sign3A_367 = arith.subi %sign3A_363, %sign3A_366 : i32
    %sign3A_368 = arith.constant 0 : i32
    %sign3A_369 = arith.cmpi sgt, %jit3A_359, %sign3A_368 : i32
    %sign3A_370 = arith.extui %sign3A_369 : i1 to i32
    %sign3A_371 = arith.constant 0 : i32
    %sign3A_372 = arith.cmpi slt, %jit3A_359, %sign3A_371 : i32
    %sign3A_373 = arith.extui %sign3A_372 : i1 to i32
    %sign3A_374 = arith.subi %sign3A_370, %sign3A_373 : i32
    %ne3A_375 = arith.cmpi ne, %sign3A_367, %sign3A_374 : i32
    %rem3A_376 = arith.remsi %sub3A_358, %jit3A_359 : i32
    %ne3A_377 = arith.constant 0 : i32
    %ne3A_378 = arith.cmpi ne, %rem3A_376, %ne3A_377 : i32
    %and3A_379 = arith.andi %ne3A_375, %ne3A_378 : i1
    %sub3A_380 = arith.constant 1 : i32
    %sub3A_381 = arith.subi %div3A_360, %sub3A_380 : i32
    %select_n3A_382 = arith.select %and3A_379, %sub3A_381, %div3A_360 : i32
    %jit3A_383 = arith.constant 0 : i32
    %jit3A_384 = arith.constant 81 : i32
    %max3A_385 = arith.maxsi %jit3A_383, %select_n3A_382 : i32
    %min3A_386 = arith.minsi %jit3A_384, %max3A_385 : i32
    %gt3A_387 = arith.constant 0 : i32
    %gt3A_388 = arith.cmpi sgt, %min3A_386, %gt3A_387 : i32
    %convert_element_type3A_389 = arith.extui %gt3A_388 : i1 to i32
    %cond3A_390 = arith.constant 0 : i32
    %cond3A_391 = arith.cmpi ne, %convert_element_type3A_389, %cond3A_390 : i32
    scf.if %cond3A_391 {
      %dma_start3A = arith.constant 0 : i32
      %dma_start3A_446 = arith.constant 0 : i32
      %dma_start3A_447 = tpu.memref_slice %arg7[%dma_start3A, %dma_start3A_446] : memref<81x128xi32, #tpu.memory_space<vmem>> -> memref<1x128xi32, #tpu.memory_space<vmem>>
      %dma_start3A_448 = tpu.memref_squeeze %dma_start3A_447 : memref<1x128xi32, #tpu.memory_space<vmem>> -> memref<128xi32, #tpu.memory_space<vmem>>
      %dma_start3A_449 = arith.constant 0 : i32
      %dma_start3A_450 = arith.constant 0 : i32
      %dma_start3A_451 = tpu.memref_slice %arg5[%dma_start3A_449, %dma_start3A_450] : memref<10000x128xf32, #tpu.memory_space<hbm>> -> memref<10000x128xf32, #tpu.memory_space<hbm>>
      %dma_start3A_452 = arith.constant -1 : i32
      tpu.enqueue_indirect_dma source(%dma_start3A_451 : memref<10000x128xf32, #tpu.memory_space<hbm>>) target(%arg9 : memref<128x128xf32, #tpu.memory_space<vmem>>) offsets(%dma_start3A_448 : memref<128xi32, #tpu.memory_space<vmem>>) offset_filter(%dma_start3A_452) semaphore(%arg16 : memref<!tpu.dma_semaphore, #tpu.memory_space<semaphore_mem>>)
    } else {
    }
    %gt3A_392 = arith.constant 1 : i32
    %gt3A_393 = arith.cmpi sgt, %min3A_386, %gt3A_392 : i32
    %convert_element_type3A_394 = arith.extui %gt3A_393 : i1 to i32
    %cond3A_395 = arith.constant 0 : i32
    %cond3A_396 = arith.cmpi ne, %convert_element_type3A_394, %cond3A_395 : i32
    scf.if %cond3A_396 {
      %dma_start3A = arith.constant 1 : i32
      %dma_start3A_446 = arith.constant 0 : i32
      %dma_start3A_447 = tpu.memref_slice %arg7[%dma_start3A, %dma_start3A_446] : memref<81x128xi32, #tpu.memory_space<vmem>> -> memref<1x128xi32, #tpu.memory_space<vmem>>
      %dma_start3A_448 = tpu.memref_squeeze %dma_start3A_447 : memref<1x128xi32, #tpu.memory_space<vmem>> -> memref<128xi32, #tpu.memory_space<vmem>>
      %dma_start3A_449 = arith.constant 0 : i32
      %dma_start3A_450 = arith.constant 0 : i32
      %dma_start3A_451 = tpu.memref_slice %arg5[%dma_start3A_449, %dma_start3A_450] : memref<10000x128xf32, #tpu.memory_space<hbm>> -> memref<10000x128xf32, #tpu.memory_space<hbm>>
      %dma_start3A_452 = arith.constant -1 : i32
      tpu.enqueue_indirect_dma source(%dma_start3A_451 : memref<10000x128xf32, #tpu.memory_space<hbm>>) target(%arg10 : memref<128x128xf32, #tpu.memory_space<vmem>>) offsets(%dma_start3A_448 : memref<128xi32, #tpu.memory_space<vmem>>) offset_filter(%dma_start3A_452) semaphore(%arg17 : memref<!tpu.dma_semaphore, #tpu.memory_space<semaphore_mem>>)
    } else {
    }
    %gt3A_397 = arith.constant 2 : i32
    %gt3A_398 = arith.cmpi sgt, %min3A_386, %gt3A_397 : i32
    %convert_element_type3A_399 = arith.extui %gt3A_398 : i1 to i32
    %cond3A_400 = arith.constant 0 : i32
    %cond3A_401 = arith.cmpi ne, %convert_element_type3A_399, %cond3A_400 : i32
    scf.if %cond3A_401 {
      %dma_start3A = arith.constant 2 : i32
      %dma_start3A_446 = arith.constant 0 : i32
      %dma_start3A_447 = tpu.memref_slice %arg7[%dma_start3A, %dma_start3A_446] : memref<81x128xi32, #tpu.memory_space<vmem>> -> memref<1x128xi32, #tpu.memory_space<vmem>>
      %dma_start3A_448 = tpu.memref_squeeze %dma_start3A_447 : memref<1x128xi32, #tpu.memory_space<vmem>> -> memref<128xi32, #tpu.memory_space<vmem>>
      %dma_start3A_449 = arith.constant 0 : i32
      %dma_start3A_450 = arith.constant 0 : i32
      %dma_start3A_451 = tpu.memref_slice %arg5[%dma_start3A_449, %dma_start3A_450] : memref<10000x128xf32, #tpu.memory_space<hbm>> -> memref<10000x128xf32, #tpu.memory_space<hbm>>
      %dma_start3A_452 = arith.constant -1 : i32
      tpu.enqueue_indirect_dma source(%dma_start3A_451 : memref<10000x128xf32, #tpu.memory_space<hbm>>) target(%arg11 : memref<128x128xf32, #tpu.memory_space<vmem>>) offsets(%dma_start3A_448 : memref<128xi32, #tpu.memory_space<vmem>>) offset_filter(%dma_start3A_452) semaphore(%arg18 : memref<!tpu.dma_semaphore, #tpu.memory_space<semaphore_mem>>)
    } else {
    }
    %gt3A_402 = arith.constant 3 : i32
    %gt3A_403 = arith.cmpi sgt, %min3A_386, %gt3A_402 : i32
    %convert_element_type3A_404 = arith.extui %gt3A_403 : i1 to i32
    %cond3A_405 = arith.constant 0 : i32
    %cond3A_406 = arith.cmpi ne, %convert_element_type3A_404, %cond3A_405 : i32
    scf.if %cond3A_406 {
      %dma_start3A = arith.constant 3 : i32
      %dma_start3A_446 = arith.constant 0 : i32
      %dma_start3A_447 = tpu.memref_slice %arg7[%dma_start3A, %dma_start3A_446] : memref<81x128xi32, #tpu.memory_space<vmem>> -> memref<1x128xi32, #tpu.memory_space<vmem>>
      %dma_start3A_448 = tpu.memref_squeeze %dma_start3A_447 : memref<1x128xi32, #tpu.memory_space<vmem>> -> memref<128xi32, #tpu.memory_space<vmem>>
      %dma_start3A_449 = arith.constant 0 : i32
      %dma_start3A_450 = arith.constant 0 : i32
      %dma_start3A_451 = tpu.memref_slice %arg5[%dma_start3A_449, %dma_start3A_450] : memref<10000x128xf32, #tpu.memory_space<hbm>> -> memref<10000x128xf32, #tpu.memory_space<hbm>>
      %dma_start3A_452 = arith.constant -1 : i32
      tpu.enqueue_indirect_dma source(%dma_start3A_451 : memref<10000x128xf32, #tpu.memory_space<hbm>>) target(%arg12 : memref<128x128xf32, #tpu.memory_space<vmem>>) offsets(%dma_start3A_448 : memref<128xi32, #tpu.memory_space<vmem>>) offset_filter(%dma_start3A_452) semaphore(%arg19 : memref<!tpu.dma_semaphore, #tpu.memory_space<semaphore_mem>>)
    } else {
    }
    %add3A_407 = arith.constant 4 : i32
    %add3A_408 = arith.addi %min3A_386, %add3A_407 : i32
    %sub3A_409 = arith.constant 1 : i32
    %sub3A_410 = arith.subi %add3A_408, %sub3A_409 : i32
    %jit3A_411 = arith.constant 4 : i32
    %div3A_412 = arith.divsi %sub3A_410, %jit3A_411 : i32
    %sign3A_413 = arith.constant 0 : i32
    %sign3A_414 = arith.cmpi sgt, %sub3A_410, %sign3A_413 : i32
    %sign3A_415 = arith.extui %sign3A_414 : i1 to i32
    %sign3A_416 = arith.constant 0 : i32
    %sign3A_417 = arith.cmpi slt, %sub3A_410, %sign3A_416 : i32
    %sign3A_418 = arith.extui %sign3A_417 : i1 to i32
    %sign3A_419 = arith.subi %sign3A_415, %sign3A_418 : i32
    %sign3A_420 = arith.constant 0 : i32
    %sign3A_421 = arith.cmpi sgt, %jit3A_411, %sign3A_420 : i32
    %sign3A_422 = arith.extui %sign3A_421 : i1 to i32
    %sign3A_423 = arith.constant 0 : i32
    %sign3A_424 = arith.cmpi slt, %jit3A_411, %sign3A_423 : i32
    %sign3A_425 = arith.extui %sign3A_424 : i1 to i32
    %sign3A_426 = arith.subi %sign3A_422, %sign3A_425 : i32
    %ne3A_427 = arith.cmpi ne, %sign3A_419, %sign3A_426 : i32
    %rem3A_428 = arith.remsi %sub3A_410, %jit3A_411 : i32
    %ne3A_429 = arith.constant 0 : i32
    %ne3A_430 = arith.cmpi ne, %rem3A_428, %ne3A_429 : i32
    %and3A_431 = arith.andi %ne3A_427, %ne3A_430 : i1
    %sub3A_432 = arith.constant 1 : i32
    %sub3A_433 = arith.subi %div3A_412, %sub3A_432 : i32
    %select_n3A_434 = arith.select %and3A_431, %sub3A_433, %div3A_412 : i32
    %while3A_435 = arith.constant 0 : i32
    %while3A_436 = arith.constant 0 : i32
    %while3A_437 = arith.subi %select_n3A_434, %while3A_436 : i32
    %while3A_438 = arith.addi %while3A_436, %while3A_437 : i32
    %while3A_439 = arith.constant 1 : i32
    %while3A_440 = arith.divsi %while3A_437, %while3A_439 : i32
    %while3A_441 = arith.muli %while3A_440, %while3A_439 : i32
    %while3A_442 = arith.addi %while3A_436, %while3A_441 : i32
    %while3A_443 = arith.constant 1 : i32
    scf.for %while3A_446 = %while3A_436 to %while3A_442 step %while3A_443  : i32 {
      %mul3A_447 = arith.constant 4 : i32
      %mul3A_448 = arith.muli %while3A_446, %mul3A_447 : i32
      %add3A_449 = arith.constant 0 : i32
      %add3A_450 = arith.addi %mul3A_448, %add3A_449 : i32
      %lt3A = arith.cmpi slt, %add3A_450, %min3A_386 : i32
      %convert_element_type3A_451 = arith.extui %lt3A : i1 to i32
      %cond3A_452 = arith.constant 0 : i32
      %cond3A_453 = arith.cmpi ne, %convert_element_type3A_451, %cond3A_452 : i32
      scf.if %cond3A_453 {
        %dma_wait3A = arith.constant 0 : i32
        %dma_wait3A_478 = tpu.memref_slice %arg7[%add3A_450, %dma_wait3A] : memref<81x128xi32, #tpu.memory_space<vmem>> -> memref<1x128xi32, #tpu.memory_space<vmem>>
        %dma_wait3A_479 = tpu.memref_squeeze %dma_wait3A_478 : memref<1x128xi32, #tpu.memory_space<vmem>> -> memref<128xi32, #tpu.memory_space<vmem>>
        %dma_wait3A_480 = arith.constant 0 : i32
        %dma_wait3A_481 = arith.constant 0 : i32
        %dma_wait3A_482 = tpu.memref_slice %arg5[%dma_wait3A_480, %dma_wait3A_481] : memref<10000x128xf32, #tpu.memory_space<hbm>> -> memref<10000x128xf32, #tpu.memory_space<hbm>>
        tpu.wait_indirect_dma semaphore(%arg16 : memref<!tpu.dma_semaphore, #tpu.memory_space<semaphore_mem>>) src(%dma_wait3A_482 : memref<10000x128xf32, #tpu.memory_space<hbm>>) dst(%arg9 : memref<128x128xf32, #tpu.memory_space<vmem>>)
        "tpu.region"() ({
          %run_scoped3A = tpu.sem_alloc : memref<!tpu.dma_semaphore, #tpu.memory_space<semaphore_mem>>
          %dma_start3A = arith.constant 0 : i32
          %dma_start3A_489 = tpu.memref_slice %arg8[%add3A_450, %dma_start3A] : memref<81x128xi32, #tpu.memory_space<vmem>> -> memref<1x128xi32, #tpu.memory_space<vmem>>
          %dma_start3A_490 = tpu.memref_squeeze %dma_start3A_489 : memref<1x128xi32, #tpu.memory_space<vmem>> -> memref<128xi32, #tpu.memory_space<vmem>>
          %dma_start3A_491 = arith.constant 0 : i32
          %dma_start3A_492 = arith.constant 0 : i32
          %dma_start3A_493 = tpu.memref_slice %arg15[%dma_start3A_491, %dma_start3A_492] : memref<2560x128xf32, #tpu.memory_space<vmem_shared>> -> memref<2560x128xf32, #tpu.memory_space<vmem_shared>>
          %dma_start3A_494 = arith.constant -1 : i32
          tpu.enqueue_indirect_dma source(%arg9 : memref<128x128xf32, #tpu.memory_space<vmem>>) target(%dma_start3A_493 : memref<2560x128xf32, #tpu.memory_space<vmem_shared>>) offsets(%dma_start3A_490 : memref<128xi32, #tpu.memory_space<vmem>>) offset_filter(%dma_start3A_494) semaphore(%run_scoped3A : memref<!tpu.dma_semaphore, #tpu.memory_space<semaphore_mem>>) {add = true}
          %dma_wait3A_495 = arith.constant 0 : i32
          %dma_wait3A_496 = tpu.memref_slice %arg8[%add3A_450, %dma_wait3A_495] : memref<81x128xi32, #tpu.memory_space<vmem>> -> memref<1x128xi32, #tpu.memory_space<vmem>>
          %dma_wait3A_497 = tpu.memref_squeeze %dma_wait3A_496 : memref<1x128xi32, #tpu.memory_space<vmem>> -> memref<128xi32, #tpu.memory_space<vmem>>
          %dma_wait3A_498 = arith.constant 0 : i32
          %dma_wait3A_499 = arith.constant 0 : i32
          %dma_wait3A_500 = tpu.memref_slice %arg15[%dma_wait3A_498, %dma_wait3A_499] : memref<2560x128xf32, #tpu.memory_space<vmem_shared>> -> memref<2560x128xf32, #tpu.memory_space<vmem_shared>>
          tpu.wait_indirect_dma semaphore(%run_scoped3A : memref<!tpu.dma_semaphore, #tpu.memory_space<semaphore_mem>>) src(%arg9 : memref<128x128xf32, #tpu.memory_space<vmem>>) dst(%dma_wait3A_500 : memref<2560x128xf32, #tpu.memory_space<vmem_shared>>)
          tpu.yield
        }) : () -> ()
        %add3A_483 = arith.constant 4 : i32
        %add3A_484 = arith.addi %add3A_450, %add3A_483 : i32
        %lt3A_485 = arith.cmpi slt, %add3A_484, %min3A_386 : i32
        %convert_element_type3A_486 = arith.extui %lt3A_485 : i1 to i32
        %cond3A_487 = arith.constant 0 : i32
        %cond3A_488 = arith.cmpi ne, %convert_element_type3A_486, %cond3A_487 : i32
        scf.if %cond3A_488 {
          %add3A_489 = arith.constant 4 : i32
          %add3A_490 = arith.addi %add3A_450, %add3A_489 : i32
          %dma_start3A = arith.constant 0 : i32
          %dma_start3A_491 = tpu.memref_slice %arg7[%add3A_490, %dma_start3A] : memref<81x128xi32, #tpu.memory_space<vmem>> -> memref<1x128xi32, #tpu.memory_space<vmem>>
          %dma_start3A_492 = tpu.memref_squeeze %dma_start3A_491 : memref<1x128xi32, #tpu.memory_space<vmem>> -> memref<128xi32, #tpu.memory_space<vmem>>
          %dma_start3A_493 = arith.constant 0 : i32
          %dma_start3A_494 = arith.constant 0 : i32
          %dma_start3A_495 = tpu.memref_slice %arg5[%dma_start3A_493, %dma_start3A_494] : memref<10000x128xf32, #tpu.memory_space<hbm>> -> memref<10000x128xf32, #tpu.memory_space<hbm>>
          %dma_start3A_496 = arith.constant -1 : i32
          tpu.enqueue_indirect_dma source(%dma_start3A_495 : memref<10000x128xf32, #tpu.memory_space<hbm>>) target(%arg9 : memref<128x128xf32, #tpu.memory_space<vmem>>) offsets(%dma_start3A_492 : memref<128xi32, #tpu.memory_space<vmem>>) offset_filter(%dma_start3A_496) semaphore(%arg16 : memref<!tpu.dma_semaphore, #tpu.memory_space<semaphore_mem>>)
        } else {
        }
      } else {
      }
      %mul3A_454 = arith.constant 4 : i32
      %mul3A_455 = arith.muli %while3A_446, %mul3A_454 : i32
      %add3A_456 = arith.constant 1 : i32
      %add3A_457 = arith.addi %mul3A_455, %add3A_456 : i32
      %lt3A_458 = arith.cmpi slt, %add3A_457, %min3A_386 : i32
      %convert_element_type3A_459 = arith.extui %lt3A_458 : i1 to i32
      %cond3A_460 = arith.constant 0 : i32
      %cond3A_461 = arith.cmpi ne, %convert_element_type3A_459, %cond3A_460 : i32
      scf.if %cond3A_461 {
        %dma_wait3A = arith.constant 0 : i32
        %dma_wait3A_478 = tpu.memref_slice %arg7[%add3A_457, %dma_wait3A] : memref<81x128xi32, #tpu.memory_space<vmem>> -> memref<1x128xi32, #tpu.memory_space<vmem>>
        %dma_wait3A_479 = tpu.memref_squeeze %dma_wait3A_478 : memref<1x128xi32, #tpu.memory_space<vmem>> -> memref<128xi32, #tpu.memory_space<vmem>>
        %dma_wait3A_480 = arith.constant 0 : i32
        %dma_wait3A_481 = arith.constant 0 : i32
        %dma_wait3A_482 = tpu.memref_slice %arg5[%dma_wait3A_480, %dma_wait3A_481] : memref<10000x128xf32, #tpu.memory_space<hbm>> -> memref<10000x128xf32, #tpu.memory_space<hbm>>
        tpu.wait_indirect_dma semaphore(%arg17 : memref<!tpu.dma_semaphore, #tpu.memory_space<semaphore_mem>>) src(%dma_wait3A_482 : memref<10000x128xf32, #tpu.memory_space<hbm>>) dst(%arg10 : memref<128x128xf32, #tpu.memory_space<vmem>>)
        "tpu.region"() ({
          %run_scoped3A = tpu.sem_alloc : memref<!tpu.dma_semaphore, #tpu.memory_space<semaphore_mem>>
          %dma_start3A = arith.constant 0 : i32
          %dma_start3A_489 = tpu.memref_slice %arg8[%add3A_457, %dma_start3A] : memref<81x128xi32, #tpu.memory_space<vmem>> -> memref<1x128xi32, #tpu.memory_space<vmem>>
          %dma_start3A_490 = tpu.memref_squeeze %dma_start3A_489 : memref<1x128xi32, #tpu.memory_space<vmem>> -> memref<128xi32, #tpu.memory_space<vmem>>
          %dma_start3A_491 = arith.constant 0 : i32
          %dma_start3A_492 = arith.constant 0 : i32
          %dma_start3A_493 = tpu.memref_slice %arg15[%dma_start3A_491, %dma_start3A_492] : memref<2560x128xf32, #tpu.memory_space<vmem_shared>> -> memref<2560x128xf32, #tpu.memory_space<vmem_shared>>
          %dma_start3A_494 = arith.constant -1 : i32
          tpu.enqueue_indirect_dma source(%arg10 : memref<128x128xf32, #tpu.memory_space<vmem>>) target(%dma_start3A_493 : memref<2560x128xf32, #tpu.memory_space<vmem_shared>>) offsets(%dma_start3A_490 : memref<128xi32, #tpu.memory_space<vmem>>) offset_filter(%dma_start3A_494) semaphore(%run_scoped3A : memref<!tpu.dma_semaphore, #tpu.memory_space<semaphore_mem>>) {add = true}
          %dma_wait3A_495 = arith.constant 0 : i32
          %dma_wait3A_496 = tpu.memref_slice %arg8[%add3A_457, %dma_wait3A_495] : memref<81x128xi32, #tpu.memory_space<vmem>> -> memref<1x128xi32, #tpu.memory_space<vmem>>
          %dma_wait3A_497 = tpu.memref_squeeze %dma_wait3A_496 : memref<1x128xi32, #tpu.memory_space<vmem>> -> memref<128xi32, #tpu.memory_space<vmem>>
          %dma_wait3A_498 = arith.constant 0 : i32
          %dma_wait3A_499 = arith.constant 0 : i32
          %dma_wait3A_500 = tpu.memref_slice %arg15[%dma_wait3A_498, %dma_wait3A_499] : memref<2560x128xf32, #tpu.memory_space<vmem_shared>> -> memref<2560x128xf32, #tpu.memory_space<vmem_shared>>
          tpu.wait_indirect_dma semaphore(%run_scoped3A : memref<!tpu.dma_semaphore, #tpu.memory_space<semaphore_mem>>) src(%arg10 : memref<128x128xf32, #tpu.memory_space<vmem>>) dst(%dma_wait3A_500 : memref<2560x128xf32, #tpu.memory_space<vmem_shared>>)
          tpu.yield
        }) : () -> ()
        %add3A_483 = arith.constant 4 : i32
        %add3A_484 = arith.addi %add3A_457, %add3A_483 : i32
        %lt3A_485 = arith.cmpi slt, %add3A_484, %min3A_386 : i32
        %convert_element_type3A_486 = arith.extui %lt3A_485 : i1 to i32
        %cond3A_487 = arith.constant 0 : i32
        %cond3A_488 = arith.cmpi ne, %convert_element_type3A_486, %cond3A_487 : i32
        scf.if %cond3A_488 {
          %add3A_489 = arith.constant 4 : i32
          %add3A_490 = arith.addi %add3A_457, %add3A_489 : i32
          %dma_start3A = arith.constant 0 : i32
          %dma_start3A_491 = tpu.memref_slice %arg7[%add3A_490, %dma_start3A] : memref<81x128xi32, #tpu.memory_space<vmem>> -> memref<1x128xi32, #tpu.memory_space<vmem>>
          %dma_start3A_492 = tpu.memref_squeeze %dma_start3A_491 : memref<1x128xi32, #tpu.memory_space<vmem>> -> memref<128xi32, #tpu.memory_space<vmem>>
          %dma_start3A_493 = arith.constant 0 : i32
          %dma_start3A_494 = arith.constant 0 : i32
          %dma_start3A_495 = tpu.memref_slice %arg5[%dma_start3A_493, %dma_start3A_494] : memref<10000x128xf32, #tpu.memory_space<hbm>> -> memref<10000x128xf32, #tpu.memory_space<hbm>>
          %dma_start3A_496 = arith.constant -1 : i32
          tpu.enqueue_indirect_dma source(%dma_start3A_495 : memref<10000x128xf32, #tpu.memory_space<hbm>>) target(%arg10 : memref<128x128xf32, #tpu.memory_space<vmem>>) offsets(%dma_start3A_492 : memref<128xi32, #tpu.memory_space<vmem>>) offset_filter(%dma_start3A_496) semaphore(%arg17 : memref<!tpu.dma_semaphore, #tpu.memory_space<semaphore_mem>>)
        } else {
        }
      } else {
      }
      %mul3A_462 = arith.constant 4 : i32
      %mul3A_463 = arith.muli %while3A_446, %mul3A_462 : i32
      %add3A_464 = arith.constant 2 : i32
      %add3A_465 = arith.addi %mul3A_463, %add3A_464 : i32
      %lt3A_466 = arith.cmpi slt, %add3A_465, %min3A_386 : i32
      %convert_element_type3A_467 = arith.extui %lt3A_466 : i1 to i32
      %cond3A_468 = arith.constant 0 : i32
      %cond3A_469 = arith.cmpi ne, %convert_element_type3A_467, %cond3A_468 : i32
      scf.if %cond3A_469 {
        %dma_wait3A = arith.constant 0 : i32
        %dma_wait3A_478 = tpu.memref_slice %arg7[%add3A_465, %dma_wait3A] : memref<81x128xi32, #tpu.memory_space<vmem>> -> memref<1x128xi32, #tpu.memory_space<vmem>>
        %dma_wait3A_479 = tpu.memref_squeeze %dma_wait3A_478 : memref<1x128xi32, #tpu.memory_space<vmem>> -> memref<128xi32, #tpu.memory_space<vmem>>
        %dma_wait3A_480 = arith.constant 0 : i32
        %dma_wait3A_481 = arith.constant 0 : i32
        %dma_wait3A_482 = tpu.memref_slice %arg5[%dma_wait3A_480, %dma_wait3A_481] : memref<10000x128xf32, #tpu.memory_space<hbm>> -> memref<10000x128xf32, #tpu.memory_space<hbm>>
        tpu.wait_indirect_dma semaphore(%arg18 : memref<!tpu.dma_semaphore, #tpu.memory_space<semaphore_mem>>) src(%dma_wait3A_482 : memref<10000x128xf32, #tpu.memory_space<hbm>>) dst(%arg11 : memref<128x128xf32, #tpu.memory_space<vmem>>)
        "tpu.region"() ({
          %run_scoped3A = tpu.sem_alloc : memref<!tpu.dma_semaphore, #tpu.memory_space<semaphore_mem>>
          %dma_start3A = arith.constant 0 : i32
          %dma_start3A_489 = tpu.memref_slice %arg8[%add3A_465, %dma_start3A] : memref<81x128xi32, #tpu.memory_space<vmem>> -> memref<1x128xi32, #tpu.memory_space<vmem>>
          %dma_start3A_490 = tpu.memref_squeeze %dma_start3A_489 : memref<1x128xi32, #tpu.memory_space<vmem>> -> memref<128xi32, #tpu.memory_space<vmem>>
          %dma_start3A_491 = arith.constant 0 : i32
          %dma_start3A_492 = arith.constant 0 : i32
          %dma_start3A_493 = tpu.memref_slice %arg15[%dma_start3A_491, %dma_start3A_492] : memref<2560x128xf32, #tpu.memory_space<vmem_shared>> -> memref<2560x128xf32, #tpu.memory_space<vmem_shared>>
          %dma_start3A_494 = arith.constant -1 : i32
          tpu.enqueue_indirect_dma source(%arg11 : memref<128x128xf32, #tpu.memory_space<vmem>>) target(%dma_start3A_493 : memref<2560x128xf32, #tpu.memory_space<vmem_shared>>) offsets(%dma_start3A_490 : memref<128xi32, #tpu.memory_space<vmem>>) offset_filter(%dma_start3A_494) semaphore(%run_scoped3A : memref<!tpu.dma_semaphore, #tpu.memory_space<semaphore_mem>>) {add = true}
          %dma_wait3A_495 = arith.constant 0 : i32
          %dma_wait3A_496 = tpu.memref_slice %arg8[%add3A_465, %dma_wait3A_495] : memref<81x128xi32, #tpu.memory_space<vmem>> -> memref<1x128xi32, #tpu.memory_space<vmem>>
          %dma_wait3A_497 = tpu.memref_squeeze %dma_wait3A_496 : memref<1x128xi32, #tpu.memory_space<vmem>> -> memref<128xi32, #tpu.memory_space<vmem>>
          %dma_wait3A_498 = arith.constant 0 : i32
          %dma_wait3A_499 = arith.constant 0 : i32
          %dma_wait3A_500 = tpu.memref_slice %arg15[%dma_wait3A_498, %dma_wait3A_499] : memref<2560x128xf32, #tpu.memory_space<vmem_shared>> -> memref<2560x128xf32, #tpu.memory_space<vmem_shared>>
          tpu.wait_indirect_dma semaphore(%run_scoped3A : memref<!tpu.dma_semaphore, #tpu.memory_space<semaphore_mem>>) src(%arg11 : memref<128x128xf32, #tpu.memory_space<vmem>>) dst(%dma_wait3A_500 : memref<2560x128xf32, #tpu.memory_space<vmem_shared>>)
          tpu.yield
        }) : () -> ()
        %add3A_483 = arith.constant 4 : i32
        %add3A_484 = arith.addi %add3A_465, %add3A_483 : i32
        %lt3A_485 = arith.cmpi slt, %add3A_484, %min3A_386 : i32
        %convert_element_type3A_486 = arith.extui %lt3A_485 : i1 to i32
        %cond3A_487 = arith.constant 0 : i32
        %cond3A_488 = arith.cmpi ne, %convert_element_type3A_486, %cond3A_487 : i32
        scf.if %cond3A_488 {
          %add3A_489 = arith.constant 4 : i32
          %add3A_490 = arith.addi %add3A_465, %add3A_489 : i32
          %dma_start3A = arith.constant 0 : i32
          %dma_start3A_491 = tpu.memref_slice %arg7[%add3A_490, %dma_start3A] : memref<81x128xi32, #tpu.memory_space<vmem>> -> memref<1x128xi32, #tpu.memory_space<vmem>>
          %dma_start3A_492 = tpu.memref_squeeze %dma_start3A_491 : memref<1x128xi32, #tpu.memory_space<vmem>> -> memref<128xi32, #tpu.memory_space<vmem>>
          %dma_start3A_493 = arith.constant 0 : i32
          %dma_start3A_494 = arith.constant 0 : i32
          %dma_start3A_495 = tpu.memref_slice %arg5[%dma_start3A_493, %dma_start3A_494] : memref<10000x128xf32, #tpu.memory_space<hbm>> -> memref<10000x128xf32, #tpu.memory_space<hbm>>
          %dma_start3A_496 = arith.constant -1 : i32
          tpu.enqueue_indirect_dma source(%dma_start3A_495 : memref<10000x128xf32, #tpu.memory_space<hbm>>) target(%arg11 : memref<128x128xf32, #tpu.memory_space<vmem>>) offsets(%dma_start3A_492 : memref<128xi32, #tpu.memory_space<vmem>>) offset_filter(%dma_start3A_496) semaphore(%arg18 : memref<!tpu.dma_semaphore, #tpu.memory_space<semaphore_mem>>)
        } else {
        }
      } else {
      }
      %mul3A_470 = arith.constant 4 : i32
      %mul3A_471 = arith.muli %while3A_446, %mul3A_470 : i32
      %add3A_472 = arith.constant 3 : i32
      %add3A_473 = arith.addi %mul3A_471, %add3A_472 : i32
      %lt3A_474 = arith.cmpi slt, %add3A_473, %min3A_386 : i32
      %convert_element_type3A_475 = arith.extui %lt3A_474 : i1 to i32
      %cond3A_476 = arith.constant 0 : i32
      %cond3A_477 = arith.cmpi ne, %convert_element_type3A_475, %cond3A_476 : i32
      scf.if %cond3A_477 {
        %dma_wait3A = arith.constant 0 : i32
        %dma_wait3A_478 = tpu.memref_slice %arg7[%add3A_473, %dma_wait3A] : memref<81x128xi32, #tpu.memory_space<vmem>> -> memref<1x128xi32, #tpu.memory_space<vmem>>
        %dma_wait3A_479 = tpu.memref_squeeze %dma_wait3A_478 : memref<1x128xi32, #tpu.memory_space<vmem>> -> memref<128xi32, #tpu.memory_space<vmem>>
        %dma_wait3A_480 = arith.constant 0 : i32
        %dma_wait3A_481 = arith.constant 0 : i32
        %dma_wait3A_482 = tpu.memref_slice %arg5[%dma_wait3A_480, %dma_wait3A_481] : memref<10000x128xf32, #tpu.memory_space<hbm>> -> memref<10000x128xf32, #tpu.memory_space<hbm>>
        tpu.wait_indirect_dma semaphore(%arg19 : memref<!tpu.dma_semaphore, #tpu.memory_space<semaphore_mem>>) src(%dma_wait3A_482 : memref<10000x128xf32, #tpu.memory_space<hbm>>) dst(%arg12 : memref<128x128xf32, #tpu.memory_space<vmem>>)
        "tpu.region"() ({
          %run_scoped3A = tpu.sem_alloc : memref<!tpu.dma_semaphore, #tpu.memory_space<semaphore_mem>>
          %dma_start3A = arith.constant 0 : i32
          %dma_start3A_489 = tpu.memref_slice %arg8[%add3A_473, %dma_start3A] : memref<81x128xi32, #tpu.memory_space<vmem>> -> memref<1x128xi32, #tpu.memory_space<vmem>>
          %dma_start3A_490 = tpu.memref_squeeze %dma_start3A_489 : memref<1x128xi32, #tpu.memory_space<vmem>> -> memref<128xi32, #tpu.memory_space<vmem>>
          %dma_start3A_491 = arith.constant 0 : i32
          %dma_start3A_492 = arith.constant 0 : i32
          %dma_start3A_493 = tpu.memref_slice %arg15[%dma_start3A_491, %dma_start3A_492] : memref<2560x128xf32, #tpu.memory_space<vmem_shared>> -> memref<2560x128xf32, #tpu.memory_space<vmem_shared>>
          %dma_start3A_494 = arith.constant -1 : i32
          tpu.enqueue_indirect_dma source(%arg12 : memref<128x128xf32, #tpu.memory_space<vmem>>) target(%dma_start3A_493 : memref<2560x128xf32, #tpu.memory_space<vmem_shared>>) offsets(%dma_start3A_490 : memref<128xi32, #tpu.memory_space<vmem>>) offset_filter(%dma_start3A_494) semaphore(%run_scoped3A : memref<!tpu.dma_semaphore, #tpu.memory_space<semaphore_mem>>) {add = true}
          %dma_wait3A_495 = arith.constant 0 : i32
          %dma_wait3A_496 = tpu.memref_slice %arg8[%add3A_473, %dma_wait3A_495] : memref<81x128xi32, #tpu.memory_space<vmem>> -> memref<1x128xi32, #tpu.memory_space<vmem>>
          %dma_wait3A_497 = tpu.memref_squeeze %dma_wait3A_496 : memref<1x128xi32, #tpu.memory_space<vmem>> -> memref<128xi32, #tpu.memory_space<vmem>>
          %dma_wait3A_498 = arith.constant 0 : i32
          %dma_wait3A_499 = arith.constant 0 : i32
          %dma_wait3A_500 = tpu.memref_slice %arg15[%dma_wait3A_498, %dma_wait3A_499] : memref<2560x128xf32, #tpu.memory_space<vmem_shared>> -> memref<2560x128xf32, #tpu.memory_space<vmem_shared>>
          tpu.wait_indirect_dma semaphore(%run_scoped3A : memref<!tpu.dma_semaphore, #tpu.memory_space<semaphore_mem>>) src(%arg12 : memref<128x128xf32, #tpu.memory_space<vmem>>) dst(%dma_wait3A_500 : memref<2560x128xf32, #tpu.memory_space<vmem_shared>>)
          tpu.yield
        }) : () -> ()
        %add3A_483 = arith.constant 4 : i32
        %add3A_484 = arith.addi %add3A_473, %add3A_483 : i32
        %lt3A_485 = arith.cmpi slt, %add3A_484, %min3A_386 : i32
        %convert_element_type3A_486 = arith.extui %lt3A_485 : i1 to i32
        %cond3A_487 = arith.constant 0 : i32
        %cond3A_488 = arith.cmpi ne, %convert_element_type3A_486, %cond3A_487 : i32
        scf.if %cond3A_488 {
          %add3A_489 = arith.constant 4 : i32
          %add3A_490 = arith.addi %add3A_473, %add3A_489 : i32
          %dma_start3A = arith.constant 0 : i32
          %dma_start3A_491 = tpu.memref_slice %arg7[%add3A_490, %dma_start3A] : memref<81x128xi32, #tpu.memory_space<vmem>> -> memref<1x128xi32, #tpu.memory_space<vmem>>
          %dma_start3A_492 = tpu.memref_squeeze %dma_start3A_491 : memref<1x128xi32, #tpu.memory_space<vmem>> -> memref<128xi32, #tpu.memory_space<vmem>>
          %dma_start3A_493 = arith.constant 0 : i32
          %dma_start3A_494 = arith.constant 0 : i32
          %dma_start3A_495 = tpu.memref_slice %arg5[%dma_start3A_493, %dma_start3A_494] : memref<10000x128xf32, #tpu.memory_space<hbm>> -> memref<10000x128xf32, #tpu.memory_space<hbm>>
          %dma_start3A_496 = arith.constant -1 : i32
          tpu.enqueue_indirect_dma source(%dma_start3A_495 : memref<10000x128xf32, #tpu.memory_space<hbm>>) target(%arg12 : memref<128x128xf32, #tpu.memory_space<vmem>>) offsets(%dma_start3A_492 : memref<128xi32, #tpu.memory_space<vmem>>) offset_filter(%dma_start3A_496) semaphore(%arg19 : memref<!tpu.dma_semaphore, #tpu.memory_space<semaphore_mem>>)
        } else {
        }
      } else {
      }
    }
    %while3A_444 = arith.constant 1 : i32
    scf.for %while3A_446 = %while3A_442 to %while3A_438 step %while3A_444  : i32 {
      %mul3A_447 = arith.constant 4 : i32
      %mul3A_448 = arith.muli %while3A_446, %mul3A_447 : i32
      %add3A_449 = arith.constant 0 : i32
      %add3A_450 = arith.addi %mul3A_448, %add3A_449 : i32
      %lt3A = arith.cmpi slt, %add3A_450, %min3A_386 : i32
      %convert_element_type3A_451 = arith.extui %lt3A : i1 to i32
      %cond3A_452 = arith.constant 0 : i32
      %cond3A_453 = arith.cmpi ne, %convert_element_type3A_451, %cond3A_452 : i32
      scf.if %cond3A_453 {
        %dma_wait3A = arith.constant 0 : i32
        %dma_wait3A_478 = tpu.memref_slice %arg7[%add3A_450, %dma_wait3A] : memref<81x128xi32, #tpu.memory_space<vmem>> -> memref<1x128xi32, #tpu.memory_space<vmem>>
        %dma_wait3A_479 = tpu.memref_squeeze %dma_wait3A_478 : memref<1x128xi32, #tpu.memory_space<vmem>> -> memref<128xi32, #tpu.memory_space<vmem>>
        %dma_wait3A_480 = arith.constant 0 : i32
        %dma_wait3A_481 = arith.constant 0 : i32
        %dma_wait3A_482 = tpu.memref_slice %arg5[%dma_wait3A_480, %dma_wait3A_481] : memref<10000x128xf32, #tpu.memory_space<hbm>> -> memref<10000x128xf32, #tpu.memory_space<hbm>>
        tpu.wait_indirect_dma semaphore(%arg16 : memref<!tpu.dma_semaphore, #tpu.memory_space<semaphore_mem>>) src(%dma_wait3A_482 : memref<10000x128xf32, #tpu.memory_space<hbm>>) dst(%arg9 : memref<128x128xf32, #tpu.memory_space<vmem>>)
        "tpu.region"() ({
          %run_scoped3A = tpu.sem_alloc : memref<!tpu.dma_semaphore, #tpu.memory_space<semaphore_mem>>
          %dma_start3A = arith.constant 0 : i32
          %dma_start3A_489 = tpu.memref_slice %arg8[%add3A_450, %dma_start3A] : memref<81x128xi32, #tpu.memory_space<vmem>> -> memref<1x128xi32, #tpu.memory_space<vmem>>
          %dma_start3A_490 = tpu.memref_squeeze %dma_start3A_489 : memref<1x128xi32, #tpu.memory_space<vmem>> -> memref<128xi32, #tpu.memory_space<vmem>>
          %dma_start3A_491 = arith.constant 0 : i32
          %dma_start3A_492 = arith.constant 0 : i32
          %dma_start3A_493 = tpu.memref_slice %arg15[%dma_start3A_491, %dma_start3A_492] : memref<2560x128xf32, #tpu.memory_space<vmem_shared>> -> memref<2560x128xf32, #tpu.memory_space<vmem_shared>>
          %dma_start3A_494 = arith.constant -1 : i32
          tpu.enqueue_indirect_dma source(%arg9 : memref<128x128xf32, #tpu.memory_space<vmem>>) target(%dma_start3A_493 : memref<2560x128xf32, #tpu.memory_space<vmem_shared>>) offsets(%dma_start3A_490 : memref<128xi32, #tpu.memory_space<vmem>>) offset_filter(%dma_start3A_494) semaphore(%run_scoped3A : memref<!tpu.dma_semaphore, #tpu.memory_space<semaphore_mem>>) {add = true}
          %dma_wait3A_495 = arith.constant 0 : i32
          %dma_wait3A_496 = tpu.memref_slice %arg8[%add3A_450, %dma_wait3A_495] : memref<81x128xi32, #tpu.memory_space<vmem>> -> memref<1x128xi32, #tpu.memory_space<vmem>>
          %dma_wait3A_497 = tpu.memref_squeeze %dma_wait3A_496 : memref<1x128xi32, #tpu.memory_space<vmem>> -> memref<128xi32, #tpu.memory_space<vmem>>
          %dma_wait3A_498 = arith.constant 0 : i32
          %dma_wait3A_499 = arith.constant 0 : i32
          %dma_wait3A_500 = tpu.memref_slice %arg15[%dma_wait3A_498, %dma_wait3A_499] : memref<2560x128xf32, #tpu.memory_space<vmem_shared>> -> memref<2560x128xf32, #tpu.memory_space<vmem_shared>>
          tpu.wait_indirect_dma semaphore(%run_scoped3A : memref<!tpu.dma_semaphore, #tpu.memory_space<semaphore_mem>>) src(%arg9 : memref<128x128xf32, #tpu.memory_space<vmem>>) dst(%dma_wait3A_500 : memref<2560x128xf32, #tpu.memory_space<vmem_shared>>)
          tpu.yield
        }) : () -> ()
        %add3A_483 = arith.constant 4 : i32
        %add3A_484 = arith.addi %add3A_450, %add3A_483 : i32
        %lt3A_485 = arith.cmpi slt, %add3A_484, %min3A_386 : i32
        %convert_element_type3A_486 = arith.extui %lt3A_485 : i1 to i32
        %cond3A_487 = arith.constant 0 : i32
        %cond3A_488 = arith.cmpi ne, %convert_element_type3A_486, %cond3A_487 : i32
        scf.if %cond3A_488 {
          %add3A_489 = arith.constant 4 : i32
          %add3A_490 = arith.addi %add3A_450, %add3A_489 : i32
          %dma_start3A = arith.constant 0 : i32
          %dma_start3A_491 = tpu.memref_slice %arg7[%add3A_490, %dma_start3A] : memref<81x128xi32, #tpu.memory_space<vmem>> -> memref<1x128xi32, #tpu.memory_space<vmem>>
          %dma_start3A_492 = tpu.memref_squeeze %dma_start3A_491 : memref<1x128xi32, #tpu.memory_space<vmem>> -> memref<128xi32, #tpu.memory_space<vmem>>
          %dma_start3A_493 = arith.constant 0 : i32
          %dma_start3A_494 = arith.constant 0 : i32
          %dma_start3A_495 = tpu.memref_slice %arg5[%dma_start3A_493, %dma_start3A_494] : memref<10000x128xf32, #tpu.memory_space<hbm>> -> memref<10000x128xf32, #tpu.memory_space<hbm>>
          %dma_start3A_496 = arith.constant -1 : i32
          tpu.enqueue_indirect_dma source(%dma_start3A_495 : memref<10000x128xf32, #tpu.memory_space<hbm>>) target(%arg9 : memref<128x128xf32, #tpu.memory_space<vmem>>) offsets(%dma_start3A_492 : memref<128xi32, #tpu.memory_space<vmem>>) offset_filter(%dma_start3A_496) semaphore(%arg16 : memref<!tpu.dma_semaphore, #tpu.memory_space<semaphore_mem>>)
        } else {
        }
      } else {
      }
      %mul3A_454 = arith.constant 4 : i32
      %mul3A_455 = arith.muli %while3A_446, %mul3A_454 : i32
      %add3A_456 = arith.constant 1 : i32
      %add3A_457 = arith.addi %mul3A_455, %add3A_456 : i32
      %lt3A_458 = arith.cmpi slt, %add3A_457, %min3A_386 : i32
      %convert_element_type3A_459 = arith.extui %lt3A_458 : i1 to i32
      %cond3A_460 = arith.constant 0 : i32
      %cond3A_461 = arith.cmpi ne, %convert_element_type3A_459, %cond3A_460 : i32
      scf.if %cond3A_461 {
        %dma_wait3A = arith.constant 0 : i32
        %dma_wait3A_478 = tpu.memref_slice %arg7[%add3A_457, %dma_wait3A] : memref<81x128xi32, #tpu.memory_space<vmem>> -> memref<1x128xi32, #tpu.memory_space<vmem>>
        %dma_wait3A_479 = tpu.memref_squeeze %dma_wait3A_478 : memref<1x128xi32, #tpu.memory_space<vmem>> -> memref<128xi32, #tpu.memory_space<vmem>>
        %dma_wait3A_480 = arith.constant 0 : i32
        %dma_wait3A_481 = arith.constant 0 : i32
        %dma_wait3A_482 = tpu.memref_slice %arg5[%dma_wait3A_480, %dma_wait3A_481] : memref<10000x128xf32, #tpu.memory_space<hbm>> -> memref<10000x128xf32, #tpu.memory_space<hbm>>
        tpu.wait_indirect_dma semaphore(%arg17 : memref<!tpu.dma_semaphore, #tpu.memory_space<semaphore_mem>>) src(%dma_wait3A_482 : memref<10000x128xf32, #tpu.memory_space<hbm>>) dst(%arg10 : memref<128x128xf32, #tpu.memory_space<vmem>>)
        "tpu.region"() ({
          %run_scoped3A = tpu.sem_alloc : memref<!tpu.dma_semaphore, #tpu.memory_space<semaphore_mem>>
          %dma_start3A = arith.constant 0 : i32
          %dma_start3A_489 = tpu.memref_slice %arg8[%add3A_457, %dma_start3A] : memref<81x128xi32, #tpu.memory_space<vmem>> -> memref<1x128xi32, #tpu.memory_space<vmem>>
          %dma_start3A_490 = tpu.memref_squeeze %dma_start3A_489 : memref<1x128xi32, #tpu.memory_space<vmem>> -> memref<128xi32, #tpu.memory_space<vmem>>
          %dma_start3A_491 = arith.constant 0 : i32
          %dma_start3A_492 = arith.constant 0 : i32
          %dma_start3A_493 = tpu.memref_slice %arg15[%dma_start3A_491, %dma_start3A_492] : memref<2560x128xf32, #tpu.memory_space<vmem_shared>> -> memref<2560x128xf32, #tpu.memory_space<vmem_shared>>
          %dma_start3A_494 = arith.constant -1 : i32
          tpu.enqueue_indirect_dma source(%arg10 : memref<128x128xf32, #tpu.memory_space<vmem>>) target(%dma_start3A_493 : memref<2560x128xf32, #tpu.memory_space<vmem_shared>>) offsets(%dma_start3A_490 : memref<128xi32, #tpu.memory_space<vmem>>) offset_filter(%dma_start3A_494) semaphore(%run_scoped3A : memref<!tpu.dma_semaphore, #tpu.memory_space<semaphore_mem>>) {add = true}
          %dma_wait3A_495 = arith.constant 0 : i32
          %dma_wait3A_496 = tpu.memref_slice %arg8[%add3A_457, %dma_wait3A_495] : memref<81x128xi32, #tpu.memory_space<vmem>> -> memref<1x128xi32, #tpu.memory_space<vmem>>
          %dma_wait3A_497 = tpu.memref_squeeze %dma_wait3A_496 : memref<1x128xi32, #tpu.memory_space<vmem>> -> memref<128xi32, #tpu.memory_space<vmem>>
          %dma_wait3A_498 = arith.constant 0 : i32
          %dma_wait3A_499 = arith.constant 0 : i32
          %dma_wait3A_500 = tpu.memref_slice %arg15[%dma_wait3A_498, %dma_wait3A_499] : memref<2560x128xf32, #tpu.memory_space<vmem_shared>> -> memref<2560x128xf32, #tpu.memory_space<vmem_shared>>
          tpu.wait_indirect_dma semaphore(%run_scoped3A : memref<!tpu.dma_semaphore, #tpu.memory_space<semaphore_mem>>) src(%arg10 : memref<128x128xf32, #tpu.memory_space<vmem>>) dst(%dma_wait3A_500 : memref<2560x128xf32, #tpu.memory_space<vmem_shared>>)
          tpu.yield
        }) : () -> ()
        %add3A_483 = arith.constant 4 : i32
        %add3A_484 = arith.addi %add3A_457, %add3A_483 : i32
        %lt3A_485 = arith.cmpi slt, %add3A_484, %min3A_386 : i32
        %convert_element_type3A_486 = arith.extui %lt3A_485 : i1 to i32
        %cond3A_487 = arith.constant 0 : i32
        %cond3A_488 = arith.cmpi ne, %convert_element_type3A_486, %cond3A_487 : i32
        scf.if %cond3A_488 {
          %add3A_489 = arith.constant 4 : i32
          %add3A_490 = arith.addi %add3A_457, %add3A_489 : i32
          %dma_start3A = arith.constant 0 : i32
          %dma_start3A_491 = tpu.memref_slice %arg7[%add3A_490, %dma_start3A] : memref<81x128xi32, #tpu.memory_space<vmem>> -> memref<1x128xi32, #tpu.memory_space<vmem>>
          %dma_start3A_492 = tpu.memref_squeeze %dma_start3A_491 : memref<1x128xi32, #tpu.memory_space<vmem>> -> memref<128xi32, #tpu.memory_space<vmem>>
          %dma_start3A_493 = arith.constant 0 : i32
          %dma_start3A_494 = arith.constant 0 : i32
          %dma_start3A_495 = tpu.memref_slice %arg5[%dma_start3A_493, %dma_start3A_494] : memref<10000x128xf32, #tpu.memory_space<hbm>> -> memref<10000x128xf32, #tpu.memory_space<hbm>>
          %dma_start3A_496 = arith.constant -1 : i32
          tpu.enqueue_indirect_dma source(%dma_start3A_495 : memref<10000x128xf32, #tpu.memory_space<hbm>>) target(%arg10 : memref<128x128xf32, #tpu.memory_space<vmem>>) offsets(%dma_start3A_492 : memref<128xi32, #tpu.memory_space<vmem>>) offset_filter(%dma_start3A_496) semaphore(%arg17 : memref<!tpu.dma_semaphore, #tpu.memory_space<semaphore_mem>>)
        } else {
        }
      } else {
      }
      %mul3A_462 = arith.constant 4 : i32
      %mul3A_463 = arith.muli %while3A_446, %mul3A_462 : i32
      %add3A_464 = arith.constant 2 : i32
      %add3A_465 = arith.addi %mul3A_463, %add3A_464 : i32
      %lt3A_466 = arith.cmpi slt, %add3A_465, %min3A_386 : i32
      %convert_element_type3A_467 = arith.extui %lt3A_466 : i1 to i32
      %cond3A_468 = arith.constant 0 : i32
      %cond3A_469 = arith.cmpi ne, %convert_element_type3A_467, %cond3A_468 : i32
      scf.if %cond3A_469 {
        %dma_wait3A = arith.constant 0 : i32
        %dma_wait3A_478 = tpu.memref_slice %arg7[%add3A_465, %dma_wait3A] : memref<81x128xi32, #tpu.memory_space<vmem>> -> memref<1x128xi32, #tpu.memory_space<vmem>>
        %dma_wait3A_479 = tpu.memref_squeeze %dma_wait3A_478 : memref<1x128xi32, #tpu.memory_space<vmem>> -> memref<128xi32, #tpu.memory_space<vmem>>
        %dma_wait3A_480 = arith.constant 0 : i32
        %dma_wait3A_481 = arith.constant 0 : i32
        %dma_wait3A_482 = tpu.memref_slice %arg5[%dma_wait3A_480, %dma_wait3A_481] : memref<10000x128xf32, #tpu.memory_space<hbm>> -> memref<10000x128xf32, #tpu.memory_space<hbm>>
        tpu.wait_indirect_dma semaphore(%arg18 : memref<!tpu.dma_semaphore, #tpu.memory_space<semaphore_mem>>) src(%dma_wait3A_482 : memref<10000x128xf32, #tpu.memory_space<hbm>>) dst(%arg11 : memref<128x128xf32, #tpu.memory_space<vmem>>)
        "tpu.region"() ({
          %run_scoped3A = tpu.sem_alloc : memref<!tpu.dma_semaphore, #tpu.memory_space<semaphore_mem>>
          %dma_start3A = arith.constant 0 : i32
          %dma_start3A_489 = tpu.memref_slice %arg8[%add3A_465, %dma_start3A] : memref<81x128xi32, #tpu.memory_space<vmem>> -> memref<1x128xi32, #tpu.memory_space<vmem>>
          %dma_start3A_490 = tpu.memref_squeeze %dma_start3A_489 : memref<1x128xi32, #tpu.memory_space<vmem>> -> memref<128xi32, #tpu.memory_space<vmem>>
          %dma_start3A_491 = arith.constant 0 : i32
          %dma_start3A_492 = arith.constant 0 : i32
          %dma_start3A_493 = tpu.memref_slice %arg15[%dma_start3A_491, %dma_start3A_492] : memref<2560x128xf32, #tpu.memory_space<vmem_shared>> -> memref<2560x128xf32, #tpu.memory_space<vmem_shared>>
          %dma_start3A_494 = arith.constant -1 : i32
          tpu.enqueue_indirect_dma source(%arg11 : memref<128x128xf32, #tpu.memory_space<vmem>>) target(%dma_start3A_493 : memref<2560x128xf32, #tpu.memory_space<vmem_shared>>) offsets(%dma_start3A_490 : memref<128xi32, #tpu.memory_space<vmem>>) offset_filter(%dma_start3A_494) semaphore(%run_scoped3A : memref<!tpu.dma_semaphore, #tpu.memory_space<semaphore_mem>>) {add = true}
          %dma_wait3A_495 = arith.constant 0 : i32
          %dma_wait3A_496 = tpu.memref_slice %arg8[%add3A_465, %dma_wait3A_495] : memref<81x128xi32, #tpu.memory_space<vmem>> -> memref<1x128xi32, #tpu.memory_space<vmem>>
          %dma_wait3A_497 = tpu.memref_squeeze %dma_wait3A_496 : memref<1x128xi32, #tpu.memory_space<vmem>> -> memref<128xi32, #tpu.memory_space<vmem>>
          %dma_wait3A_498 = arith.constant 0 : i32
          %dma_wait3A_499 = arith.constant 0 : i32
          %dma_wait3A_500 = tpu.memref_slice %arg15[%dma_wait3A_498, %dma_wait3A_499] : memref<2560x128xf32, #tpu.memory_space<vmem_shared>> -> memref<2560x128xf32, #tpu.memory_space<vmem_shared>>
          tpu.wait_indirect_dma semaphore(%run_scoped3A : memref<!tpu.dma_semaphore, #tpu.memory_space<semaphore_mem>>) src(%arg11 : memref<128x128xf32, #tpu.memory_space<vmem>>) dst(%dma_wait3A_500 : memref<2560x128xf32, #tpu.memory_space<vmem_shared>>)
          tpu.yield
        }) : () -> ()
        %add3A_483 = arith.constant 4 : i32
        %add3A_484 = arith.addi %add3A_465, %add3A_483 : i32
        %lt3A_485 = arith.cmpi slt, %add3A_484, %min3A_386 : i32
        %convert_element_type3A_486 = arith.extui %lt3A_485 : i1 to i32
        %cond3A_487 = arith.constant 0 : i32
        %cond3A_488 = arith.cmpi ne, %convert_element_type3A_486, %cond3A_487 : i32
        scf.if %cond3A_488 {
          %add3A_489 = arith.constant 4 : i32
          %add3A_490 = arith.addi %add3A_465, %add3A_489 : i32
          %dma_start3A = arith.constant 0 : i32
          %dma_start3A_491 = tpu.memref_slice %arg7[%add3A_490, %dma_start3A] : memref<81x128xi32, #tpu.memory_space<vmem>> -> memref<1x128xi32, #tpu.memory_space<vmem>>
          %dma_start3A_492 = tpu.memref_squeeze %dma_start3A_491 : memref<1x128xi32, #tpu.memory_space<vmem>> -> memref<128xi32, #tpu.memory_space<vmem>>
          %dma_start3A_493 = arith.constant 0 : i32
          %dma_start3A_494 = arith.constant 0 : i32
          %dma_start3A_495 = tpu.memref_slice %arg5[%dma_start3A_493, %dma_start3A_494] : memref<10000x128xf32, #tpu.memory_space<hbm>> -> memref<10000x128xf32, #tpu.memory_space<hbm>>
          %dma_start3A_496 = arith.constant -1 : i32
          tpu.enqueue_indirect_dma source(%dma_start3A_495 : memref<10000x128xf32, #tpu.memory_space<hbm>>) target(%arg11 : memref<128x128xf32, #tpu.memory_space<vmem>>) offsets(%dma_start3A_492 : memref<128xi32, #tpu.memory_space<vmem>>) offset_filter(%dma_start3A_496) semaphore(%arg18 : memref<!tpu.dma_semaphore, #tpu.memory_space<semaphore_mem>>)
        } else {
        }
      } else {
      }
      %mul3A_470 = arith.constant 4 : i32
      %mul3A_471 = arith.muli %while3A_446, %mul3A_470 : i32
      %add3A_472 = arith.constant 3 : i32
      %add3A_473 = arith.addi %mul3A_471, %add3A_472 : i32
      %lt3A_474 = arith.cmpi slt, %add3A_473, %min3A_386 : i32
      %convert_element_type3A_475 = arith.extui %lt3A_474 : i1 to i32
      %cond3A_476 = arith.constant 0 : i32
      %cond3A_477 = arith.cmpi ne, %convert_element_type3A_475, %cond3A_476 : i32
      scf.if %cond3A_477 {
        %dma_wait3A = arith.constant 0 : i32
        %dma_wait3A_478 = tpu.memref_slice %arg7[%add3A_473, %dma_wait3A] : memref<81x128xi32, #tpu.memory_space<vmem>> -> memref<1x128xi32, #tpu.memory_space<vmem>>
        %dma_wait3A_479 = tpu.memref_squeeze %dma_wait3A_478 : memref<1x128xi32, #tpu.memory_space<vmem>> -> memref<128xi32, #tpu.memory_space<vmem>>
        %dma_wait3A_480 = arith.constant 0 : i32
        %dma_wait3A_481 = arith.constant 0 : i32
        %dma_wait3A_482 = tpu.memref_slice %arg5[%dma_wait3A_480, %dma_wait3A_481] : memref<10000x128xf32, #tpu.memory_space<hbm>> -> memref<10000x128xf32, #tpu.memory_space<hbm>>
        tpu.wait_indirect_dma semaphore(%arg19 : memref<!tpu.dma_semaphore, #tpu.memory_space<semaphore_mem>>) src(%dma_wait3A_482 : memref<10000x128xf32, #tpu.memory_space<hbm>>) dst(%arg12 : memref<128x128xf32, #tpu.memory_space<vmem>>)
        "tpu.region"() ({
          %run_scoped3A = tpu.sem_alloc : memref<!tpu.dma_semaphore, #tpu.memory_space<semaphore_mem>>
          %dma_start3A = arith.constant 0 : i32
          %dma_start3A_489 = tpu.memref_slice %arg8[%add3A_473, %dma_start3A] : memref<81x128xi32, #tpu.memory_space<vmem>> -> memref<1x128xi32, #tpu.memory_space<vmem>>
          %dma_start3A_490 = tpu.memref_squeeze %dma_start3A_489 : memref<1x128xi32, #tpu.memory_space<vmem>> -> memref<128xi32, #tpu.memory_space<vmem>>
          %dma_start3A_491 = arith.constant 0 : i32
          %dma_start3A_492 = arith.constant 0 : i32
          %dma_start3A_493 = tpu.memref_slice %arg15[%dma_start3A_491, %dma_start3A_492] : memref<2560x128xf32, #tpu.memory_space<vmem_shared>> -> memref<2560x128xf32, #tpu.memory_space<vmem_shared>>
          %dma_start3A_494 = arith.constant -1 : i32
          tpu.enqueue_indirect_dma source(%arg12 : memref<128x128xf32, #tpu.memory_space<vmem>>) target(%dma_start3A_493 : memref<2560x128xf32, #tpu.memory_space<vmem_shared>>) offsets(%dma_start3A_490 : memref<128xi32, #tpu.memory_space<vmem>>) offset_filter(%dma_start3A_494) semaphore(%run_scoped3A : memref<!tpu.dma_semaphore, #tpu.memory_space<semaphore_mem>>) {add = true}
          %dma_wait3A_495 = arith.constant 0 : i32
          %dma_wait3A_496 = tpu.memref_slice %arg8[%add3A_473, %dma_wait3A_495] : memref<81x128xi32, #tpu.memory_space<vmem>> -> memref<1x128xi32, #tpu.memory_space<vmem>>
          %dma_wait3A_497 = tpu.memref_squeeze %dma_wait3A_496 : memref<1x128xi32, #tpu.memory_space<vmem>> -> memref<128xi32, #tpu.memory_space<vmem>>
          %dma_wait3A_498 = arith.constant 0 : i32
          %dma_wait3A_499 = arith.constant 0 : i32
          %dma_wait3A_500 = tpu.memref_slice %arg15[%dma_wait3A_498, %dma_wait3A_499] : memref<2560x128xf32, #tpu.memory_space<vmem_shared>> -> memref<2560x128xf32, #tpu.memory_space<vmem_shared>>
          tpu.wait_indirect_dma semaphore(%run_scoped3A : memref<!tpu.dma_semaphore, #tpu.memory_space<semaphore_mem>>) src(%arg12 : memref<128x128xf32, #tpu.memory_space<vmem>>) dst(%dma_wait3A_500 : memref<2560x128xf32, #tpu.memory_space<vmem_shared>>)
          tpu.yield
        }) : () -> ()
        %add3A_483 = arith.constant 4 : i32
        %add3A_484 = arith.addi %add3A_473, %add3A_483 : i32
        %lt3A_485 = arith.cmpi slt, %add3A_484, %min3A_386 : i32
        %convert_element_type3A_486 = arith.extui %lt3A_485 : i1 to i32
        %cond3A_487 = arith.constant 0 : i32
        %cond3A_488 = arith.cmpi ne, %convert_element_type3A_486, %cond3A_487 : i32
        scf.if %cond3A_488 {
          %add3A_489 = arith.constant 4 : i32
          %add3A_490 = arith.addi %add3A_473, %add3A_489 : i32
          %dma_start3A = arith.constant 0 : i32
          %dma_start3A_491 = tpu.memref_slice %arg7[%add3A_490, %dma_start3A] : memref<81x128xi32, #tpu.memory_space<vmem>> -> memref<1x128xi32, #tpu.memory_space<vmem>>
          %dma_start3A_492 = tpu.memref_squeeze %dma_start3A_491 : memref<1x128xi32, #tpu.memory_space<vmem>> -> memref<128xi32, #tpu.memory_space<vmem>>
          %dma_start3A_493 = arith.constant 0 : i32
          %dma_start3A_494 = arith.constant 0 : i32
          %dma_start3A_495 = tpu.memref_slice %arg5[%dma_start3A_493, %dma_start3A_494] : memref<10000x128xf32, #tpu.memory_space<hbm>> -> memref<10000x128xf32, #tpu.memory_space<hbm>>
          %dma_start3A_496 = arith.constant -1 : i32
          tpu.enqueue_indirect_dma source(%dma_start3A_495 : memref<10000x128xf32, #tpu.memory_space<hbm>>) target(%arg12 : memref<128x128xf32, #tpu.memory_space<vmem>>) offsets(%dma_start3A_492 : memref<128xi32, #tpu.memory_space<vmem>>) offset_filter(%dma_start3A_496) semaphore(%arg19 : memref<!tpu.dma_semaphore, #tpu.memory_space<semaphore_mem>>)
        } else {
        }
      } else {
      }
    }
    %barrier3A_445 = arith.constant 0 : index
    tpu.barrier barrier_id(%barrier3A_445)
    "tpu.region"() ({
      %run_scoped3A = tpu.sem_alloc : memref<!tpu.dma_semaphore, #tpu.memory_space<semaphore_mem>>
      %dma_start3A = arith.constant 0 : i32
      %dma_start3A_446 = tpu.memref_slice %arg6[%add3A_218, %mul3A_0, %dma_start3A] : memref<4x2560x128xf32, #tpu.memory_space<hbm>> -> memref<1x160x128xf32, #tpu.memory_space<hbm>>
      %dma_start3A_447 = tpu.memref_squeeze %dma_start3A_446 : memref<1x160x128xf32, #tpu.memory_space<hbm>> -> memref<160x128xf32, #tpu.memory_space<hbm>>
      %dma_start3A_448 = arith.constant 0 : i32
      %dma_start3A_449 = tpu.memref_slice %arg15[%mul3A_0, %dma_start3A_448] : memref<2560x128xf32, #tpu.memory_space<vmem_shared>> -> memref<160x128xf32, #tpu.memory_space<vmem_shared>>
      tpu.enqueue_dma source(%dma_start3A_449 : memref<160x128xf32, #tpu.memory_space<vmem_shared>>) target(%dma_start3A_447 : memref<160x128xf32, #tpu.memory_space<hbm>>) target_semaphore(%run_scoped3A : memref<!tpu.dma_semaphore, #tpu.memory_space<semaphore_mem>>)
      %dma_wait3A = arith.constant 0 : i32
      %dma_wait3A_450 = tpu.memref_slice %arg6[%add3A_218, %mul3A_0, %dma_wait3A] : memref<4x2560x128xf32, #tpu.memory_space<hbm>> -> memref<1x160x128xf32, #tpu.memory_space<hbm>>
      %dma_wait3A_451 = tpu.memref_squeeze %dma_wait3A_450 : memref<1x160x128xf32, #tpu.memory_space<hbm>> -> memref<160x128xf32, #tpu.memory_space<hbm>>
      %dma_wait3A_452 = arith.constant 0 : i32
      %dma_wait3A_453 = tpu.memref_slice %arg15[%mul3A_0, %dma_wait3A_452] : memref<2560x128xf32, #tpu.memory_space<vmem_shared>> -> memref<160x128xf32, #tpu.memory_space<vmem_shared>>
      tpu.wait_dma2 semaphore(%run_scoped3A : memref<!tpu.dma_semaphore, #tpu.memory_space<semaphore_mem>>) src(%dma_wait3A_453 : memref<160x128xf32, #tpu.memory_space<vmem_shared>>) dst(%dma_wait3A_451 : memref<160x128xf32, #tpu.memory_space<hbm>>)
      tpu.yield
    }) : () -> ()
    return
  }
}

module attributes {stable_mosaic.version = 14 : i64} {
  func.func @_mm_body(%arg0: i32, %arg1: memref<2048x128xf32, #tpu.memory_space<vmem>>, %arg2: memref<128x128xf32, #tpu.memory_space<vmem>>, %arg3: memref<32x2048xf32, #tpu.memory_space<vmem>>, %arg4: memref<2048x128xf32, #tpu.memory_space<vmem>>) attributes {dimension_semantics = [#tpu.dimension_semantics<arbitrary>], iteration_bounds = array<i64: 5>, scalar_prefetch = 0 : i64, scratch_operands = 0 : i64, tpu.core_type = #tpu.core_type<tc>, window_params = [{transform_indices = @transform_0, window_bounds = array<i64: 2048, 128>}, {pipeline_mode = #tpu.pipeline_mode<synchronous>, transform_indices = @transform_1, window_bounds = array<i64: 128, 128>}, {transform_indices = @transform_2, window_bounds = array<i64: 32, 2048>}, {transform_indices = @transform_3, window_bounds = array<i64: 2048, 128>}]} {
    %get3A = arith.constant 0 : index
    %get3A_0 = arith.constant 0 : index
    %get3A_1 = vector.load %arg1[%get3A, %get3A_0] : memref<2048x128xf32, #tpu.memory_space<vmem>>, vector<2048x128xf32>
    %get3A_2 = arith.constant 0 : index
    %get3A_3 = arith.constant 0 : index
    %get3A_4 = vector.load %arg2[%get3A_2, %get3A_3] : memref<128x128xf32, #tpu.memory_space<vmem>>, vector<128x128xf32>
    %dot_general3A = arith.constant dense<0.000000e+00> : vector<2048x128xf32>
    %dot_general3A_5 = tpu.matmul %get3A_1, %get3A_4, %dot_general3A {dimension_numbers = #tpu.dot_dimension_numbers<[1], [0], [0], [1], [0, 0, 1, 1], [], []>, transpose_lhs_hint = false} : vector<2048x128xf32>, vector<128x128xf32>, vector<2048x128xf32> -> vector<2048x128xf32>
    %get3A_6 = arith.constant 0 : index
    %get3A_7 = arith.constant 0 : index
    %get3A_8 = vector.load %arg3[%get3A_6, %get3A_7] : memref<32x2048xf32, #tpu.memory_space<vmem>>, vector<32x2048xf32>
    %reduce_sum3A = arith.constant dense<0.000000e+00> : vector<2048xf32>
    %reduce_sum3A_9 = vector.multi_reduction <add>, %get3A_8, %reduce_sum3A [0] : vector<32x2048xf32> to vector<2048xf32>
    %max3A = arith.constant 1.000000e+00 : f32
    %max3A_10 = vector.broadcast %max3A : f32 to vector<2048xf32>
    %max3A_11 = arith.maximumf %reduce_sum3A_9, %max3A_10 : vector<2048xf32>
    %rsqrt3A = math.rsqrt %max3A_11 : vector<2048xf32>
    %broadcast_in_dim3A = vector.shape_cast %rsqrt3A : vector<2048xf32> to vector<2048x1xf32>
    %mul3A = vector.broadcast %broadcast_in_dim3A : vector<2048x1xf32> to vector<2048x128xf32>
    %mul3A_12 = arith.mulf %dot_general3A_5, %mul3A : vector<2048x128xf32>
    %swap3A = arith.constant 0 : index
    %swap3A_13 = arith.constant 0 : index
    %swap3A_14 = vector.load %arg4[%swap3A, %swap3A_13] : memref<2048x128xf32, #tpu.memory_space<vmem>>, vector<2048x128xf32>
    tpu.vector_store %arg4[%swap3A, %swap3A_13], %mul3A_12 {strides = array<i32>} : memref<2048x128xf32, #tpu.memory_space<vmem>>, vector<2048x128xf32>,
    return
  }
  func.func @transform_0(%arg0: i32) -> (i32, i32) {
    %c0_i32 = arith.constant 0 : i32
    %c0_i32_0 = arith.constant 0 : i32
    return %arg0, %c0_i32 : i32, i32
  }
  func.func @transform_1(%arg0: i32) -> (i32, i32) {
    %c0_i32 = arith.constant 0 : i32
    %c0_i32_0 = arith.constant 0 : i32
    %c0_i32_1 = arith.constant 0 : i32
    return %c0_i32, %c0_i32_0 : i32, i32
  }
  func.func @transform_2(%arg0: i32) -> (i32, i32) {
    %c0_i32 = arith.constant 0 : i32
    %c0_i32_0 = arith.constant 0 : i32
    return %c0_i32, %arg0 : i32, i32
  }
  func.func @transform_3(%arg0: i32) -> (i32, i32) {
    %c0_i32 = arith.constant 0 : i32
    %c0_i32_0 = arith.constant 0 : i32
    return %arg0, %c0_i32 : i32, i32
  }
}

module attributes {stable_mosaic.version = 14 : i64} {
  func.func @_ep_body(%arg0: i32, %arg1: memref<2048x128xf32, #tpu.memory_space<vmem>>, %arg2: memref<32x2048xf32, #tpu.memory_space<vmem>>, %arg3: memref<1x128xf32, #tpu.memory_space<vmem>>, %arg4: memref<2048x128xf32, #tpu.memory_space<vmem>>) attributes {dimension_semantics = [#tpu.dimension_semantics<arbitrary>], iteration_bounds = array<i64: 5>, scalar_prefetch = 0 : i64, scratch_operands = 0 : i64, tpu.core_type = #tpu.core_type<tc>, window_params = [{transform_indices = @transform_0, window_bounds = array<i64: 2048, 128>}, {transform_indices = @transform_1, window_bounds = array<i64: 32, 2048>}, {pipeline_mode = #tpu.pipeline_mode<synchronous>, transform_indices = @transform_2, window_bounds = array<i64: 1, 128>}, {transform_indices = @transform_3, window_bounds = array<i64: 2048, 128>}]} {
    %get3A = arith.constant 0 : index
    %get3A_0 = arith.constant 0 : index
    %get3A_1 = vector.load %arg2[%get3A, %get3A_0] : memref<32x2048xf32, #tpu.memory_space<vmem>>, vector<32x2048xf32>
    %reduce_sum3A = arith.constant dense<0.000000e+00> : vector<2048xf32>
    %reduce_sum3A_2 = vector.multi_reduction <add>, %get3A_1, %reduce_sum3A [0] : vector<32x2048xf32> to vector<2048xf32>
    %max3A = arith.constant 1.000000e+00 : f32
    %max3A_3 = vector.broadcast %max3A : f32 to vector<2048xf32>
    %max3A_4 = arith.maximumf %reduce_sum3A_2, %max3A_3 : vector<2048xf32>
    %rsqrt3A = math.rsqrt %max3A_4 : vector<2048xf32>
    %get3A_5 = arith.constant 0 : index
    %get3A_6 = arith.constant 0 : index
    %get3A_7 = vector.load %arg1[%get3A_5, %get3A_6] : memref<2048x128xf32, #tpu.memory_space<vmem>>, vector<2048x128xf32>
    %broadcast_in_dim3A = vector.shape_cast %rsqrt3A : vector<2048xf32> to vector<2048x1xf32>
    %mul3A = vector.broadcast %broadcast_in_dim3A : vector<2048x1xf32> to vector<2048x128xf32>
    %mul3A_8 = arith.mulf %get3A_7, %mul3A : vector<2048x128xf32>
    %get3A_9 = arith.constant 0 : index
    %get3A_10 = arith.constant 0 : index
    %get3A_11 = vector.load %arg3[%get3A_9, %get3A_10] : memref<1x128xf32, #tpu.memory_space<vmem>>, vector<1x128xf32>
    %add3A = vector.broadcast %get3A_11 : vector<1x128xf32> to vector<2048x128xf32>
    %add3A_12 = arith.addf %mul3A_8, %add3A : vector<2048x128xf32>
    %max3A_13 = arith.constant 0.000000e+00 : f32
    %max3A_14 = vector.broadcast %max3A_13 : f32 to vector<2048x128xf32>
    %max3A_15 = arith.maximumf %add3A_12, %max3A_14 : vector<2048x128xf32>
    %swap3A = arith.constant 0 : index
    %swap3A_16 = arith.constant 0 : index
    %swap3A_17 = vector.load %arg4[%swap3A, %swap3A_16] : memref<2048x128xf32, #tpu.memory_space<vmem>>, vector<2048x128xf32>
    tpu.vector_store %arg4[%swap3A, %swap3A_16], %max3A_15 {strides = array<i32>} : memref<2048x128xf32, #tpu.memory_space<vmem>>, vector<2048x128xf32>,
    return
  }
  func.func @transform_0(%arg0: i32) -> (i32, i32) {
    %c0_i32 = arith.constant 0 : i32
    %c0_i32_0 = arith.constant 0 : i32
    return %arg0, %c0_i32 : i32, i32
  }
  func.func @transform_1(%arg0: i32) -> (i32, i32) {
    %c0_i32 = arith.constant 0 : i32
    %c0_i32_0 = arith.constant 0 : i32
    return %c0_i32, %arg0 : i32, i32
  }
  func.func @transform_2(%arg0: i32) -> (i32, i32) {
    %c0_i32 = arith.constant 0 : i32
    %c0_i32_0 = arith.constant 0 : i32
    %c0_i32_1 = arith.constant 0 : i32
    return %c0_i32, %c0_i32_0 : i32, i32
  }
  func.func @transform_3(%arg0: i32) -> (i32, i32) {
    %c0_i32 = arith.constant 0 : i32
    %c0_i32_0 = arith.constant 0 : i32
    return %arg0, %c0_i32 : i32, i32
  }
}

</mosaic_0001>

<sc_bundles>
// kernel: kernel.6.cloned.1.call-start
scs
__scs_entry_jumppad:
0x0: {  	(pc) =	sbr.rel $0x88, $3  }
0x1: {  	(tag) =	ssettag $0x0;
	lr =	simm.s32 $0x1  }
0x2: {  	[smem:$0x3F9D] =	sst lr;
	_ =	strace $0xD0000000  }
0x3: {  	_ = 	snop  }
0x4: {  	_ = 	snop  }
0x5: {  	_ = 	snop  }
0x6: {  	_ = 	snop  }
0x7: {  	_ = 	snop  }
__scs_overlays_trampoline_lowered:
0x8: {  	[smem:$0x3FAC] =	sst s0  }
0x9: {  	[smem:$0x3FAD] =	sst s1  }
0xa: {  	[smem:$0x3FAE] =	sst s2  }
0xb: {  	[smem:$0x3FAF] =	sst s3  }
0xc: {  	[smem:$0x3FB0] =	sst s4  }
0xd: {  	[smem:$0x3FB1] =	sst s5  }
0xe: {  	[smem:$0x3FB2] =	sst s6  }
0xf: {  	[smem:$0x3FB3] =	sst s7  }
0x10: {  	[smem:$0x3FB4] =	sst s8  }
0x11: {  	[smem:$0x3FB5] =	sst s9;
	s0 =	simm.s32 @!p0 $0x0  }
0x12: {  	s1 =	sld [smem:$0x3F9B];
	s0 =	simm.s32 @p0 $0x1  }
0x13: {  	[smem:$0x3FB6] =	sst s0;
	s0 =	simm.s32 @!p1 $0x0  }
0x14: {  	s2 =	sld [smem:$0x3F9A];
	s0 =	simm.s32 @p1 $0x1  }
0x15: {  	[smem:$0x3FB7] =	sst s0;
	s0 =	simm.s32 @!p2 $0x0  }
0x16: {  	s3 =	sld [smem:$0x3FDB];
	s0 =	simm.s32 @p2 $0x1  }
0x17: {  	s4 =	simm.s32 $0x1BF5;
	[smem:$0x3FB9] =	sst s0  }
0x18: {  	s0 =	sld [smem:$0x3F9C];
	_ =	swait.ge [sflag:s4], $0x0  }
0x19: {  	s7 =	sld [smem:$0x3F9D]  }
0x1a: {  	s8 =	sadd.s32 $0xFFFFE003, lr  }
0x1b: {  	s9 =	sadd.s32 $0xFFFFFEF7, lr;
	s5 =	simm.s32 $0xFFFFFFFF;
	p2 =	slt.u32 s8, $0xFFFFF086  }
0x1c: {  	p1 =	slt.u32 s9, $0xF7A;
	s5 =	simm.s32 @!p2 $0x0  }
0x1d: {  	s5 =	simm.s32 @p1 $0x1;
	p0 =	seq.s32 s7, s2  }
0x1e: {  	s7 =	smul.u32 @!p0 $0xF7A, s2;
	p2 =	seq.s32 @!p0 s5, $0x0  }
0x1f: {  	s9 =	smul.u32 $0xF7A, s1;
	s8 =	simm.s32 @!p0 $0x1BF5;
	p2 =	por !p2, p0  }
0x20: {  	[sflag:s8] =	ssyncset.s32 @!p0 $0xFFFFF086;
	s6 =	sadd.s32 @!p0 s3, s7;
	s7 =	simm.s32 @!p0 $0x108  }
0x21: {  	s3 =	sadd.s32 s3, s9;
	s6 =	sadd.s32 @!p0 $0x88, s6;
	s7 =	simm.s32 @p2 $0x1082  }
0x22: {  	[simem:s7], [sflag:s8] =	dma.local @!p0 [hbm:s6], $0xF7A  }
0x23: {  	s9 =	sor.u32 $0xD0000000, s2;
	s6 =	simm.s32 $0x108;
	_ =	swait.ge @!p0 [sflag:s8], $0x0  }
0x24: {  	s3 =	sadd.s32 $0x88, s3;
	s6 =	simm.s32 @!p1 $0x1082;
	[sflag:s4] =	ssyncset.s32 $0xFFFFF086  }
0x25: {  	[simem:s6], [sflag:s4] =	dma.local [hbm:s3], $0xF7A  }
0x26: {  	[smem:$0x3F9D] =	sst s1;
	(tag) =	ssettag s2;
	_ =	strace s9  }
0x27: {  	s1 =	sld [smem:$0x3FAD]  }
0x28: {  	s2 =	sld [smem:$0x3FAE]  }
0x29: {  	s4 =	sld [smem:$0x3FB0]  }
0x2a: {  	p0 =	seq.s32 s5, $0x0;
	s5 =	sld [smem:$0x3FB1]  }
0x2b: {  	s6 =	sld [smem:$0x3FB2]  }
0x2c: {  	s7 =	sld [smem:$0x3FB3]  }
0x2d: {  	s3 =	simm.s32 $0x108;
	s8 =	sld [smem:$0x3FB4]  }
0x2e: {  	s3 =	simm.s32 @!p0 $0x1082;
	s9 =	sld [smem:$0x3FB5]  }
0x2f: {  	lr =	sadd.s32 s0, s3;
	s0 =	sld [smem:$0x3FAC]  }
0x30: {  	s3 =	sld [smem:$0x3FAF]  }
0x31: {  	[smem:$0x3FB8] =	sst s10  }
0x32: {  	s10 =	sld [smem:$0x3FB6];
	_ =	sdelay $0x3  }
0x33: {  	p0 =	seq.s32 s10, $0x1;
	s10 =	sld [smem:$0x3FB8];
	_ =	sdelay $0x3  }
0x34: {  	[smem:$0x3FB8] =	sst s10  }
0x35: {  	s10 =	sld [smem:$0x3FB7];
	_ =	sdelay $0x3  }
0x36: {  	p1 =	seq.s32 s10, $0x1;
	s10 =	sld [smem:$0x3FB8];
	_ =	sdelay $0x3  }
0x37: {  	[smem:$0x3FB8] =	sst s10  }
0x38: {  	s10 =	sld [smem:$0x3FB9]  }
0x39: {  	_ = 	snop;
	(pc) =	sbr.ind lr, $3  }
0x3a: {  	_ = 	snop  }
0x3b: {  	_ = 	snop  }
0x3c: {  	p2 =	seq.s32 s10, $0x1;
	s10 =	sld [smem:$0x3FB8]  }
0x3d: {  	_ =	shalt  }
0x3e: {  	_ =	shalt  }
0x3f: {  	_ =	shalt  }
0x40: {  	_ =	shalt  }
0x41: {  	_ =	shalt  }
0x42: {  	_ =	shalt  }
0x43: {  	_ =	shalt  }
0x44: {  	_ =	shalt  }
0x45: {  	_ =	shalt  }
0x46: {  	_ =	shalt  }
0x47: {  	_ =	shalt  }
0x48: {  	_ =	shalt  }
0x49: {  	_ =	shalt  }
0x4a: {  	_ =	shalt  }
0x4b: {  	_ =	shalt  }
0x4c: {  	_ =	shalt  }
0x4d: {  	_ =	shalt  }
0x4e: {  	_ =	shalt  }
0x4f: {  	_ =	shalt  }
0x50: {  	_ =	shalt  }
0x51: {  	_ =	shalt  }
0x52: {  	_ =	shalt  }
0x53: {  	_ =	shalt  }
0x54: {  	_ =	shalt  }
0x55: {  	_ =	shalt  }
0x56: {  	_ =	shalt  }
0x57: {  	_ =	shalt  }
0x58: {  	_ =	shalt  }
0x59: {  	_ =	shalt  }
0x5a: {  	_ =	shalt  }
0x5b: {  	_ =	shalt  }
0x5c: {  	_ =	shalt  }
0x5d: {  	_ =	shalt  }
0x5e: {  	_ =	shalt  }
0x5f: {  	_ =	shalt  }
0x60: {  	_ =	shalt  }
0x61: {  	_ =	shalt  }
0x62: {  	_ =	shalt  }
0x63: {  	_ =	shalt  }
0x64: {  	_ =	shalt  }
0x65: {  	_ =	shalt  }
0x66: {  	_ =	shalt  }
0x67: {  	_ =	shalt  }
0x68: {  	_ =	shalt  }
0x69: {  	_ =	shalt  }
0x6a: {  	_ =	shalt  }
0x6b: {  	_ =	shalt  }
0x6c: {  	_ =	shalt  }
0x6d: {  	_ =	shalt  }
0x6e: {  	_ =	shalt  }
0x6f: {  	_ =	shalt  }
0x70: {  	_ =	shalt  }
0x71: {  	_ =	shalt  }
0x72: {  	_ =	shalt  }
0x73: {  	_ =	shalt  }
0x74: {  	_ =	shalt  }
0x75: {  	_ =	shalt  }
0x76: {  	_ =	shalt  }
0x77: {  	_ =	shalt  }
0x78: {  	_ =	shalt  }
0x79: {  	_ =	shalt  }
0x7a: {  	_ =	shalt  }
0x7b: {  	_ =	shalt  }
0x7c: {  	_ =	shalt  }
0x7d: {  	_ =	shalt  }
0x7e: {  	_ =	shalt  }
0x7f: {  	_ =	shalt  }
0x80: {  	_ =	shalt  }
0x81: {  	_ =	shalt  }
0x82: {  	_ =	shalt  }
0x83: {  	_ =	shalt  }
0x84: {  	_ =	shalt  }
0x85: {  	_ =	shalt  }
0x86: {  	_ =	shalt  }
0x87: {  	_ =	shalt  }
.Lfunc_end0:
.L_simem_size_0:
called_computation_lowered:
.L_overlay_start_0:
0x88: {  	s2 =	sld [smem:$0x3FD9]  }
0x89: {  	s3 =	sld [smem:$0x3FFE];
	_ =	sdelay $0x1  }
0x8a: {  	s1 =	srdreg.scid  }
0x8b: {  	s0 =	sand.u32 $0x1, s1  }
0x8c: {  	s17 =	sshll.u32 s0, $0xA;
	s2 =	sadd.s32 s3, s2  }
0x8d: {  	s2 =	sadd.s32 s2, s17  }
0x8e: {  	[smem:$0x3FC4] =	sst s2  }
0x8f: {  	_ = 	snop  }
0x90: {  	s2 =	sld [smem:$0x3FD0];
	(tm) =	ssettm $0x1  }
0x91: {  	s18 =	sld [smem:$0x3FFB];
	_ =	sdelay $0x3  }
0x92: {  	_ =	strace s18  }
0x93: {  	s3 =	sld [smem:$0x3FFC];
	_ =	sdelay $0x3  }
0x94: {  	_ =	strace s3  }
0x95: {  	s3 =	sld [smem:$0x3FFD];
	_ =	sdelay $0x3  }
0x96: {  	_ =	strace s3  }
0x97: {  	_ =	strace $0x8FFFFFFF  }
0x98: {  	s19 =	sld [smem:$0x3FDB];
	_ =	sdelay $0x1  }
0x99: {  	s4 =	simm.s32 $_scs_section_size  }
0x9a: {  	s5 =	simm.s32 $_size__tile_overlayer_lowered;
	s6 =	simm.s32 $_tile_overlayer_lowered  }
0x9b: {  	s22 =	simm.s32 $0x1BFF;
	s21 =	sshll.u32 s6, $0x1;
	s3 =	sadd.s32 s4, s19  }
0x9c: {  	s7 =	simm.s32 $0x0;
	s20 =	sshll.u32 s5, $0x1;
	s5 =	sadd.s32 s21, s3  }
0x9d: {  	[timem:s7], [sflag:s22] =	dma.local [hbm:s5], s20  }
0x9e: {  	_ =	swait.ge [sflag:s22], s20  }
0x9f: {  	s4 =	ssub.s32 $0x0, s20;
	[sflag:s22] =	ssyncset.done $0x0  }
0xa0: {  	[sflag:s22] =	ssyncadd.s32 s4;
	_ =	sdelay $0x1  }
0xa1: {  	s23 =	simm.s32 $0x1B8B  }
0xa2: {  	_ =	swait.ge [sflag:s23], $0x1  }
0xa3: {  	[sflag:s23] =	ssyncset.done $0x0  }
0xa4: {  	s25 =	simm.s32 $0x1B8E;
	s24 =	sld [smem:$0x3FFE];
	[sflag:s23] =	ssyncadd.s32 $0xFFFFFFFF  }
0xa5: {  	s26 =	simm.s32 $execute0_lowered;
	[smem:$0x3FD2] =	sst s25  }
0xa6: {  	s5 =	sshll.u32 s26, $0x1;
	_ =	strace $0x80000046;
	[dreg:$0x1] =	wrdreg $0xFFFFFFFF  }
0xa7: {  	s28 =	simm.s32 $_size_execute0_lowered;
	s3 =	sadd.s32 s3, s5;
	[dreg:$0x0] =	wrdreg $0x0  }
0xa8: {  	s5 =	sshll.u32 s28, $0x1;
	[dreg:$0x2] =	wrdreg s3  }
0xa9: {  	[dreg:$0x3] =	wrdreg s5  }
0xaa: {  	[dreg:$0x4] =	wrdreg $0xC0  }
0xab: {  	_ =	task [dreg:s7], $0x5FFFF  }
0xac: {  	[dreg:$0x1] =	wrdreg $0xFFFFFFFF  }
0xad: {  	[dreg:$0x0] =	wrdreg $0x60  }
0xae: {  	[dreg:$0x2] =	wrdreg s2  }
0xaf: {  	[dreg:$0x3] =	wrdreg s24  }
0xb0: {  	[dreg:$0x4] =	wrdreg $0x9  }
0xb1: {  	_ =	task.clear_ibuf [dreg:s7], $0x5FFFF;
	_ =	strace $0x90000046  }
0xb2: {  	s29 =	simm.s32 $0x9;
	_ =	strace $0x80000048  }
0xb3: {  	_ =	swait.ge [sflag:s29], $0x1  }
0xb4: {  	[sflag:s29] =	ssyncadd.s32 $0xFFFFFFFF  }
0xb5: {  	_ =	strace $0x90000048  }
0xb6: {  	_ =	sfence  }
0xb7: {  	s30 =	sld [smem:$0x0];
	_ =	sdelay $0x2  }
0xb8: {  	s31 =	sshll.u32 s1, $0xD;
	s1 =	sshrl.u32 s1, $0x2  }
0xb9: {  	s3 =	sand.u32 $0x4000, s31;
	s1 =	sadd.s32 s1, s30  }
0xba: {  	s0 =	sor.u32 s3, s0;
	s1 =	sshll.u32 s1, $0x11  }
0xbb: {  	s0 =	sor.u32 s1, s0  }
0xbc: {  	s0 =	sadd.s32 $0x8F2B, s0  }
0xbd: {  	[sflag:s0] =	ssyncadd.remote.s32 $0x1  }
0xbe: {  	_ =	sfence.sel $0xFFFF  }
0xbf: {  	[dreg:$0x0] =	wrdreg $0xFFFFFFFF;
	(pc) =	sbr.abs _section_cstart, $3  }
0xc0: {  	[dreg:$0x1] =	wrdreg $0xFFFFFFFF  }
0xc1: {  	_ =	task.clear_ibuf [dreg:s7], $0x2FFFF;
	_ =	strace $0x9FFFFFFF  }
0xc2: {  	(tm) =	ssettm $0x7FFFFFFF  }
0xc3: {  	_ =	shalt  }
tec
execute0_lowered:
.L_overlay_start_1:
0x0: {  	(tag) =	ssettag $0x1  }
0x1: {  	s0 =	srdreg.scid;
	s3 =	rddreg [dreg:$0x0]  }
0x2: {  	s2 =	stileid.u32;
	s5 =	rddreg [dreg:$0x1];
	s16 =	simm.s32 $0x1  }
0x3: {  	s18 =	simm.s32 $0x19300;
	s19 =	simm.s32 $0x4F00;
	s20 =	simm.s32 $0xF100  }
0x4: {  	s21 =	simm.s32 $0x80;
	s23 =	simm.s32 $0x200;
	s24 =	simm.s32 $0x7780  }
0x5: {  	s28 =	simm.s32 $0x14200;
	s29 =	simm.s32 $0xC880;
	s30 =	simm.s32 $0x16A80  }
0x6: {  	s31 =	simm.s32 $0x1BB00;
	s0 =	sand.u32 $0x1, s0;
	s6 =	sshll.u32 s2, $0x7  }
0x7: {  	v0 =	vimm.f32 $0.0e+00;
	s12 =	sadd.s32 $0x2000, s5;
	s13 =	sadd.s32 $0x2A800, s5;
	s1 =	sshll.u32 s0, $0x4  }
0x8: {  	v1 =	vimm.f32 $1.000000000e+00;
	v2 =	vimm.s32 $0x0;
	v3 =	vlaneseq.u32;
	s6 =	sand.u32 $0x380, s6;
	s0 =	ssub.s32 $0x2, s0;
	s1 =	sor.u32 s2, s1  }
0x9: {  	v4 =	vimm.s32 $0xFFFFFFFF;
	vm0 =	vmmov $0x1;
	vm1 =	vcmask $0x310;
	s2 =	simm.s32 $0x0;
	s26 =	sshrl.u32 s0, $0x1;
	s8 =	smul.u32 $0x2710, s1  }
0xa: {  	vm2 =	vcmask $0x710;
	vm3 =	vcmask $0xB10;
	v5 =	vor.u32 $0x10, v3;
	s4 =	sshrl.u32 s1, $0x3;
	[smem:$0x7FF] =	sst s2;
	s1 =	smul.u32 $0x1440, s1  }
0xb: {  	v6 =	vor.u32 $0x20, v3;
	v7 =	vor.u32 $0x30, v3;
	v8 =	vor.u32 $0x40, v3;
	s0 =	ssub.s32 s0, s26;
	s26 =	simm.s32 $0xA000;
	s7 =	smul.u32 $0x14000, s4  }
0xc: {  	v9 =	vor.u32 $0x50, v3;
	v10 =	vor.u32 $0x60, v3;
	v11 =	vor.u32 $0x70, v3;
	_ =	strace $0x80000047;
	s4 =	sshll.u32 s4, $0xA;
	s15 =	smax.u32 s0, $0x1  }
0xd: {  	v12 =	vor.u32 $0x2880, v3;
	v13 =	vor.u32 $0x2890, v3;
	v14 =	vor.u32 $0x28A0, v3;
	s4 =	sor.u32 s6, s4;
	s25 =	sshrl.u32 s8, $0x3;
	s9 =	sor.u32 $0x10, s1  }
0xe: {  	v15 =	vor.u32 $0x28B0, v3;
	v16 =	vor.u32 $0x28C0, v3;
	v17 =	vor.u32 $0x28D0, v3;
	s11 =	sor.u32 $0x20, s1;
	s7 =	sor.u32 s6, s7;
	s4 =	sshrl.u32 s4, $0x3  }
0xf: {  	v18 =	vor.u32 $0x28E0, v3;
	v19 =	vor.u32 $0x28F0, v3;
	v20 =	vor.u32 $0x5100, v3;
	s3 =	sadd.s32 s3, s25;
	s6 =	sadd.s32 s12, s1;
	s8 =	sadd.s32 s12, s9  }
0x10: {  	v21 =	vor.u32 $0x5110, v3;
	v22 =	vor.u32 $0x5120, v3;
	v23 =	vor.u32 $0x5130, v3;
	s9 =	sadd.s32 s13, s9;
	s10 =	sadd.s32 s12, s11;
	s11 =	sadd.s32 s13, s11  }
0x11: {  	v24 =	vor.u32 $0x5140, v3;
	v25 =	vor.u32 $0x5150, v3;
	v26 =	vor.u32 $0x5160, v3;
	s25 =	simm.s32 $0x11980;
	s7 =	sshrl.u32 s7, $0x3;
	s14 =	sadd.s32 s4, s5  }
0x12: {  	v27 =	vor.u32 $0x5170, v3;
	v28 =	vor.u32 $0x7980, v3;
	v29 =	vor.u32 $0x7990, v3;
	s4 =	sadd.s32 $0x9C40, s3;
	s7 =	sadd.s32 s7, s5;
	s14 =	sadd.s32 $0x5D000, s14  }
0x13: {  	v30 =	vor.u32 $0x79A0, v3;
	v31 =	vor.u32 $0x79B0, v3;
	v32 =	vor.u32 $0x79C0, v3;
	s5 =	sadd.s32 $0x53000, s7;
	s7 =	sadd.s32 s13, s1;
	s1 =	sor.u32 $0x30, s1  }
0x14: {  	v33 =	vor.u32 $0x79D0, v3;
	v34 =	vor.u32 $0x79E0, v3;
	v35 =	vor.u32 $0x79F0, v3;
	s12 =	sadd.s32 s12, s1;
	s13 =	sadd.s32 s13, s1;
	s1 =	simm.s32 $0x0  }
.LBB2_1:
0x15: {  	[tilespmem:s2], [sflag:$0x1] =	stream.linear.gather [hbm4b:s3+s2], $0x2710, $0x38;
	[tilespmem:$0x1BB80] =	vst v63  }
0x16: {  	_ =	swait.ge [sflag:s16], $0x2710  }
0x17: {  	[sflag:s16] =	ssyncset.done $0x0  }
0x18: {  	s0 =	simm.s32 $0x2780;
	[sflag:s16] =	ssyncadd.s32 $0xFFFFD8F0  }
0x19: {  	[tilespmem:s0], [sflag:$0x1] =	stream.linear.gather [hbm4b:s4+s2], $0x2710, $0x38;
	[tilespmem:$0x1BB80] =	vst v63  }
0x1a: {  	_ =	swait.ge [sflag:s16], $0x2710  }
0x1b: {  	[sflag:s16] =	ssyncset.done $0x0  }
0x1c: {  	s0 =	simm.s32 $0x0;
	[sflag:s16] =	ssyncadd.s32 $0xFFFFD8F0  }
.LBB2_2:
0x1d: {  	p0 =	sne.s32 s0, $0x9FC0  }
.Ltmp0:
0x1e: {  	_ = 	snop;
	(pc) =	sbr.rel @p0 .LBB2_2-.Ltmp0, $3  }
0x1f: {  	_ =	sdelay $0x1  }
0x20: {  	s17 =	sshra.s32 s0, $0x2  }
0x21: {  	s0 =	sadd.s32 $0x40, s0;
	[tilespmem:s17+$0x19300] =	vst v0  }
0x22: {  	s0 =	simm.s32 $0x0  }
0x23: {  	v36 =	vld [tilespmem:s0+$0x2780];
	_ =	sdelay $0x4  }
0x24: {  	vm7 =	vlt.u32 v36, $0xA00  }
0x25: {  	v38 =	vadd.s32 $0xFFFFF600, v36;
	v37 =	vsel vm7, $0x1, v2  }
0x26: {  	vm6 =	vlt.u32 v38, $0xA00;
	(xrf0) =	vadd.scan.msk.s32 $0xffff, v37  }
0x27: {  	v40 =	vadd.s32 $0xFFFFEC00, v36;
	v57 =	vsel vm6, $0x1, v2  }
0x28: {  	vm5 =	vlt.u32 v40, $0xA00;
	(xrf0) =	vadd.scan.msk.s32 $0xffff, v57  }
0x29: {  	v44 =	vadd.s32 $0xFFFFE200, v36;
	v58 =	vsel vm5, $0x1, v2  }
0x2a: {  	vm4 =	vlt.u32 v44, $0xA00;
	(xrf0) =	vadd.scan.msk.s32 $0xffff, v58  }
0x2b: {  	v59 =	vsel vm4, $0x1, v2  }
0x2c: {  	v41 =	vimm.s32 $0x0;
	v39, _, _ =	vpop (xrf0);
	(xrf0) =	vadd.scan.msk.s32 $0xffff, v59  }
0x2d: {  	v60 =	vadd.s32 v39, v41  }
0x2e: {  	v42 =	vld [tilespmem:s0+$0x0];
	v61, _, _ =	vpop (xrf0);
	v37 =	vadd.s32 $0xFFFFFFFF, v60  }
0x2f: {  	v39 =	vadd.s32 v61, v41  }
0x30: {  	v43, _, _ =	vpop (xrf0);
	v39 =	vadd.s32 $0x287F, v39  }
0x31: {  	v43 =	vadd.s32 v43, v41  }
0x32: {  	[tilespmem:v36+s18+$0x0] =	vst.idx.add.f32.msk $0xffff, v1;
	v43 =	vadd.s32 $0x50FF, v43;
	v45, _, _ =	vpop (xrf0)  }
0x33: {  	[tilespmem:v37+s19+$0x0] =	vst.idx.msk vm7, v42;
	v45 =	vadd.s32 v45, v41  }
0x34: {  	[tilespmem:v37+s20+$0x0] =	vst.idx.msk vm7, v36;
	v45 =	vadd.s32 $0x797F, v45  }
0x35: {  	v46 =	vmpcnt.ones.xlane vm5;
	v47 =	vmpcnt.ones.xlane vm4;
	[tilespmem:v39+s19+$0x0] =	vst.idx.msk vm6, v42  }
0x36: {  	v62 =	vmpcnt.ones.xlane vm7;
	v63 =	vmpcnt.ones.xlane vm6;
	[tilespmem:v39+s20+$0x0] =	vst.idx.msk vm6, v38  }
0x37: {  	v37 =	vadd.s32 v41, v46;
	v36 =	vadd.s32 v41, v47;
	[tilespmem:v43+s19+$0x0] =	vst.idx.msk vm5, v42  }
0x38: {  	v39 =	vadd.s32 v41, v62;
	v38 =	vadd.s32 v41, v63;
	[tilespmem:v43+s20+$0x0] =	vst.idx.msk vm5, v40  }
0x39: {  	s17 =	simm.s32 $0x80;
	s0 =	simm.s32 $0x40;
	v41 =	vmovc v37;
	v43 =	vmov v39;
	v40 =	vmov v36;
	[tilespmem:v45+s19+$0x0] =	vst.idx.msk vm4, v42;
	v42 =	vmov v38  }
.LBB2_4:
0x3a: {  	p0 =	sne.s32 s17, $0x9C00  }
0x3b: {  	s22 =	sshra.s32 s0, $0x2;
	[tilespmem:v45+s20+$0x0] =	vst.idx.msk vm4, v44;
	s0 =	smov.u32 s17;
	s17 =	sadd.s32 $0x40, s17  }
0x3c: {  	v45 =	vld [tilespmem:s22+$0x2780];
	_ =	sdelay $0x4  }
0x3d: {  	vm5 =	vlt.u32 v45, $0xA00  }
0x3e: {  	v47 =	vadd.s32 $0xFFFFF600, v45;
	v44 =	vsel vm5, $0x1, v2;
	v46 =	vmpcnt.ones.xlane vm5  }
0x3f: {  	vm6 =	vlt.u32 v47, $0xA00;
	(xrf0) =	vadd.scan.msk.s32 $0xffff, v44  }
0x40: {  	v49 =	vadd.s32 $0xFFFFEC00, v45;
	v44 =	vsel vm6, $0x1, v2;
	v48 =	vmpcnt.ones.xlane vm6  }
0x41: {  	vm7 =	vlt.u32 v49, $0xA00;
	v39 =	vadd.s32 v39, v46;
	(xrf0) =	vadd.scan.msk.s32 $0xffff, v44  }
0x42: {  	v51 =	vmpcnt.ones.xlane vm7;
	v46 =	vsel vm7, $0x1, v2;
	v44 =	vadd.s32 $0xFFFFE200, v45  }
0x43: {  	v38 =	vadd.s32 v38, v48;
	vm4 =	vlt.u32 v44, $0xA00;
	(xrf0) =	vadd.scan.msk.s32 $0xffff, v46  }
0x44: {  	v37 =	vadd.s32 v37, v51;
	v46 =	vsel vm4, $0x1, v2;
	v48 =	vmpcnt.ones.xlane vm4  }
0x45: {  	v50, _, _ =	vpop (xrf0);
	(xrf0) =	vadd.scan.msk.s32 $0xffff, v46  }
0x46: {  	v36 =	vadd.s32 v36, v48;
	v46 =	vadd.s32 v50, v43;
	v43 =	vmov v39  }
0x47: {  	v48 =	vld [tilespmem:s22+$0x0];
	v46 =	vadd.s32 $0xFFFFFFFF, v46;
	v50, _, _ =	vpop (xrf0)  }
0x48: {  	v50 =	vadd.s32 v50, v42;
	v42 =	vmov v38  }
0x49: {  	v50 =	vadd.s32 $0x287F, v50;
	v51, _, _ =	vpop (xrf0)  }
0x4a: {  	v51 =	vadd.s32 v51, v41;
	v41 =	vmov v37  }
0x4b: {  	[tilespmem:v45+s18+$0x0] =	vst.idx.add.f32.msk $0xffff, v1;
	v51 =	vadd.s32 $0x50FF, v51;
	v52, _, _ =	vpop (xrf0)  }
0x4c: {  	[tilespmem:v46+s19+$0x0] =	vst.idx.msk vm5, v48;
	v52 =	vadd.s32 v52, v40;
	v40 =	vmov v36  }
0x4d: {  	[tilespmem:v46+s20+$0x0] =	vst.idx.msk vm5, v45;
	v45 =	vadd.s32 $0x797F, v52  }
.Ltmp1:
0x4e: {  	[tilespmem:v50+s19+$0x0] =	vst.idx.msk vm6, v48;
	(pc) =	sbr.rel @p0 .LBB2_4-.Ltmp1, $4  }
0x4f: {  	[tilespmem:v50+s20+$0x0] =	vst.idx.msk vm6, v47  }
0x50: {  	[tilespmem:v51+s19+$0x0] =	vst.idx.msk vm7, v48  }
0x51: {  	[tilespmem:v51+s20+$0x0] =	vst.idx.msk vm7, v49  }
0x52: {  	[tilespmem:v45+s19+$0x0] =	vst.idx.msk vm4, v48  }
0x53: {  	_ =	sdelay $0x4  }
0x54: {  	s0 =	sshra.s32 s0, $0x2;
	[tilespmem:v45+s20+$0x0] =	vst.idx.msk vm4, v44  }
0x55: {  	v44 =	vld [tilespmem:s0+$0x2780];
	_ =	sdelay $0x4  }
0x56: {  	vm7 =	vlt.u32 v44, $0xA00  }
0x57: {  	v46 =	vadd.s32 $0xFFFFF600, v44;
	v56 =	vsel vm7, $0x1, v2  }
0x58: {  	vm6 =	vlt.u32 v46, $0xA00;
	(xrf0) =	vadd.scan.msk.s32 $0xffff, v56  }
0x59: {  	v47 =	vadd.s32 $0xFFFFEC00, v44;
	v57 =	vsel vm6, $0x1, v2  }
0x5a: {  	vm5 =	vlt.u32 v47, $0xA00;
	(xrf0) =	vadd.scan.msk.s32 $0xffff, v57  }
0x5b: {  	v48 =	vadd.s32 $0xFFFFE200, v44;
	v58 =	vsel vm5, $0x1, v2  }
0x5c: {  	vm4 =	vlt.u32 v48, $0xA00;
	(xrf0) =	vadd.scan.msk.s32 $0xffff, v58  }
0x5d: {  	v59 =	vsel vm4, $0x1, v2  }
0x5e: {  	v49, _, _ =	vpop (xrf0);
	(xrf0) =	vadd.scan.msk.s32 $0xffff, v59  }
0x5f: {  	v43 =	vadd.s32 v49, v43  }
0x60: {  	v60 =	vld [tilespmem:s0+$0x0];
	v61, _, _ =	vpop (xrf0);
	v43 =	vadd.s32 $0xFFFFFFFF, v43  }
0x61: {  	v42 =	vadd.s32 v61, v42  }
0x62: {  	v62, _, _ =	vpop (xrf0);
	v42 =	vadd.s32 $0x287F, v42  }
0x63: {  	v41 =	vadd.s32 v62, v41  }
0x64: {  	[tilespmem:v44+s18+$0x0] =	vst.idx.add.f32.msk $0xffff, v1;
	v41 =	vadd.s32 $0x50FF, v41;
	v63, _, _ =	vpop (xrf0)  }
0x65: {  	v50 =	vmpcnt.ones.xlane vm7;
	[tilespmem:v43+s19+$0x0] =	vst.idx.msk vm7, v60;
	v40 =	vadd.s32 v63, v40  }
0x66: {  	[tilespmem:v43+s20+$0x0] =	vst.idx.msk vm7, v44;
	v40 =	vadd.s32 $0x797F, v40  }
0x67: {  	v39 =	vadd.s32 v39, v50;
	[tilespmem:v42+s19+$0x0] =	vst.idx.msk vm6, v60  }
0x68: {  	[tilespmem:v42+s20+$0x0] =	vst.idx.msk vm6, v46;
	v46 =	vadd.s32 v3, v39  }
0x69: {  	[tilespmem:v41+s19+$0x0] =	vst.idx.msk vm5, v60  }
0x6a: {  	v49 =	vadd.s32 v5, v39;
	[tilespmem:v41+s20+$0x0] =	vst.idx.msk vm5, v47  }
0x6b: {  	[tilespmem:v40+s19+$0x0] =	vst.idx.msk vm4, v60  }
0x6c: {  	v50 =	vadd.s32 v6, v39;
	[tilespmem:v40+s20+$0x0] =	vst.idx.msk vm4, v48  }
0x6d: {  	[tilespmem:v46+s19+$0x0] =	vst.idx.msk $0xffff, v4  }
0x6e: {  	v51 =	vadd.s32 v7, v39;
	[tilespmem:v46+s20+$0x0] =	vst.idx.msk $0xffff, v4  }
0x6f: {  	[tilespmem:v49+s19+$0x0] =	vst.idx.msk $0xffff, v4  }
0x70: {  	v52 =	vadd.s32 v8, v39;
	[tilespmem:v49+s20+$0x0] =	vst.idx.msk $0xffff, v4  }
0x71: {  	[tilespmem:v50+s19+$0x0] =	vst.idx.msk $0xffff, v4  }
0x72: {  	v53 =	vadd.s32 v9, v39;
	[tilespmem:v50+s20+$0x0] =	vst.idx.msk $0xffff, v4  }
0x73: {  	[tilespmem:v51+s19+$0x0] =	vst.idx.msk $0xffff, v4  }
0x74: {  	v54 =	vadd.s32 v10, v39;
	[tilespmem:v51+s20+$0x0] =	vst.idx.msk $0xffff, v4  }
0x75: {  	v55 =	vmpcnt.ones.xlane vm6;
	[tilespmem:v52+s19+$0x0] =	vst.idx.msk $0xffff, v4  }
0x76: {  	v56 =	vadd.s32 v11, v39;
	[tilespmem:v52+s20+$0x0] =	vst.idx.msk $0xffff, v4  }
0x77: {  	v38 =	vadd.s32 v38, v55;
	[tilespmem:v53+s19+$0x0] =	vst.idx.msk $0xffff, v4  }
0x78: {  	v57 =	vadd.s32 v12, v38;
	[tilespmem:v53+s20+$0x0] =	vst.idx.msk $0xffff, v4  }
0x79: {  	[tilespmem:v54+s19+$0x0] =	vst.idx.msk $0xffff, v4  }
0x7a: {  	v58 =	vadd.s32 v13, v38;
	[tilespmem:v54+s20+$0x0] =	vst.idx.msk $0xffff, v4  }
0x7b: {  	[tilespmem:v56+s19+$0x0] =	vst.idx.msk $0xffff, v4  }
0x7c: {  	v59 =	vadd.s32 v14, v38;
	[tilespmem:v56+s20+$0x0] =	vst.idx.msk $0xffff, v4  }
0x7d: {  	[tilespmem:v57+s19+$0x0] =	vst.idx.msk $0xffff, v4  }
0x7e: {  	v60 =	vadd.s32 v15, v38;
	[tilespmem:v57+s20+$0x0] =	vst.idx.msk $0xffff, v4  }
0x7f: {  	[tilespmem:v58+s19+$0x0] =	vst.idx.msk $0xffff, v4  }
0x80: {  	v61 =	vadd.s32 v16, v38;
	[tilespmem:v58+s20+$0x0] =	vst.idx.msk $0xffff, v4  }
0x81: {  	[tilespmem:v59+s19+$0x0] =	vst.idx.msk $0xffff, v4  }
0x82: {  	v62 =	vadd.s32 v17, v38;
	[tilespmem:v59+s20+$0x0] =	vst.idx.msk $0xffff, v4  }
0x83: {  	[tilespmem:v60+s19+$0x0] =	vst.idx.msk $0xffff, v4  }
0x84: {  	v63 =	vadd.s32 v18, v38;
	[tilespmem:v60+s20+$0x0] =	vst.idx.msk $0xffff, v4  }
0x85: {  	v45 =	vmpcnt.ones.xlane vm5;
	[tilespmem:v61+s19+$0x0] =	vst.idx.msk $0xffff, v4  }
0x86: {  	v46 =	vadd.s32 v19, v38;
	[tilespmem:v61+s20+$0x0] =	vst.idx.msk $0xffff, v4  }
0x87: {  	v37 =	vadd.s32 v37, v45;
	[tilespmem:v62+s19+$0x0] =	vst.idx.msk $0xffff, v4  }
0x88: {  	v47 =	vadd.s32 v20, v37;
	[tilespmem:v62+s20+$0x0] =	vst.idx.msk $0xffff, v4  }
0x89: {  	[tilespmem:v63+s19+$0x0] =	vst.idx.msk $0xffff, v4  }
0x8a: {  	v48 =	vadd.s32 v21, v37;
	[tilespmem:v63+s20+$0x0] =	vst.idx.msk $0xffff, v4  }
0x8b: {  	[tilespmem:v46+s19+$0x0] =	vst.idx.msk $0xffff, v4  }
0x8c: {  	v49 =	vadd.s32 v22, v37;
	[tilespmem:v46+s20+$0x0] =	vst.idx.msk $0xffff, v4  }
0x8d: {  	[tilespmem:v47+s19+$0x0] =	vst.idx.msk $0xffff, v4  }
0x8e: {  	v50 =	vadd.s32 v23, v37;
	[tilespmem:v47+s20+$0x0] =	vst.idx.msk $0xffff, v4  }
0x8f: {  	[tilespmem:v48+s19+$0x0] =	vst.idx.msk $0xffff, v4  }
0x90: {  	v51 =	vadd.s32 v24, v37;
	[tilespmem:v48+s20+$0x0] =	vst.idx.msk $0xffff, v4  }
0x91: {  	[tilespmem:v49+s19+$0x0] =	vst.idx.msk $0xffff, v4  }
0x92: {  	v52 =	vadd.s32 v25, v37;
	[tilespmem:v49+s20+$0x0] =	vst.idx.msk $0xffff, v4  }
0x93: {  	[tilespmem:v50+s19+$0x0] =	vst.idx.msk $0xffff, v4  }
0x94: {  	v53 =	vadd.s32 v26, v37;
	[tilespmem:v50+s20+$0x0] =	vst.idx.msk $0xffff, v4  }
0x95: {  	v54 =	vmpcnt.ones.xlane vm4;
	[tilespmem:v51+s19+$0x0] =	vst.idx.msk $0xffff, v4  }
0x96: {  	v55 =	vadd.s32 v27, v37;
	[tilespmem:v51+s20+$0x0] =	vst.idx.msk $0xffff, v4  }
0x97: {  	v36 =	vadd.s32 v36, v54;
	[tilespmem:v52+s19+$0x0] =	vst.idx.msk $0xffff, v4  }
0x98: {  	v56 =	vadd.s32 v28, v36;
	[tilespmem:v52+s20+$0x0] =	vst.idx.msk $0xffff, v4  }
0x99: {  	[tilespmem:v53+s19+$0x0] =	vst.idx.msk $0xffff, v4  }
0x9a: {  	v57 =	vadd.s32 v29, v36;
	[tilespmem:v53+s20+$0x0] =	vst.idx.msk $0xffff, v4  }
0x9b: {  	[tilespmem:v55+s19+$0x0] =	vst.idx.msk $0xffff, v4  }
0x9c: {  	v58 =	vadd.s32 v30, v36;
	[tilespmem:v55+s20+$0x0] =	vst.idx.msk $0xffff, v4  }
0x9d: {  	[tilespmem:v56+s19+$0x0] =	vst.idx.msk $0xffff, v4  }
0x9e: {  	v59 =	vadd.s32 v31, v36;
	[tilespmem:v56+s20+$0x0] =	vst.idx.msk $0xffff, v4  }
0x9f: {  	[tilespmem:v57+s19+$0x0] =	vst.idx.msk $0xffff, v4  }
0xa0: {  	v60 =	vadd.s32 v32, v36;
	[tilespmem:v57+s20+$0x0] =	vst.idx.msk $0xffff, v4  }
0xa1: {  	[tilespmem:v58+s19+$0x0] =	vst.idx.msk $0xffff, v4  }
0xa2: {  	v61 =	vadd.s32 v33, v36;
	[tilespmem:v58+s20+$0x0] =	vst.idx.msk $0xffff, v4  }
0xa3: {  	[tilespmem:v59+s19+$0x0] =	vst.idx.msk $0xffff, v4  }
0xa4: {  	v62 =	vadd.s32 v34, v36;
	[tilespmem:v59+s20+$0x0] =	vst.idx.msk $0xffff, v4  }
0xa5: {  	[tilespmem:v60+s19+$0x0] =	vst.idx.msk $0xffff, v4  }
0xa6: {  	v63 =	vadd.s32 v35, v36;
	[tilespmem:v60+s20+$0x0] =	vst.idx.msk $0xffff, v4  }
0xa7: {  	v39 =	vcvt.s32.f32 v39;
	[tilespmem:v61+s19+$0x0] =	vst.idx.msk $0xffff, v4  }
0xa8: {  	v38 =	vcvt.s32.f32 v38;
	[tilespmem:v61+s20+$0x0] =	vst.idx.msk $0xffff, v4  }
0xa9: {  	v39 =	vnsel vm0, $0x0, v39;
	v37 =	vcvt.s32.f32 v37;
	[tilespmem:v62+s19+$0x0] =	vst.idx.msk $0xffff, v4  }
0xaa: {  	v38 =	vsel vm1, v39, v38;
	v36 =	vcvt.s32.f32 v36;
	[tilespmem:v62+s20+$0x0] =	vst.idx.msk $0xffff, v4  }
0xab: {  	v37 =	vsel vm2, v38, v37;
	[tilespmem:v63+s19+$0x0] =	vst.idx.msk $0xffff, v4  }
0xac: {  	v36 =	vsel vm3, v37, v36;
	[tilespmem:v63+s20+$0x0] =	vst.idx.msk $0xffff, v4  }
0xad: {  	s22 =	simm.s32 $0x400;
	[tilespmem:$0x1BB00] =	vst v36  }
0xae: {  	[hbm4b:s5+s21] =	stream.strided.scatter [tilespmem:s18], [sflag:$0x1], $0x2800, s22, s21, $0x38;
	[tilespmem:$0x1BB80] =	vst v63  }
0xaf: {  	_ =	swait.ge [sflag:s16], $0x2800  }
0xb0: {  	[sflag:s16] =	ssyncset.done $0x0  }
0xb1: {  	[sflag:s16] =	ssyncadd.s32 $0xFFFFD800  }
0xb2: {  	[hbm4b:s6+s21] =	stream.strided.scatter [tilespmem:s19], [sflag:$0x1], $0x2880, s23, s21, $0x38;
	[tilespmem:$0x1BB80] =	vst v63  }
0xb3: {  	_ =	swait.ge [sflag:s16], $0x2880  }
0xb4: {  	[sflag:s16] =	ssyncset.done $0x0  }
0xb5: {  	[sflag:s16] =	ssyncadd.s32 $0xFFFFD780  }
0xb6: {  	[hbm4b:s7+s21] =	stream.strided.scatter [tilespmem:s20], [sflag:$0x1], $0x2880, s23, s21, $0x38;
	[tilespmem:$0x1BB80] =	vst v63  }
0xb7: {  	_ =	swait.ge [sflag:s16], $0x2880  }
0xb8: {  	[sflag:s16] =	ssyncset.done $0x0  }
0xb9: {  	[sflag:s16] =	ssyncadd.s32 $0xFFFFD780  }
0xba: {  	[hbm4b:s8+s21] =	stream.strided.scatter [tilespmem:s24], [sflag:$0x1], $0x2880, s23, s21, $0x38;
	[tilespmem:$0x1BB80] =	vst v63  }
0xbb: {  	_ =	swait.ge [sflag:s16], $0x2880  }
0xbc: {  	[sflag:s16] =	ssyncset.done $0x0  }
0xbd: {  	[sflag:s16] =	ssyncadd.s32 $0xFFFFD780  }
0xbe: {  	[hbm4b:s9+s21] =	stream.strided.scatter [tilespmem:s25], [sflag:$0x1], $0x2880, s23, s21, $0x38;
	[tilespmem:$0x1BB80] =	vst v63  }
0xbf: {  	_ =	swait.ge [sflag:s16], $0x2880  }
0xc0: {  	[sflag:s16] =	ssyncset.done $0x0  }
0xc1: {  	[sflag:s16] =	ssyncadd.s32 $0xFFFFD780  }
0xc2: {  	[hbm4b:s10+s21] =	stream.strided.scatter [tilespmem:s26], [sflag:$0x1], $0x2880, s23, s21, $0x38;
	[tilespmem:$0x1BB80] =	vst v63  }
0xc3: {  	_ =	swait.ge [sflag:s16], $0x2880  }
0xc4: {  	[sflag:s16] =	ssyncset.done $0x0  }
0xc5: {  	[sflag:s16] =	ssyncadd.s32 $0xFFFFD780  }
0xc6: {  	[hbm4b:s11+s21] =	stream.strided.scatter [tilespmem:s28], [sflag:$0x1], $0x2880, s23, s21, $0x38;
	[tilespmem:$0x1BB80] =	vst v63  }
0xc7: {  	_ =	swait.ge [sflag:s16], $0x2880  }
0xc8: {  	[sflag:s16] =	ssyncset.done $0x0  }
0xc9: {  	[sflag:s16] =	ssyncadd.s32 $0xFFFFD780  }
0xca: {  	[hbm4b:s12+s21] =	stream.strided.scatter [tilespmem:s29], [sflag:$0x1], $0x2880, s23, s21, $0x38;
	[tilespmem:$0x1BB80] =	vst v63  }
0xcb: {  	_ =	swait.ge [sflag:s16], $0x2880  }
0xcc: {  	[sflag:s16] =	ssyncset.done $0x0  }
0xcd: {  	[sflag:s16] =	ssyncadd.s32 $0xFFFFD780  }
0xce: {  	[hbm4b:s13+s21] =	stream.strided.scatter [tilespmem:s30], [sflag:$0x1], $0x2880, s23, s21, $0x38;
	[tilespmem:$0x1BB80] =	vst v63  }
0xcf: {  	s1 =	sadd.s32 $0x1, s1;
	_ =	swait.ge [sflag:s16], $0x2880  }
0xd0: {  	p0 =	sne.s32 s1, s15;
	[sflag:s16] =	ssyncset.done $0x0  }
.Ltmp2:
0xd1: {  	[sflag:s16] =	ssyncadd.s32 $0xFFFFD780;
	(pc) =	sbr.rel @p0 .LBB2_1-.Ltmp2, $4  }
0xd2: {  	[hbm4b:s14+s2] =	stream.linear.scatter [tilespmem:s31], [sflag:$0x1], $0x80, $0x38;
	[tilespmem:$0x1BB80] =	vst v63  }
0xd3: {  	_ =	swait.ge [sflag:s16], $0x80  }
0xd4: {  	[sflag:s16] =	ssyncset.done $0x0  }
0xd5: {  	[sflag:s16] =	ssyncadd.s32 $0xFFFFFF80  }
0xd6: {  	_ =	sfence.sel $0x180000  }
0xd7: {  	[bflag:$0x0] =	sbarrier.arrive $0xFFFF  }
0xd8: {  	_ =	strace $0x90000047  }
0xd9: {  	s0 =	stileid.u32;
	[bflag:$0x2] =	sbarrier.arrive $0xFFFF  }
0xda: {  	p0 =	sne.s32 s0, $0x0;
	s0 =	rddreg [dreg:$0x2]  }
0xdb: {  	s0 =	sadd.s32 @!p0 $0x100000, s0  }
0xdc: {  	[sflag:s0] =	ssyncadd.tile.s32 @!p0 $0x1;
	_ =	shalt  }
.Lfunc_end2:
_tile_overlayer_lowered:
.L_overlay_start_2:
0xdd: {  	(tag) =	ssettag $0x2  }
0xde: {  	s0 =	rddreg [dreg:$0x0];
	s2 =	stileid.u32  }
0xdf: {  	s1 =	rddreg [dreg:$0x1];
	p0 =	sne.s32 s2, $0x0  }
0xe0: {  	s3 =	rddreg [dreg:$0x2];
	[bflag:$0x3] =	sbarrier.arrive $0xFFFF;
	s2 =	simm.s32 @!p0 $0x1C01  }
0xe1: {  	[timem:s3], [sflag:s2] =	dma.local @!p0 [hbm:s0], s1  }
0xe2: {  	s0 =	simm.s32 @!p0 $0x1  }
0xe3: {  	_ =	swait.ge @!p0 [sflag:s0], s1  }
0xe4: {  	s1 =	ssub.s32 @!p0 $0x0, s1;
	[sflag:s0] =	ssyncset.done @!p0 $0x0  }
0xe5: {  	[sflag:s0] =	ssyncadd.s32 @!p0 s1  }
0xe6: {  	[bflag:$0x3] =	sbarrier.arrive $0xFFFF  }
0xe7: {  	_ =	shalt  }

// kernel: kernel.9.cloned.1.call-start
scs
__scs_entry_jumppad:
0x0: {  	(pc) =	sbr.rel $0x88, $3  }
0x1: {  	(tag) =	ssettag $0x0;
	lr =	simm.s32 $0x1  }
0x2: {  	[smem:$0x3F9D] =	sst lr;
	_ =	strace $0xD0000000  }
0x3: {  	_ = 	snop  }
0x4: {  	_ = 	snop  }
0x5: {  	_ = 	snop  }
0x6: {  	_ = 	snop  }
0x7: {  	_ = 	snop  }
__scs_overlays_trampoline_lowered:
0x8: {  	[smem:$0x3FAC] =	sst s0  }
0x9: {  	[smem:$0x3FAD] =	sst s1  }
0xa: {  	[smem:$0x3FAE] =	sst s2  }
0xb: {  	[smem:$0x3FAF] =	sst s3  }
0xc: {  	[smem:$0x3FB0] =	sst s4  }
0xd: {  	[smem:$0x3FB1] =	sst s5  }
0xe: {  	[smem:$0x3FB2] =	sst s6  }
0xf: {  	[smem:$0x3FB3] =	sst s7  }
0x10: {  	[smem:$0x3FB4] =	sst s8  }
0x11: {  	[smem:$0x3FB5] =	sst s9;
	s0 =	simm.s32 @!p0 $0x0  }
0x12: {  	s1 =	sld [smem:$0x3F9B];
	s0 =	simm.s32 @p0 $0x1  }
0x13: {  	[smem:$0x3FB6] =	sst s0;
	s0 =	simm.s32 @!p1 $0x0  }
0x14: {  	s2 =	sld [smem:$0x3F9A];
	s0 =	simm.s32 @p1 $0x1  }
0x15: {  	[smem:$0x3FB7] =	sst s0;
	s0 =	simm.s32 @!p2 $0x0  }
0x16: {  	s3 =	sld [smem:$0x3FDB];
	s0 =	simm.s32 @p2 $0x1  }
0x17: {  	s4 =	simm.s32 $0x1BF5;
	[smem:$0x3FB9] =	sst s0  }
0x18: {  	s0 =	sld [smem:$0x3F9C];
	_ =	swait.ge [sflag:s4], $0x0  }
0x19: {  	s7 =	sld [smem:$0x3F9D]  }
0x1a: {  	s8 =	sadd.s32 $0xFFFFE003, lr  }
0x1b: {  	s9 =	sadd.s32 $0xFFFFFEF7, lr;
	s5 =	simm.s32 $0xFFFFFFFF;
	p2 =	slt.u32 s8, $0xFFFFF086  }
0x1c: {  	p1 =	slt.u32 s9, $0xF7A;
	s5 =	simm.s32 @!p2 $0x0  }
0x1d: {  	s5 =	simm.s32 @p1 $0x1;
	p0 =	seq.s32 s7, s2  }
0x1e: {  	s7 =	smul.u32 @!p0 $0xF7A, s2;
	p2 =	seq.s32 @!p0 s5, $0x0  }
0x1f: {  	s9 =	smul.u32 $0xF7A, s1;
	s8 =	simm.s32 @!p0 $0x1BF5;
	p2 =	por !p2, p0  }
0x20: {  	[sflag:s8] =	ssyncset.s32 @!p0 $0xFFFFF086;
	s6 =	sadd.s32 @!p0 s3, s7;
	s7 =	simm.s32 @!p0 $0x108  }
0x21: {  	s3 =	sadd.s32 s3, s9;
	s6 =	sadd.s32 @!p0 $0x88, s6;
	s7 =	simm.s32 @p2 $0x1082  }
0x22: {  	[simem:s7], [sflag:s8] =	dma.local @!p0 [hbm:s6], $0xF7A  }
0x23: {  	s9 =	sor.u32 $0xD0000000, s2;
	s6 =	simm.s32 $0x108;
	_ =	swait.ge @!p0 [sflag:s8], $0x0  }
0x24: {  	s3 =	sadd.s32 $0x88, s3;
	s6 =	simm.s32 @!p1 $0x1082;
	[sflag:s4] =	ssyncset.s32 $0xFFFFF086  }
0x25: {  	[simem:s6], [sflag:s4] =	dma.local [hbm:s3], $0xF7A  }
0x26: {  	[smem:$0x3F9D] =	sst s1;
	(tag) =	ssettag s2;
	_ =	strace s9  }
0x27: {  	s1 =	sld [smem:$0x3FAD]  }
0x28: {  	s2 =	sld [smem:$0x3FAE]  }
0x29: {  	s4 =	sld [smem:$0x3FB0]  }
0x2a: {  	p0 =	seq.s32 s5, $0x0;
	s5 =	sld [smem:$0x3FB1]  }
0x2b: {  	s6 =	sld [smem:$0x3FB2]  }
0x2c: {  	s7 =	sld [smem:$0x3FB3]  }
0x2d: {  	s3 =	simm.s32 $0x108;
	s8 =	sld [smem:$0x3FB4]  }
0x2e: {  	s3 =	simm.s32 @!p0 $0x1082;
	s9 =	sld [smem:$0x3FB5]  }
0x2f: {  	lr =	sadd.s32 s0, s3;
	s0 =	sld [smem:$0x3FAC]  }
0x30: {  	s3 =	sld [smem:$0x3FAF]  }
0x31: {  	[smem:$0x3FB8] =	sst s10  }
0x32: {  	s10 =	sld [smem:$0x3FB6];
	_ =	sdelay $0x3  }
0x33: {  	p0 =	seq.s32 s10, $0x1;
	s10 =	sld [smem:$0x3FB8];
	_ =	sdelay $0x3  }
0x34: {  	[smem:$0x3FB8] =	sst s10  }
0x35: {  	s10 =	sld [smem:$0x3FB7];
	_ =	sdelay $0x3  }
0x36: {  	p1 =	seq.s32 s10, $0x1;
	s10 =	sld [smem:$0x3FB8];
	_ =	sdelay $0x3  }
0x37: {  	[smem:$0x3FB8] =	sst s10  }
0x38: {  	s10 =	sld [smem:$0x3FB9]  }
0x39: {  	_ = 	snop;
	(pc) =	sbr.ind lr, $3  }
0x3a: {  	_ = 	snop  }
0x3b: {  	_ = 	snop  }
0x3c: {  	p2 =	seq.s32 s10, $0x1;
	s10 =	sld [smem:$0x3FB8]  }
0x3d: {  	_ =	shalt  }
0x3e: {  	_ =	shalt  }
0x3f: {  	_ =	shalt  }
0x40: {  	_ =	shalt  }
0x41: {  	_ =	shalt  }
0x42: {  	_ =	shalt  }
0x43: {  	_ =	shalt  }
0x44: {  	_ =	shalt  }
0x45: {  	_ =	shalt  }
0x46: {  	_ =	shalt  }
0x47: {  	_ =	shalt  }
0x48: {  	_ =	shalt  }
0x49: {  	_ =	shalt  }
0x4a: {  	_ =	shalt  }
0x4b: {  	_ =	shalt  }
0x4c: {  	_ =	shalt  }
0x4d: {  	_ =	shalt  }
0x4e: {  	_ =	shalt  }
0x4f: {  	_ =	shalt  }
0x50: {  	_ =	shalt  }
0x51: {  	_ =	shalt  }
0x52: {  	_ =	shalt  }
0x53: {  	_ =	shalt  }
0x54: {  	_ =	shalt  }
0x55: {  	_ =	shalt  }
0x56: {  	_ =	shalt  }
0x57: {  	_ =	shalt  }
0x58: {  	_ =	shalt  }
0x59: {  	_ =	shalt  }
0x5a: {  	_ =	shalt  }
0x5b: {  	_ =	shalt  }
0x5c: {  	_ =	shalt  }
0x5d: {  	_ =	shalt  }
0x5e: {  	_ =	shalt  }
0x5f: {  	_ =	shalt  }
0x60: {  	_ =	shalt  }
0x61: {  	_ =	shalt  }
0x62: {  	_ =	shalt  }
0x63: {  	_ =	shalt  }
0x64: {  	_ =	shalt  }
0x65: {  	_ =	shalt  }
0x66: {  	_ =	shalt  }
0x67: {  	_ =	shalt  }
0x68: {  	_ =	shalt  }
0x69: {  	_ =	shalt  }
0x6a: {  	_ =	shalt  }
0x6b: {  	_ =	shalt  }
0x6c: {  	_ =	shalt  }
0x6d: {  	_ =	shalt  }
0x6e: {  	_ =	shalt  }
0x6f: {  	_ =	shalt  }
0x70: {  	_ =	shalt  }
0x71: {  	_ =	shalt  }
0x72: {  	_ =	shalt  }
0x73: {  	_ =	shalt  }
0x74: {  	_ =	shalt  }
0x75: {  	_ =	shalt  }
0x76: {  	_ =	shalt  }
0x77: {  	_ =	shalt  }
0x78: {  	_ =	shalt  }
0x79: {  	_ =	shalt  }
0x7a: {  	_ =	shalt  }
0x7b: {  	_ =	shalt  }
0x7c: {  	_ =	shalt  }
0x7d: {  	_ =	shalt  }
0x7e: {  	_ =	shalt  }
0x7f: {  	_ =	shalt  }
0x80: {  	_ =	shalt  }
0x81: {  	_ =	shalt  }
0x82: {  	_ =	shalt  }
0x83: {  	_ =	shalt  }
0x84: {  	_ =	shalt  }
0x85: {  	_ =	shalt  }
0x86: {  	_ =	shalt  }
0x87: {  	_ =	shalt  }
.Lfunc_end0:
.L_simem_size_0:
called_computation.1_lowered:
.L_overlay_start_0:
0x88: {  	s2 =	sld [smem:$0x3FD9]  }
0x89: {  	s3 =	sld [smem:$0x3FFE];
	_ =	sdelay $0x1  }
0x8a: {  	s1 =	srdreg.scid  }
0x8b: {  	s0 =	sand.u32 $0x1, s1  }
0x8c: {  	s17 =	sshll.u32 s0, $0xA;
	s2 =	sadd.s32 s3, s2  }
0x8d: {  	s2 =	sadd.s32 s2, s17  }
0x8e: {  	[smem:$0x3FC4] =	sst s2  }
0x8f: {  	_ = 	snop  }
0x90: {  	s2 =	sld [smem:$0x3FD0];
	(tm) =	ssettm $0x1  }
0x91: {  	s18 =	sld [smem:$0x3FFB];
	_ =	sdelay $0x3  }
0x92: {  	_ =	strace s18  }
0x93: {  	s3 =	sld [smem:$0x3FFC];
	_ =	sdelay $0x3  }
0x94: {  	_ =	strace s3  }
0x95: {  	s3 =	sld [smem:$0x3FFD];
	_ =	sdelay $0x3  }
0x96: {  	_ =	strace s3  }
0x97: {  	_ =	strace $0x8FFFFFFF  }
0x98: {  	s19 =	sld [smem:$0x3FDB];
	_ =	sdelay $0x1  }
0x99: {  	s4 =	simm.s32 $_scs_section_size  }
0x9a: {  	s5 =	simm.s32 $_size__tile_overlayer_lowered;
	s6 =	simm.s32 $_tile_overlayer_lowered  }
0x9b: {  	s22 =	simm.s32 $0x1BFF;
	s21 =	sshll.u32 s6, $0x1;
	s3 =	sadd.s32 s4, s19  }
0x9c: {  	s7 =	simm.s32 $0x0;
	s20 =	sshll.u32 s5, $0x1;
	s5 =	sadd.s32 s21, s3  }
0x9d: {  	[timem:s7], [sflag:s22] =	dma.local [hbm:s5], s20  }
0x9e: {  	_ =	swait.ge [sflag:s22], s20  }
0x9f: {  	s4 =	ssub.s32 $0x0, s20;
	[sflag:s22] =	ssyncset.done $0x0  }
0xa0: {  	[sflag:s22] =	ssyncadd.s32 s4;
	_ =	sdelay $0x1  }
0xa1: {  	s23 =	simm.s32 $0x1B8B  }
0xa2: {  	_ =	swait.ge [sflag:s23], $0x1  }
0xa3: {  	[sflag:s23] =	ssyncset.done $0x0  }
0xa4: {  	s25 =	simm.s32 $0x1B8E;
	s24 =	sld [smem:$0x3FFE];
	[sflag:s23] =	ssyncadd.s32 $0xFFFFFFFF  }
0xa5: {  	s26 =	simm.s32 $execute0_lowered;
	[smem:$0x3FD2] =	sst s25  }
0xa6: {  	s5 =	sshll.u32 s26, $0x1;
	_ =	strace $0x80000049;
	[dreg:$0x1] =	wrdreg $0xFFFFFFFF  }
0xa7: {  	s28 =	simm.s32 $_size_execute0_lowered;
	s3 =	sadd.s32 s3, s5;
	[dreg:$0x0] =	wrdreg $0x0  }
0xa8: {  	s5 =	sshll.u32 s28, $0x1;
	[dreg:$0x2] =	wrdreg s3  }
0xa9: {  	[dreg:$0x3] =	wrdreg s5  }
0xaa: {  	[dreg:$0x4] =	wrdreg $0xC0  }
0xab: {  	_ =	task [dreg:s7], $0x5FFFF  }
0xac: {  	[dreg:$0x1] =	wrdreg $0xFFFFFFFF  }
0xad: {  	[dreg:$0x0] =	wrdreg $0x60  }
0xae: {  	[dreg:$0x2] =	wrdreg s24  }
0xaf: {  	[dreg:$0x3] =	wrdreg s2  }
0xb0: {  	[dreg:$0x4] =	wrdreg $0x168800  }
0xb1: {  	[dreg:$0x5] =	wrdreg $0x9  }
0xb2: {  	_ =	task.clear_ibuf [dreg:s7], $0x6FFFF;
	_ =	strace $0x90000049  }
0xb3: {  	s29 =	simm.s32 $0x9;
	_ =	strace $0x8000004B  }
0xb4: {  	_ =	swait.ge [sflag:s29], $0x1  }
0xb5: {  	[sflag:s29] =	ssyncadd.s32 $0xFFFFFFFF  }
0xb6: {  	_ =	strace $0x9000004B  }
0xb7: {  	_ =	sfence  }
0xb8: {  	s30 =	sld [smem:$0x0];
	_ =	sdelay $0x2  }
0xb9: {  	s31 =	sshll.u32 s1, $0xD;
	s1 =	sshrl.u32 s1, $0x2  }
0xba: {  	s3 =	sand.u32 $0x4000, s31;
	s1 =	sadd.s32 s1, s30  }
0xbb: {  	s0 =	sor.u32 s3, s0;
	s1 =	sshll.u32 s1, $0x11  }
0xbc: {  	s0 =	sor.u32 s1, s0  }
0xbd: {  	s0 =	sadd.s32 $0x8F2B, s0  }
0xbe: {  	[sflag:s0] =	ssyncadd.remote.s32 $0x1  }
0xbf: {  	_ =	sfence.sel $0xFFFF  }
0xc0: {  	[dreg:$0x0] =	wrdreg $0xFFFFFFFF;
	(pc) =	sbr.abs _section_cstart, $3  }
0xc1: {  	[dreg:$0x1] =	wrdreg $0xFFFFFFFF  }
0xc2: {  	_ =	task.clear_ibuf [dreg:s7], $0x2FFFF;
	_ =	strace $0x9FFFFFFF  }
0xc3: {  	(tm) =	ssettm $0x7FFFFFFF  }
tec
execute0_lowered:
.L_overlay_start_1:
0x0: {  	(tag) =	ssettag $0x1  }
0x1: {  	s0 =	rddreg [dreg:$0x0]  }
0x2: {  	s1 =	rddreg [dreg:$0x1]  }
0x3: {  	s2 =	rddreg [dreg:$0x2];
	s4 =	simm.s32 $0x0  }
0x4: {  	s20 =	stileid.u32;
	s5 =	srdreg.scid;
	s28 =	simm.s32 $0x0  }
0x5: {  	[smem:$0x7FF] =	sst s4;
	s3 =	sadd.s32 $0x5D200, s0;
	s18 =	sadd.s32 $0x2000, s0  }
0x6: {  	s6 =	smul.u32 $0x14000, s20;
	s12 =	sadd.s32 $0x5D000, s0;
	s0 =	sadd.s32 $0x2E000, s0  }
0x7: {  	s13 =	sand.u32 $0x1, s5;
	s14 =	smul.u32 $0x16000, s20;
	s16 =	sshllo.u32 s20, $0x1  }
0x8: {  	s11 =	sshll.u32 s20, $0x5;
	s20 =	smul.u32 $0x5000, s20;
	_ =	strace $0x8000004A  }
0x9: {  	s7 =	ssub.s32 $0x2, s13;
	s15 =	smul.u32 $0x5800, s13;
	s23 =	sshll.u32 s13, $0x1  }
0xa: {  	s17 =	smul.u32 $0xB000, s16;
	s19 =	sand.u32 $0x180, s11;
	s11 =	sadd.s32 s12, s11  }
0xb: {  	s16 =	sshll.u32 s16, $0x4;
	s24 =	sshllo.u32 s13, $0x1;
	s29 =	sshrl.u32 s6, $0x2  }
0xc: {  	s30 =	sshrl.u32 s7, $0x1;
	s16 =	sand.u32 $0x70, s16;
	s12 =	sadd.s32 s12, s19  }
0xd: {  	v1 =	vmov s23;
	s23 =	simm.s32 $0x15800;
	s5 =	sadd.s32 s29, s2;
	s22 =	ssub.s32 s7, s30  }
0xe: {  	s9 =	sadd.s32 s15, s14;
	s15 =	sadd.s32 s15, s17;
	s12 =	sadd.s32 s16, s12  }
0xf: {  	s6 =	sadd.s32 $0x1000, s5;
	s7 =	sadd.s32 $0x2000, s5;
	s10 =	sshrl.u32 s9, $0x3  }
0x10: {  	s8 =	sadd.s32 $0x3000, s5;
	s15 =	sshrl.u32 s15, $0x3;
	s9 =	sadd.s32 s3, s10  }
0x11: {  	s31 =	sadd.s32 s18, s10;
	s10 =	smul.u32 $0xA0000, s13;
	[dreg:$0x8] =	wrdreg s9  }
0x12: {  	s13 =	smul.u32 $0x50000, s24;
	s25 =	sadd.s32 s18, s15;
	[dreg:$0x9] =	wrdreg s31  }
0x13: {  	s22 =	smax.u32 s22, $0x1;
	s9 =	smul.u32 $0x2C00, s24;
	[dreg:$0xb] =	wrdreg s25  }
0x14: {  	v2 =	vmov s24;
	s24 =	simm.s32 $0x5;
	s26 =	sadd.s32 s20, s10;
	s19 =	sadd.s32 s20, s13  }
0x15: {  	s21 =	sadd.s32 s14, s9;
	s17 =	sadd.s32 s9, s17;
	s14 =	sadd.s32 s3, s15  }
.Ltmp0:
0x16: {  	s25 =	sshrl.u32 s26, $0x3;
	s31 =	sshrl.u32 s19, $0x3;
	(pc) =	sbr.rel .LBB2_1-.Ltmp0, $4  }
0x17: {  	s19 =	sadd.s32 $0x4000, s5;
	s26 =	simm.s32 $0x16800;
	[dreg:$0xa] =	wrdreg s14  }
0x18: {  	s29 =	sshrl.u32 s21, $0x3;
	s30 =	sshrl.u32 s17, $0x3;
	s20 =	sadd.s32 s0, s25  }
0x19: {  	v3 =	vlaneseq.u32;
	s21 =	sadd.s32 s0, s31;
	s25 =	simm.s32 $0x2C00;
	s15 =	sadd.s32 s3, s29  }
0x1a: {  	v0 =	vimm.f32 $0.0e+00;
	vm0 =	veq.s32 v1, v3;
	vm1 =	veq.s32 v2, v3;
	s16 =	sadd.s32 s18, s29;
	s17 =	sadd.s32 s3, s30;
	s18 =	sadd.s32 s18, s30  }
.LBB2_15:
0x1b: {  	s28 =	sadd.s32 $0x1, s28  }
0x1c: {  	p0 =	sne.s32 s28, s22  }
.Ltmp1:
0x1d: {  	[bflag:$0x0] =	sbarrier.arrive $0xFFFF;
	(pc) =	sbr.rel @!p0 .LBB2_16-.Ltmp1, $4  }
0x1e: {  	[hbm:s21], [sflag:s29] =	dma.local [spmem:s30], $0xA00  }
0x1f: {  	_ =	swait.ge [sflag:s24], $0xA00  }
0x20: {  	[sflag:s24] =	ssyncset.done $0x0  }
0x21: {  	[sflag:s24] =	ssyncadd.s32 $0xFFFFF600  }
.LBB2_1:
0x22: {  	s0 =	sand.u32 $0x3E00, s4  }
0x23: {  	s3 =	sand.u32 $0x70, s4;
	s29 =	sshrl.u32 s0, $0x2  }
0x24: {  	s0 =	simm.s32 $0x40;
	s29 =	sor.u32 s3, s29;
	s3 =	simm.s32 $0x0  }
.LBB2_2:
0x25: {  	p0 =	sne.s32 s0, $0x3FC0  }
0x26: {  	[tilespmem:s29+$0x15800] =	vst v0;
	s3 =	sadd.s32 $0x10, s3;
	s29 =	smov.u32 s0;
	s0 =	sadd.s32 $0x40, s0  }
.Ltmp2:
0x27: {  	(pc) =	sbr.rel @p0 .LBB2_2-.Ltmp2, $4  }
0x28: {  	_ = 	snop  }
0x29: {  	s29 =	sand.u32 $0x3E00, s29  }
0x2a: {  	s30 =	sand.u32 $0x70, s3;
	s29 =	sshrl.u32 s29, $0x2  }
0x2b: {  	s29 =	sor.u32 s30, s29  }
0x2c: {  	[tilespmem:s29+$0x15800] =	vst v0  }
0x2d: {  	[spmem:s5] =	stream.linear.scatter [tilespmem:s23], [sflag:$0x5], $0x1000, $0x38;
	[tilespmem:$0x1B880] =	vst v63  }
0x2e: {  	_ =	swait.ge [sflag:s24], $0x1000  }
0x2f: {  	[sflag:s24] =	ssyncset.done $0x0  }
0x30: {  	[sflag:s24] =	ssyncadd.s32 $0xFFFFF000  }
0x31: {  	[spmem:s6] =	stream.linear.scatter [tilespmem:s23], [sflag:$0x5], $0x1000, $0x38;
	[tilespmem:$0x1B880] =	vst v63  }
0x32: {  	_ =	swait.ge [sflag:s24], $0x1000  }
0x33: {  	[sflag:s24] =	ssyncset.done $0x0  }
0x34: {  	[sflag:s24] =	ssyncadd.s32 $0xFFFFF000  }
0x35: {  	[spmem:s7] =	stream.linear.scatter [tilespmem:s23], [sflag:$0x5], $0x1000, $0x38;
	[tilespmem:$0x1B880] =	vst v63  }
0x36: {  	_ =	swait.ge [sflag:s24], $0x1000  }
0x37: {  	[sflag:s24] =	ssyncset.done $0x0  }
0x38: {  	[sflag:s24] =	ssyncadd.s32 $0xFFFFF000  }
0x39: {  	[spmem:s8] =	stream.linear.scatter [tilespmem:s23], [sflag:$0x5], $0x1000, $0x38;
	[tilespmem:$0x1B880] =	vst v63  }
0x3a: {  	_ =	swait.ge [sflag:s24], $0x1000  }
0x3b: {  	[sflag:s24] =	ssyncset.done $0x0  }
0x3c: {  	[sflag:s24] =	ssyncadd.s32 $0xFFFFF000  }
0x3d: {  	[spmem:s19] =	stream.linear.scatter [tilespmem:s23], [sflag:$0x5], $0x1000, $0x38;
	[tilespmem:$0x1B880] =	vst v63  }
0x3e: {  	_ =	swait.ge [sflag:s24], $0x1000  }
0x3f: {  	[sflag:s24] =	ssyncset.done $0x0  }
0x40: {  	[sflag:s24] =	ssyncadd.s32 $0xFFFFF000  }
0x41: {  	[bflag:$0x0] =	sbarrier.arrive $0xFFFF  }
0x42: {  	s0 =	rddreg [dreg:$0x8]  }
0x43: {  	[tilespmem:s4], [sflag:$0x5] =	stream.linear.gather [hbm4b:s0+s4], $0x2880, $0x38;
	[tilespmem:$0x1B880] =	vst v63  }
0x44: {  	_ =	swait.ge [sflag:s24], $0x2880  }
0x45: {  	[sflag:s24] =	ssyncset.done $0x0  }
0x46: {  	s13 =	rddreg [dreg:$0x9];
	[sflag:s24] =	ssyncadd.s32 $0xFFFFD780  }
0x47: {  	[tilespmem:s25], [sflag:$0x5] =	stream.linear.gather [hbm4b:s13+s4], $0x2880, $0x38;
	[tilespmem:$0x1B880] =	vst v63  }
0x48: {  	_ =	swait.ge [sflag:s24], $0x2880  }
0x49: {  	[sflag:s24] =	ssyncset.done $0x0  }
0x4a: {  	[sflag:s24] =	ssyncadd.s32 $0xFFFFD780  }
0x4b: {  	[tilespmem:s26], [sflag:$0x5] =	stream.linear.gather [hbm4b:s11+s4], $0x80, $0x38;
	[tilespmem:$0x1B880] =	vst v63  }
0x4c: {  	_ =	swait.ge [sflag:s24], $0x80  }
0x4d: {  	[sflag:s24] =	ssyncset.done $0x0  }
0x4e: {  	[sflag:s24] =	ssyncadd.s32 $0xFFFFFF80  }
0x4f: {  	v1 =	vld [tilespmem:$0x16800];
	_ =	sdelay $0x4  }
0x50: {  	v1 =	vnsel vm0, $0x0, v1  }
0x51: {  	(xrf2) =	vadd.scan.msk.f32 $0xffff, v1;
	_ =	sdelay $0x9  }
0x52: {  	v1, _, _ =	vpop (xrf2)  }
0x53: {  	(v2sf) =	vpush v1, $0xF;
	_ =	sdelay $0xe  }
0x54: {  	s14 =	spop (v2sf)  }
0x55: {  	s0 =	scvt.f32.s32 s14;
	_ =	sdelay $0x1  }
0x56: {  	s0 =	sadd.s32 $0x7F, s0  }
0x57: {  	s3 =	sand.u32 $0x7F, s0  }
0x58: {  	s29 =	sshra.s32 s0, $0x1F;
	p0 =	slt.s32 s0, $0x1;
	p1 =	sne.s32 s3, $0x0  }
0x59: {  	s30 =	sshrl.u32 s29, $0x19;
	p0 =	por !p0, !p1  }
0x5a: {  	s3 =	simm.s32 $0x1;
	s0 =	sadd.s32 s30, s0;
	p0 =	por !p0, !p0  }
0x5b: {  	s0 =	sshra.s32 s0, $0x7;
	s3 =	simm.s32 @!p0 $0x0  }
0x5c: {  	s0 =	ssub.s32 s0, s3  }
0x5d: {  	p0 =	slt.s32 s0, $0x1  }
0x5e: {  	(ifvalue) =	ssetifvalue @!p0 $0xFFFFFFFF;
	s3 =	simm.s32 @!p0 $0x80;
	s29 =	simm.s32 @!p0 $0x0  }
0x5f: {  	s30 =	simm.s32 @!p0 $0x5800;
	p1 =	seq.s32 @!p0 s0, $0x1;
	(ifvalue) =	ssetifvalue @!p0 $0xFFFFFFFF  }
0x60: {  	[tilespmem:s30], [sflag:$0x1] =	stream.indirect.gather @!p0 [hbm4b:s1+s3], $0x80, s29, s3, $0x40b8;
	[tilespmem:$0x1B880] =	vst v63  }
0x61: {  	p2 =	por p1, p0  }
0x62: {  	(ifvalue) =	ssetifvalue @!p2 $0xFFFFFFFF;
	s3 =	simm.s32 @!p2 $0x80  }
0x63: {  	s29 =	simm.s32 @!p2 $0x9800;
	p3 =	slt.u32 @!p2 s0, $0x3;
	(ifvalue) =	ssetifvalue @!p2 $0xFFFFFFFF  }
0x64: {  	[tilespmem:s29], [sflag:$0x2] =	stream.indirect.gather @!p2 [hbm4b:s1+s3], $0x80, s3, s3, $0x40b8;
	[tilespmem:$0x1B880] =	vst v63  }
0x65: {  	p4 =	por @!p0 p3, p1  }
0x66: {  	p4 =	por p4, p0  }
0x67: {  	(ifvalue) =	ssetifvalue @!p4 $0xFFFFFFFF;
	s3 =	simm.s32 @!p4 $0x80  }
0x68: {  	s29 =	simm.s32 @!p4 $0x100;
	s30 =	simm.s32 @!p4 $0xD800;
	(ifvalue) =	ssetifvalue @!p4 $0xFFFFFFFF  }
0x69: {  	[tilespmem:s30], [sflag:$0x3] =	stream.indirect.gather @!p4 [hbm4b:s1+s3], $0x80, s29, s3, $0x40b8;
	[tilespmem:$0x1B880] =	vst v63  }
0x6a: {  	p4 =	seq.s32 @!p4 s0, $0x3  }
0x6b: {  	p2 =	por @!p2 p4, p3  }
0x6c: {  	p1 =	por @!p0 p2, p1;
	p2 =	sgt.s32 s0, $0x0  }
0x6d: {  	p0 =	por p1, p0;
	s0 =	simm.s32 @!p2 $0x0  }
0x6e: {  	(ifvalue) =	ssetifvalue @!p0 $0xFFFFFFFF;
	s29 =	smin.u32 s0, $0x51;
	s0 =	simm.s32 @!p0 $0x80  }
0x6f: {  	s3 =	simm.s32 @!p0 $0x180;
	s30 =	simm.s32 @!p0 $0x11800;
	(ifvalue) =	ssetifvalue @!p0 $0xFFFFFFFF  }
0x70: {  	[tilespmem:s30], [sflag:$0x4] =	stream.indirect.gather @!p0 [hbm4b:s1+s0], $0x80, s3, s0, $0x40b8;
	[tilespmem:$0x1B880] =	vst v63  }
0x71: {  	s31 =	sadd.s32 $0x3, s29  }
0x72: {  	s0 =	sshrl.u32 s31, $0x2  }
0x73: {  	p0 =	seq.s32 s0, $0x0  }
.Ltmp3:
0x74: {  	_ = 	snop;
	(pc) =	sbr.rel @p0 .LBB2_6-.Ltmp3, $1  }
0x75: {  	_ =	sdelay $0x3  }
0x76: {  	s0 =	sshll.u32 s0, $0x2  }
0x77: {  	s30 =	simm.s32 $0x0;
	[dreg:$0x4] =	wrdreg s0;
	s0 =	simm.s32 $0x0  }
.LBB2_5:
0x78: {  	p0 =	sge.u32 s0, s29  }
0x79: {  	s3 =	simm.s32 @!p0 $0x1  }
0x7a: {  	_ =	swait.ge @!p0 [sflag:s3], $0x4000  }
0x7b: {  	[sflag:s3] =	ssyncset.done @!p0 $0x0  }
0x7c: {  	s31 =	sshra.s32 @!p0 s30, $0x2;
	s9 =	simm.s32 @!p0 $0x5800;
	[sflag:s3] =	ssyncadd.s32 @!p0 $0xFFFFC000  }
0x7d: {  	s3 =	sadd.s32 @!p0 $0x2C00, s31;
	(ifvalue) =	ssetifvalue @!p0 $0xFFFFFFFF;
	s31 =	simm.s32 @!p0 $0x80  }
0x7e: {  	[spmem:s2] =	stream.indirect.scatter.add.f32 @!p0 [tilespmem:s9], [sflag:$0x5], $0x80, s3, s31, $0x40b8;
	[tilespmem:$0x1B880] =	vst v63  }
0x7f: {  	s3 =	simm.s32 @!p0 $0x5;
	s9 =	sadd.s32 @!p0 $0x4, s0  }
0x80: {  	_ =	swait.ge @!p0 [sflag:s3], $0x4000;
	p1 =	sge.u32 @!p0 s9, s29  }
0x81: {  	[sflag:s3] =	ssyncset.done @!p0 $0x0;
	p1 =	por p1, p0  }
0x82: {  	s13 =	sadd.s32 $0x1, s0;
	[sflag:s3] =	ssyncadd.s32 @!p0 $0xFFFFC000;
	s3 =	sshra.s32 @!p1 s30, $0x2  }
0x83: {  	(ifvalue) =	ssetifvalue @!p1 $0xFFFFFFFF;
	s9 =	simm.s32 @!p1 $0x80;
	s31 =	simm.s32 @!p1 $0x5800  }
0x84: {  	p0 =	sge.u32 s13, s29;
	s3 =	sadd.s32 @!p1 $0x200, s3;
	(ifvalue) =	ssetifvalue @!p1 $0xFFFFFFFF  }
0x85: {  	[tilespmem:s31], [sflag:$0x1] =	stream.indirect.gather @!p1 [hbm4b:s1+s9], $0x80, s3, s9, $0x40b8;
	[tilespmem:$0x1B880] =	vst v63  }
0x86: {  	s3 =	simm.s32 @!p0 $0x2  }
0x87: {  	_ =	swait.ge @!p0 [sflag:s3], $0x4000  }
0x88: {  	[sflag:s3] =	ssyncset.done @!p0 $0x0  }
0x89: {  	s9 =	sshra.s32 @!p0 s30, $0x2;
	s31 =	simm.s32 @!p0 $0x9800;
	[sflag:s3] =	ssyncadd.s32 @!p0 $0xFFFFC000  }
0x8a: {  	s3 =	sadd.s32 @!p0 $0x2C80, s9;
	(ifvalue) =	ssetifvalue @!p0 $0xFFFFFFFF;
	s9 =	simm.s32 @!p0 $0x80  }
0x8b: {  	[spmem:s2] =	stream.indirect.scatter.add.f32 @!p0 [tilespmem:s31], [sflag:$0x5], $0x80, s3, s9, $0x40b8;
	[tilespmem:$0x1B880] =	vst v63  }
0x8c: {  	s3 =	simm.s32 @!p0 $0x5;
	s9 =	sadd.s32 @!p0 $0x5, s0  }
0x8d: {  	_ =	swait.ge @!p0 [sflag:s3], $0x4000;
	p1 =	sge.u32 @!p0 s9, s29  }
0x8e: {  	[sflag:s3] =	ssyncset.done @!p0 $0x0;
	p1 =	por p1, p0  }
0x8f: {  	s14 =	sadd.s32 $0x2, s0;
	[sflag:s3] =	ssyncadd.s32 @!p0 $0xFFFFC000;
	s3 =	sshra.s32 @!p1 s30, $0x2  }
0x90: {  	(ifvalue) =	ssetifvalue @!p1 $0xFFFFFFFF;
	s9 =	simm.s32 @!p1 $0x80;
	s31 =	simm.s32 @!p1 $0x9800  }
0x91: {  	p0 =	sge.u32 s14, s29;
	s3 =	sadd.s32 @!p1 $0x280, s3;
	(ifvalue) =	ssetifvalue @!p1 $0xFFFFFFFF  }
0x92: {  	[tilespmem:s31], [sflag:$0x2] =	stream.indirect.gather @!p1 [hbm4b:s1+s9], $0x80, s3, s9, $0x40b8;
	[tilespmem:$0x1B880] =	vst v63  }
0x93: {  	s3 =	simm.s32 @!p0 $0x3  }
0x94: {  	_ =	swait.ge @!p0 [sflag:s3], $0x4000  }
0x95: {  	[sflag:s3] =	ssyncset.done @!p0 $0x0  }
0x96: {  	s9 =	sshra.s32 @!p0 s30, $0x2;
	s31 =	simm.s32 @!p0 $0xD800;
	[sflag:s3] =	ssyncadd.s32 @!p0 $0xFFFFC000  }
0x97: {  	s3 =	sadd.s32 @!p0 $0x2D00, s9;
	(ifvalue) =	ssetifvalue @!p0 $0xFFFFFFFF;
	s9 =	simm.s32 @!p0 $0x80  }
0x98: {  	[spmem:s2] =	stream.indirect.scatter.add.f32 @!p0 [tilespmem:s31], [sflag:$0x5], $0x80, s3, s9, $0x40b8;
	[tilespmem:$0x1B880] =	vst v63  }
0x99: {  	s3 =	simm.s32 @!p0 $0x5  }
0x9a: {  	s9 =	sadd.s32 @!p0 $0x6, s0;
	_ =	swait.ge @!p0 [sflag:s3], $0x4000  }
0x9b: {  	p1 =	sge.u32 @!p0 s9, s29;
	[sflag:s3] =	ssyncset.done @!p0 $0x0  }
0x9c: {  	p1 =	por p1, p0;
	[sflag:s3] =	ssyncadd.s32 @!p0 $0xFFFFC000  }
0x9d: {  	s3 =	sshra.s32 @!p1 s30, $0x2;
	(ifvalue) =	ssetifvalue @!p1 $0xFFFFFFFF;
	s9 =	simm.s32 @!p1 $0x80  }
0x9e: {  	s31 =	simm.s32 @!p1 $0xD800;
	s3 =	sadd.s32 @!p1 $0x300, s3;
	(ifvalue) =	ssetifvalue @!p1 $0xFFFFFFFF  }
0x9f: {  	[tilespmem:s31], [sflag:$0x3] =	stream.indirect.gather @!p1 [hbm4b:s1+s9], $0x80, s3, s9, $0x40b8;
	[tilespmem:$0x1B880] =	vst v63  }
0xa0: {  	s31 =	sadd.s32 $0x3, s0  }
0xa1: {  	p0 =	sge.u32 s31, s29  }
0xa2: {  	s3 =	simm.s32 @!p0 $0x4  }
0xa3: {  	_ =	swait.ge @!p0 [sflag:s3], $0x4000  }
0xa4: {  	[sflag:s3] =	ssyncset.done @!p0 $0x0  }
0xa5: {  	s9 =	sshra.s32 @!p0 s30, $0x2;
	s31 =	simm.s32 @!p0 $0x11800;
	[sflag:s3] =	ssyncadd.s32 @!p0 $0xFFFFC000  }
0xa6: {  	s3 =	sadd.s32 @!p0 $0x2D80, s9;
	(ifvalue) =	ssetifvalue @!p0 $0xFFFFFFFF;
	s9 =	simm.s32 @!p0 $0x80  }
0xa7: {  	[spmem:s2] =	stream.indirect.scatter.add.f32 @!p0 [tilespmem:s31], [sflag:$0x5], $0x80, s3, s9, $0x40b8;
	[tilespmem:$0x1B880] =	vst v63  }
0xa8: {  	s3 =	simm.s32 @!p0 $0x5  }
0xa9: {  	s9 =	sadd.s32 @!p0 $0x7, s0;
	_ =	swait.ge @!p0 [sflag:s3], $0x4000  }
0xaa: {  	p1 =	sge.u32 @!p0 s9, s29;
	[sflag:s3] =	ssyncset.done @!p0 $0x0  }
0xab: {  	[sflag:s3] =	ssyncadd.s32 @!p0 $0xFFFFC000;
	p0 =	por p1, p0  }
0xac: {  	s0 =	sadd.s32 $0x4, s0;
	s3 =	sshra.s32 @!p0 s30, $0x2  }
0xad: {  	(ifvalue) =	ssetifvalue @!p0 $0xFFFFFFFF;
	s9 =	simm.s32 @!p0 $0x80;
	s31 =	simm.s32 @!p0 $0x11800  }
0xae: {  	s3 =	sadd.s32 @!p0 $0x380, s3;
	(ifvalue) =	ssetifvalue @!p0 $0xFFFFFFFF;
	s10 =	rddreg [dreg:$0x4]  }
0xaf: {  	[tilespmem:s31], [sflag:$0x4] =	stream.indirect.gather @!p0 [hbm4b:s1+s9], $0x80, s3, s9, $0x40b8;
	[tilespmem:$0x1B880] =	vst v63  }
0xb0: {  	p0 =	sne.s32 s10, s0  }
.Ltmp4:
0xb1: {  	_ = 	snop;
	(pc) =	sbr.rel @p0 .LBB2_5-.Ltmp4, $2  }
0xb2: {  	_ =	sdelay $0x2  }
0xb3: {  	s30 =	sadd.s32 $0x800, s30  }
.LBB2_6:
0xb4: {  	s0 =	rddreg [dreg:$0xa]  }
0xb5: {  	[tilespmem:s4], [sflag:$0x5] =	stream.linear.gather [hbm4b:s0+s4], $0x2880, $0x38;
	[tilespmem:$0x1B880] =	vst v63  }
0xb6: {  	_ =	swait.ge [sflag:s24], $0x2880  }
0xb7: {  	[sflag:s24] =	ssyncset.done $0x0  }
0xb8: {  	s13 =	rddreg [dreg:$0xb];
	[sflag:s24] =	ssyncadd.s32 $0xFFFFD780  }
0xb9: {  	[tilespmem:s25], [sflag:$0x5] =	stream.linear.gather [hbm4b:s13+s4], $0x2880, $0x38;
	[tilespmem:$0x1B880] =	vst v63  }
0xba: {  	_ =	swait.ge [sflag:s24], $0x2880  }
0xbb: {  	[sflag:s24] =	ssyncset.done $0x0  }
0xbc: {  	[sflag:s24] =	ssyncadd.s32 $0xFFFFD780  }
0xbd: {  	[tilespmem:s26], [sflag:$0x5] =	stream.linear.gather [hbm4b:s12+s4], $0x80, $0x38;
	[tilespmem:$0x1B880] =	vst v63  }
0xbe: {  	_ =	swait.ge [sflag:s24], $0x80  }
0xbf: {  	[sflag:s24] =	ssyncset.done $0x0  }
0xc0: {  	[sflag:s24] =	ssyncadd.s32 $0xFFFFFF80  }
0xc1: {  	v1 =	vld [tilespmem:$0x16800];
	_ =	sdelay $0x4  }
0xc2: {  	v1 =	vnsel vm0, $0x0, v1  }
0xc3: {  	(xrf2) =	vadd.scan.msk.f32 $0xffff, v1;
	_ =	sdelay $0x9  }
0xc4: {  	v1, _, _ =	vpop (xrf2)  }
0xc5: {  	(v2sf) =	vpush v1, $0xF;
	_ =	sdelay $0xe  }
0xc6: {  	s14 =	spop (v2sf)  }
0xc7: {  	s0 =	scvt.f32.s32 s14;
	_ =	sdelay $0x1  }
0xc8: {  	s0 =	sadd.s32 $0x7F, s0  }
0xc9: {  	s3 =	sand.u32 $0x7F, s0  }
0xca: {  	s9 =	sshra.s32 s0, $0x1F;
	p0 =	slt.s32 s0, $0x1;
	p1 =	sne.s32 s3, $0x0  }
0xcb: {  	s30 =	sshrl.u32 s9, $0x19;
	p0 =	por !p0, !p1  }
0xcc: {  	s3 =	simm.s32 $0x1;
	s0 =	sadd.s32 s30, s0;
	p0 =	por !p0, !p0  }
0xcd: {  	s0 =	sshra.s32 s0, $0x7;
	s3 =	simm.s32 @!p0 $0x0  }
0xce: {  	s0 =	ssub.s32 s0, s3  }
0xcf: {  	p0 =	slt.s32 s0, $0x1  }
0xd0: {  	(ifvalue) =	ssetifvalue @!p0 $0xFFFFFFFF;
	s3 =	simm.s32 @!p0 $0x80;
	s9 =	simm.s32 @!p0 $0x0  }
0xd1: {  	s10 =	simm.s32 @!p0 $0x5800;
	p1 =	seq.s32 @!p0 s0, $0x1;
	(ifvalue) =	ssetifvalue @!p0 $0xFFFFFFFF  }
0xd2: {  	[tilespmem:s10], [sflag:$0x1] =	stream.indirect.gather @!p0 [hbm4b:s1+s3], $0x80, s9, s3, $0x40b8;
	[tilespmem:$0x1B880] =	vst v63  }
0xd3: {  	p2 =	por p1, p0  }
0xd4: {  	(ifvalue) =	ssetifvalue @!p2 $0xFFFFFFFF;
	s3 =	simm.s32 @!p2 $0x80  }
0xd5: {  	s9 =	simm.s32 @!p2 $0x9800;
	p3 =	slt.u32 @!p2 s0, $0x3;
	(ifvalue) =	ssetifvalue @!p2 $0xFFFFFFFF  }
0xd6: {  	[tilespmem:s9], [sflag:$0x2] =	stream.indirect.gather @!p2 [hbm4b:s1+s3], $0x80, s3, s3, $0x40b8;
	[tilespmem:$0x1B880] =	vst v63  }
0xd7: {  	p4 =	por @!p0 p3, p1  }
0xd8: {  	p4 =	por p4, p0  }
0xd9: {  	(ifvalue) =	ssetifvalue @!p4 $0xFFFFFFFF;
	s3 =	simm.s32 @!p4 $0x80  }
0xda: {  	s9 =	simm.s32 @!p4 $0x100;
	s10 =	simm.s32 @!p4 $0xD800;
	(ifvalue) =	ssetifvalue @!p4 $0xFFFFFFFF  }
0xdb: {  	[tilespmem:s10], [sflag:$0x3] =	stream.indirect.gather @!p4 [hbm4b:s1+s3], $0x80, s9, s3, $0x40b8;
	[tilespmem:$0x1B880] =	vst v63  }
0xdc: {  	p4 =	seq.s32 @!p4 s0, $0x3  }
0xdd: {  	p2 =	por @!p2 p4, p3  }
0xde: {  	p1 =	por @!p0 p2, p1;
	p2 =	sgt.s32 s0, $0x0  }
0xdf: {  	p0 =	por p1, p0;
	s0 =	simm.s32 @!p2 $0x0  }
0xe0: {  	(ifvalue) =	ssetifvalue @!p0 $0xFFFFFFFF;
	s29 =	smin.u32 s0, $0x51;
	s0 =	simm.s32 @!p0 $0x80  }
0xe1: {  	s3 =	simm.s32 @!p0 $0x180;
	s9 =	simm.s32 @!p0 $0x11800;
	(ifvalue) =	ssetifvalue @!p0 $0xFFFFFFFF  }
0xe2: {  	[tilespmem:s9], [sflag:$0x4] =	stream.indirect.gather @!p0 [hbm4b:s1+s0], $0x80, s3, s0, $0x40b8;
	[tilespmem:$0x1B880] =	vst v63  }
0xe3: {  	s31 =	sadd.s32 $0x3, s29  }
0xe4: {  	s0 =	sshrl.u32 s31, $0x2  }
0xe5: {  	p0 =	seq.s32 s0, $0x0  }
.Ltmp5:
0xe6: {  	_ = 	snop;
	(pc) =	sbr.rel @p0 .LBB2_9-.Ltmp5, $1  }
0xe7: {  	_ =	sdelay $0x3  }
0xe8: {  	s0 =	sshll.u32 s0, $0x2  }
0xe9: {  	s30 =	simm.s32 $0x0;
	[dreg:$0x5] =	wrdreg s0;
	s0 =	simm.s32 $0x0  }
.LBB2_8:
0xea: {  	p0 =	sge.u32 s0, s29  }
0xeb: {  	s3 =	simm.s32 @!p0 $0x1  }
0xec: {  	_ =	swait.ge @!p0 [sflag:s3], $0x4000  }
0xed: {  	[sflag:s3] =	ssyncset.done @!p0 $0x0  }
0xee: {  	s9 =	sshra.s32 @!p0 s30, $0x2;
	s10 =	simm.s32 @!p0 $0x5800;
	[sflag:s3] =	ssyncadd.s32 @!p0 $0xFFFFC000  }
0xef: {  	s3 =	sadd.s32 @!p0 $0x2C00, s9;
	(ifvalue) =	ssetifvalue @!p0 $0xFFFFFFFF;
	s9 =	simm.s32 @!p0 $0x80  }
0xf0: {  	[spmem:s2] =	stream.indirect.scatter.add.f32 @!p0 [tilespmem:s10], [sflag:$0x5], $0x80, s3, s9, $0x40b8;
	[tilespmem:$0x1B880] =	vst v63  }
0xf1: {  	s3 =	simm.s32 @!p0 $0x5;
	s9 =	sadd.s32 @!p0 $0x4, s0  }
0xf2: {  	_ =	swait.ge @!p0 [sflag:s3], $0x4000;
	p1 =	sge.u32 @!p0 s9, s29  }
0xf3: {  	[sflag:s3] =	ssyncset.done @!p0 $0x0;
	p1 =	por p1, p0  }
0xf4: {  	s13 =	sadd.s32 $0x1, s0;
	[sflag:s3] =	ssyncadd.s32 @!p0 $0xFFFFC000;
	s3 =	sshra.s32 @!p1 s30, $0x2  }
0xf5: {  	(ifvalue) =	ssetifvalue @!p1 $0xFFFFFFFF;
	s9 =	simm.s32 @!p1 $0x80;
	s10 =	simm.s32 @!p1 $0x5800  }
0xf6: {  	p0 =	sge.u32 s13, s29;
	s3 =	sadd.s32 @!p1 $0x200, s3;
	(ifvalue) =	ssetifvalue @!p1 $0xFFFFFFFF  }
0xf7: {  	[tilespmem:s10], [sflag:$0x1] =	stream.indirect.gather @!p1 [hbm4b:s1+s9], $0x80, s3, s9, $0x40b8;
	[tilespmem:$0x1B880] =	vst v63  }
0xf8: {  	s3 =	simm.s32 @!p0 $0x2  }
0xf9: {  	_ =	swait.ge @!p0 [sflag:s3], $0x4000  }
0xfa: {  	[sflag:s3] =	ssyncset.done @!p0 $0x0  }
0xfb: {  	s9 =	sshra.s32 @!p0 s30, $0x2;
	s10 =	simm.s32 @!p0 $0x9800;
	[sflag:s3] =	ssyncadd.s32 @!p0 $0xFFFFC000  }
0xfc: {  	s3 =	sadd.s32 @!p0 $0x2C80, s9;
	(ifvalue) =	ssetifvalue @!p0 $0xFFFFFFFF;
	s9 =	simm.s32 @!p0 $0x80  }
0xfd: {  	[spmem:s2] =	stream.indirect.scatter.add.f32 @!p0 [tilespmem:s10], [sflag:$0x5], $0x80, s3, s9, $0x40b8;
	[tilespmem:$0x1B880] =	vst v63  }
0xfe: {  	s3 =	simm.s32 @!p0 $0x5;
	s9 =	sadd.s32 @!p0 $0x5, s0  }
0xff: {  	_ =	swait.ge @!p0 [sflag:s3], $0x4000;
	p1 =	sge.u32 @!p0 s9, s29  }
0x100: {  	[sflag:s3] =	ssyncset.done @!p0 $0x0;
	p1 =	por p1, p0  }
0x101: {  	s14 =	sadd.s32 $0x2, s0;
	[sflag:s3] =	ssyncadd.s32 @!p0 $0xFFFFC000;
	s3 =	sshra.s32 @!p1 s30, $0x2  }
0x102: {  	(ifvalue) =	ssetifvalue @!p1 $0xFFFFFFFF;
	s9 =	simm.s32 @!p1 $0x80;
	s10 =	simm.s32 @!p1 $0x9800  }
0x103: {  	p0 =	sge.u32 s14, s29;
	s3 =	sadd.s32 @!p1 $0x280, s3;
	(ifvalue) =	ssetifvalue @!p1 $0xFFFFFFFF  }
0x104: {  	[tilespmem:s10], [sflag:$0x2] =	stream.indirect.gather @!p1 [hbm4b:s1+s9], $0x80, s3, s9, $0x40b8;
	[tilespmem:$0x1B880] =	vst v63  }
0x105: {  	s3 =	simm.s32 @!p0 $0x3  }
0x106: {  	_ =	swait.ge @!p0 [sflag:s3], $0x4000  }
0x107: {  	[sflag:s3] =	ssyncset.done @!p0 $0x0  }
0x108: {  	s9 =	sshra.s32 @!p0 s30, $0x2;
	s10 =	simm.s32 @!p0 $0xD800;
	[sflag:s3] =	ssyncadd.s32 @!p0 $0xFFFFC000  }
0x109: {  	s3 =	sadd.s32 @!p0 $0x2D00, s9;
	(ifvalue) =	ssetifvalue @!p0 $0xFFFFFFFF;
	s9 =	simm.s32 @!p0 $0x80  }
0x10a: {  	[spmem:s2] =	stream.indirect.scatter.add.f32 @!p0 [tilespmem:s10], [sflag:$0x5], $0x80, s3, s9, $0x40b8;
	[tilespmem:$0x1B880] =	vst v63  }
0x10b: {  	s3 =	simm.s32 @!p0 $0x5;
	s9 =	sadd.s32 @!p0 $0x6, s0  }
0x10c: {  	_ =	swait.ge @!p0 [sflag:s3], $0x4000;
	p1 =	sge.u32 @!p0 s9, s29  }
0x10d: {  	[sflag:s3] =	ssyncset.done @!p0 $0x0;
	p1 =	por p1, p0  }
0x10e: {  	s31 =	sadd.s32 $0x3, s0;
	[sflag:s3] =	ssyncadd.s32 @!p0 $0xFFFFC000;
	s3 =	sshra.s32 @!p1 s30, $0x2  }
0x10f: {  	(ifvalue) =	ssetifvalue @!p1 $0xFFFFFFFF;
	s9 =	simm.s32 @!p1 $0x80;
	s10 =	simm.s32 @!p1 $0xD800  }
0x110: {  	p0 =	sge.u32 s31, s29;
	s3 =	sadd.s32 @!p1 $0x300, s3;
	(ifvalue) =	ssetifvalue @!p1 $0xFFFFFFFF  }
0x111: {  	[tilespmem:s10], [sflag:$0x3] =	stream.indirect.gather @!p1 [hbm4b:s1+s9], $0x80, s3, s9, $0x40b8;
	[tilespmem:$0x1B880] =	vst v63  }
0x112: {  	s3 =	simm.s32 @!p0 $0x4  }
0x113: {  	_ =	swait.ge @!p0 [sflag:s3], $0x4000  }
0x114: {  	[sflag:s3] =	ssyncset.done @!p0 $0x0  }
0x115: {  	s9 =	sshra.s32 @!p0 s30, $0x2;
	s10 =	simm.s32 @!p0 $0x11800;
	[sflag:s3] =	ssyncadd.s32 @!p0 $0xFFFFC000  }
0x116: {  	s3 =	sadd.s32 @!p0 $0x2D80, s9;
	(ifvalue) =	ssetifvalue @!p0 $0xFFFFFFFF;
	s9 =	simm.s32 @!p0 $0x80  }
0x117: {  	[spmem:s2] =	stream.indirect.scatter.add.f32 @!p0 [tilespmem:s10], [sflag:$0x5], $0x80, s3, s9, $0x40b8;
	[tilespmem:$0x1B880] =	vst v63  }
0x118: {  	s3 =	simm.s32 @!p0 $0x5  }
0x119: {  	s9 =	sadd.s32 @!p0 $0x7, s0;
	_ =	swait.ge @!p0 [sflag:s3], $0x4000  }
0x11a: {  	p1 =	sge.u32 @!p0 s9, s29;
	[sflag:s3] =	ssyncset.done @!p0 $0x0  }
0x11b: {  	[sflag:s3] =	ssyncadd.s32 @!p0 $0xFFFFC000;
	p0 =	por p1, p0  }
0x11c: {  	s0 =	sadd.s32 $0x4, s0;
	s3 =	sshra.s32 @!p0 s30, $0x2  }
0x11d: {  	(ifvalue) =	ssetifvalue @!p0 $0xFFFFFFFF;
	s9 =	simm.s32 @!p0 $0x80;
	s10 =	simm.s32 @!p0 $0x11800  }
0x11e: {  	s3 =	sadd.s32 @!p0 $0x380, s3;
	(ifvalue) =	ssetifvalue @!p0 $0xFFFFFFFF;
	s31 =	rddreg [dreg:$0x5]  }
0x11f: {  	[tilespmem:s10], [sflag:$0x4] =	stream.indirect.gather @!p0 [hbm4b:s1+s9], $0x80, s3, s9, $0x40b8;
	[tilespmem:$0x1B880] =	vst v63  }
0x120: {  	p0 =	sne.s32 s31, s0  }
.Ltmp6:
0x121: {  	_ = 	snop;
	(pc) =	sbr.rel @p0 .LBB2_8-.Ltmp6, $2  }
0x122: {  	_ =	sdelay $0x2  }
0x123: {  	s30 =	sadd.s32 $0x800, s30  }
.LBB2_9:
0x124: {  	s0 =	stileid.u32  }
0x125: {  	s0 =	sshll.u32 s0, $0x6  }
0x126: {  	[bflag:$0x0] =	sbarrier.arrive $0xFFFF;
	s30 =	sshrl.u32 s5, $0x3;
	s29 =	sor.u32 $0x1C05, s0  }
0x127: {  	[hbm:s20], [sflag:s29] =	dma.local [spmem:s30], $0xA00  }
0x128: {  	_ =	swait.ge [sflag:s24], $0xA00  }
0x129: {  	[sflag:s24] =	ssyncset.done $0x0  }
0x12a: {  	[sflag:s24] =	ssyncadd.s32 $0xFFFFF600  }
0x12b: {  	[bflag:$0x0] =	sbarrier.arrive $0xFFFF  }
0x12c: {  	[spmem:s5] =	stream.linear.scatter [tilespmem:s23], [sflag:$0x5], $0x1000, $0x38;
	[tilespmem:$0x1B880] =	vst v63  }
0x12d: {  	_ =	swait.ge [sflag:s24], $0x1000  }
0x12e: {  	[sflag:s24] =	ssyncset.done $0x0  }
0x12f: {  	[sflag:s24] =	ssyncadd.s32 $0xFFFFF000  }
0x130: {  	[spmem:s6] =	stream.linear.scatter [tilespmem:s23], [sflag:$0x5], $0x1000, $0x38;
	[tilespmem:$0x1B880] =	vst v63  }
0x131: {  	_ =	swait.ge [sflag:s24], $0x1000  }
0x132: {  	[sflag:s24] =	ssyncset.done $0x0  }
0x133: {  	[sflag:s24] =	ssyncadd.s32 $0xFFFFF000  }
0x134: {  	[spmem:s7] =	stream.linear.scatter [tilespmem:s23], [sflag:$0x5], $0x1000, $0x38;
	[tilespmem:$0x1B880] =	vst v63  }
0x135: {  	_ =	swait.ge [sflag:s24], $0x1000  }
0x136: {  	[sflag:s24] =	ssyncset.done $0x0  }
0x137: {  	[sflag:s24] =	ssyncadd.s32 $0xFFFFF000  }
0x138: {  	[spmem:s8] =	stream.linear.scatter [tilespmem:s23], [sflag:$0x5], $0x1000, $0x38;
	[tilespmem:$0x1B880] =	vst v63  }
0x139: {  	_ =	swait.ge [sflag:s24], $0x1000  }
0x13a: {  	[sflag:s24] =	ssyncset.done $0x0  }
0x13b: {  	[sflag:s24] =	ssyncadd.s32 $0xFFFFF000  }
0x13c: {  	[spmem:s19] =	stream.linear.scatter [tilespmem:s23], [sflag:$0x5], $0x1000, $0x38;
	[tilespmem:$0x1B880] =	vst v63  }
0x13d: {  	_ =	swait.ge [sflag:s24], $0x1000  }
0x13e: {  	[sflag:s24] =	ssyncset.done $0x0  }
0x13f: {  	[sflag:s24] =	ssyncadd.s32 $0xFFFFF000  }
0x140: {  	[bflag:$0x0] =	sbarrier.arrive $0xFFFF  }
0x141: {  	[tilespmem:s4], [sflag:$0x5] =	stream.linear.gather [hbm4b:s15+s4], $0x2880, $0x38;
	[tilespmem:$0x1B880] =	vst v63  }
0x142: {  	_ =	swait.ge [sflag:s24], $0x2880  }
0x143: {  	[sflag:s24] =	ssyncset.done $0x0  }
0x144: {  	[sflag:s24] =	ssyncadd.s32 $0xFFFFD780  }
0x145: {  	[tilespmem:s25], [sflag:$0x5] =	stream.linear.gather [hbm4b:s16+s4], $0x2880, $0x38;
	[tilespmem:$0x1B880] =	vst v63  }
0x146: {  	_ =	swait.ge [sflag:s24], $0x2880  }
0x147: {  	[sflag:s24] =	ssyncset.done $0x0  }
0x148: {  	[sflag:s24] =	ssyncadd.s32 $0xFFFFD780  }
0x149: {  	[tilespmem:s26], [sflag:$0x5] =	stream.linear.gather [hbm4b:s11+s4], $0x80, $0x38;
	[tilespmem:$0x1B880] =	vst v63  }
0x14a: {  	_ =	swait.ge [sflag:s24], $0x80  }
0x14b: {  	[sflag:s24] =	ssyncset.done $0x0  }
0x14c: {  	[sflag:s24] =	ssyncadd.s32 $0xFFFFFF80  }
0x14d: {  	v1 =	vld [tilespmem:$0x16800];
	_ =	sdelay $0x4  }
0x14e: {  	v1 =	vnsel vm1, $0x0, v1  }
0x14f: {  	(xrf2) =	vadd.scan.msk.f32 $0xffff, v1;
	_ =	sdelay $0x9  }
0x150: {  	v1, _, _ =	vpop (xrf2)  }
0x151: {  	(v2sf) =	vpush v1, $0xF;
	_ =	sdelay $0xe  }
0x152: {  	s10 =	spop (v2sf)  }
0x153: {  	s0 =	scvt.f32.s32 s10;
	_ =	sdelay $0x1  }
0x154: {  	s0 =	sadd.s32 $0x7F, s0  }
0x155: {  	s3 =	sand.u32 $0x7F, s0  }
0x156: {  	s9 =	sshra.s32 s0, $0x1F;
	p0 =	slt.s32 s0, $0x1;
	p1 =	sne.s32 s3, $0x0  }
0x157: {  	s13 =	sshrl.u32 s9, $0x19;
	p0 =	por !p0, !p1  }
0x158: {  	s3 =	simm.s32 $0x1;
	s0 =	sadd.s32 s13, s0;
	p0 =	por !p0, !p0  }
0x159: {  	s0 =	sshra.s32 s0, $0x7;
	s3 =	simm.s32 @!p0 $0x0  }
0x15a: {  	s0 =	ssub.s32 s0, s3  }
0x15b: {  	p0 =	slt.s32 s0, $0x1  }
0x15c: {  	(ifvalue) =	ssetifvalue @!p0 $0xFFFFFFFF;
	s3 =	simm.s32 @!p0 $0x80;
	s9 =	simm.s32 @!p0 $0x0  }
0x15d: {  	s10 =	simm.s32 @!p0 $0x5800;
	p1 =	seq.s32 @!p0 s0, $0x1;
	(ifvalue) =	ssetifvalue @!p0 $0xFFFFFFFF  }
0x15e: {  	[tilespmem:s10], [sflag:$0x1] =	stream.indirect.gather @!p0 [hbm4b:s1+s3], $0x80, s9, s3, $0x40b8;
	[tilespmem:$0x1B880] =	vst v63  }
0x15f: {  	p2 =	por p1, p0  }
0x160: {  	(ifvalue) =	ssetifvalue @!p2 $0xFFFFFFFF;
	s3 =	simm.s32 @!p2 $0x80  }
0x161: {  	s9 =	simm.s32 @!p2 $0x9800;
	p3 =	slt.u32 @!p2 s0, $0x3;
	(ifvalue) =	ssetifvalue @!p2 $0xFFFFFFFF  }
0x162: {  	[tilespmem:s9], [sflag:$0x2] =	stream.indirect.gather @!p2 [hbm4b:s1+s3], $0x80, s3, s3, $0x40b8;
	[tilespmem:$0x1B880] =	vst v63  }
0x163: {  	p4 =	por @!p0 p3, p1  }
0x164: {  	p4 =	por p4, p0  }
0x165: {  	(ifvalue) =	ssetifvalue @!p4 $0xFFFFFFFF;
	s3 =	simm.s32 @!p4 $0x80  }
0x166: {  	s9 =	simm.s32 @!p4 $0x100;
	s10 =	simm.s32 @!p4 $0xD800;
	(ifvalue) =	ssetifvalue @!p4 $0xFFFFFFFF  }
0x167: {  	[tilespmem:s10], [sflag:$0x3] =	stream.indirect.gather @!p4 [hbm4b:s1+s3], $0x80, s9, s3, $0x40b8;
	[tilespmem:$0x1B880] =	vst v63  }
0x168: {  	p4 =	seq.s32 @!p4 s0, $0x3  }
0x169: {  	p2 =	por @!p2 p4, p3  }
0x16a: {  	p1 =	por @!p0 p2, p1;
	p2 =	sgt.s32 s0, $0x0  }
0x16b: {  	p0 =	por p1, p0;
	s0 =	simm.s32 @!p2 $0x0  }
0x16c: {  	(ifvalue) =	ssetifvalue @!p0 $0xFFFFFFFF;
	s31 =	smin.u32 s0, $0x51;
	s0 =	simm.s32 @!p0 $0x80  }
0x16d: {  	s3 =	simm.s32 @!p0 $0x180;
	s9 =	simm.s32 @!p0 $0x11800;
	(ifvalue) =	ssetifvalue @!p0 $0xFFFFFFFF  }
0x16e: {  	[tilespmem:s9], [sflag:$0x4] =	stream.indirect.gather @!p0 [hbm4b:s1+s0], $0x80, s3, s0, $0x40b8;
	[tilespmem:$0x1B880] =	vst v63  }
0x16f: {  	s14 =	sadd.s32 $0x3, s31  }
0x170: {  	s0 =	sshrl.u32 s14, $0x2  }
0x171: {  	p0 =	seq.s32 s0, $0x0  }
.Ltmp7:
0x172: {  	_ = 	snop;
	(pc) =	sbr.rel @p0 .LBB2_12-.Ltmp7, $1  }
0x173: {  	_ =	sdelay $0x3  }
0x174: {  	s0 =	sshll.u32 s0, $0x2  }
0x175: {  	s3 =	simm.s32 $0x0;
	[dreg:$0x6] =	wrdreg s0;
	s0 =	simm.s32 $0x0  }
.LBB2_11:
0x176: {  	p0 =	sge.u32 s3, s31  }
0x177: {  	s9 =	simm.s32 @!p0 $0x1  }
0x178: {  	_ =	swait.ge @!p0 [sflag:s9], $0x4000  }
0x179: {  	[sflag:s9] =	ssyncset.done @!p0 $0x0  }
0x17a: {  	s10 =	sshra.s32 @!p0 s0, $0x2;
	s13 =	simm.s32 @!p0 $0x5800;
	[sflag:s9] =	ssyncadd.s32 @!p0 $0xFFFFC000  }
0x17b: {  	s9 =	sadd.s32 @!p0 $0x2C00, s10;
	(ifvalue) =	ssetifvalue @!p0 $0xFFFFFFFF;
	s10 =	simm.s32 @!p0 $0x80  }
0x17c: {  	[spmem:s2] =	stream.indirect.scatter.add.f32 @!p0 [tilespmem:s13], [sflag:$0x5], $0x80, s9, s10, $0x40b8;
	[tilespmem:$0x1B880] =	vst v63  }
0x17d: {  	s9 =	simm.s32 @!p0 $0x5  }
0x17e: {  	s10 =	sadd.s32 @!p0 $0x4, s3;
	_ =	swait.ge @!p0 [sflag:s9], $0x4000  }
0x17f: {  	p1 =	sge.u32 @!p0 s10, s31;
	[sflag:s9] =	ssyncset.done @!p0 $0x0  }
0x180: {  	p1 =	por p1, p0;
	[sflag:s9] =	ssyncadd.s32 @!p0 $0xFFFFC000  }
0x181: {  	s9 =	sshra.s32 @!p1 s0, $0x2;
	(ifvalue) =	ssetifvalue @!p1 $0xFFFFFFFF;
	s10 =	simm.s32 @!p1 $0x80  }
0x182: {  	s13 =	simm.s32 @!p1 $0x5800;
	s9 =	sadd.s32 @!p1 $0x200, s9;
	(ifvalue) =	ssetifvalue @!p1 $0xFFFFFFFF  }
0x183: {  	[tilespmem:s13], [sflag:$0x1] =	stream.indirect.gather @!p1 [hbm4b:s1+s10], $0x80, s9, s10, $0x40b8;
	[tilespmem:$0x1B880] =	vst v63  }
0x184: {  	s10 =	sadd.s32 $0x1, s3  }
0x185: {  	p0 =	sge.u32 s10, s31  }
0x186: {  	s9 =	simm.s32 @!p0 $0x2  }
0x187: {  	_ =	swait.ge @!p0 [sflag:s9], $0x4000  }
0x188: {  	[sflag:s9] =	ssyncset.done @!p0 $0x0  }
0x189: {  	s10 =	sshra.s32 @!p0 s0, $0x2;
	s13 =	simm.s32 @!p0 $0x9800;
	[sflag:s9] =	ssyncadd.s32 @!p0 $0xFFFFC000  }
0x18a: {  	s9 =	sadd.s32 @!p0 $0x2C80, s10;
	(ifvalue) =	ssetifvalue @!p0 $0xFFFFFFFF;
	s10 =	simm.s32 @!p0 $0x80  }
0x18b: {  	[spmem:s2] =	stream.indirect.scatter.add.f32 @!p0 [tilespmem:s13], [sflag:$0x5], $0x80, s9, s10, $0x40b8;
	[tilespmem:$0x1B880] =	vst v63  }
0x18c: {  	s9 =	simm.s32 @!p0 $0x5  }
0x18d: {  	s10 =	sadd.s32 @!p0 $0x5, s3;
	_ =	swait.ge @!p0 [sflag:s9], $0x4000  }
0x18e: {  	p1 =	sge.u32 @!p0 s10, s31;
	[sflag:s9] =	ssyncset.done @!p0 $0x0  }
0x18f: {  	p1 =	por p1, p0;
	[sflag:s9] =	ssyncadd.s32 @!p0 $0xFFFFC000  }
0x190: {  	s9 =	sshra.s32 @!p1 s0, $0x2;
	(ifvalue) =	ssetifvalue @!p1 $0xFFFFFFFF;
	s10 =	simm.s32 @!p1 $0x80  }
0x191: {  	s13 =	simm.s32 @!p1 $0x9800;
	s9 =	sadd.s32 @!p1 $0x280, s9;
	(ifvalue) =	ssetifvalue @!p1 $0xFFFFFFFF  }
0x192: {  	[tilespmem:s13], [sflag:$0x2] =	stream.indirect.gather @!p1 [hbm4b:s1+s10], $0x80, s9, s10, $0x40b8;
	[tilespmem:$0x1B880] =	vst v63  }
0x193: {  	s13 =	sadd.s32 $0x2, s3  }
0x194: {  	p0 =	sge.u32 s13, s31  }
0x195: {  	s9 =	simm.s32 @!p0 $0x3  }
0x196: {  	_ =	swait.ge @!p0 [sflag:s9], $0x4000  }
0x197: {  	[sflag:s9] =	ssyncset.done @!p0 $0x0  }
0x198: {  	s10 =	sshra.s32 @!p0 s0, $0x2;
	s13 =	simm.s32 @!p0 $0xD800;
	[sflag:s9] =	ssyncadd.s32 @!p0 $0xFFFFC000  }
0x199: {  	s9 =	sadd.s32 @!p0 $0x2D00, s10;
	(ifvalue) =	ssetifvalue @!p0 $0xFFFFFFFF;
	s10 =	simm.s32 @!p0 $0x80  }
0x19a: {  	[spmem:s2] =	stream.indirect.scatter.add.f32 @!p0 [tilespmem:s13], [sflag:$0x5], $0x80, s9, s10, $0x40b8;
	[tilespmem:$0x1B880] =	vst v63  }
0x19b: {  	s9 =	simm.s32 @!p0 $0x5;
	s10 =	sadd.s32 @!p0 $0x6, s3  }
0x19c: {  	_ =	swait.ge @!p0 [sflag:s9], $0x4000;
	p1 =	sge.u32 @!p0 s10, s31  }
0x19d: {  	[sflag:s9] =	ssyncset.done @!p0 $0x0;
	p1 =	por p1, p0  }
0x19e: {  	s14 =	sadd.s32 $0x3, s3;
	[sflag:s9] =	ssyncadd.s32 @!p0 $0xFFFFC000;
	s9 =	sshra.s32 @!p1 s0, $0x2  }
0x19f: {  	(ifvalue) =	ssetifvalue @!p1 $0xFFFFFFFF;
	s10 =	simm.s32 @!p1 $0x80;
	s13 =	simm.s32 @!p1 $0xD800  }
0x1a0: {  	p0 =	sge.u32 s14, s31;
	s9 =	sadd.s32 @!p1 $0x300, s9;
	(ifvalue) =	ssetifvalue @!p1 $0xFFFFFFFF  }
0x1a1: {  	[tilespmem:s13], [sflag:$0x3] =	stream.indirect.gather @!p1 [hbm4b:s1+s10], $0x80, s9, s10, $0x40b8;
	[tilespmem:$0x1B880] =	vst v63  }
0x1a2: {  	s9 =	simm.s32 @!p0 $0x4  }
0x1a3: {  	_ =	swait.ge @!p0 [sflag:s9], $0x4000  }
0x1a4: {  	[sflag:s9] =	ssyncset.done @!p0 $0x0  }
0x1a5: {  	s10 =	sshra.s32 @!p0 s0, $0x2;
	s13 =	simm.s32 @!p0 $0x11800;
	[sflag:s9] =	ssyncadd.s32 @!p0 $0xFFFFC000  }
0x1a6: {  	s9 =	sadd.s32 @!p0 $0x2D80, s10;
	(ifvalue) =	ssetifvalue @!p0 $0xFFFFFFFF;
	s10 =	simm.s32 @!p0 $0x80  }
0x1a7: {  	[spmem:s2] =	stream.indirect.scatter.add.f32 @!p0 [tilespmem:s13], [sflag:$0x5], $0x80, s9, s10, $0x40b8;
	[tilespmem:$0x1B880] =	vst v63  }
0x1a8: {  	s9 =	simm.s32 @!p0 $0x5  }
0x1a9: {  	s10 =	sadd.s32 @!p0 $0x7, s3;
	_ =	swait.ge @!p0 [sflag:s9], $0x4000  }
0x1aa: {  	p1 =	sge.u32 @!p0 s10, s31;
	[sflag:s9] =	ssyncset.done @!p0 $0x0  }
0x1ab: {  	[sflag:s9] =	ssyncadd.s32 @!p0 $0xFFFFC000;
	p0 =	por p1, p0  }
0x1ac: {  	s3 =	sadd.s32 $0x4, s3;
	s9 =	sshra.s32 @!p0 s0, $0x2  }
0x1ad: {  	(ifvalue) =	ssetifvalue @!p0 $0xFFFFFFFF;
	s10 =	simm.s32 @!p0 $0x80;
	s13 =	simm.s32 @!p0 $0x11800  }
0x1ae: {  	s9 =	sadd.s32 @!p0 $0x380, s9;
	(ifvalue) =	ssetifvalue @!p0 $0xFFFFFFFF;
	s14 =	rddreg [dreg:$0x6]  }
0x1af: {  	[tilespmem:s13], [sflag:$0x4] =	stream.indirect.gather @!p0 [hbm4b:s1+s10], $0x80, s9, s10, $0x40b8;
	[tilespmem:$0x1B880] =	vst v63  }
0x1b0: {  	p0 =	sne.s32 s14, s3  }
.Ltmp8:
0x1b1: {  	_ = 	snop;
	(pc) =	sbr.rel @p0 .LBB2_11-.Ltmp8, $2  }
0x1b2: {  	_ =	sdelay $0x2  }
0x1b3: {  	s0 =	sadd.s32 $0x800, s0  }
.LBB2_12:
0x1b4: {  	[tilespmem:s4], [sflag:$0x5] =	stream.linear.gather [hbm4b:s17+s4], $0x2880, $0x38;
	[tilespmem:$0x1B880] =	vst v63  }
0x1b5: {  	_ =	swait.ge [sflag:s24], $0x2880  }
0x1b6: {  	[sflag:s24] =	ssyncset.done $0x0  }
0x1b7: {  	[sflag:s24] =	ssyncadd.s32 $0xFFFFD780  }
0x1b8: {  	[tilespmem:s25], [sflag:$0x5] =	stream.linear.gather [hbm4b:s18+s4], $0x2880, $0x38;
	[tilespmem:$0x1B880] =	vst v63  }
0x1b9: {  	_ =	swait.ge [sflag:s24], $0x2880  }
0x1ba: {  	[sflag:s24] =	ssyncset.done $0x0  }
0x1bb: {  	[sflag:s24] =	ssyncadd.s32 $0xFFFFD780  }
0x1bc: {  	[tilespmem:s26], [sflag:$0x5] =	stream.linear.gather [hbm4b:s12+s4], $0x80, $0x38;
	[tilespmem:$0x1B880] =	vst v63  }
0x1bd: {  	_ =	swait.ge [sflag:s24], $0x80  }
0x1be: {  	[sflag:s24] =	ssyncset.done $0x0  }
0x1bf: {  	[sflag:s24] =	ssyncadd.s32 $0xFFFFFF80  }
0x1c0: {  	v1 =	vld [tilespmem:$0x16800];
	_ =	sdelay $0x4  }
0x1c1: {  	v1 =	vnsel vm1, $0x0, v1  }
0x1c2: {  	(xrf2) =	vadd.scan.msk.f32 $0xffff, v1;
	_ =	sdelay $0x9  }
0x1c3: {  	v1, _, _ =	vpop (xrf2)  }
0x1c4: {  	(v2sf) =	vpush v1, $0xF;
	_ =	sdelay $0xe  }
0x1c5: {  	s0 =	spop (v2sf)  }
0x1c6: {  	s0 =	scvt.f32.s32 s0;
	_ =	sdelay $0x1  }
0x1c7: {  	s0 =	sadd.s32 $0x7F, s0  }
0x1c8: {  	s3 =	sand.u32 $0x7F, s0  }
0x1c9: {  	s9 =	sshra.s32 s0, $0x1F;
	p0 =	slt.s32 s0, $0x1;
	p1 =	sne.s32 s3, $0x0  }
0x1ca: {  	s13 =	sshrl.u32 s9, $0x19;
	p0 =	por !p0, !p1  }
0x1cb: {  	s3 =	simm.s32 $0x1;
	s0 =	sadd.s32 s13, s0;
	p0 =	por !p0, !p0  }
0x1cc: {  	s0 =	sshra.s32 s0, $0x7;
	s3 =	simm.s32 @!p0 $0x0  }
0x1cd: {  	s0 =	ssub.s32 s0, s3  }
0x1ce: {  	p0 =	slt.s32 s0, $0x1  }
0x1cf: {  	(ifvalue) =	ssetifvalue @!p0 $0xFFFFFFFF;
	s3 =	simm.s32 @!p0 $0x80;
	s9 =	simm.s32 @!p0 $0x0  }
0x1d0: {  	s10 =	simm.s32 @!p0 $0x5800;
	p1 =	seq.s32 @!p0 s0, $0x1;
	(ifvalue) =	ssetifvalue @!p0 $0xFFFFFFFF  }
0x1d1: {  	[tilespmem:s10], [sflag:$0x1] =	stream.indirect.gather @!p0 [hbm4b:s1+s3], $0x80, s9, s3, $0x40b8;
	[tilespmem:$0x1B880] =	vst v63  }
0x1d2: {  	p2 =	por p1, p0  }
0x1d3: {  	(ifvalue) =	ssetifvalue @!p2 $0xFFFFFFFF;
	s3 =	simm.s32 @!p2 $0x80  }
0x1d4: {  	s9 =	simm.s32 @!p2 $0x9800;
	p3 =	slt.u32 @!p2 s0, $0x3;
	(ifvalue) =	ssetifvalue @!p2 $0xFFFFFFFF  }
0x1d5: {  	[tilespmem:s9], [sflag:$0x2] =	stream.indirect.gather @!p2 [hbm4b:s1+s3], $0x80, s3, s3, $0x40b8;
	[tilespmem:$0x1B880] =	vst v63  }
0x1d6: {  	p4 =	por @!p0 p3, p1  }
0x1d7: {  	p4 =	por p4, p0  }
0x1d8: {  	(ifvalue) =	ssetifvalue @!p4 $0xFFFFFFFF;
	s3 =	simm.s32 @!p4 $0x80  }
0x1d9: {  	s9 =	simm.s32 @!p4 $0x100;
	s10 =	simm.s32 @!p4 $0xD800;
	(ifvalue) =	ssetifvalue @!p4 $0xFFFFFFFF  }
0x1da: {  	[tilespmem:s10], [sflag:$0x3] =	stream.indirect.gather @!p4 [hbm4b:s1+s3], $0x80, s9, s3, $0x40b8;
	[tilespmem:$0x1B880] =	vst v63  }
0x1db: {  	p4 =	seq.s32 @!p4 s0, $0x3  }
0x1dc: {  	p2 =	por @!p2 p4, p3  }
0x1dd: {  	p1 =	por @!p0 p2, p1;
	p2 =	sgt.s32 s0, $0x0  }
0x1de: {  	p0 =	por p1, p0;
	s0 =	simm.s32 @!p2 $0x0  }
0x1df: {  	(ifvalue) =	ssetifvalue @!p0 $0xFFFFFFFF;
	s31 =	smin.u32 s0, $0x51;
	s0 =	simm.s32 @!p0 $0x80  }
0x1e0: {  	s3 =	simm.s32 @!p0 $0x180;
	s9 =	simm.s32 @!p0 $0x11800;
	(ifvalue) =	ssetifvalue @!p0 $0xFFFFFFFF  }
0x1e1: {  	[tilespmem:s9], [sflag:$0x4] =	stream.indirect.gather @!p0 [hbm4b:s1+s0], $0x80, s3, s0, $0x40b8;
	[tilespmem:$0x1B880] =	vst v63  }
0x1e2: {  	s14 =	sadd.s32 $0x3, s31  }
0x1e3: {  	s0 =	sshrl.u32 s14, $0x2  }
0x1e4: {  	p0 =	seq.s32 s0, $0x0  }
.Ltmp9:
0x1e5: {  	_ = 	snop;
	(pc) =	sbr.rel @p0 .LBB2_15-.Ltmp9, $1  }
0x1e6: {  	_ =	sdelay $0x3  }
0x1e7: {  	s0 =	sshll.u32 s0, $0x2  }
0x1e8: {  	s3 =	simm.s32 $0x0;
	[dreg:$0x7] =	wrdreg s0;
	s0 =	simm.s32 $0x0  }
.LBB2_14:
0x1e9: {  	p0 =	sge.u32 s3, s31  }
0x1ea: {  	s9 =	simm.s32 @!p0 $0x1  }
0x1eb: {  	_ =	swait.ge @!p0 [sflag:s9], $0x4000  }
0x1ec: {  	[sflag:s9] =	ssyncset.done @!p0 $0x0  }
0x1ed: {  	s10 =	sshra.s32 @!p0 s0, $0x2;
	s13 =	simm.s32 @!p0 $0x5800;
	[sflag:s9] =	ssyncadd.s32 @!p0 $0xFFFFC000  }
0x1ee: {  	s9 =	sadd.s32 @!p0 $0x2C00, s10;
	(ifvalue) =	ssetifvalue @!p0 $0xFFFFFFFF;
	s10 =	simm.s32 @!p0 $0x80  }
0x1ef: {  	[spmem:s2] =	stream.indirect.scatter.add.f32 @!p0 [tilespmem:s13], [sflag:$0x5], $0x80, s9, s10, $0x40b8;
	[tilespmem:$0x1B880] =	vst v63  }
0x1f0: {  	s9 =	simm.s32 @!p0 $0x5  }
0x1f1: {  	s10 =	sadd.s32 @!p0 $0x4, s3;
	_ =	swait.ge @!p0 [sflag:s9], $0x4000  }
0x1f2: {  	p1 =	sge.u32 @!p0 s10, s31;
	[sflag:s9] =	ssyncset.done @!p0 $0x0  }
0x1f3: {  	p1 =	por p1, p0;
	[sflag:s9] =	ssyncadd.s32 @!p0 $0xFFFFC000  }
0x1f4: {  	s9 =	sshra.s32 @!p1 s0, $0x2;
	(ifvalue) =	ssetifvalue @!p1 $0xFFFFFFFF;
	s10 =	simm.s32 @!p1 $0x80  }
0x1f5: {  	s13 =	simm.s32 @!p1 $0x5800;
	s9 =	sadd.s32 @!p1 $0x200, s9;
	(ifvalue) =	ssetifvalue @!p1 $0xFFFFFFFF  }
0x1f6: {  	[tilespmem:s13], [sflag:$0x1] =	stream.indirect.gather @!p1 [hbm4b:s1+s10], $0x80, s9, s10, $0x40b8;
	[tilespmem:$0x1B880] =	vst v63  }
0x1f7: {  	s10 =	sadd.s32 $0x1, s3  }
0x1f8: {  	p0 =	sge.u32 s10, s31  }
0x1f9: {  	s9 =	simm.s32 @!p0 $0x2  }
0x1fa: {  	_ =	swait.ge @!p0 [sflag:s9], $0x4000  }
0x1fb: {  	[sflag:s9] =	ssyncset.done @!p0 $0x0  }
0x1fc: {  	s10 =	sshra.s32 @!p0 s0, $0x2;
	s13 =	simm.s32 @!p0 $0x9800;
	[sflag:s9] =	ssyncadd.s32 @!p0 $0xFFFFC000  }
0x1fd: {  	s9 =	sadd.s32 @!p0 $0x2C80, s10;
	(ifvalue) =	ssetifvalue @!p0 $0xFFFFFFFF;
	s10 =	simm.s32 @!p0 $0x80  }
0x1fe: {  	[spmem:s2] =	stream.indirect.scatter.add.f32 @!p0 [tilespmem:s13], [sflag:$0x5], $0x80, s9, s10, $0x40b8;
	[tilespmem:$0x1B880] =	vst v63  }
0x1ff: {  	s9 =	simm.s32 @!p0 $0x5  }
0x200: {  	s10 =	sadd.s32 @!p0 $0x5, s3;
	_ =	swait.ge @!p0 [sflag:s9], $0x4000  }
0x201: {  	p1 =	sge.u32 @!p0 s10, s31;
	[sflag:s9] =	ssyncset.done @!p0 $0x0  }
0x202: {  	p1 =	por p1, p0;
	[sflag:s9] =	ssyncadd.s32 @!p0 $0xFFFFC000  }
0x203: {  	s9 =	sshra.s32 @!p1 s0, $0x2;
	(ifvalue) =	ssetifvalue @!p1 $0xFFFFFFFF;
	s10 =	simm.s32 @!p1 $0x80  }
0x204: {  	s13 =	simm.s32 @!p1 $0x9800;
	s9 =	sadd.s32 @!p1 $0x280, s9;
	(ifvalue) =	ssetifvalue @!p1 $0xFFFFFFFF  }
0x205: {  	[tilespmem:s13], [sflag:$0x2] =	stream.indirect.gather @!p1 [hbm4b:s1+s10], $0x80, s9, s10, $0x40b8;
	[tilespmem:$0x1B880] =	vst v63  }
0x206: {  	s13 =	sadd.s32 $0x2, s3  }
0x207: {  	p0 =	sge.u32 s13, s31  }
0x208: {  	s9 =	simm.s32 @!p0 $0x3  }
0x209: {  	_ =	swait.ge @!p0 [sflag:s9], $0x4000  }
0x20a: {  	[sflag:s9] =	ssyncset.done @!p0 $0x0  }
0x20b: {  	s10 =	sshra.s32 @!p0 s0, $0x2;
	s13 =	simm.s32 @!p0 $0xD800;
	[sflag:s9] =	ssyncadd.s32 @!p0 $0xFFFFC000  }
0x20c: {  	s9 =	sadd.s32 @!p0 $0x2D00, s10;
	(ifvalue) =	ssetifvalue @!p0 $0xFFFFFFFF;
	s10 =	simm.s32 @!p0 $0x80  }
0x20d: {  	[spmem:s2] =	stream.indirect.scatter.add.f32 @!p0 [tilespmem:s13], [sflag:$0x5], $0x80, s9, s10, $0x40b8;
	[tilespmem:$0x1B880] =	vst v63  }
0x20e: {  	s9 =	simm.s32 @!p0 $0x5;
	s10 =	sadd.s32 @!p0 $0x6, s3  }
0x20f: {  	_ =	swait.ge @!p0 [sflag:s9], $0x4000;
	p1 =	sge.u32 @!p0 s10, s31  }
0x210: {  	[sflag:s9] =	ssyncset.done @!p0 $0x0;
	p1 =	por p1, p0  }
0x211: {  	s14 =	sadd.s32 $0x3, s3;
	[sflag:s9] =	ssyncadd.s32 @!p0 $0xFFFFC000;
	s9 =	sshra.s32 @!p1 s0, $0x2  }
0x212: {  	(ifvalue) =	ssetifvalue @!p1 $0xFFFFFFFF;
	s10 =	simm.s32 @!p1 $0x80;
	s13 =	simm.s32 @!p1 $0xD800  }
0x213: {  	p0 =	sge.u32 s14, s31;
	s9 =	sadd.s32 @!p1 $0x300, s9;
	(ifvalue) =	ssetifvalue @!p1 $0xFFFFFFFF  }
0x214: {  	[tilespmem:s13], [sflag:$0x3] =	stream.indirect.gather @!p1 [hbm4b:s1+s10], $0x80, s9, s10, $0x40b8;
	[tilespmem:$0x1B880] =	vst v63  }
0x215: {  	s9 =	simm.s32 @!p0 $0x4  }
0x216: {  	_ =	swait.ge @!p0 [sflag:s9], $0x4000  }
0x217: {  	[sflag:s9] =	ssyncset.done @!p0 $0x0  }
0x218: {  	s10 =	sshra.s32 @!p0 s0, $0x2;
	s13 =	simm.s32 @!p0 $0x11800;
	[sflag:s9] =	ssyncadd.s32 @!p0 $0xFFFFC000  }
0x219: {  	s9 =	sadd.s32 @!p0 $0x2D80, s10;
	(ifvalue) =	ssetifvalue @!p0 $0xFFFFFFFF;
	s10 =	simm.s32 @!p0 $0x80  }
0x21a: {  	[spmem:s2] =	stream.indirect.scatter.add.f32 @!p0 [tilespmem:s13], [sflag:$0x5], $0x80, s9, s10, $0x40b8;
	[tilespmem:$0x1B880] =	vst v63  }
0x21b: {  	s9 =	simm.s32 @!p0 $0x5  }
0x21c: {  	s10 =	sadd.s32 @!p0 $0x7, s3;
	_ =	swait.ge @!p0 [sflag:s9], $0x4000  }
0x21d: {  	p1 =	sge.u32 @!p0 s10, s31;
	[sflag:s9] =	ssyncset.done @!p0 $0x0  }
0x21e: {  	[sflag:s9] =	ssyncadd.s32 @!p0 $0xFFFFC000;
	p0 =	por p1, p0  }
0x21f: {  	s3 =	sadd.s32 $0x4, s3;
	s9 =	sshra.s32 @!p0 s0, $0x2  }
0x220: {  	(ifvalue) =	ssetifvalue @!p0 $0xFFFFFFFF;
	s10 =	simm.s32 @!p0 $0x80;
	s13 =	simm.s32 @!p0 $0x11800  }
0x221: {  	s9 =	sadd.s32 @!p0 $0x380, s9;
	(ifvalue) =	ssetifvalue @!p0 $0xFFFFFFFF;
	s14 =	rddreg [dreg:$0x7]  }
0x222: {  	[tilespmem:s13], [sflag:$0x4] =	stream.indirect.gather @!p0 [hbm4b:s1+s10], $0x80, s9, s10, $0x40b8;
	[tilespmem:$0x1B880] =	vst v63  }
0x223: {  	p0 =	sne.s32 s14, s3  }
.Ltmp10:
0x224: {  	_ = 	snop;
	(pc) =	sbr.rel @p0 .LBB2_14-.Ltmp10, $2  }
0x225: {  	_ =	sdelay $0x2  }
0x226: {  	s0 =	sadd.s32 $0x800, s0  }
.Ltmp11:
0x227: {  	_ = 	snop;
	(pc) =	sbr.rel .LBB2_15-.Ltmp11, $1  }
0x228: {  	_ =	sdelay $0x3  }
.LBB2_16:
0x229: {  	_ =	sfence.sel $0x180000  }
0x22a: {  	[bflag:$0x0] =	sbarrier.arrive $0xFFFF  }
0x22b: {  	_ =	strace $0x9000004A  }
0x22c: {  	s0 =	stileid.u32;
	[bflag:$0x2] =	sbarrier.arrive $0xFFFF  }
0x22d: {  	p0 =	sne.s32 s0, $0x0;
	s0 =	rddreg [dreg:$0x3]  }
0x22e: {  	s0 =	sadd.s32 @!p0 $0x100000, s0  }
0x22f: {  	[sflag:s0] =	ssyncadd.tile.s32 @!p0 $0x1;
	_ =	shalt  }
.Lfunc_end2:
_tile_overlayer_lowered:
.L_overlay_start_2:
0x230: {  	(tag) =	ssettag $0x2  }
0x231: {  	s0 =	rddreg [dreg:$0x0];
	s2 =	stileid.u32  }
0x232: {  	s1 =	rddreg [dreg:$0x1];
	p0 =	sne.s32 s2, $0x0  }
0x233: {  	s3 =	rddreg [dreg:$0x2];
	[bflag:$0x3] =	sbarrier.arrive $0xFFFF;
	s2 =	simm.s32 @!p0 $0x1C05  }
0x234: {  	[timem:s3], [sflag:s2] =	dma.local @!p0 [hbm:s0], s1  }
0x235: {  	s0 =	simm.s32 @!p0 $0x5  }
0x236: {  	_ =	swait.ge @!p0 [sflag:s0], s1  }
0x237: {  	s1 =	ssub.s32 @!p0 $0x0, s1;
	[sflag:s0] =	ssyncset.done @!p0 $0x0  }
0x238: {  	[sflag:s0] =	ssyncadd.s32 @!p0 s1  }
0x239: {  	[bflag:$0x3] =	sbarrier.arrive $0xFFFF  }
0x23a: {  	_ =	shalt  }

</sc_bundles>
